<compile_context>
chip_gen: v7x
topology: tpu7x:2x2x1
jax: 0.10.2.dev20260603
libtpu: 0.0.44.dev20260713+nightly
codegen_flags: <defaults>
</compile_context>

<pallas_src>
import functools

import jax
import jax.numpy as jnp
from jax import lax
from jax.experimental import pallas as pl
from jax.experimental.pallas import tpu as pltpu
from jax.experimental.pallas import tpu_sc as plsc

K_TOP = 100
K_SEL = 101
KOUT = 128
QB = 256
CHUNK = 4096
BLK = 128
N_CAND = 100000
N_PAD = 102400
NB = N_PAD // BLK
NB_REAL = 782
D = 32

C1_CAP = 128
S1_CAP = 512

INT_MIN = -2**31



def _score_kernel(q_ref, c_ref, cp_ref, s_ref, bm_ref):
    j = pl.program_id(1)
    q = q_ref[...]
    s = jax.lax.dot_general(q, c_ref[...], (((1,), (1,)), ((), ())),
                            preferred_element_type=jnp.float32)
    s_ref[...] = s
    sp = jax.lax.dot_general(q, cp_ref[...], (((1,), (1,)), ((), ())),
                             preferred_element_type=jnp.float32)
    m = sp[:, 0:32]
    for e in range(1, BLK):
        m = jnp.maximum(m, sp[:, e * 32:(e + 1) * 32])
    for k in range(4):
        @pl.when(j % 4 == k)
        def _():
            bm_ref[:, k * 32:(k + 1) * 32] = m


def _scores_and_blockmax(q, cand_pad, cand_perm):
    nq = q.shape[0]
    grid = (nq // QB, N_PAD // CHUNK)
    return pl.pallas_call(
        _score_kernel,
        grid=grid,
        in_specs=[
            pl.BlockSpec((QB, D), lambda i, j: (i, 0)),
            pl.BlockSpec((CHUNK, D), lambda i, j: (j, 0)),
            pl.BlockSpec((CHUNK, D), lambda i, j: (j, 0)),
        ],
        out_specs=[
            pl.BlockSpec((QB, CHUNK), lambda i, j: (i, j)),
            pl.BlockSpec((QB, 128), lambda i, j: (i, j // 4)),
        ],
        out_shape=[
            jax.ShapeDtypeStruct((nq, N_PAD), jnp.float32),
            jax.ShapeDtypeStruct((nq, NB), jnp.float32),
        ],
    )(q, cand_pad, cand_perm)



def _f32_key(v):
    s = plsc.bitcast(v, jnp.int32)
    return s ^ (jnp.right_shift(s, 31) & jnp.int32(0x7FFFFFFF))


def _ubits(k, shift, mask):
    kx = k ^ jnp.int32(INT_MIN)
    return lax.shift_right_logical(kx, jnp.int32(shift)) & jnp.int32(mask)


def _make_sc_topk(nq):
    info = plsc.get_sparse_core_info()
    nw = info.num_cores * info.num_subcores
    qpw = nq // nw
    mesh = plsc.VectorSubcoreMesh(core_axis_name="c", subcore_axis_name="s")

    n_bm_vecs = NB // 16

    @functools.partial(
        pl.kernel,
        out_type=[
            jax.ShapeDtypeStruct((nq * KOUT,), jnp.float32),
            jax.ShapeDtypeStruct((nq * KOUT,), jnp.int32),
        ],
        mesh=mesh,
        compiler_params=pltpu.CompilerParams(needs_layout_passes=False),
        scratch_types=[
            pltpu.VMEM((NB,), jnp.float32),
            pltpu.VMEM((NB,), jnp.int32),
            pltpu.VMEM((64 * 16,), jnp.int32),
            pltpu.VMEM((256 * 16,), jnp.int32),
            pltpu.VMEM((256 * 16,), jnp.int32),
            pltpu.VMEM((C1_CAP,), jnp.int32),
            pltpu.VMEM((C1_CAP, BLK), jnp.float32),
            pltpu.VMEM((S1_CAP,), jnp.int32),
            pltpu.VMEM((S1_CAP,), jnp.int32),
            pltpu.VMEM((KOUT,), jnp.float32),
            pltpu.VMEM((KOUT,), jnp.int32),
            pltpu.SemaphoreType.DMA,
        ],
    )
    def sc_topk(scores_hbm, bm_hbm, out_s_hbm, out_i_hbm,
                bm_v, key_v, histA, histB, histC, blkids, rows_v,
                s1k, s1i, outs_v, outi_v, sem):
        wid = lax.axis_index("s") * info.num_cores + lax.axis_index("c")
        iota = lax.iota(jnp.int32, 16)
        ones = jnp.ones((16,), jnp.int32)
        zeros_i = jnp.zeros((16,), jnp.int32)

        def per_query(qq, _):
            q = wid * qpw + qq

            pltpu.sync_copy(bm_hbm.at[pl.ds(q * NB, NB)], bm_v)

            def zero_hist(v, _):
                idx = v * 16 + iota
                plsc.store_scatter(histA, [idx & jnp.int32(1023)], zeros_i,
                                   mask=jnp.broadcast_to(v < 64, (16,)))
                plsc.store_scatter(histB, [idx & jnp.int32(4095)], zeros_i)
                plsc.store_scatter(histC, [idx & jnp.int32(4095)], zeros_i)
                plsc.store_scatter(blkids, [idx & jnp.int32(C1_CAP - 1)],
                                   zeros_i,
                                   mask=jnp.broadcast_to(
                                       v < (C1_CAP // 16), (16,)))
                return 0
            lax.fori_loop(0, 256, zero_hist, 0)

            def passA(v, _):
                bid = v * 16 + iota
                valid = bid < NB_REAL
                bm16 = plsc.load_gather(bm_v, [bid])
                k = _f32_key(bm16)
                plsc.store_scatter(key_v, [bid], k)
                binA = _ubits(k, 26, 63)
                plsc.addupdate_scatter(histA, [binA * 16 + iota], ones,
                                       mask=valid)
                return 0
            lax.fori_loop(0, n_bm_vecs, passA, 0)

            def revA(i, carry):
                acc, a_star, a_above = carry
                b = 63 - i
                cnt = jnp.sum(plsc.load_gather(histA, [b * 16 + iota]))
                nacc = acc + cnt
                crossed = (acc < K_SEL) & (nacc >= K_SEL)
                return (nacc,
                        jnp.where(crossed, b, a_star),
                        jnp.where(crossed, acc, a_above))
            _, a_star, a_above = lax.fori_loop(0, 64, revA, (0, 0, 0))

            def passB(v, _):
                bid = v * 16 + iota
                valid = bid < NB_REAL
                k = plsc.load_gather(key_v, [bid])
                binA = _ubits(k, 26, 63)
                binB = _ubits(k, 18, 255)
                m = valid & (binA == a_star)
                plsc.addupdate_scatter(histB, [binB * 16 + iota], ones, mask=m)
                return 0
            lax.fori_loop(0, n_bm_vecs, passB, 0)

            def revB(i, carry):
                acc, b_star, b_above = carry
                b = 255 - i
                cnt = jnp.sum(plsc.load_gather(histB, [b * 16 + iota]))
                nacc = acc + cnt
                crossed = (acc < K_SEL) & (nacc >= K_SEL)
                return (nacc,
                        jnp.where(crossed, b, b_star),
                        jnp.where(crossed, acc, b_above))
            _, b_star, b_above = lax.fori_loop(
                0, 256, revB, (a_above, 0, a_above))

            def passC(v, _):
                bid = v * 16 + iota
                valid = bid < NB_REAL
                k = plsc.load_gather(key_v, [bid])
                binA = _ubits(k, 26, 63)
                binB = _ubits(k, 18, 255)
                binC = _ubits(k, 10, 255)
                m = valid & (binA == a_star) & (binB == b_star)
                plsc.addupdate_scatter(histC, [binC * 16 + iota], ones, mask=m)
                return 0
            lax.fori_loop(0, n_bm_vecs, passC, 0)

            def revC(i, carry):
                acc, c_star = carry
                b = 255 - i
                cnt = jnp.sum(plsc.load_gather(histC, [b * 16 + iota]))
                nacc = acc + cnt
                crossed = (acc < K_SEL) & (nacc >= K_SEL)
                return (nacc, jnp.where(crossed, b, c_star))
            _, c_star = lax.fori_loop(0, 256, revC, (b_above, 0))

            kx_t1 = ((a_star << jnp.int32(26)) | (b_star << jnp.int32(18))
                     | (c_star << jnp.int32(10)))
            t1 = kx_t1 ^ jnp.int32(INT_MIN)

            def compact_blocks(v, base):
                bid = v * 16 + iota
                valid = bid < NB_REAL
                k = plsc.load_gather(key_v, [bid])
                m = valid & (k >= t1)
                mi = jnp.where(m, 1, 0)
                pos = base - 1 + plsc.cumsum(mi)
                pm = m & (pos < C1_CAP)
                plsc.store_scatter(blkids, [pos & jnp.int32(C1_CAP - 1)],
                                   bid + q * NB, mask=pm)
                return base + jnp.sum(mi)
            c1 = lax.fori_loop(0, n_bm_vecs, compact_blocks, 0)
            c1 = jnp.minimum(c1, C1_CAP)

            cp1 = pltpu.async_copy(scores_hbm.at[blkids], rows_v, sem)
            cp1.wait()

            def filt(r, base):
                b_r = plsc.load_gather(blkids, [(iota * 0) + r]) - q * NB

                for h in range(BLK // 16):
                    col = h * 16 + iota
                    vals = plsc.load_gather(rows_v, [(iota * 0) + r, col])
                    k = _f32_key(vals)
                    gidx = b_r * BLK + col
                    m = (k >= t1) & (gidx < N_CAND)
                    mi = jnp.where(m, 1, 0)
                    pos = base - 1 + plsc.cumsum(mi)
                    pm = m & (pos < S1_CAP)
                    plsc.store_scatter(s1k, [pos & jnp.int32(S1_CAP - 1)],
                                       k, mask=pm)
                    plsc.store_scatter(s1i, [pos & jnp.int32(S1_CAP - 1)],
                                       gidx, mask=pm)
                    base = base + jnp.sum(mi)
                return base
            s1n = lax.fori_loop(0, c1, filt, 0)
            s1n = jnp.minimum(s1n, S1_CAP)

            def zero_out(v, _):
                idx = v * 16 + iota
                m = idx < KOUT
                plsc.store_scatter(outs_v, [idx & jnp.int32(KOUT - 1)],
                                   jnp.zeros((16,), jnp.float32), mask=m)
                plsc.store_scatter(outi_v, [idx & jnp.int32(KOUT - 1)],
                                   zeros_i, mask=m)
                return 0
            lax.fori_loop(0, (KOUT + 15) // 16, zero_out, 0)

            nv = (s1n + 15) >> 4
            rot_idx = [((iota + r) & jnp.int32(15)) for r in range(16)]

            def rank_a(a, _):
                lane_a = a * 16 + iota
                ka = plsc.load_gather(s1k, [lane_a & jnp.int32(S1_CAP - 1)])
                va = lane_a < s1n

                def rank_b(b, rank):
                    lane_b = b * 16 + iota
                    kb = plsc.load_gather(
                        s1k, [lane_b & jnp.int32(S1_CAP - 1)])
                    kbm = jnp.where(lane_b < s1n, kb, jnp.int32(INT_MIN))
                    for r in range(16):
                        rot = kbm.at[rot_idx[r]].get(
                            mode="promise_in_bounds")
                        rot_pos = b * 16 + rot_idx[r]
                        beats = (rot > ka) | ((rot == ka) &
                                              (rot_pos < lane_a) &
                                              (rot != jnp.int32(INT_MIN)))
                        rank = rank + jnp.where(beats, 1, 0)
                    return rank
                rank = lax.fori_loop(0, nv, rank_b, zeros_i)

                ia = plsc.load_gather(s1i, [lane_a & jnp.int32(S1_CAP - 1)])
                fa = plsc.bitcast(
                    ka ^ (jnp.right_shift(ka, 31) & jnp.int32(0x7FFFFFFF)),
                    jnp.float32)
                m = va & (rank < K_TOP)
                plsc.store_scatter(outs_v, [rank & jnp.int32(127)], fa,
                                   mask=m)
                plsc.store_scatter(outi_v, [rank & jnp.int32(127)], ia,
                                   mask=m)
                return 0
            lax.fori_loop(0, nv, rank_a, 0)

            pltpu.sync_copy(outs_v, out_s_hbm.at[pl.ds(q * KOUT, KOUT)])
            pltpu.sync_copy(outi_v, out_i_hbm.at[pl.ds(q * KOUT, KOUT)])
            return 0

        lax.fori_loop(0, qpw, per_query, 0)

    return sc_topk



@jax.jit
def kernel(query_embeddings, candidates):
    n = candidates.shape[0]
    cand = jnp.pad(candidates, ((0, N_PAD - n), (0, 0)))
    nq = query_embeddings.shape[0]
    cand_perm = (cand.reshape(N_PAD // CHUNK, 32, BLK, D)
                 .transpose(0, 2, 1, 3).reshape(N_PAD, D))
    scores, blockmax = _scores_and_blockmax(query_embeddings, cand, cand_perm)
    scores3 = scores.reshape(nq * NB, BLK)
    bm_flat = blockmax.reshape(nq * NB)
    out_s, out_i = _make_sc_topk(nq)(scores3, bm_flat)
    return (out_s.reshape(nq, KOUT)[:, :K_TOP],
            out_i.reshape(nq, KOUT)[:, :K_TOP])

# --- scband reference (transcript-rebuilt; emitter-appended) ---
"""Pipeline reference for scband-streaming-85048942395816 (READ-ONLY COPY).

The authoritative reference and input builder live on the scoring server;
editing this copy changes nothing except your own understanding.
"""

import jax, jax.numpy as jnp
import numpy as np

K_TOP = 100

def setup_inputs(seed: int = 0) -> dict:
    key = jax.random.key(seed)
    kq, kc = jax.random.split(key)
    query_embeddings = jax.random.normal(kq, (1024, 32), dtype=jnp.float32)
    candidates = jax.random.normal(kc, (100000, 32), dtype=jnp.float32)
    return {"query_embeddings": query_embeddings, "candidates": candidates}

def reference(query_embeddings, candidates):
    # Streaming top-K over the candidate dataset is mathematically equivalent to
    # scoring all candidates and taking a single global top-k (scores are
    # query @ candidate^T; the streaming reduce merges per-batch top-k results,
    # which yields the same global top-k with candidate row indices).
    scores = jnp.matmul(query_embeddings, candidates.T)  # [Q, N]
    top_scores, top_indices = jax.lax.top_k(scores, K_TOP)
    return (top_scores, top_indices.astype(jnp.int32))

if __name__ == "__main__":
    import jax
    _d = setup_inputs()
    print(jax.jit(kernel)(*tuple(_d.values())))

</pallas_src>

<mosaic_0001>
#map = affine_map<(d0, d1) -> (0, 0)>
#map1 = affine_map<(d0, d1) -> (0)>
module attributes {stable_mosaic.version = 14 : i64} {
  func.func @sc_topk(%arg0: i32, %arg1: i32, %arg2: memref<819200x128xf32, #tpu.memory_space<hbm>>, %arg3: memref<819200xf32, #tpu.memory_space<hbm>>, %arg4: memref<131072xf32, #tpu.memory_space<hbm>>, %arg5: memref<131072xi32, #tpu.memory_space<hbm>>, %arg6: memref<800xf32, #tpu.memory_space<vmem>>, %arg7: memref<800xi32, #tpu.memory_space<vmem>>, %arg8: memref<1024xi32, #tpu.memory_space<vmem>>, %arg9: memref<4096xi32, #tpu.memory_space<vmem>>, %arg10: memref<4096xi32, #tpu.memory_space<vmem>>, %arg11: memref<128xi32, #tpu.memory_space<vmem>>, %arg12: memref<128x128xf32, #tpu.memory_space<vmem>>, %arg13: memref<512xi32, #tpu.memory_space<vmem>>, %arg14: memref<512xi32, #tpu.memory_space<vmem>>, %arg15: memref<128xf32, #tpu.memory_space<vmem>>, %arg16: memref<128xi32, #tpu.memory_space<vmem>>, %arg17: memref<!tpu.dma_semaphore, #tpu.memory_space<semaphore_mem>>) attributes {dimension_semantics = [#tpu.dimension_semantics<core_parallel>, #tpu.dimension_semantics<subcore_parallel>], iteration_bounds = array<i64: 2, 16>, scalar_prefetch = 0 : i64, scratch_operands = 12 : i64, tpu.core_type = #tpu.core_type<sc_vector_subcore>, window_params = [{transform_indices = #map}, {transform_indices = #map1}, {transform_indices = #map1}, {transform_indices = #map1}]} {
    %mul3A = arith.constant 2 : i32
    %mul3A_0 = arith.muli %arg1, %mul3A : i32
    %add3A = arith.addi %mul3A_0, %arg0 : i32
    %iota3A = tpu.iota {dimensions = array<i32: 0>} : vector<16xi32>
    %broadcast_in_dim3A = arith.constant 1 : i32
    %broadcast_in_dim3A_1 = vector.broadcast %broadcast_in_dim3A : i32 to vector<16xi32>
    %broadcast_in_dim3A_2 = arith.constant 0 : i32
    %broadcast_in_dim3A_3 = vector.broadcast %broadcast_in_dim3A_2 : i32 to vector<16xi32>
    %scan3A = arith.constant 0 : i32
    %scan3A_4 = arith.constant 0 : i32
    %scan3A_5 = arith.constant 32 : i32
    %scan3A_6 = arith.addi %scan3A_4, %scan3A_5 : i32
    %scan3A_7 = arith.constant 1 : i32
    %scan3A_8 = scf.for %scan3A_10 = %scan3A_4 to %scan3A_6 step %scan3A_7 iter_args(%scan3A_11 = %scan3A) -> (i32)  : i32 {
      %mul3A_12 = arith.constant 32 : i32
      %mul3A_13 = arith.muli %add3A, %mul3A_12 : i32
      %add3A_14 = arith.addi %mul3A_13, %scan3A_10 : i32
      %mul3A_15 = arith.constant 800 : i32
      %mul3A_16 = arith.muli %add3A_14, %mul3A_15 : i32
      "tpu.region"() ({
        %run_scoped3A = tpu.sem_alloc : memref<!tpu.dma_semaphore, #tpu.memory_space<semaphore_mem>>
        %dma_start3A_222 = tpu.memref_slice %arg3[%mul3A_16] : memref<819200xf32, #tpu.memory_space<hbm>> -> memref<800xf32, #tpu.memory_space<hbm>>
        %dma_start3A_223 = tpu.memref_slice %arg3[%mul3A_16] : memref<819200xf32, #tpu.memory_space<hbm>> -> memref<800xf32, #tpu.memory_space<hbm>>
        tpu.enqueue_dma source(%dma_start3A_223 : memref<800xf32, #tpu.memory_space<hbm>>) target(%arg6 : memref<800xf32, #tpu.memory_space<vmem>>) target_semaphore(%run_scoped3A : memref<!tpu.dma_semaphore, #tpu.memory_space<semaphore_mem>>)
        %dma_wait3A_224 = tpu.memref_slice %arg3[%mul3A_16] : memref<819200xf32, #tpu.memory_space<hbm>> -> memref<800xf32, #tpu.memory_space<hbm>>
        %dma_wait3A_225 = tpu.memref_slice %arg3[%mul3A_16] : memref<819200xf32, #tpu.memory_space<hbm>> -> memref<800xf32, #tpu.memory_space<hbm>>
        tpu.wait_dma2 semaphore(%run_scoped3A : memref<!tpu.dma_semaphore, #tpu.memory_space<semaphore_mem>>) src(%dma_wait3A_225 : memref<800xf32, #tpu.memory_space<hbm>>) dst(%arg6 : memref<800xf32, #tpu.memory_space<vmem>>)
        tpu.yield
      }) : () -> ()
      %scan3A_17 = arith.constant 0 : i32
      %scan3A_18 = arith.constant 0 : i32
      %scan3A_19 = arith.constant 256 : i32
      %scan3A_20 = arith.addi %scan3A_18, %scan3A_19 : i32
      %scan3A_21 = arith.constant 1 : i32
      %scan3A_22 = scf.for %scan3A_222 = %scan3A_18 to %scan3A_20 step %scan3A_21 iter_args(%scan3A_223 = %scan3A_17) -> (i32)  : i32 {
        %mul3A_224 = arith.constant 16 : i32
        %mul3A_225 = arith.muli %scan3A_222, %mul3A_224 : i32
        %add3A_226 = vector.broadcast %mul3A_225 : i32 to vector<16xi32>
        %add3A_227 = arith.addi %add3A_226, %iota3A : vector<16xi32>
        %and3A_228 = arith.constant 1023 : i32
        %and3A_229 = vector.broadcast %and3A_228 : i32 to vector<16xi32>
        %and3A_230 = arith.andi %add3A_227, %and3A_229 : vector<16xi32>
        %lt3A = arith.constant 64 : i32
        %lt3A_231 = arith.cmpi slt, %scan3A_222, %lt3A : i32
        %broadcast_in_dim3A_232 = vector.broadcast %lt3A_231 : i1 to vector<16xi1>
        tpu.vector_store_idx %arg8[%and3A_230], %broadcast_in_dim3A_3 masked %broadcast_in_dim3A_232 : memref<1024xi32, #tpu.memory_space<vmem>>[vector<16xi32>], vector<16xi32>, vector<16xi1>
        %and3A_233 = arith.constant 4095 : i32
        %and3A_234 = vector.broadcast %and3A_233 : i32 to vector<16xi32>
        %and3A_235 = arith.andi %add3A_227, %and3A_234 : vector<16xi32>
        tpu.vector_store_idx %arg9[%and3A_235], %broadcast_in_dim3A_3 : memref<4096xi32, #tpu.memory_space<vmem>>[vector<16xi32>], vector<16xi32>,
        %and3A_236 = arith.constant 4095 : i32
        %and3A_237 = vector.broadcast %and3A_236 : i32 to vector<16xi32>
        %and3A_238 = arith.andi %add3A_227, %and3A_237 : vector<16xi32>
        tpu.vector_store_idx %arg10[%and3A_238], %broadcast_in_dim3A_3 : memref<4096xi32, #tpu.memory_space<vmem>>[vector<16xi32>], vector<16xi32>,
        %and3A_239 = arith.constant 127 : i32
        %and3A_240 = vector.broadcast %and3A_239 : i32 to vector<16xi32>
        %and3A_241 = arith.andi %add3A_227, %and3A_240 : vector<16xi32>
        %lt3A_242 = arith.constant 8 : i32
        %lt3A_243 = arith.cmpi slt, %scan3A_222, %lt3A_242 : i32
        %broadcast_in_dim3A_244 = vector.broadcast %lt3A_243 : i1 to vector<16xi1>
        tpu.vector_store_idx %arg11[%and3A_241], %broadcast_in_dim3A_3 masked %broadcast_in_dim3A_244 : memref<128xi32, #tpu.memory_space<vmem>>[vector<16xi32>], vector<16xi32>, vector<16xi1>
        %scan3A_245 = arith.constant 0 : i32
        scf.yield %scan3A_245 : i32
      }
      %scan3A_23 = arith.constant 256 : i32
      %scan3A_24 = arith.constant 0 : i32
      %scan3A_25 = arith.constant 0 : i32
      %scan3A_26 = arith.constant 50 : i32
      %scan3A_27 = arith.addi %scan3A_25, %scan3A_26 : i32
      %scan3A_28 = arith.constant 1 : i32
      %scan3A_29 = scf.for %scan3A_222 = %scan3A_25 to %scan3A_27 step %scan3A_28 iter_args(%scan3A_223 = %scan3A_24) -> (i32)  : i32 {
        %mul3A_224 = arith.constant 16 : i32
        %mul3A_225 = arith.muli %scan3A_222, %mul3A_224 : i32
        %add3A_226 = vector.broadcast %mul3A_225 : i32 to vector<16xi32>
        %add3A_227 = arith.addi %add3A_226, %iota3A : vector<16xi32>
        %lt3A = arith.constant 782 : i32
        %lt3A_228 = vector.broadcast %lt3A : i32 to vector<16xi32>
        %lt3A_229 = arith.cmpi slt, %add3A_227, %lt3A_228 : vector<16xi32>
        %gather3A = tpu.vector_load_idx %arg6[%add3A_227] : memref<800xf32, #tpu.memory_space<vmem>>[vector<16xi32>], vector<16xf32>,
        %bitcast3A = vector.bitcast %gather3A : vector<16xf32> to vector<16xi32>
        %shift_right_arithmetic3A_230 = arith.constant 31 : i32
        %shift_right_arithmetic3A_231 = vector.broadcast %shift_right_arithmetic3A_230 : i32 to vector<16xi32>
        %shift_right_arithmetic3A_232 = arith.shrsi %bitcast3A, %shift_right_arithmetic3A_231 : vector<16xi32>
        %and3A_233 = arith.constant 2147483647 : i32
        %and3A_234 = vector.broadcast %and3A_233 : i32 to vector<16xi32>
        %and3A_235 = arith.andi %shift_right_arithmetic3A_232, %and3A_234 : vector<16xi32>
        %xor3A_236 = arith.xori %bitcast3A, %and3A_235 : vector<16xi32>
        tpu.vector_store_idx %arg7[%add3A_227], %xor3A_236 : memref<800xi32, #tpu.memory_space<vmem>>[vector<16xi32>], vector<16xi32>,
        %xor3A_237 = arith.constant -2147483648 : i32
        %xor3A_238 = vector.broadcast %xor3A_237 : i32 to vector<16xi32>
        %xor3A_239 = arith.xori %xor3A_236, %xor3A_238 : vector<16xi32>
        %shift_right_logical3A = arith.constant 26 : i32
        %shift_right_logical3A_240 = vector.broadcast %shift_right_logical3A : i32 to vector<16xi32>
        %shift_right_logical3A_241 = arith.shrui %xor3A_239, %shift_right_logical3A_240 : vector<16xi32>
        %and3A_242 = arith.constant 63 : i32
        %and3A_243 = vector.broadcast %and3A_242 : i32 to vector<16xi32>
        %and3A_244 = arith.andi %shift_right_logical3A_241, %and3A_243 : vector<16xi32>
        %mul3A_245 = arith.constant 16 : i32
        %mul3A_246 = vector.broadcast %mul3A_245 : i32 to vector<16xi32>
        %mul3A_247 = arith.muli %and3A_244, %mul3A_246 : vector<16xi32>
        %add3A_248 = arith.addi %mul3A_247, %iota3A : vector<16xi32>
        tpu.vector_store_idx %arg8[%add3A_248], %broadcast_in_dim3A_1 masked %lt3A_229 {add = true} : memref<1024xi32, #tpu.memory_space<vmem>>[vector<16xi32>], vector<16xi32>, vector<16xi1>
        %scan3A_249 = arith.constant 0 : i32
        scf.yield %scan3A_249 : i32
      }
      %scan3A_30 = arith.constant 50 : i32
      %scan3A_31 = arith.constant 0 : i32
      %scan3A_32 = arith.constant 0 : i32
      %scan3A_33 = arith.constant 0 : i32
      %scan3A_34 = arith.constant 0 : i32
      %scan3A_35 = arith.constant 64 : i32
      %scan3A_36 = arith.addi %scan3A_34, %scan3A_35 : i32
      %scan3A_37 = arith.constant 1 : i32
      %scan3A_38:3 = scf.for %scan3A_222 = %scan3A_34 to %scan3A_36 step %scan3A_37 iter_args(%scan3A_223 = %scan3A_31, %scan3A_224 = %scan3A_32, %scan3A_225 = %scan3A_33) -> (i32, i32, i32)  : i32 {
        %sub3A = arith.constant 63 : i32
        %sub3A_226 = arith.subi %sub3A, %scan3A_222 : i32
        %mul3A_227 = arith.constant 16 : i32
        %mul3A_228 = arith.muli %sub3A_226, %mul3A_227 : i32
        %add3A_229 = vector.broadcast %mul3A_228 : i32 to vector<16xi32>
        %add3A_230 = arith.addi %add3A_229, %iota3A : vector<16xi32>
        %gather3A = tpu.vector_load_idx %arg8[%add3A_230] : memref<1024xi32, #tpu.memory_space<vmem>>[vector<16xi32>], vector<16xi32>,
        %reduce_sum3A = arith.constant true
        %reduce_sum3A_231 = vector.broadcast %reduce_sum3A : i1 to vector<16xi1>
        %reduce_sum3A_232 = tpu.scan <sum>, %gather3A masked %reduce_sum3A_231 : vector<16xi32>, vector<16xi1> -> vector<16xi32>
        %reduce_sum3A_233 = vector.extract %reduce_sum3A_232[15] : i32 from vector<16xi32>
        %add3A_234 = arith.addi %scan3A_223, %reduce_sum3A_233 : i32
        %lt3A = arith.constant 101 : i32
        %lt3A_235 = arith.cmpi slt, %scan3A_223, %lt3A : i32
        %ge3A = arith.constant 101 : i32
        %ge3A_236 = arith.cmpi sge, %add3A_234, %ge3A : i32
        %and3A_237 = arith.andi %lt3A_235, %ge3A_236 : i1
        %select_n3A = arith.select %and3A_237, %sub3A_226, %scan3A_224 : i32
        %select_n3A_238 = arith.select %and3A_237, %scan3A_223, %scan3A_225 : i32
        scf.yield %add3A_234, %select_n3A, %select_n3A_238 : i32, i32, i32
      }
      %scan3A_39 = arith.constant 64 : i32
      %scan3A_40 = arith.constant 0 : i32
      %scan3A_41 = arith.constant 0 : i32
      %scan3A_42 = arith.constant 50 : i32
      %scan3A_43 = arith.addi %scan3A_41, %scan3A_42 : i32
      %scan3A_44 = arith.constant 1 : i32
      %scan3A_45 = scf.for %scan3A_222 = %scan3A_41 to %scan3A_43 step %scan3A_44 iter_args(%scan3A_223 = %scan3A_40) -> (i32)  : i32 {
        %mul3A_224 = arith.constant 16 : i32
        %mul3A_225 = arith.muli %scan3A_222, %mul3A_224 : i32
        %add3A_226 = vector.broadcast %mul3A_225 : i32 to vector<16xi32>
        %add3A_227 = arith.addi %add3A_226, %iota3A : vector<16xi32>
        %lt3A = arith.constant 782 : i32
        %lt3A_228 = vector.broadcast %lt3A : i32 to vector<16xi32>
        %lt3A_229 = arith.cmpi slt, %add3A_227, %lt3A_228 : vector<16xi32>
        %gather3A = tpu.vector_load_idx %arg7[%add3A_227] : memref<800xi32, #tpu.memory_space<vmem>>[vector<16xi32>], vector<16xi32>,
        %xor3A_230 = arith.constant -2147483648 : i32
        %xor3A_231 = vector.broadcast %xor3A_230 : i32 to vector<16xi32>
        %xor3A_232 = arith.xori %gather3A, %xor3A_231 : vector<16xi32>
        %shift_right_logical3A = arith.constant 26 : i32
        %shift_right_logical3A_233 = vector.broadcast %shift_right_logical3A : i32 to vector<16xi32>
        %shift_right_logical3A_234 = arith.shrui %xor3A_232, %shift_right_logical3A_233 : vector<16xi32>
        %and3A_235 = arith.constant 63 : i32
        %and3A_236 = vector.broadcast %and3A_235 : i32 to vector<16xi32>
        %and3A_237 = arith.andi %shift_right_logical3A_234, %and3A_236 : vector<16xi32>
        %xor3A_238 = arith.constant -2147483648 : i32
        %xor3A_239 = vector.broadcast %xor3A_238 : i32 to vector<16xi32>
        %xor3A_240 = arith.xori %gather3A, %xor3A_239 : vector<16xi32>
        %shift_right_logical3A_241 = arith.constant 18 : i32
        %shift_right_logical3A_242 = vector.broadcast %shift_right_logical3A_241 : i32 to vector<16xi32>
        %shift_right_logical3A_243 = arith.shrui %xor3A_240, %shift_right_logical3A_242 : vector<16xi32>
        %and3A_244 = arith.constant 255 : i32
        %and3A_245 = vector.broadcast %and3A_244 : i32 to vector<16xi32>
        %and3A_246 = arith.andi %shift_right_logical3A_243, %and3A_245 : vector<16xi32>
        %eq3A = vector.broadcast %scan3A_38#1 : i32 to vector<16xi32>
        %eq3A_247 = arith.cmpi eq, %and3A_237, %eq3A : vector<16xi32>
        %and3A_248 = arith.andi %lt3A_229, %eq3A_247 : vector<16xi1>
        %mul3A_249 = arith.constant 16 : i32
        %mul3A_250 = vector.broadcast %mul3A_249 : i32 to vector<16xi32>
        %mul3A_251 = arith.muli %and3A_246, %mul3A_250 : vector<16xi32>
        %add3A_252 = arith.addi %mul3A_251, %iota3A : vector<16xi32>
        tpu.vector_store_idx %arg9[%add3A_252], %broadcast_in_dim3A_1 masked %and3A_248 {add = true} : memref<4096xi32, #tpu.memory_space<vmem>>[vector<16xi32>], vector<16xi32>, vector<16xi1>
        %scan3A_253 = arith.constant 0 : i32
        scf.yield %scan3A_253 : i32
      }
      %scan3A_46 = arith.constant 50 : i32
      %scan3A_47 = arith.constant 0 : i32
      %scan3A_48 = arith.constant 0 : i32
      %scan3A_49 = arith.constant 256 : i32
      %scan3A_50 = arith.addi %scan3A_48, %scan3A_49 : i32
      %scan3A_51 = arith.constant 1 : i32
      %scan3A_52:3 = scf.for %scan3A_222 = %scan3A_48 to %scan3A_50 step %scan3A_51 iter_args(%scan3A_223 = %scan3A_38#2, %scan3A_224 = %scan3A_47, %scan3A_225 = %scan3A_38#2) -> (i32, i32, i32)  : i32 {
        %sub3A = arith.constant 255 : i32
        %sub3A_226 = arith.subi %sub3A, %scan3A_222 : i32
        %mul3A_227 = arith.constant 16 : i32
        %mul3A_228 = arith.muli %sub3A_226, %mul3A_227 : i32
        %add3A_229 = vector.broadcast %mul3A_228 : i32 to vector<16xi32>
        %add3A_230 = arith.addi %add3A_229, %iota3A : vector<16xi32>
        %gather3A = tpu.vector_load_idx %arg9[%add3A_230] : memref<4096xi32, #tpu.memory_space<vmem>>[vector<16xi32>], vector<16xi32>,
        %reduce_sum3A = arith.constant true
        %reduce_sum3A_231 = vector.broadcast %reduce_sum3A : i1 to vector<16xi1>
        %reduce_sum3A_232 = tpu.scan <sum>, %gather3A masked %reduce_sum3A_231 : vector<16xi32>, vector<16xi1> -> vector<16xi32>
        %reduce_sum3A_233 = vector.extract %reduce_sum3A_232[15] : i32 from vector<16xi32>
        %add3A_234 = arith.addi %scan3A_223, %reduce_sum3A_233 : i32
        %lt3A = arith.constant 101 : i32
        %lt3A_235 = arith.cmpi slt, %scan3A_223, %lt3A : i32
        %ge3A = arith.constant 101 : i32
        %ge3A_236 = arith.cmpi sge, %add3A_234, %ge3A : i32
        %and3A_237 = arith.andi %lt3A_235, %ge3A_236 : i1
        %select_n3A = arith.select %and3A_237, %sub3A_226, %scan3A_224 : i32
        %select_n3A_238 = arith.select %and3A_237, %scan3A_223, %scan3A_225 : i32
        scf.yield %add3A_234, %select_n3A, %select_n3A_238 : i32, i32, i32
      }
      %scan3A_53 = arith.constant 256 : i32
      %scan3A_54 = arith.constant 0 : i32
      %scan3A_55 = arith.constant 0 : i32
      %scan3A_56 = arith.constant 50 : i32
      %scan3A_57 = arith.addi %scan3A_55, %scan3A_56 : i32
      %scan3A_58 = arith.constant 1 : i32
      %scan3A_59 = scf.for %scan3A_222 = %scan3A_55 to %scan3A_57 step %scan3A_58 iter_args(%scan3A_223 = %scan3A_54) -> (i32)  : i32 {
        %mul3A_224 = arith.constant 16 : i32
        %mul3A_225 = arith.muli %scan3A_222, %mul3A_224 : i32
        %add3A_226 = vector.broadcast %mul3A_225 : i32 to vector<16xi32>
        %add3A_227 = arith.addi %add3A_226, %iota3A : vector<16xi32>
        %lt3A = arith.constant 782 : i32
        %lt3A_228 = vector.broadcast %lt3A : i32 to vector<16xi32>
        %lt3A_229 = arith.cmpi slt, %add3A_227, %lt3A_228 : vector<16xi32>
        %gather3A = tpu.vector_load_idx %arg7[%add3A_227] : memref<800xi32, #tpu.memory_space<vmem>>[vector<16xi32>], vector<16xi32>,
        %xor3A_230 = arith.constant -2147483648 : i32
        %xor3A_231 = vector.broadcast %xor3A_230 : i32 to vector<16xi32>
        %xor3A_232 = arith.xori %gather3A, %xor3A_231 : vector<16xi32>
        %shift_right_logical3A = arith.constant 26 : i32
        %shift_right_logical3A_233 = vector.broadcast %shift_right_logical3A : i32 to vector<16xi32>
        %shift_right_logical3A_234 = arith.shrui %xor3A_232, %shift_right_logical3A_233 : vector<16xi32>
        %and3A_235 = arith.constant 63 : i32
        %and3A_236 = vector.broadcast %and3A_235 : i32 to vector<16xi32>
        %and3A_237 = arith.andi %shift_right_logical3A_234, %and3A_236 : vector<16xi32>
        %xor3A_238 = arith.constant -2147483648 : i32
        %xor3A_239 = vector.broadcast %xor3A_238 : i32 to vector<16xi32>
        %xor3A_240 = arith.xori %gather3A, %xor3A_239 : vector<16xi32>
        %shift_right_logical3A_241 = arith.constant 18 : i32
        %shift_right_logical3A_242 = vector.broadcast %shift_right_logical3A_241 : i32 to vector<16xi32>
        %shift_right_logical3A_243 = arith.shrui %xor3A_240, %shift_right_logical3A_242 : vector<16xi32>
        %and3A_244 = arith.constant 255 : i32
        %and3A_245 = vector.broadcast %and3A_244 : i32 to vector<16xi32>
        %and3A_246 = arith.andi %shift_right_logical3A_243, %and3A_245 : vector<16xi32>
        %xor3A_247 = arith.constant -2147483648 : i32
        %xor3A_248 = vector.broadcast %xor3A_247 : i32 to vector<16xi32>
        %xor3A_249 = arith.xori %gather3A, %xor3A_248 : vector<16xi32>
        %shift_right_logical3A_250 = arith.constant 10 : i32
        %shift_right_logical3A_251 = vector.broadcast %shift_right_logical3A_250 : i32 to vector<16xi32>
        %shift_right_logical3A_252 = arith.shrui %xor3A_249, %shift_right_logical3A_251 : vector<16xi32>
        %and3A_253 = arith.constant 255 : i32
        %and3A_254 = vector.broadcast %and3A_253 : i32 to vector<16xi32>
        %and3A_255 = arith.andi %shift_right_logical3A_252, %and3A_254 : vector<16xi32>
        %eq3A = vector.broadcast %scan3A_38#1 : i32 to vector<16xi32>
        %eq3A_256 = arith.cmpi eq, %and3A_237, %eq3A : vector<16xi32>
        %and3A_257 = arith.andi %lt3A_229, %eq3A_256 : vector<16xi1>
        %eq3A_258 = vector.broadcast %scan3A_52#1 : i32 to vector<16xi32>
        %eq3A_259 = arith.cmpi eq, %and3A_246, %eq3A_258 : vector<16xi32>
        %and3A_260 = arith.andi %and3A_257, %eq3A_259 : vector<16xi1>
        %mul3A_261 = arith.constant 16 : i32
        %mul3A_262 = vector.broadcast %mul3A_261 : i32 to vector<16xi32>
        %mul3A_263 = arith.muli %and3A_255, %mul3A_262 : vector<16xi32>
        %add3A_264 = arith.addi %mul3A_263, %iota3A : vector<16xi32>
        tpu.vector_store_idx %arg10[%add3A_264], %broadcast_in_dim3A_1 masked %and3A_260 {add = true} : memref<4096xi32, #tpu.memory_space<vmem>>[vector<16xi32>], vector<16xi32>, vector<16xi1>
        %scan3A_265 = arith.constant 0 : i32
        scf.yield %scan3A_265 : i32
      }
      %scan3A_60 = arith.constant 50 : i32
      %scan3A_61 = arith.constant 0 : i32
      %scan3A_62 = arith.constant 0 : i32
      %scan3A_63 = arith.constant 256 : i32
      %scan3A_64 = arith.addi %scan3A_62, %scan3A_63 : i32
      %scan3A_65 = arith.constant 1 : i32
      %scan3A_66:2 = scf.for %scan3A_222 = %scan3A_62 to %scan3A_64 step %scan3A_65 iter_args(%scan3A_223 = %scan3A_52#2, %scan3A_224 = %scan3A_61) -> (i32, i32)  : i32 {
        %sub3A = arith.constant 255 : i32
        %sub3A_225 = arith.subi %sub3A, %scan3A_222 : i32
        %mul3A_226 = arith.constant 16 : i32
        %mul3A_227 = arith.muli %sub3A_225, %mul3A_226 : i32
        %add3A_228 = vector.broadcast %mul3A_227 : i32 to vector<16xi32>
        %add3A_229 = arith.addi %add3A_228, %iota3A : vector<16xi32>
        %gather3A = tpu.vector_load_idx %arg10[%add3A_229] : memref<4096xi32, #tpu.memory_space<vmem>>[vector<16xi32>], vector<16xi32>,
        %reduce_sum3A = arith.constant true
        %reduce_sum3A_230 = vector.broadcast %reduce_sum3A : i1 to vector<16xi1>
        %reduce_sum3A_231 = tpu.scan <sum>, %gather3A masked %reduce_sum3A_230 : vector<16xi32>, vector<16xi1> -> vector<16xi32>
        %reduce_sum3A_232 = vector.extract %reduce_sum3A_231[15] : i32 from vector<16xi32>
        %add3A_233 = arith.addi %scan3A_223, %reduce_sum3A_232 : i32
        %lt3A = arith.constant 101 : i32
        %lt3A_234 = arith.cmpi slt, %scan3A_223, %lt3A : i32
        %ge3A = arith.constant 101 : i32
        %ge3A_235 = arith.cmpi sge, %add3A_233, %ge3A : i32
        %and3A_236 = arith.andi %lt3A_234, %ge3A_235 : i1
        %select_n3A = arith.select %and3A_236, %sub3A_225, %scan3A_224 : i32
        scf.yield %add3A_233, %select_n3A : i32, i32
      }
      %scan3A_67 = arith.constant 256 : i32
      %shift_left3A = arith.constant 26 : i32
      %shift_left3A_68 = arith.shli %scan3A_38#1, %shift_left3A : i32
      %shift_left3A_69 = arith.constant 18 : i32
      %shift_left3A_70 = arith.shli %scan3A_52#1, %shift_left3A_69 : i32
      %or3A = arith.ori %shift_left3A_68, %shift_left3A_70 : i32
      %shift_left3A_71 = arith.constant 10 : i32
      %shift_left3A_72 = arith.shli %scan3A_66#1, %shift_left3A_71 : i32
      %or3A_73 = arith.ori %or3A, %shift_left3A_72 : i32
      %xor3A = arith.constant -2147483648 : i32
      %xor3A_74 = arith.xori %or3A_73, %xor3A : i32
      %scan3A_75 = arith.constant 0 : i32
      %scan3A_76 = arith.constant 0 : i32
      %scan3A_77 = arith.constant 50 : i32
      %scan3A_78 = arith.addi %scan3A_76, %scan3A_77 : i32
      %scan3A_79 = arith.constant 1 : i32
      %scan3A_80 = scf.for %scan3A_222 = %scan3A_76 to %scan3A_78 step %scan3A_79 iter_args(%scan3A_223 = %scan3A_75) -> (i32)  : i32 {
        %mul3A_224 = arith.constant 16 : i32
        %mul3A_225 = arith.muli %scan3A_222, %mul3A_224 : i32
        %add3A_226 = vector.broadcast %mul3A_225 : i32 to vector<16xi32>
        %add3A_227 = arith.addi %add3A_226, %iota3A : vector<16xi32>
        %lt3A = arith.constant 782 : i32
        %lt3A_228 = vector.broadcast %lt3A : i32 to vector<16xi32>
        %lt3A_229 = arith.cmpi slt, %add3A_227, %lt3A_228 : vector<16xi32>
        %gather3A = tpu.vector_load_idx %arg7[%add3A_227] : memref<800xi32, #tpu.memory_space<vmem>>[vector<16xi32>], vector<16xi32>,
        %ge3A = vector.broadcast %xor3A_74 : i32 to vector<16xi32>
        %ge3A_230 = arith.cmpi sge, %gather3A, %ge3A : vector<16xi32>
        %and3A_231 = arith.andi %lt3A_229, %ge3A_230 : vector<16xi1>
        %jit3A = arith.constant 1 : i32
        %jit3A_232 = arith.constant 0 : i32
        %broadcast_in_dim3A_233 = vector.broadcast %jit3A : i32 to vector<16xi32>
        %broadcast_in_dim3A_234 = vector.broadcast %jit3A_232 : i32 to vector<16xi32>
        %select_n3A = arith.select %and3A_231, %broadcast_in_dim3A_233, %broadcast_in_dim3A_234 : vector<16xi1>, vector<16xi32>
        %sub3A = arith.constant 1 : i32
        %sub3A_235 = arith.subi %scan3A_223, %sub3A : i32
        %broadcast_in_dim3A_236 = arith.constant true
        %broadcast_in_dim3A_237 = vector.broadcast %broadcast_in_dim3A_236 : i1 to vector<16xi1>
        %masked_cumsum3A = tpu.scan <sum>, %select_n3A masked %broadcast_in_dim3A_237 : vector<16xi32>, vector<16xi1> -> vector<16xi32>
        %add3A_238 = vector.broadcast %sub3A_235 : i32 to vector<16xi32>
        %add3A_239 = arith.addi %add3A_238, %masked_cumsum3A : vector<16xi32>
        %lt3A_240 = arith.constant 128 : i32
        %lt3A_241 = vector.broadcast %lt3A_240 : i32 to vector<16xi32>
        %lt3A_242 = arith.cmpi slt, %add3A_239, %lt3A_241 : vector<16xi32>
        %and3A_243 = arith.andi %and3A_231, %lt3A_242 : vector<16xi1>
        %and3A_244 = arith.constant 127 : i32
        %and3A_245 = vector.broadcast %and3A_244 : i32 to vector<16xi32>
        %and3A_246 = arith.andi %add3A_239, %and3A_245 : vector<16xi32>
        %mul3A_247 = arith.constant 800 : i32
        %mul3A_248 = arith.muli %add3A_14, %mul3A_247 : i32
        %add3A_249 = vector.broadcast %mul3A_248 : i32 to vector<16xi32>
        %add3A_250 = arith.addi %add3A_227, %add3A_249 : vector<16xi32>
        tpu.vector_store_idx %arg11[%and3A_246], %add3A_250 masked %and3A_243 : memref<128xi32, #tpu.memory_space<vmem>>[vector<16xi32>], vector<16xi32>, vector<16xi1>
        %reduce_sum3A = arith.constant true
        %reduce_sum3A_251 = vector.broadcast %reduce_sum3A : i1 to vector<16xi1>
        %reduce_sum3A_252 = tpu.scan <sum>, %select_n3A masked %reduce_sum3A_251 : vector<16xi32>, vector<16xi1> -> vector<16xi32>
        %reduce_sum3A_253 = vector.extract %reduce_sum3A_252[15] : i32 from vector<16xi32>
        %add3A_254 = arith.addi %scan3A_223, %reduce_sum3A_253 : i32
        scf.yield %add3A_254 : i32
      }
      %scan3A_81 = arith.constant 50 : i32
      %min3A = arith.constant 128 : i32
      %min3A_82 = arith.minsi %scan3A_80, %min3A : i32
      %dma_start3A = arith.constant 0 : i32
      %dma_start3A_83 = arith.constant 0 : i32
      %dma_start3A_84 = tpu.memref_slice %arg2[%dma_start3A, %dma_start3A_83] : memref<819200x128xf32, #tpu.memory_space<hbm>> -> memref<819200x128xf32, #tpu.memory_space<hbm>>
      tpu.enqueue_indirect_dma source(%dma_start3A_84 : memref<819200x128xf32, #tpu.memory_space<hbm>>) target(%arg12 : memref<128x128xf32, #tpu.memory_space<vmem>>) offsets(%arg11 : memref<128xi32, #tpu.memory_space<vmem>>) semaphore(%arg17 : memref<!tpu.dma_semaphore, #tpu.memory_space<semaphore_mem>>)
      %dma_wait3A = arith.constant 0 : i32
      %dma_wait3A_85 = arith.constant 0 : i32
      %dma_wait3A_86 = tpu.memref_slice %arg2[%dma_wait3A, %dma_wait3A_85] : memref<819200x128xf32, #tpu.memory_space<hbm>> -> memref<819200x128xf32, #tpu.memory_space<hbm>>
      tpu.wait_indirect_dma semaphore(%arg17 : memref<!tpu.dma_semaphore, #tpu.memory_space<semaphore_mem>>) src(%dma_wait3A_86 : memref<819200x128xf32, #tpu.memory_space<hbm>>) dst(%arg12 : memref<128x128xf32, #tpu.memory_space<vmem>>)
      %while3A = arith.constant 0 : i32
      %while3A_87 = arith.constant 0 : i32
      %while3A_88 = arith.subi %min3A_82, %while3A : i32
      %while3A_89 = arith.addi %while3A, %while3A_88 : i32
      %while3A_90 = arith.constant 1 : i32
      %while3A_91 = arith.divsi %while3A_88, %while3A_90 : i32
      %while3A_92 = arith.muli %while3A_91, %while3A_90 : i32
      %while3A_93 = arith.addi %while3A, %while3A_92 : i32
      %while3A_94 = arith.constant 1 : i32
      %while3A_95 = scf.for %while3A_222 = %while3A to %while3A_93 step %while3A_94 iter_args(%while3A_223 = %while3A_87) -> (i32)  : i32 {
        %mul3A_224 = arith.constant 0 : i32
        %mul3A_225 = vector.broadcast %mul3A_224 : i32 to vector<16xi32>
        %mul3A_226 = arith.muli %iota3A, %mul3A_225 : vector<16xi32>
        %add3A_227 = vector.broadcast %while3A_222 : i32 to vector<16xi32>
        %add3A_228 = arith.addi %mul3A_226, %add3A_227 : vector<16xi32>
        %gather3A = tpu.vector_load_idx %arg11[%add3A_228] : memref<128xi32, #tpu.memory_space<vmem>>[vector<16xi32>], vector<16xi32>,
        %mul3A_229 = arith.constant 800 : i32
        %mul3A_230 = arith.muli %add3A_14, %mul3A_229 : i32
        %sub3A = vector.broadcast %mul3A_230 : i32 to vector<16xi32>
        %sub3A_231 = arith.subi %gather3A, %sub3A : vector<16xi32>
        %add3A_232 = arith.constant 0 : i32
        %add3A_233 = vector.broadcast %add3A_232 : i32 to vector<16xi32>
        %add3A_234 = arith.addi %add3A_233, %iota3A : vector<16xi32>
        %mul3A_235 = arith.constant 0 : i32
        %mul3A_236 = vector.broadcast %mul3A_235 : i32 to vector<16xi32>
        %mul3A_237 = arith.muli %iota3A, %mul3A_236 : vector<16xi32>
        %add3A_238 = vector.broadcast %while3A_222 : i32 to vector<16xi32>
        %add3A_239 = arith.addi %mul3A_237, %add3A_238 : vector<16xi32>
        %gather3A_240 = tpu.vector_load_idx %arg12[%add3A_239, %add3A_234] : memref<128x128xf32, #tpu.memory_space<vmem>>[vector<16xi32>, vector<16xi32>], vector<16xf32>,
        %bitcast3A = vector.bitcast %gather3A_240 : vector<16xf32> to vector<16xi32>
        %shift_right_arithmetic3A_241 = arith.constant 31 : i32
        %shift_right_arithmetic3A_242 = vector.broadcast %shift_right_arithmetic3A_241 : i32 to vector<16xi32>
        %shift_right_arithmetic3A_243 = arith.shrsi %bitcast3A, %shift_right_arithmetic3A_242 : vector<16xi32>
        %and3A_244 = arith.constant 2147483647 : i32
        %and3A_245 = vector.broadcast %and3A_244 : i32 to vector<16xi32>
        %and3A_246 = arith.andi %shift_right_arithmetic3A_243, %and3A_245 : vector<16xi32>
        %xor3A_247 = arith.xori %bitcast3A, %and3A_246 : vector<16xi32>
        %mul3A_248 = arith.constant 128 : i32
        %mul3A_249 = vector.broadcast %mul3A_248 : i32 to vector<16xi32>
        %mul3A_250 = arith.muli %sub3A_231, %mul3A_249 : vector<16xi32>
        %add3A_251 = arith.addi %mul3A_250, %add3A_234 : vector<16xi32>
        %ge3A = vector.broadcast %xor3A_74 : i32 to vector<16xi32>
        %ge3A_252 = arith.cmpi sge, %xor3A_247, %ge3A : vector<16xi32>
        %lt3A = arith.constant 100000 : i32
        %lt3A_253 = vector.broadcast %lt3A : i32 to vector<16xi32>
        %lt3A_254 = arith.cmpi slt, %add3A_251, %lt3A_253 : vector<16xi32>
        %and3A_255 = arith.andi %ge3A_252, %lt3A_254 : vector<16xi1>
        %jit3A = arith.constant 1 : i32
        %jit3A_256 = arith.constant 0 : i32
        %broadcast_in_dim3A_257 = vector.broadcast %jit3A : i32 to vector<16xi32>
        %broadcast_in_dim3A_258 = vector.broadcast %jit3A_256 : i32 to vector<16xi32>
        %select_n3A = arith.select %and3A_255, %broadcast_in_dim3A_257, %broadcast_in_dim3A_258 : vector<16xi1>, vector<16xi32>
        %sub3A_259 = arith.constant 1 : i32
        %sub3A_260 = arith.subi %while3A_223, %sub3A_259 : i32
        %broadcast_in_dim3A_261 = arith.constant true
        %broadcast_in_dim3A_262 = vector.broadcast %broadcast_in_dim3A_261 : i1 to vector<16xi1>
        %masked_cumsum3A = tpu.scan <sum>, %select_n3A masked %broadcast_in_dim3A_262 : vector<16xi32>, vector<16xi1> -> vector<16xi32>
        %add3A_263 = vector.broadcast %sub3A_260 : i32 to vector<16xi32>
        %add3A_264 = arith.addi %add3A_263, %masked_cumsum3A : vector<16xi32>
        %lt3A_265 = arith.constant 512 : i32
        %lt3A_266 = vector.broadcast %lt3A_265 : i32 to vector<16xi32>
        %lt3A_267 = arith.cmpi slt, %add3A_264, %lt3A_266 : vector<16xi32>
        %and3A_268 = arith.andi %and3A_255, %lt3A_267 : vector<16xi1>
        %and3A_269 = arith.constant 511 : i32
        %and3A_270 = vector.broadcast %and3A_269 : i32 to vector<16xi32>
        %and3A_271 = arith.andi %add3A_264, %and3A_270 : vector<16xi32>
        tpu.vector_store_idx %arg13[%and3A_271], %xor3A_247 masked %and3A_268 : memref<512xi32, #tpu.memory_space<vmem>>[vector<16xi32>], vector<16xi32>, vector<16xi1>
        %and3A_272 = arith.constant 511 : i32
        %and3A_273 = vector.broadcast %and3A_272 : i32 to vector<16xi32>
        %and3A_274 = arith.andi %add3A_264, %and3A_273 : vector<16xi32>
        tpu.vector_store_idx %arg14[%and3A_274], %add3A_251 masked %and3A_268 : memref<512xi32, #tpu.memory_space<vmem>>[vector<16xi32>], vector<16xi32>, vector<16xi1>
        %reduce_sum3A = arith.constant true
        %reduce_sum3A_275 = vector.broadcast %reduce_sum3A : i1 to vector<16xi1>
        %reduce_sum3A_276 = tpu.scan <sum>, %select_n3A masked %reduce_sum3A_275 : vector<16xi32>, vector<16xi1> -> vector<16xi32>
        %reduce_sum3A_277 = vector.extract %reduce_sum3A_276[15] : i32 from vector<16xi32>
        %add3A_278 = arith.addi %while3A_223, %reduce_sum3A_277 : i32
        %add3A_279 = arith.constant 16 : i32
        %add3A_280 = vector.broadcast %add3A_279 : i32 to vector<16xi32>
        %add3A_281 = arith.addi %add3A_280, %iota3A : vector<16xi32>
        %mul3A_282 = arith.constant 0 : i32
        %mul3A_283 = vector.broadcast %mul3A_282 : i32 to vector<16xi32>
        %mul3A_284 = arith.muli %iota3A, %mul3A_283 : vector<16xi32>
        %add3A_285 = vector.broadcast %while3A_222 : i32 to vector<16xi32>
        %add3A_286 = arith.addi %mul3A_284, %add3A_285 : vector<16xi32>
        %gather3A_287 = tpu.vector_load_idx %arg12[%add3A_286, %add3A_281] : memref<128x128xf32, #tpu.memory_space<vmem>>[vector<16xi32>, vector<16xi32>], vector<16xf32>,
        %bitcast3A_288 = vector.bitcast %gather3A_287 : vector<16xf32> to vector<16xi32>
        %shift_right_arithmetic3A_289 = arith.constant 31 : i32
        %shift_right_arithmetic3A_290 = vector.broadcast %shift_right_arithmetic3A_289 : i32 to vector<16xi32>
        %shift_right_arithmetic3A_291 = arith.shrsi %bitcast3A_288, %shift_right_arithmetic3A_290 : vector<16xi32>
        %and3A_292 = arith.constant 2147483647 : i32
        %and3A_293 = vector.broadcast %and3A_292 : i32 to vector<16xi32>
        %and3A_294 = arith.andi %shift_right_arithmetic3A_291, %and3A_293 : vector<16xi32>
        %xor3A_295 = arith.xori %bitcast3A_288, %and3A_294 : vector<16xi32>
        %mul3A_296 = arith.constant 128 : i32
        %mul3A_297 = vector.broadcast %mul3A_296 : i32 to vector<16xi32>
        %mul3A_298 = arith.muli %sub3A_231, %mul3A_297 : vector<16xi32>
        %add3A_299 = arith.addi %mul3A_298, %add3A_281 : vector<16xi32>
        %ge3A_300 = vector.broadcast %xor3A_74 : i32 to vector<16xi32>
        %ge3A_301 = arith.cmpi sge, %xor3A_295, %ge3A_300 : vector<16xi32>
        %lt3A_302 = arith.constant 100000 : i32
        %lt3A_303 = vector.broadcast %lt3A_302 : i32 to vector<16xi32>
        %lt3A_304 = arith.cmpi slt, %add3A_299, %lt3A_303 : vector<16xi32>
        %and3A_305 = arith.andi %ge3A_301, %lt3A_304 : vector<16xi1>
        %jit3A_306 = arith.constant 1 : i32
        %jit3A_307 = arith.constant 0 : i32
        %broadcast_in_dim3A_308 = vector.broadcast %jit3A_306 : i32 to vector<16xi32>
        %broadcast_in_dim3A_309 = vector.broadcast %jit3A_307 : i32 to vector<16xi32>
        %select_n3A_310 = arith.select %and3A_305, %broadcast_in_dim3A_308, %broadcast_in_dim3A_309 : vector<16xi1>, vector<16xi32>
        %sub3A_311 = arith.constant 1 : i32
        %sub3A_312 = arith.subi %add3A_278, %sub3A_311 : i32
        %broadcast_in_dim3A_313 = arith.constant true
        %broadcast_in_dim3A_314 = vector.broadcast %broadcast_in_dim3A_313 : i1 to vector<16xi1>
        %masked_cumsum3A_315 = tpu.scan <sum>, %select_n3A_310 masked %broadcast_in_dim3A_314 : vector<16xi32>, vector<16xi1> -> vector<16xi32>
        %add3A_316 = vector.broadcast %sub3A_312 : i32 to vector<16xi32>
        %add3A_317 = arith.addi %add3A_316, %masked_cumsum3A_315 : vector<16xi32>
        %lt3A_318 = arith.constant 512 : i32
        %lt3A_319 = vector.broadcast %lt3A_318 : i32 to vector<16xi32>
        %lt3A_320 = arith.cmpi slt, %add3A_317, %lt3A_319 : vector<16xi32>
        %and3A_321 = arith.andi %and3A_305, %lt3A_320 : vector<16xi1>
        %and3A_322 = arith.constant 511 : i32
        %and3A_323 = vector.broadcast %and3A_322 : i32 to vector<16xi32>
        %and3A_324 = arith.andi %add3A_317, %and3A_323 : vector<16xi32>
        tpu.vector_store_idx %arg13[%and3A_324], %xor3A_295 masked %and3A_321 : memref<512xi32, #tpu.memory_space<vmem>>[vector<16xi32>], vector<16xi32>, vector<16xi1>
        %and3A_325 = arith.constant 511 : i32
        %and3A_326 = vector.broadcast %and3A_325 : i32 to vector<16xi32>
        %and3A_327 = arith.andi %add3A_317, %and3A_326 : vector<16xi32>
        tpu.vector_store_idx %arg14[%and3A_327], %add3A_299 masked %and3A_321 : memref<512xi32, #tpu.memory_space<vmem>>[vector<16xi32>], vector<16xi32>, vector<16xi1>
        %reduce_sum3A_328 = arith.constant true
        %reduce_sum3A_329 = vector.broadcast %reduce_sum3A_328 : i1 to vector<16xi1>
        %reduce_sum3A_330 = tpu.scan <sum>, %select_n3A_310 masked %reduce_sum3A_329 : vector<16xi32>, vector<16xi1> -> vector<16xi32>
        %reduce_sum3A_331 = vector.extract %reduce_sum3A_330[15] : i32 from vector<16xi32>
        %add3A_332 = arith.addi %add3A_278, %reduce_sum3A_331 : i32
        %add3A_333 = arith.constant 32 : i32
        %add3A_334 = vector.broadcast %add3A_333 : i32 to vector<16xi32>
        %add3A_335 = arith.addi %add3A_334, %iota3A : vector<16xi32>
        %mul3A_336 = arith.constant 0 : i32
        %mul3A_337 = vector.broadcast %mul3A_336 : i32 to vector<16xi32>
        %mul3A_338 = arith.muli %iota3A, %mul3A_337 : vector<16xi32>
        %add3A_339 = vector.broadcast %while3A_222 : i32 to vector<16xi32>
        %add3A_340 = arith.addi %mul3A_338, %add3A_339 : vector<16xi32>
        %gather3A_341 = tpu.vector_load_idx %arg12[%add3A_340, %add3A_335] : memref<128x128xf32, #tpu.memory_space<vmem>>[vector<16xi32>, vector<16xi32>], vector<16xf32>,
        %bitcast3A_342 = vector.bitcast %gather3A_341 : vector<16xf32> to vector<16xi32>
        %shift_right_arithmetic3A_343 = arith.constant 31 : i32
        %shift_right_arithmetic3A_344 = vector.broadcast %shift_right_arithmetic3A_343 : i32 to vector<16xi32>
        %shift_right_arithmetic3A_345 = arith.shrsi %bitcast3A_342, %shift_right_arithmetic3A_344 : vector<16xi32>
        %and3A_346 = arith.constant 2147483647 : i32
        %and3A_347 = vector.broadcast %and3A_346 : i32 to vector<16xi32>
        %and3A_348 = arith.andi %shift_right_arithmetic3A_345, %and3A_347 : vector<16xi32>
        %xor3A_349 = arith.xori %bitcast3A_342, %and3A_348 : vector<16xi32>
        %mul3A_350 = arith.constant 128 : i32
        %mul3A_351 = vector.broadcast %mul3A_350 : i32 to vector<16xi32>
        %mul3A_352 = arith.muli %sub3A_231, %mul3A_351 : vector<16xi32>
        %add3A_353 = arith.addi %mul3A_352, %add3A_335 : vector<16xi32>
        %ge3A_354 = vector.broadcast %xor3A_74 : i32 to vector<16xi32>
        %ge3A_355 = arith.cmpi sge, %xor3A_349, %ge3A_354 : vector<16xi32>
        %lt3A_356 = arith.constant 100000 : i32
        %lt3A_357 = vector.broadcast %lt3A_356 : i32 to vector<16xi32>
        %lt3A_358 = arith.cmpi slt, %add3A_353, %lt3A_357 : vector<16xi32>
        %and3A_359 = arith.andi %ge3A_355, %lt3A_358 : vector<16xi1>
        %jit3A_360 = arith.constant 1 : i32
        %jit3A_361 = arith.constant 0 : i32
        %broadcast_in_dim3A_362 = vector.broadcast %jit3A_360 : i32 to vector<16xi32>
        %broadcast_in_dim3A_363 = vector.broadcast %jit3A_361 : i32 to vector<16xi32>
        %select_n3A_364 = arith.select %and3A_359, %broadcast_in_dim3A_362, %broadcast_in_dim3A_363 : vector<16xi1>, vector<16xi32>
        %sub3A_365 = arith.constant 1 : i32
        %sub3A_366 = arith.subi %add3A_332, %sub3A_365 : i32
        %broadcast_in_dim3A_367 = arith.constant true
        %broadcast_in_dim3A_368 = vector.broadcast %broadcast_in_dim3A_367 : i1 to vector<16xi1>
        %masked_cumsum3A_369 = tpu.scan <sum>, %select_n3A_364 masked %broadcast_in_dim3A_368 : vector<16xi32>, vector<16xi1> -> vector<16xi32>
        %add3A_370 = vector.broadcast %sub3A_366 : i32 to vector<16xi32>
        %add3A_371 = arith.addi %add3A_370, %masked_cumsum3A_369 : vector<16xi32>
        %lt3A_372 = arith.constant 512 : i32
        %lt3A_373 = vector.broadcast %lt3A_372 : i32 to vector<16xi32>
        %lt3A_374 = arith.cmpi slt, %add3A_371, %lt3A_373 : vector<16xi32>
        %and3A_375 = arith.andi %and3A_359, %lt3A_374 : vector<16xi1>
        %and3A_376 = arith.constant 511 : i32
        %and3A_377 = vector.broadcast %and3A_376 : i32 to vector<16xi32>
        %and3A_378 = arith.andi %add3A_371, %and3A_377 : vector<16xi32>
        tpu.vector_store_idx %arg13[%and3A_378], %xor3A_349 masked %and3A_375 : memref<512xi32, #tpu.memory_space<vmem>>[vector<16xi32>], vector<16xi32>, vector<16xi1>
        %and3A_379 = arith.constant 511 : i32
        %and3A_380 = vector.broadcast %and3A_379 : i32 to vector<16xi32>
        %and3A_381 = arith.andi %add3A_371, %and3A_380 : vector<16xi32>
        tpu.vector_store_idx %arg14[%and3A_381], %add3A_353 masked %and3A_375 : memref<512xi32, #tpu.memory_space<vmem>>[vector<16xi32>], vector<16xi32>, vector<16xi1>
        %reduce_sum3A_382 = arith.constant true
        %reduce_sum3A_383 = vector.broadcast %reduce_sum3A_382 : i1 to vector<16xi1>
        %reduce_sum3A_384 = tpu.scan <sum>, %select_n3A_364 masked %reduce_sum3A_383 : vector<16xi32>, vector<16xi1> -> vector<16xi32>
        %reduce_sum3A_385 = vector.extract %reduce_sum3A_384[15] : i32 from vector<16xi32>
        %add3A_386 = arith.addi %add3A_332, %reduce_sum3A_385 : i32
        %add3A_387 = arith.constant 48 : i32
        %add3A_388 = vector.broadcast %add3A_387 : i32 to vector<16xi32>
        %add3A_389 = arith.addi %add3A_388, %iota3A : vector<16xi32>
        %mul3A_390 = arith.constant 0 : i32
        %mul3A_391 = vector.broadcast %mul3A_390 : i32 to vector<16xi32>
        %mul3A_392 = arith.muli %iota3A, %mul3A_391 : vector<16xi32>
        %add3A_393 = vector.broadcast %while3A_222 : i32 to vector<16xi32>
        %add3A_394 = arith.addi %mul3A_392, %add3A_393 : vector<16xi32>
        %gather3A_395 = tpu.vector_load_idx %arg12[%add3A_394, %add3A_389] : memref<128x128xf32, #tpu.memory_space<vmem>>[vector<16xi32>, vector<16xi32>], vector<16xf32>,
        %bitcast3A_396 = vector.bitcast %gather3A_395 : vector<16xf32> to vector<16xi32>
        %shift_right_arithmetic3A_397 = arith.constant 31 : i32
        %shift_right_arithmetic3A_398 = vector.broadcast %shift_right_arithmetic3A_397 : i32 to vector<16xi32>
        %shift_right_arithmetic3A_399 = arith.shrsi %bitcast3A_396, %shift_right_arithmetic3A_398 : vector<16xi32>
        %and3A_400 = arith.constant 2147483647 : i32
        %and3A_401 = vector.broadcast %and3A_400 : i32 to vector<16xi32>
        %and3A_402 = arith.andi %shift_right_arithmetic3A_399, %and3A_401 : vector<16xi32>
        %xor3A_403 = arith.xori %bitcast3A_396, %and3A_402 : vector<16xi32>
        %mul3A_404 = arith.constant 128 : i32
        %mul3A_405 = vector.broadcast %mul3A_404 : i32 to vector<16xi32>
        %mul3A_406 = arith.muli %sub3A_231, %mul3A_405 : vector<16xi32>
        %add3A_407 = arith.addi %mul3A_406, %add3A_389 : vector<16xi32>
        %ge3A_408 = vector.broadcast %xor3A_74 : i32 to vector<16xi32>
        %ge3A_409 = arith.cmpi sge, %xor3A_403, %ge3A_408 : vector<16xi32>
        %lt3A_410 = arith.constant 100000 : i32
        %lt3A_411 = vector.broadcast %lt3A_410 : i32 to vector<16xi32>
        %lt3A_412 = arith.cmpi slt, %add3A_407, %lt3A_411 : vector<16xi32>
        %and3A_413 = arith.andi %ge3A_409, %lt3A_412 : vector<16xi1>
        %jit3A_414 = arith.constant 1 : i32
        %jit3A_415 = arith.constant 0 : i32
        %broadcast_in_dim3A_416 = vector.broadcast %jit3A_414 : i32 to vector<16xi32>
        %broadcast_in_dim3A_417 = vector.broadcast %jit3A_415 : i32 to vector<16xi32>
        %select_n3A_418 = arith.select %and3A_413, %broadcast_in_dim3A_416, %broadcast_in_dim3A_417 : vector<16xi1>, vector<16xi32>
        %sub3A_419 = arith.constant 1 : i32
        %sub3A_420 = arith.subi %add3A_386, %sub3A_419 : i32
        %broadcast_in_dim3A_421 = arith.constant true
        %broadcast_in_dim3A_422 = vector.broadcast %broadcast_in_dim3A_421 : i1 to vector<16xi1>
        %masked_cumsum3A_423 = tpu.scan <sum>, %select_n3A_418 masked %broadcast_in_dim3A_422 : vector<16xi32>, vector<16xi1> -> vector<16xi32>
        %add3A_424 = vector.broadcast %sub3A_420 : i32 to vector<16xi32>
        %add3A_425 = arith.addi %add3A_424, %masked_cumsum3A_423 : vector<16xi32>
        %lt3A_426 = arith.constant 512 : i32
        %lt3A_427 = vector.broadcast %lt3A_426 : i32 to vector<16xi32>
        %lt3A_428 = arith.cmpi slt, %add3A_425, %lt3A_427 : vector<16xi32>
        %and3A_429 = arith.andi %and3A_413, %lt3A_428 : vector<16xi1>
        %and3A_430 = arith.constant 511 : i32
        %and3A_431 = vector.broadcast %and3A_430 : i32 to vector<16xi32>
        %and3A_432 = arith.andi %add3A_425, %and3A_431 : vector<16xi32>
        tpu.vector_store_idx %arg13[%and3A_432], %xor3A_403 masked %and3A_429 : memref<512xi32, #tpu.memory_space<vmem>>[vector<16xi32>], vector<16xi32>, vector<16xi1>
        %and3A_433 = arith.constant 511 : i32
        %and3A_434 = vector.broadcast %and3A_433 : i32 to vector<16xi32>
        %and3A_435 = arith.andi %add3A_425, %and3A_434 : vector<16xi32>
        tpu.vector_store_idx %arg14[%and3A_435], %add3A_407 masked %and3A_429 : memref<512xi32, #tpu.memory_space<vmem>>[vector<16xi32>], vector<16xi32>, vector<16xi1>
        %reduce_sum3A_436 = arith.constant true
        %reduce_sum3A_437 = vector.broadcast %reduce_sum3A_436 : i1 to vector<16xi1>
        %reduce_sum3A_438 = tpu.scan <sum>, %select_n3A_418 masked %reduce_sum3A_437 : vector<16xi32>, vector<16xi1> -> vector<16xi32>
        %reduce_sum3A_439 = vector.extract %reduce_sum3A_438[15] : i32 from vector<16xi32>
        %add3A_440 = arith.addi %add3A_386, %reduce_sum3A_439 : i32
        %add3A_441 = arith.constant 64 : i32
        %add3A_442 = vector.broadcast %add3A_441 : i32 to vector<16xi32>
        %add3A_443 = arith.addi %add3A_442, %iota3A : vector<16xi32>
        %mul3A_444 = arith.constant 0 : i32
        %mul3A_445 = vector.broadcast %mul3A_444 : i32 to vector<16xi32>
        %mul3A_446 = arith.muli %iota3A, %mul3A_445 : vector<16xi32>
        %add3A_447 = vector.broadcast %while3A_222 : i32 to vector<16xi32>
        %add3A_448 = arith.addi %mul3A_446, %add3A_447 : vector<16xi32>
        %gather3A_449 = tpu.vector_load_idx %arg12[%add3A_448, %add3A_443] : memref<128x128xf32, #tpu.memory_space<vmem>>[vector<16xi32>, vector<16xi32>], vector<16xf32>,
        %bitcast3A_450 = vector.bitcast %gather3A_449 : vector<16xf32> to vector<16xi32>
        %shift_right_arithmetic3A_451 = arith.constant 31 : i32
        %shift_right_arithmetic3A_452 = vector.broadcast %shift_right_arithmetic3A_451 : i32 to vector<16xi32>
        %shift_right_arithmetic3A_453 = arith.shrsi %bitcast3A_450, %shift_right_arithmetic3A_452 : vector<16xi32>
        %and3A_454 = arith.constant 2147483647 : i32
        %and3A_455 = vector.broadcast %and3A_454 : i32 to vector<16xi32>
        %and3A_456 = arith.andi %shift_right_arithmetic3A_453, %and3A_455 : vector<16xi32>
        %xor3A_457 = arith.xori %bitcast3A_450, %and3A_456 : vector<16xi32>
        %mul3A_458 = arith.constant 128 : i32
        %mul3A_459 = vector.broadcast %mul3A_458 : i32 to vector<16xi32>
        %mul3A_460 = arith.muli %sub3A_231, %mul3A_459 : vector<16xi32>
        %add3A_461 = arith.addi %mul3A_460, %add3A_443 : vector<16xi32>
        %ge3A_462 = vector.broadcast %xor3A_74 : i32 to vector<16xi32>
        %ge3A_463 = arith.cmpi sge, %xor3A_457, %ge3A_462 : vector<16xi32>
        %lt3A_464 = arith.constant 100000 : i32
        %lt3A_465 = vector.broadcast %lt3A_464 : i32 to vector<16xi32>
        %lt3A_466 = arith.cmpi slt, %add3A_461, %lt3A_465 : vector<16xi32>
        %and3A_467 = arith.andi %ge3A_463, %lt3A_466 : vector<16xi1>
        %jit3A_468 = arith.constant 1 : i32
        %jit3A_469 = arith.constant 0 : i32
        %broadcast_in_dim3A_470 = vector.broadcast %jit3A_468 : i32 to vector<16xi32>
        %broadcast_in_dim3A_471 = vector.broadcast %jit3A_469 : i32 to vector<16xi32>
        %select_n3A_472 = arith.select %and3A_467, %broadcast_in_dim3A_470, %broadcast_in_dim3A_471 : vector<16xi1>, vector<16xi32>
        %sub3A_473 = arith.constant 1 : i32
        %sub3A_474 = arith.subi %add3A_440, %sub3A_473 : i32
        %broadcast_in_dim3A_475 = arith.constant true
        %broadcast_in_dim3A_476 = vector.broadcast %broadcast_in_dim3A_475 : i1 to vector<16xi1>
        %masked_cumsum3A_477 = tpu.scan <sum>, %select_n3A_472 masked %broadcast_in_dim3A_476 : vector<16xi32>, vector<16xi1> -> vector<16xi32>
        %add3A_478 = vector.broadcast %sub3A_474 : i32 to vector<16xi32>
        %add3A_479 = arith.addi %add3A_478, %masked_cumsum3A_477 : vector<16xi32>
        %lt3A_480 = arith.constant 512 : i32
        %lt3A_481 = vector.broadcast %lt3A_480 : i32 to vector<16xi32>
        %lt3A_482 = arith.cmpi slt, %add3A_479, %lt3A_481 : vector<16xi32>
        %and3A_483 = arith.andi %and3A_467, %lt3A_482 : vector<16xi1>
        %and3A_484 = arith.constant 511 : i32
        %and3A_485 = vector.broadcast %and3A_484 : i32 to vector<16xi32>
        %and3A_486 = arith.andi %add3A_479, %and3A_485 : vector<16xi32>
        tpu.vector_store_idx %arg13[%and3A_486], %xor3A_457 masked %and3A_483 : memref<512xi32, #tpu.memory_space<vmem>>[vector<16xi32>], vector<16xi32>, vector<16xi1>
        %and3A_487 = arith.constant 511 : i32
        %and3A_488 = vector.broadcast %and3A_487 : i32 to vector<16xi32>
        %and3A_489 = arith.andi %add3A_479, %and3A_488 : vector<16xi32>
        tpu.vector_store_idx %arg14[%and3A_489], %add3A_461 masked %and3A_483 : memref<512xi32, #tpu.memory_space<vmem>>[vector<16xi32>], vector<16xi32>, vector<16xi1>
        %reduce_sum3A_490 = arith.constant true
        %reduce_sum3A_491 = vector.broadcast %reduce_sum3A_490 : i1 to vector<16xi1>
        %reduce_sum3A_492 = tpu.scan <sum>, %select_n3A_472 masked %reduce_sum3A_491 : vector<16xi32>, vector<16xi1> -> vector<16xi32>
        %reduce_sum3A_493 = vector.extract %reduce_sum3A_492[15] : i32 from vector<16xi32>
        %add3A_494 = arith.addi %add3A_440, %reduce_sum3A_493 : i32
        %add3A_495 = arith.constant 80 : i32
        %add3A_496 = vector.broadcast %add3A_495 : i32 to vector<16xi32>
        %add3A_497 = arith.addi %add3A_496, %iota3A : vector<16xi32>
        %mul3A_498 = arith.constant 0 : i32
        %mul3A_499 = vector.broadcast %mul3A_498 : i32 to vector<16xi32>
        %mul3A_500 = arith.muli %iota3A, %mul3A_499 : vector<16xi32>
        %add3A_501 = vector.broadcast %while3A_222 : i32 to vector<16xi32>
        %add3A_502 = arith.addi %mul3A_500, %add3A_501 : vector<16xi32>
        %gather3A_503 = tpu.vector_load_idx %arg12[%add3A_502, %add3A_497] : memref<128x128xf32, #tpu.memory_space<vmem>>[vector<16xi32>, vector<16xi32>], vector<16xf32>,
        %bitcast3A_504 = vector.bitcast %gather3A_503 : vector<16xf32> to vector<16xi32>
        %shift_right_arithmetic3A_505 = arith.constant 31 : i32
        %shift_right_arithmetic3A_506 = vector.broadcast %shift_right_arithmetic3A_505 : i32 to vector<16xi32>
        %shift_right_arithmetic3A_507 = arith.shrsi %bitcast3A_504, %shift_right_arithmetic3A_506 : vector<16xi32>
        %and3A_508 = arith.constant 2147483647 : i32
        %and3A_509 = vector.broadcast %and3A_508 : i32 to vector<16xi32>
        %and3A_510 = arith.andi %shift_right_arithmetic3A_507, %and3A_509 : vector<16xi32>
        %xor3A_511 = arith.xori %bitcast3A_504, %and3A_510 : vector<16xi32>
        %mul3A_512 = arith.constant 128 : i32
        %mul3A_513 = vector.broadcast %mul3A_512 : i32 to vector<16xi32>
        %mul3A_514 = arith.muli %sub3A_231, %mul3A_513 : vector<16xi32>
        %add3A_515 = arith.addi %mul3A_514, %add3A_497 : vector<16xi32>
        %ge3A_516 = vector.broadcast %xor3A_74 : i32 to vector<16xi32>
        %ge3A_517 = arith.cmpi sge, %xor3A_511, %ge3A_516 : vector<16xi32>
        %lt3A_518 = arith.constant 100000 : i32
        %lt3A_519 = vector.broadcast %lt3A_518 : i32 to vector<16xi32>
        %lt3A_520 = arith.cmpi slt, %add3A_515, %lt3A_519 : vector<16xi32>
        %and3A_521 = arith.andi %ge3A_517, %lt3A_520 : vector<16xi1>
        %jit3A_522 = arith.constant 1 : i32
        %jit3A_523 = arith.constant 0 : i32
        %broadcast_in_dim3A_524 = vector.broadcast %jit3A_522 : i32 to vector<16xi32>
        %broadcast_in_dim3A_525 = vector.broadcast %jit3A_523 : i32 to vector<16xi32>
        %select_n3A_526 = arith.select %and3A_521, %broadcast_in_dim3A_524, %broadcast_in_dim3A_525 : vector<16xi1>, vector<16xi32>
        %sub3A_527 = arith.constant 1 : i32
        %sub3A_528 = arith.subi %add3A_494, %sub3A_527 : i32
        %broadcast_in_dim3A_529 = arith.constant true
        %broadcast_in_dim3A_530 = vector.broadcast %broadcast_in_dim3A_529 : i1 to vector<16xi1>
        %masked_cumsum3A_531 = tpu.scan <sum>, %select_n3A_526 masked %broadcast_in_dim3A_530 : vector<16xi32>, vector<16xi1> -> vector<16xi32>
        %add3A_532 = vector.broadcast %sub3A_528 : i32 to vector<16xi32>
        %add3A_533 = arith.addi %add3A_532, %masked_cumsum3A_531 : vector<16xi32>
        %lt3A_534 = arith.constant 512 : i32
        %lt3A_535 = vector.broadcast %lt3A_534 : i32 to vector<16xi32>
        %lt3A_536 = arith.cmpi slt, %add3A_533, %lt3A_535 : vector<16xi32>
        %and3A_537 = arith.andi %and3A_521, %lt3A_536 : vector<16xi1>
        %and3A_538 = arith.constant 511 : i32
        %and3A_539 = vector.broadcast %and3A_538 : i32 to vector<16xi32>
        %and3A_540 = arith.andi %add3A_533, %and3A_539 : vector<16xi32>
        tpu.vector_store_idx %arg13[%and3A_540], %xor3A_511 masked %and3A_537 : memref<512xi32, #tpu.memory_space<vmem>>[vector<16xi32>], vector<16xi32>, vector<16xi1>
        %and3A_541 = arith.constant 511 : i32
        %and3A_542 = vector.broadcast %and3A_541 : i32 to vector<16xi32>
        %and3A_543 = arith.andi %add3A_533, %and3A_542 : vector<16xi32>
        tpu.vector_store_idx %arg14[%and3A_543], %add3A_515 masked %and3A_537 : memref<512xi32, #tpu.memory_space<vmem>>[vector<16xi32>], vector<16xi32>, vector<16xi1>
        %reduce_sum3A_544 = arith.constant true
        %reduce_sum3A_545 = vector.broadcast %reduce_sum3A_544 : i1 to vector<16xi1>
        %reduce_sum3A_546 = tpu.scan <sum>, %select_n3A_526 masked %reduce_sum3A_545 : vector<16xi32>, vector<16xi1> -> vector<16xi32>
        %reduce_sum3A_547 = vector.extract %reduce_sum3A_546[15] : i32 from vector<16xi32>
        %add3A_548 = arith.addi %add3A_494, %reduce_sum3A_547 : i32
        %add3A_549 = arith.constant 96 : i32
        %add3A_550 = vector.broadcast %add3A_549 : i32 to vector<16xi32>
        %add3A_551 = arith.addi %add3A_550, %iota3A : vector<16xi32>
        %mul3A_552 = arith.constant 0 : i32
        %mul3A_553 = vector.broadcast %mul3A_552 : i32 to vector<16xi32>
        %mul3A_554 = arith.muli %iota3A, %mul3A_553 : vector<16xi32>
        %add3A_555 = vector.broadcast %while3A_222 : i32 to vector<16xi32>
        %add3A_556 = arith.addi %mul3A_554, %add3A_555 : vector<16xi32>
        %gather3A_557 = tpu.vector_load_idx %arg12[%add3A_556, %add3A_551] : memref<128x128xf32, #tpu.memory_space<vmem>>[vector<16xi32>, vector<16xi32>], vector<16xf32>,
        %bitcast3A_558 = vector.bitcast %gather3A_557 : vector<16xf32> to vector<16xi32>
        %shift_right_arithmetic3A_559 = arith.constant 31 : i32
        %shift_right_arithmetic3A_560 = vector.broadcast %shift_right_arithmetic3A_559 : i32 to vector<16xi32>
        %shift_right_arithmetic3A_561 = arith.shrsi %bitcast3A_558, %shift_right_arithmetic3A_560 : vector<16xi32>
        %and3A_562 = arith.constant 2147483647 : i32
        %and3A_563 = vector.broadcast %and3A_562 : i32 to vector<16xi32>
        %and3A_564 = arith.andi %shift_right_arithmetic3A_561, %and3A_563 : vector<16xi32>
        %xor3A_565 = arith.xori %bitcast3A_558, %and3A_564 : vector<16xi32>
        %mul3A_566 = arith.constant 128 : i32
        %mul3A_567 = vector.broadcast %mul3A_566 : i32 to vector<16xi32>
        %mul3A_568 = arith.muli %sub3A_231, %mul3A_567 : vector<16xi32>
        %add3A_569 = arith.addi %mul3A_568, %add3A_551 : vector<16xi32>
        %ge3A_570 = vector.broadcast %xor3A_74 : i32 to vector<16xi32>
        %ge3A_571 = arith.cmpi sge, %xor3A_565, %ge3A_570 : vector<16xi32>
        %lt3A_572 = arith.constant 100000 : i32
        %lt3A_573 = vector.broadcast %lt3A_572 : i32 to vector<16xi32>
        %lt3A_574 = arith.cmpi slt, %add3A_569, %lt3A_573 : vector<16xi32>
        %and3A_575 = arith.andi %ge3A_571, %lt3A_574 : vector<16xi1>
        %jit3A_576 = arith.constant 1 : i32
        %jit3A_577 = arith.constant 0 : i32
        %broadcast_in_dim3A_578 = vector.broadcast %jit3A_576 : i32 to vector<16xi32>
        %broadcast_in_dim3A_579 = vector.broadcast %jit3A_577 : i32 to vector<16xi32>
        %select_n3A_580 = arith.select %and3A_575, %broadcast_in_dim3A_578, %broadcast_in_dim3A_579 : vector<16xi1>, vector<16xi32>
        %sub3A_581 = arith.constant 1 : i32
        %sub3A_582 = arith.subi %add3A_548, %sub3A_581 : i32
        %broadcast_in_dim3A_583 = arith.constant true
        %broadcast_in_dim3A_584 = vector.broadcast %broadcast_in_dim3A_583 : i1 to vector<16xi1>
        %masked_cumsum3A_585 = tpu.scan <sum>, %select_n3A_580 masked %broadcast_in_dim3A_584 : vector<16xi32>, vector<16xi1> -> vector<16xi32>
        %add3A_586 = vector.broadcast %sub3A_582 : i32 to vector<16xi32>
        %add3A_587 = arith.addi %add3A_586, %masked_cumsum3A_585 : vector<16xi32>
        %lt3A_588 = arith.constant 512 : i32
        %lt3A_589 = vector.broadcast %lt3A_588 : i32 to vector<16xi32>
        %lt3A_590 = arith.cmpi slt, %add3A_587, %lt3A_589 : vector<16xi32>
        %and3A_591 = arith.andi %and3A_575, %lt3A_590 : vector<16xi1>
        %and3A_592 = arith.constant 511 : i32
        %and3A_593 = vector.broadcast %and3A_592 : i32 to vector<16xi32>
        %and3A_594 = arith.andi %add3A_587, %and3A_593 : vector<16xi32>
        tpu.vector_store_idx %arg13[%and3A_594], %xor3A_565 masked %and3A_591 : memref<512xi32, #tpu.memory_space<vmem>>[vector<16xi32>], vector<16xi32>, vector<16xi1>
        %and3A_595 = arith.constant 511 : i32
        %and3A_596 = vector.broadcast %and3A_595 : i32 to vector<16xi32>
        %and3A_597 = arith.andi %add3A_587, %and3A_596 : vector<16xi32>
        tpu.vector_store_idx %arg14[%and3A_597], %add3A_569 masked %and3A_591 : memref<512xi32, #tpu.memory_space<vmem>>[vector<16xi32>], vector<16xi32>, vector<16xi1>
        %reduce_sum3A_598 = arith.constant true
        %reduce_sum3A_599 = vector.broadcast %reduce_sum3A_598 : i1 to vector<16xi1>
        %reduce_sum3A_600 = tpu.scan <sum>, %select_n3A_580 masked %reduce_sum3A_599 : vector<16xi32>, vector<16xi1> -> vector<16xi32>
        %reduce_sum3A_601 = vector.extract %reduce_sum3A_600[15] : i32 from vector<16xi32>
        %add3A_602 = arith.addi %add3A_548, %reduce_sum3A_601 : i32
        %add3A_603 = arith.constant 112 : i32
        %add3A_604 = vector.broadcast %add3A_603 : i32 to vector<16xi32>
        %add3A_605 = arith.addi %add3A_604, %iota3A : vector<16xi32>
        %mul3A_606 = arith.constant 0 : i32
        %mul3A_607 = vector.broadcast %mul3A_606 : i32 to vector<16xi32>
        %mul3A_608 = arith.muli %iota3A, %mul3A_607 : vector<16xi32>
        %add3A_609 = vector.broadcast %while3A_222 : i32 to vector<16xi32>
        %add3A_610 = arith.addi %mul3A_608, %add3A_609 : vector<16xi32>
        %gather3A_611 = tpu.vector_load_idx %arg12[%add3A_610, %add3A_605] : memref<128x128xf32, #tpu.memory_space<vmem>>[vector<16xi32>, vector<16xi32>], vector<16xf32>,
        %bitcast3A_612 = vector.bitcast %gather3A_611 : vector<16xf32> to vector<16xi32>
        %shift_right_arithmetic3A_613 = arith.constant 31 : i32
        %shift_right_arithmetic3A_614 = vector.broadcast %shift_right_arithmetic3A_613 : i32 to vector<16xi32>
        %shift_right_arithmetic3A_615 = arith.shrsi %bitcast3A_612, %shift_right_arithmetic3A_614 : vector<16xi32>
        %and3A_616 = arith.constant 2147483647 : i32
        %and3A_617 = vector.broadcast %and3A_616 : i32 to vector<16xi32>
        %and3A_618 = arith.andi %shift_right_arithmetic3A_615, %and3A_617 : vector<16xi32>
        %xor3A_619 = arith.xori %bitcast3A_612, %and3A_618 : vector<16xi32>
        %mul3A_620 = arith.constant 128 : i32
        %mul3A_621 = vector.broadcast %mul3A_620 : i32 to vector<16xi32>
        %mul3A_622 = arith.muli %sub3A_231, %mul3A_621 : vector<16xi32>
        %add3A_623 = arith.addi %mul3A_622, %add3A_605 : vector<16xi32>
        %ge3A_624 = vector.broadcast %xor3A_74 : i32 to vector<16xi32>
        %ge3A_625 = arith.cmpi sge, %xor3A_619, %ge3A_624 : vector<16xi32>
        %lt3A_626 = arith.constant 100000 : i32
        %lt3A_627 = vector.broadcast %lt3A_626 : i32 to vector<16xi32>
        %lt3A_628 = arith.cmpi slt, %add3A_623, %lt3A_627 : vector<16xi32>
        %and3A_629 = arith.andi %ge3A_625, %lt3A_628 : vector<16xi1>
        %jit3A_630 = arith.constant 1 : i32
        %jit3A_631 = arith.constant 0 : i32
        %broadcast_in_dim3A_632 = vector.broadcast %jit3A_630 : i32 to vector<16xi32>
        %broadcast_in_dim3A_633 = vector.broadcast %jit3A_631 : i32 to vector<16xi32>
        %select_n3A_634 = arith.select %and3A_629, %broadcast_in_dim3A_632, %broadcast_in_dim3A_633 : vector<16xi1>, vector<16xi32>
        %sub3A_635 = arith.constant 1 : i32
        %sub3A_636 = arith.subi %add3A_602, %sub3A_635 : i32
        %broadcast_in_dim3A_637 = arith.constant true
        %broadcast_in_dim3A_638 = vector.broadcast %broadcast_in_dim3A_637 : i1 to vector<16xi1>
        %masked_cumsum3A_639 = tpu.scan <sum>, %select_n3A_634 masked %broadcast_in_dim3A_638 : vector<16xi32>, vector<16xi1> -> vector<16xi32>
        %add3A_640 = vector.broadcast %sub3A_636 : i32 to vector<16xi32>
        %add3A_641 = arith.addi %add3A_640, %masked_cumsum3A_639 : vector<16xi32>
        %lt3A_642 = arith.constant 512 : i32
        %lt3A_643 = vector.broadcast %lt3A_642 : i32 to vector<16xi32>
        %lt3A_644 = arith.cmpi slt, %add3A_641, %lt3A_643 : vector<16xi32>
        %and3A_645 = arith.andi %and3A_629, %lt3A_644 : vector<16xi1>
        %and3A_646 = arith.constant 511 : i32
        %and3A_647 = vector.broadcast %and3A_646 : i32 to vector<16xi32>
        %and3A_648 = arith.andi %add3A_641, %and3A_647 : vector<16xi32>
        tpu.vector_store_idx %arg13[%and3A_648], %xor3A_619 masked %and3A_645 : memref<512xi32, #tpu.memory_space<vmem>>[vector<16xi32>], vector<16xi32>, vector<16xi1>
        %and3A_649 = arith.constant 511 : i32
        %and3A_650 = vector.broadcast %and3A_649 : i32 to vector<16xi32>
        %and3A_651 = arith.andi %add3A_641, %and3A_650 : vector<16xi32>
        tpu.vector_store_idx %arg14[%and3A_651], %add3A_623 masked %and3A_645 : memref<512xi32, #tpu.memory_space<vmem>>[vector<16xi32>], vector<16xi32>, vector<16xi1>
        %reduce_sum3A_652 = arith.constant true
        %reduce_sum3A_653 = vector.broadcast %reduce_sum3A_652 : i1 to vector<16xi1>
        %reduce_sum3A_654 = tpu.scan <sum>, %select_n3A_634 masked %reduce_sum3A_653 : vector<16xi32>, vector<16xi1> -> vector<16xi32>
        %reduce_sum3A_655 = vector.extract %reduce_sum3A_654[15] : i32 from vector<16xi32>
        %add3A_656 = arith.addi %add3A_602, %reduce_sum3A_655 : i32
        scf.yield %add3A_656 : i32
      }
      %while3A_96 = arith.constant 1 : i32
      %while3A_97 = scf.for %while3A_222 = %while3A_93 to %while3A_89 step %while3A_96 iter_args(%while3A_223 = %while3A_95) -> (i32)  : i32 {
        %mul3A_224 = arith.constant 0 : i32
        %mul3A_225 = vector.broadcast %mul3A_224 : i32 to vector<16xi32>
        %mul3A_226 = arith.muli %iota3A, %mul3A_225 : vector<16xi32>
        %add3A_227 = vector.broadcast %while3A_222 : i32 to vector<16xi32>
        %add3A_228 = arith.addi %mul3A_226, %add3A_227 : vector<16xi32>
        %gather3A = tpu.vector_load_idx %arg11[%add3A_228] : memref<128xi32, #tpu.memory_space<vmem>>[vector<16xi32>], vector<16xi32>,
        %mul3A_229 = arith.constant 800 : i32
        %mul3A_230 = arith.muli %add3A_14, %mul3A_229 : i32
        %sub3A = vector.broadcast %mul3A_230 : i32 to vector<16xi32>
        %sub3A_231 = arith.subi %gather3A, %sub3A : vector<16xi32>
        %add3A_232 = arith.constant 0 : i32
        %add3A_233 = vector.broadcast %add3A_232 : i32 to vector<16xi32>
        %add3A_234 = arith.addi %add3A_233, %iota3A : vector<16xi32>
        %mul3A_235 = arith.constant 0 : i32
        %mul3A_236 = vector.broadcast %mul3A_235 : i32 to vector<16xi32>
        %mul3A_237 = arith.muli %iota3A, %mul3A_236 : vector<16xi32>
        %add3A_238 = vector.broadcast %while3A_222 : i32 to vector<16xi32>
        %add3A_239 = arith.addi %mul3A_237, %add3A_238 : vector<16xi32>
        %gather3A_240 = tpu.vector_load_idx %arg12[%add3A_239, %add3A_234] : memref<128x128xf32, #tpu.memory_space<vmem>>[vector<16xi32>, vector<16xi32>], vector<16xf32>,
        %bitcast3A = vector.bitcast %gather3A_240 : vector<16xf32> to vector<16xi32>
        %shift_right_arithmetic3A_241 = arith.constant 31 : i32
        %shift_right_arithmetic3A_242 = vector.broadcast %shift_right_arithmetic3A_241 : i32 to vector<16xi32>
        %shift_right_arithmetic3A_243 = arith.shrsi %bitcast3A, %shift_right_arithmetic3A_242 : vector<16xi32>
        %and3A_244 = arith.constant 2147483647 : i32
        %and3A_245 = vector.broadcast %and3A_244 : i32 to vector<16xi32>
        %and3A_246 = arith.andi %shift_right_arithmetic3A_243, %and3A_245 : vector<16xi32>
        %xor3A_247 = arith.xori %bitcast3A, %and3A_246 : vector<16xi32>
        %mul3A_248 = arith.constant 128 : i32
        %mul3A_249 = vector.broadcast %mul3A_248 : i32 to vector<16xi32>
        %mul3A_250 = arith.muli %sub3A_231, %mul3A_249 : vector<16xi32>
        %add3A_251 = arith.addi %mul3A_250, %add3A_234 : vector<16xi32>
        %ge3A = vector.broadcast %xor3A_74 : i32 to vector<16xi32>
        %ge3A_252 = arith.cmpi sge, %xor3A_247, %ge3A : vector<16xi32>
        %lt3A = arith.constant 100000 : i32
        %lt3A_253 = vector.broadcast %lt3A : i32 to vector<16xi32>
        %lt3A_254 = arith.cmpi slt, %add3A_251, %lt3A_253 : vector<16xi32>
        %and3A_255 = arith.andi %ge3A_252, %lt3A_254 : vector<16xi1>
        %jit3A = arith.constant 1 : i32
        %jit3A_256 = arith.constant 0 : i32
        %broadcast_in_dim3A_257 = vector.broadcast %jit3A : i32 to vector<16xi32>
        %broadcast_in_dim3A_258 = vector.broadcast %jit3A_256 : i32 to vector<16xi32>
        %select_n3A = arith.select %and3A_255, %broadcast_in_dim3A_257, %broadcast_in_dim3A_258 : vector<16xi1>, vector<16xi32>
        %sub3A_259 = arith.constant 1 : i32
        %sub3A_260 = arith.subi %while3A_223, %sub3A_259 : i32
        %broadcast_in_dim3A_261 = arith.constant true
        %broadcast_in_dim3A_262 = vector.broadcast %broadcast_in_dim3A_261 : i1 to vector<16xi1>
        %masked_cumsum3A = tpu.scan <sum>, %select_n3A masked %broadcast_in_dim3A_262 : vector<16xi32>, vector<16xi1> -> vector<16xi32>
        %add3A_263 = vector.broadcast %sub3A_260 : i32 to vector<16xi32>
        %add3A_264 = arith.addi %add3A_263, %masked_cumsum3A : vector<16xi32>
        %lt3A_265 = arith.constant 512 : i32
        %lt3A_266 = vector.broadcast %lt3A_265 : i32 to vector<16xi32>
        %lt3A_267 = arith.cmpi slt, %add3A_264, %lt3A_266 : vector<16xi32>
        %and3A_268 = arith.andi %and3A_255, %lt3A_267 : vector<16xi1>
        %and3A_269 = arith.constant 511 : i32
        %and3A_270 = vector.broadcast %and3A_269 : i32 to vector<16xi32>
        %and3A_271 = arith.andi %add3A_264, %and3A_270 : vector<16xi32>
        tpu.vector_store_idx %arg13[%and3A_271], %xor3A_247 masked %and3A_268 : memref<512xi32, #tpu.memory_space<vmem>>[vector<16xi32>], vector<16xi32>, vector<16xi1>
        %and3A_272 = arith.constant 511 : i32
        %and3A_273 = vector.broadcast %and3A_272 : i32 to vector<16xi32>
        %and3A_274 = arith.andi %add3A_264, %and3A_273 : vector<16xi32>
        tpu.vector_store_idx %arg14[%and3A_274], %add3A_251 masked %and3A_268 : memref<512xi32, #tpu.memory_space<vmem>>[vector<16xi32>], vector<16xi32>, vector<16xi1>
        %reduce_sum3A = arith.constant true
        %reduce_sum3A_275 = vector.broadcast %reduce_sum3A : i1 to vector<16xi1>
        %reduce_sum3A_276 = tpu.scan <sum>, %select_n3A masked %reduce_sum3A_275 : vector<16xi32>, vector<16xi1> -> vector<16xi32>
        %reduce_sum3A_277 = vector.extract %reduce_sum3A_276[15] : i32 from vector<16xi32>
        %add3A_278 = arith.addi %while3A_223, %reduce_sum3A_277 : i32
        %add3A_279 = arith.constant 16 : i32
        %add3A_280 = vector.broadcast %add3A_279 : i32 to vector<16xi32>
        %add3A_281 = arith.addi %add3A_280, %iota3A : vector<16xi32>
        %mul3A_282 = arith.constant 0 : i32
        %mul3A_283 = vector.broadcast %mul3A_282 : i32 to vector<16xi32>
        %mul3A_284 = arith.muli %iota3A, %mul3A_283 : vector<16xi32>
        %add3A_285 = vector.broadcast %while3A_222 : i32 to vector<16xi32>
        %add3A_286 = arith.addi %mul3A_284, %add3A_285 : vector<16xi32>
        %gather3A_287 = tpu.vector_load_idx %arg12[%add3A_286, %add3A_281] : memref<128x128xf32, #tpu.memory_space<vmem>>[vector<16xi32>, vector<16xi32>], vector<16xf32>,
        %bitcast3A_288 = vector.bitcast %gather3A_287 : vector<16xf32> to vector<16xi32>
        %shift_right_arithmetic3A_289 = arith.constant 31 : i32
        %shift_right_arithmetic3A_290 = vector.broadcast %shift_right_arithmetic3A_289 : i32 to vector<16xi32>
        %shift_right_arithmetic3A_291 = arith.shrsi %bitcast3A_288, %shift_right_arithmetic3A_290 : vector<16xi32>
        %and3A_292 = arith.constant 2147483647 : i32
        %and3A_293 = vector.broadcast %and3A_292 : i32 to vector<16xi32>
        %and3A_294 = arith.andi %shift_right_arithmetic3A_291, %and3A_293 : vector<16xi32>
        %xor3A_295 = arith.xori %bitcast3A_288, %and3A_294 : vector<16xi32>
        %mul3A_296 = arith.constant 128 : i32
        %mul3A_297 = vector.broadcast %mul3A_296 : i32 to vector<16xi32>
        %mul3A_298 = arith.muli %sub3A_231, %mul3A_297 : vector<16xi32>
        %add3A_299 = arith.addi %mul3A_298, %add3A_281 : vector<16xi32>
        %ge3A_300 = vector.broadcast %xor3A_74 : i32 to vector<16xi32>
        %ge3A_301 = arith.cmpi sge, %xor3A_295, %ge3A_300 : vector<16xi32>
        %lt3A_302 = arith.constant 100000 : i32
        %lt3A_303 = vector.broadcast %lt3A_302 : i32 to vector<16xi32>
        %lt3A_304 = arith.cmpi slt, %add3A_299, %lt3A_303 : vector<16xi32>
        %and3A_305 = arith.andi %ge3A_301, %lt3A_304 : vector<16xi1>
        %jit3A_306 = arith.constant 1 : i32
        %jit3A_307 = arith.constant 0 : i32
        %broadcast_in_dim3A_308 = vector.broadcast %jit3A_306 : i32 to vector<16xi32>
        %broadcast_in_dim3A_309 = vector.broadcast %jit3A_307 : i32 to vector<16xi32>
        %select_n3A_310 = arith.select %and3A_305, %broadcast_in_dim3A_308, %broadcast_in_dim3A_309 : vector<16xi1>, vector<16xi32>
        %sub3A_311 = arith.constant 1 : i32
        %sub3A_312 = arith.subi %add3A_278, %sub3A_311 : i32
        %broadcast_in_dim3A_313 = arith.constant true
        %broadcast_in_dim3A_314 = vector.broadcast %broadcast_in_dim3A_313 : i1 to vector<16xi1>
        %masked_cumsum3A_315 = tpu.scan <sum>, %select_n3A_310 masked %broadcast_in_dim3A_314 : vector<16xi32>, vector<16xi1> -> vector<16xi32>
        %add3A_316 = vector.broadcast %sub3A_312 : i32 to vector<16xi32>
        %add3A_317 = arith.addi %add3A_316, %masked_cumsum3A_315 : vector<16xi32>
        %lt3A_318 = arith.constant 512 : i32
        %lt3A_319 = vector.broadcast %lt3A_318 : i32 to vector<16xi32>
        %lt3A_320 = arith.cmpi slt, %add3A_317, %lt3A_319 : vector<16xi32>
        %and3A_321 = arith.andi %and3A_305, %lt3A_320 : vector<16xi1>
        %and3A_322 = arith.constant 511 : i32
        %and3A_323 = vector.broadcast %and3A_322 : i32 to vector<16xi32>
        %and3A_324 = arith.andi %add3A_317, %and3A_323 : vector<16xi32>
        tpu.vector_store_idx %arg13[%and3A_324], %xor3A_295 masked %and3A_321 : memref<512xi32, #tpu.memory_space<vmem>>[vector<16xi32>], vector<16xi32>, vector<16xi1>
        %and3A_325 = arith.constant 511 : i32
        %and3A_326 = vector.broadcast %and3A_325 : i32 to vector<16xi32>
        %and3A_327 = arith.andi %add3A_317, %and3A_326 : vector<16xi32>
        tpu.vector_store_idx %arg14[%and3A_327], %add3A_299 masked %and3A_321 : memref<512xi32, #tpu.memory_space<vmem>>[vector<16xi32>], vector<16xi32>, vector<16xi1>
        %reduce_sum3A_328 = arith.constant true
        %reduce_sum3A_329 = vector.broadcast %reduce_sum3A_328 : i1 to vector<16xi1>
        %reduce_sum3A_330 = tpu.scan <sum>, %select_n3A_310 masked %reduce_sum3A_329 : vector<16xi32>, vector<16xi1> -> vector<16xi32>
        %reduce_sum3A_331 = vector.extract %reduce_sum3A_330[15] : i32 from vector<16xi32>
        %add3A_332 = arith.addi %add3A_278, %reduce_sum3A_331 : i32
        %add3A_333 = arith.constant 32 : i32
        %add3A_334 = vector.broadcast %add3A_333 : i32 to vector<16xi32>
        %add3A_335 = arith.addi %add3A_334, %iota3A : vector<16xi32>
        %mul3A_336 = arith.constant 0 : i32
        %mul3A_337 = vector.broadcast %mul3A_336 : i32 to vector<16xi32>
        %mul3A_338 = arith.muli %iota3A, %mul3A_337 : vector<16xi32>
        %add3A_339 = vector.broadcast %while3A_222 : i32 to vector<16xi32>
        %add3A_340 = arith.addi %mul3A_338, %add3A_339 : vector<16xi32>
        %gather3A_341 = tpu.vector_load_idx %arg12[%add3A_340, %add3A_335] : memref<128x128xf32, #tpu.memory_space<vmem>>[vector<16xi32>, vector<16xi32>], vector<16xf32>,
        %bitcast3A_342 = vector.bitcast %gather3A_341 : vector<16xf32> to vector<16xi32>
        %shift_right_arithmetic3A_343 = arith.constant 31 : i32
        %shift_right_arithmetic3A_344 = vector.broadcast %shift_right_arithmetic3A_343 : i32 to vector<16xi32>
        %shift_right_arithmetic3A_345 = arith.shrsi %bitcast3A_342, %shift_right_arithmetic3A_344 : vector<16xi32>
        %and3A_346 = arith.constant 2147483647 : i32
        %and3A_347 = vector.broadcast %and3A_346 : i32 to vector<16xi32>
        %and3A_348 = arith.andi %shift_right_arithmetic3A_345, %and3A_347 : vector<16xi32>
        %xor3A_349 = arith.xori %bitcast3A_342, %and3A_348 : vector<16xi32>
        %mul3A_350 = arith.constant 128 : i32
        %mul3A_351 = vector.broadcast %mul3A_350 : i32 to vector<16xi32>
        %mul3A_352 = arith.muli %sub3A_231, %mul3A_351 : vector<16xi32>
        %add3A_353 = arith.addi %mul3A_352, %add3A_335 : vector<16xi32>
        %ge3A_354 = vector.broadcast %xor3A_74 : i32 to vector<16xi32>
        %ge3A_355 = arith.cmpi sge, %xor3A_349, %ge3A_354 : vector<16xi32>
        %lt3A_356 = arith.constant 100000 : i32
        %lt3A_357 = vector.broadcast %lt3A_356 : i32 to vector<16xi32>
        %lt3A_358 = arith.cmpi slt, %add3A_353, %lt3A_357 : vector<16xi32>
        %and3A_359 = arith.andi %ge3A_355, %lt3A_358 : vector<16xi1>
        %jit3A_360 = arith.constant 1 : i32
        %jit3A_361 = arith.constant 0 : i32
        %broadcast_in_dim3A_362 = vector.broadcast %jit3A_360 : i32 to vector<16xi32>
        %broadcast_in_dim3A_363 = vector.broadcast %jit3A_361 : i32 to vector<16xi32>
        %select_n3A_364 = arith.select %and3A_359, %broadcast_in_dim3A_362, %broadcast_in_dim3A_363 : vector<16xi1>, vector<16xi32>
        %sub3A_365 = arith.constant 1 : i32
        %sub3A_366 = arith.subi %add3A_332, %sub3A_365 : i32
        %broadcast_in_dim3A_367 = arith.constant true
        %broadcast_in_dim3A_368 = vector.broadcast %broadcast_in_dim3A_367 : i1 to vector<16xi1>
        %masked_cumsum3A_369 = tpu.scan <sum>, %select_n3A_364 masked %broadcast_in_dim3A_368 : vector<16xi32>, vector<16xi1> -> vector<16xi32>
        %add3A_370 = vector.broadcast %sub3A_366 : i32 to vector<16xi32>
        %add3A_371 = arith.addi %add3A_370, %masked_cumsum3A_369 : vector<16xi32>
        %lt3A_372 = arith.constant 512 : i32
        %lt3A_373 = vector.broadcast %lt3A_372 : i32 to vector<16xi32>
        %lt3A_374 = arith.cmpi slt, %add3A_371, %lt3A_373 : vector<16xi32>
        %and3A_375 = arith.andi %and3A_359, %lt3A_374 : vector<16xi1>
        %and3A_376 = arith.constant 511 : i32
        %and3A_377 = vector.broadcast %and3A_376 : i32 to vector<16xi32>
        %and3A_378 = arith.andi %add3A_371, %and3A_377 : vector<16xi32>
        tpu.vector_store_idx %arg13[%and3A_378], %xor3A_349 masked %and3A_375 : memref<512xi32, #tpu.memory_space<vmem>>[vector<16xi32>], vector<16xi32>, vector<16xi1>
        %and3A_379 = arith.constant 511 : i32
        %and3A_380 = vector.broadcast %and3A_379 : i32 to vector<16xi32>
        %and3A_381 = arith.andi %add3A_371, %and3A_380 : vector<16xi32>
        tpu.vector_store_idx %arg14[%and3A_381], %add3A_353 masked %and3A_375 : memref<512xi32, #tpu.memory_space<vmem>>[vector<16xi32>], vector<16xi32>, vector<16xi1>
        %reduce_sum3A_382 = arith.constant true
        %reduce_sum3A_383 = vector.broadcast %reduce_sum3A_382 : i1 to vector<16xi1>
        %reduce_sum3A_384 = tpu.scan <sum>, %select_n3A_364 masked %reduce_sum3A_383 : vector<16xi32>, vector<16xi1> -> vector<16xi32>
        %reduce_sum3A_385 = vector.extract %reduce_sum3A_384[15] : i32 from vector<16xi32>
        %add3A_386 = arith.addi %add3A_332, %reduce_sum3A_385 : i32
        %add3A_387 = arith.constant 48 : i32
        %add3A_388 = vector.broadcast %add3A_387 : i32 to vector<16xi32>
        %add3A_389 = arith.addi %add3A_388, %iota3A : vector<16xi32>
        %mul3A_390 = arith.constant 0 : i32
        %mul3A_391 = vector.broadcast %mul3A_390 : i32 to vector<16xi32>
        %mul3A_392 = arith.muli %iota3A, %mul3A_391 : vector<16xi32>
        %add3A_393 = vector.broadcast %while3A_222 : i32 to vector<16xi32>
        %add3A_394 = arith.addi %mul3A_392, %add3A_393 : vector<16xi32>
        %gather3A_395 = tpu.vector_load_idx %arg12[%add3A_394, %add3A_389] : memref<128x128xf32, #tpu.memory_space<vmem>>[vector<16xi32>, vector<16xi32>], vector<16xf32>,
        %bitcast3A_396 = vector.bitcast %gather3A_395 : vector<16xf32> to vector<16xi32>
        %shift_right_arithmetic3A_397 = arith.constant 31 : i32
        %shift_right_arithmetic3A_398 = vector.broadcast %shift_right_arithmetic3A_397 : i32 to vector<16xi32>
        %shift_right_arithmetic3A_399 = arith.shrsi %bitcast3A_396, %shift_right_arithmetic3A_398 : vector<16xi32>
        %and3A_400 = arith.constant 2147483647 : i32
        %and3A_401 = vector.broadcast %and3A_400 : i32 to vector<16xi32>
        %and3A_402 = arith.andi %shift_right_arithmetic3A_399, %and3A_401 : vector<16xi32>
        %xor3A_403 = arith.xori %bitcast3A_396, %and3A_402 : vector<16xi32>
        %mul3A_404 = arith.constant 128 : i32
        %mul3A_405 = vector.broadcast %mul3A_404 : i32 to vector<16xi32>
        %mul3A_406 = arith.muli %sub3A_231, %mul3A_405 : vector<16xi32>
        %add3A_407 = arith.addi %mul3A_406, %add3A_389 : vector<16xi32>
        %ge3A_408 = vector.broadcast %xor3A_74 : i32 to vector<16xi32>
        %ge3A_409 = arith.cmpi sge, %xor3A_403, %ge3A_408 : vector<16xi32>
        %lt3A_410 = arith.constant 100000 : i32
        %lt3A_411 = vector.broadcast %lt3A_410 : i32 to vector<16xi32>
        %lt3A_412 = arith.cmpi slt, %add3A_407, %lt3A_411 : vector<16xi32>
        %and3A_413 = arith.andi %ge3A_409, %lt3A_412 : vector<16xi1>
        %jit3A_414 = arith.constant 1 : i32
        %jit3A_415 = arith.constant 0 : i32
        %broadcast_in_dim3A_416 = vector.broadcast %jit3A_414 : i32 to vector<16xi32>
        %broadcast_in_dim3A_417 = vector.broadcast %jit3A_415 : i32 to vector<16xi32>
        %select_n3A_418 = arith.select %and3A_413, %broadcast_in_dim3A_416, %broadcast_in_dim3A_417 : vector<16xi1>, vector<16xi32>
        %sub3A_419 = arith.constant 1 : i32
        %sub3A_420 = arith.subi %add3A_386, %sub3A_419 : i32
        %broadcast_in_dim3A_421 = arith.constant true
        %broadcast_in_dim3A_422 = vector.broadcast %broadcast_in_dim3A_421 : i1 to vector<16xi1>
        %masked_cumsum3A_423 = tpu.scan <sum>, %select_n3A_418 masked %broadcast_in_dim3A_422 : vector<16xi32>, vector<16xi1> -> vector<16xi32>
        %add3A_424 = vector.broadcast %sub3A_420 : i32 to vector<16xi32>
        %add3A_425 = arith.addi %add3A_424, %masked_cumsum3A_423 : vector<16xi32>
        %lt3A_426 = arith.constant 512 : i32
        %lt3A_427 = vector.broadcast %lt3A_426 : i32 to vector<16xi32>
        %lt3A_428 = arith.cmpi slt, %add3A_425, %lt3A_427 : vector<16xi32>
        %and3A_429 = arith.andi %and3A_413, %lt3A_428 : vector<16xi1>
        %and3A_430 = arith.constant 511 : i32
        %and3A_431 = vector.broadcast %and3A_430 : i32 to vector<16xi32>
        %and3A_432 = arith.andi %add3A_425, %and3A_431 : vector<16xi32>
        tpu.vector_store_idx %arg13[%and3A_432], %xor3A_403 masked %and3A_429 : memref<512xi32, #tpu.memory_space<vmem>>[vector<16xi32>], vector<16xi32>, vector<16xi1>
        %and3A_433 = arith.constant 511 : i32
        %and3A_434 = vector.broadcast %and3A_433 : i32 to vector<16xi32>
        %and3A_435 = arith.andi %add3A_425, %and3A_434 : vector<16xi32>
        tpu.vector_store_idx %arg14[%and3A_435], %add3A_407 masked %and3A_429 : memref<512xi32, #tpu.memory_space<vmem>>[vector<16xi32>], vector<16xi32>, vector<16xi1>
        %reduce_sum3A_436 = arith.constant true
        %reduce_sum3A_437 = vector.broadcast %reduce_sum3A_436 : i1 to vector<16xi1>
        %reduce_sum3A_438 = tpu.scan <sum>, %select_n3A_418 masked %reduce_sum3A_437 : vector<16xi32>, vector<16xi1> -> vector<16xi32>
        %reduce_sum3A_439 = vector.extract %reduce_sum3A_438[15] : i32 from vector<16xi32>
        %add3A_440 = arith.addi %add3A_386, %reduce_sum3A_439 : i32
        %add3A_441 = arith.constant 64 : i32
        %add3A_442 = vector.broadcast %add3A_441 : i32 to vector<16xi32>
        %add3A_443 = arith.addi %add3A_442, %iota3A : vector<16xi32>
        %mul3A_444 = arith.constant 0 : i32
        %mul3A_445 = vector.broadcast %mul3A_444 : i32 to vector<16xi32>
        %mul3A_446 = arith.muli %iota3A, %mul3A_445 : vector<16xi32>
        %add3A_447 = vector.broadcast %while3A_222 : i32 to vector<16xi32>
        %add3A_448 = arith.addi %mul3A_446, %add3A_447 : vector<16xi32>
        %gather3A_449 = tpu.vector_load_idx %arg12[%add3A_448, %add3A_443] : memref<128x128xf32, #tpu.memory_space<vmem>>[vector<16xi32>, vector<16xi32>], vector<16xf32>,
        %bitcast3A_450 = vector.bitcast %gather3A_449 : vector<16xf32> to vector<16xi32>
        %shift_right_arithmetic3A_451 = arith.constant 31 : i32
        %shift_right_arithmetic3A_452 = vector.broadcast %shift_right_arithmetic3A_451 : i32 to vector<16xi32>
        %shift_right_arithmetic3A_453 = arith.shrsi %bitcast3A_450, %shift_right_arithmetic3A_452 : vector<16xi32>
        %and3A_454 = arith.constant 2147483647 : i32
        %and3A_455 = vector.broadcast %and3A_454 : i32 to vector<16xi32>
        %and3A_456 = arith.andi %shift_right_arithmetic3A_453, %and3A_455 : vector<16xi32>
        %xor3A_457 = arith.xori %bitcast3A_450, %and3A_456 : vector<16xi32>
        %mul3A_458 = arith.constant 128 : i32
        %mul3A_459 = vector.broadcast %mul3A_458 : i32 to vector<16xi32>
        %mul3A_460 = arith.muli %sub3A_231, %mul3A_459 : vector<16xi32>
        %add3A_461 = arith.addi %mul3A_460, %add3A_443 : vector<16xi32>
        %ge3A_462 = vector.broadcast %xor3A_74 : i32 to vector<16xi32>
        %ge3A_463 = arith.cmpi sge, %xor3A_457, %ge3A_462 : vector<16xi32>
        %lt3A_464 = arith.constant 100000 : i32
        %lt3A_465 = vector.broadcast %lt3A_464 : i32 to vector<16xi32>
        %lt3A_466 = arith.cmpi slt, %add3A_461, %lt3A_465 : vector<16xi32>
        %and3A_467 = arith.andi %ge3A_463, %lt3A_466 : vector<16xi1>
        %jit3A_468 = arith.constant 1 : i32
        %jit3A_469 = arith.constant 0 : i32
        %broadcast_in_dim3A_470 = vector.broadcast %jit3A_468 : i32 to vector<16xi32>
        %broadcast_in_dim3A_471 = vector.broadcast %jit3A_469 : i32 to vector<16xi32>
        %select_n3A_472 = arith.select %and3A_467, %broadcast_in_dim3A_470, %broadcast_in_dim3A_471 : vector<16xi1>, vector<16xi32>
        %sub3A_473 = arith.constant 1 : i32
        %sub3A_474 = arith.subi %add3A_440, %sub3A_473 : i32
        %broadcast_in_dim3A_475 = arith.constant true
        %broadcast_in_dim3A_476 = vector.broadcast %broadcast_in_dim3A_475 : i1 to vector<16xi1>
        %masked_cumsum3A_477 = tpu.scan <sum>, %select_n3A_472 masked %broadcast_in_dim3A_476 : vector<16xi32>, vector<16xi1> -> vector<16xi32>
        %add3A_478 = vector.broadcast %sub3A_474 : i32 to vector<16xi32>
        %add3A_479 = arith.addi %add3A_478, %masked_cumsum3A_477 : vector<16xi32>
        %lt3A_480 = arith.constant 512 : i32
        %lt3A_481 = vector.broadcast %lt3A_480 : i32 to vector<16xi32>
        %lt3A_482 = arith.cmpi slt, %add3A_479, %lt3A_481 : vector<16xi32>
        %and3A_483 = arith.andi %and3A_467, %lt3A_482 : vector<16xi1>
        %and3A_484 = arith.constant 511 : i32
        %and3A_485 = vector.broadcast %and3A_484 : i32 to vector<16xi32>
        %and3A_486 = arith.andi %add3A_479, %and3A_485 : vector<16xi32>
        tpu.vector_store_idx %arg13[%and3A_486], %xor3A_457 masked %and3A_483 : memref<512xi32, #tpu.memory_space<vmem>>[vector<16xi32>], vector<16xi32>, vector<16xi1>
        %and3A_487 = arith.constant 511 : i32
        %and3A_488 = vector.broadcast %and3A_487 : i32 to vector<16xi32>
        %and3A_489 = arith.andi %add3A_479, %and3A_488 : vector<16xi32>
        tpu.vector_store_idx %arg14[%and3A_489], %add3A_461 masked %and3A_483 : memref<512xi32, #tpu.memory_space<vmem>>[vector<16xi32>], vector<16xi32>, vector<16xi1>
        %reduce_sum3A_490 = arith.constant true
        %reduce_sum3A_491 = vector.broadcast %reduce_sum3A_490 : i1 to vector<16xi1>
        %reduce_sum3A_492 = tpu.scan <sum>, %select_n3A_472 masked %reduce_sum3A_491 : vector<16xi32>, vector<16xi1> -> vector<16xi32>
        %reduce_sum3A_493 = vector.extract %reduce_sum3A_492[15] : i32 from vector<16xi32>
        %add3A_494 = arith.addi %add3A_440, %reduce_sum3A_493 : i32
        %add3A_495 = arith.constant 80 : i32
        %add3A_496 = vector.broadcast %add3A_495 : i32 to vector<16xi32>
        %add3A_497 = arith.addi %add3A_496, %iota3A : vector<16xi32>
        %mul3A_498 = arith.constant 0 : i32
        %mul3A_499 = vector.broadcast %mul3A_498 : i32 to vector<16xi32>
        %mul3A_500 = arith.muli %iota3A, %mul3A_499 : vector<16xi32>
        %add3A_501 = vector.broadcast %while3A_222 : i32 to vector<16xi32>
        %add3A_502 = arith.addi %mul3A_500, %add3A_501 : vector<16xi32>
        %gather3A_503 = tpu.vector_load_idx %arg12[%add3A_502, %add3A_497] : memref<128x128xf32, #tpu.memory_space<vmem>>[vector<16xi32>, vector<16xi32>], vector<16xf32>,
        %bitcast3A_504 = vector.bitcast %gather3A_503 : vector<16xf32> to vector<16xi32>
        %shift_right_arithmetic3A_505 = arith.constant 31 : i32
        %shift_right_arithmetic3A_506 = vector.broadcast %shift_right_arithmetic3A_505 : i32 to vector<16xi32>
        %shift_right_arithmetic3A_507 = arith.shrsi %bitcast3A_504, %shift_right_arithmetic3A_506 : vector<16xi32>
        %and3A_508 = arith.constant 2147483647 : i32
        %and3A_509 = vector.broadcast %and3A_508 : i32 to vector<16xi32>
        %and3A_510 = arith.andi %shift_right_arithmetic3A_507, %and3A_509 : vector<16xi32>
        %xor3A_511 = arith.xori %bitcast3A_504, %and3A_510 : vector<16xi32>
        %mul3A_512 = arith.constant 128 : i32
        %mul3A_513 = vector.broadcast %mul3A_512 : i32 to vector<16xi32>
        %mul3A_514 = arith.muli %sub3A_231, %mul3A_513 : vector<16xi32>
        %add3A_515 = arith.addi %mul3A_514, %add3A_497 : vector<16xi32>
        %ge3A_516 = vector.broadcast %xor3A_74 : i32 to vector<16xi32>
        %ge3A_517 = arith.cmpi sge, %xor3A_511, %ge3A_516 : vector<16xi32>
        %lt3A_518 = arith.constant 100000 : i32
        %lt3A_519 = vector.broadcast %lt3A_518 : i32 to vector<16xi32>
        %lt3A_520 = arith.cmpi slt, %add3A_515, %lt3A_519 : vector<16xi32>
        %and3A_521 = arith.andi %ge3A_517, %lt3A_520 : vector<16xi1>
        %jit3A_522 = arith.constant 1 : i32
        %jit3A_523 = arith.constant 0 : i32
        %broadcast_in_dim3A_524 = vector.broadcast %jit3A_522 : i32 to vector<16xi32>
        %broadcast_in_dim3A_525 = vector.broadcast %jit3A_523 : i32 to vector<16xi32>
        %select_n3A_526 = arith.select %and3A_521, %broadcast_in_dim3A_524, %broadcast_in_dim3A_525 : vector<16xi1>, vector<16xi32>
        %sub3A_527 = arith.constant 1 : i32
        %sub3A_528 = arith.subi %add3A_494, %sub3A_527 : i32
        %broadcast_in_dim3A_529 = arith.constant true
        %broadcast_in_dim3A_530 = vector.broadcast %broadcast_in_dim3A_529 : i1 to vector<16xi1>
        %masked_cumsum3A_531 = tpu.scan <sum>, %select_n3A_526 masked %broadcast_in_dim3A_530 : vector<16xi32>, vector<16xi1> -> vector<16xi32>
        %add3A_532 = vector.broadcast %sub3A_528 : i32 to vector<16xi32>
        %add3A_533 = arith.addi %add3A_532, %masked_cumsum3A_531 : vector<16xi32>
        %lt3A_534 = arith.constant 512 : i32
        %lt3A_535 = vector.broadcast %lt3A_534 : i32 to vector<16xi32>
        %lt3A_536 = arith.cmpi slt, %add3A_533, %lt3A_535 : vector<16xi32>
        %and3A_537 = arith.andi %and3A_521, %lt3A_536 : vector<16xi1>
        %and3A_538 = arith.constant 511 : i32
        %and3A_539 = vector.broadcast %and3A_538 : i32 to vector<16xi32>
        %and3A_540 = arith.andi %add3A_533, %and3A_539 : vector<16xi32>
        tpu.vector_store_idx %arg13[%and3A_540], %xor3A_511 masked %and3A_537 : memref<512xi32, #tpu.memory_space<vmem>>[vector<16xi32>], vector<16xi32>, vector<16xi1>
        %and3A_541 = arith.constant 511 : i32
        %and3A_542 = vector.broadcast %and3A_541 : i32 to vector<16xi32>
        %and3A_543 = arith.andi %add3A_533, %and3A_542 : vector<16xi32>
        tpu.vector_store_idx %arg14[%and3A_543], %add3A_515 masked %and3A_537 : memref<512xi32, #tpu.memory_space<vmem>>[vector<16xi32>], vector<16xi32>, vector<16xi1>
        %reduce_sum3A_544 = arith.constant true
        %reduce_sum3A_545 = vector.broadcast %reduce_sum3A_544 : i1 to vector<16xi1>
        %reduce_sum3A_546 = tpu.scan <sum>, %select_n3A_526 masked %reduce_sum3A_545 : vector<16xi32>, vector<16xi1> -> vector<16xi32>
        %reduce_sum3A_547 = vector.extract %reduce_sum3A_546[15] : i32 from vector<16xi32>
        %add3A_548 = arith.addi %add3A_494, %reduce_sum3A_547 : i32
        %add3A_549 = arith.constant 96 : i32
        %add3A_550 = vector.broadcast %add3A_549 : i32 to vector<16xi32>
        %add3A_551 = arith.addi %add3A_550, %iota3A : vector<16xi32>
        %mul3A_552 = arith.constant 0 : i32
        %mul3A_553 = vector.broadcast %mul3A_552 : i32 to vector<16xi32>
        %mul3A_554 = arith.muli %iota3A, %mul3A_553 : vector<16xi32>
        %add3A_555 = vector.broadcast %while3A_222 : i32 to vector<16xi32>
        %add3A_556 = arith.addi %mul3A_554, %add3A_555 : vector<16xi32>
        %gather3A_557 = tpu.vector_load_idx %arg12[%add3A_556, %add3A_551] : memref<128x128xf32, #tpu.memory_space<vmem>>[vector<16xi32>, vector<16xi32>], vector<16xf32>,
        %bitcast3A_558 = vector.bitcast %gather3A_557 : vector<16xf32> to vector<16xi32>
        %shift_right_arithmetic3A_559 = arith.constant 31 : i32
        %shift_right_arithmetic3A_560 = vector.broadcast %shift_right_arithmetic3A_559 : i32 to vector<16xi32>
        %shift_right_arithmetic3A_561 = arith.shrsi %bitcast3A_558, %shift_right_arithmetic3A_560 : vector<16xi32>
        %and3A_562 = arith.constant 2147483647 : i32
        %and3A_563 = vector.broadcast %and3A_562 : i32 to vector<16xi32>
        %and3A_564 = arith.andi %shift_right_arithmetic3A_561, %and3A_563 : vector<16xi32>
        %xor3A_565 = arith.xori %bitcast3A_558, %and3A_564 : vector<16xi32>
        %mul3A_566 = arith.constant 128 : i32
        %mul3A_567 = vector.broadcast %mul3A_566 : i32 to vector<16xi32>
        %mul3A_568 = arith.muli %sub3A_231, %mul3A_567 : vector<16xi32>
        %add3A_569 = arith.addi %mul3A_568, %add3A_551 : vector<16xi32>
        %ge3A_570 = vector.broadcast %xor3A_74 : i32 to vector<16xi32>
        %ge3A_571 = arith.cmpi sge, %xor3A_565, %ge3A_570 : vector<16xi32>
        %lt3A_572 = arith.constant 100000 : i32
        %lt3A_573 = vector.broadcast %lt3A_572 : i32 to vector<16xi32>
        %lt3A_574 = arith.cmpi slt, %add3A_569, %lt3A_573 : vector<16xi32>
        %and3A_575 = arith.andi %ge3A_571, %lt3A_574 : vector<16xi1>
        %jit3A_576 = arith.constant 1 : i32
        %jit3A_577 = arith.constant 0 : i32
        %broadcast_in_dim3A_578 = vector.broadcast %jit3A_576 : i32 to vector<16xi32>
        %broadcast_in_dim3A_579 = vector.broadcast %jit3A_577 : i32 to vector<16xi32>
        %select_n3A_580 = arith.select %and3A_575, %broadcast_in_dim3A_578, %broadcast_in_dim3A_579 : vector<16xi1>, vector<16xi32>
        %sub3A_581 = arith.constant 1 : i32
        %sub3A_582 = arith.subi %add3A_548, %sub3A_581 : i32
        %broadcast_in_dim3A_583 = arith.constant true
        %broadcast_in_dim3A_584 = vector.broadcast %broadcast_in_dim3A_583 : i1 to vector<16xi1>
        %masked_cumsum3A_585 = tpu.scan <sum>, %select_n3A_580 masked %broadcast_in_dim3A_584 : vector<16xi32>, vector<16xi1> -> vector<16xi32>
        %add3A_586 = vector.broadcast %sub3A_582 : i32 to vector<16xi32>
        %add3A_587 = arith.addi %add3A_586, %masked_cumsum3A_585 : vector<16xi32>
        %lt3A_588 = arith.constant 512 : i32
        %lt3A_589 = vector.broadcast %lt3A_588 : i32 to vector<16xi32>
        %lt3A_590 = arith.cmpi slt, %add3A_587, %lt3A_589 : vector<16xi32>
        %and3A_591 = arith.andi %and3A_575, %lt3A_590 : vector<16xi1>
        %and3A_592 = arith.constant 511 : i32
        %and3A_593 = vector.broadcast %and3A_592 : i32 to vector<16xi32>
        %and3A_594 = arith.andi %add3A_587, %and3A_593 : vector<16xi32>
        tpu.vector_store_idx %arg13[%and3A_594], %xor3A_565 masked %and3A_591 : memref<512xi32, #tpu.memory_space<vmem>>[vector<16xi32>], vector<16xi32>, vector<16xi1>
        %and3A_595 = arith.constant 511 : i32
        %and3A_596 = vector.broadcast %and3A_595 : i32 to vector<16xi32>
        %and3A_597 = arith.andi %add3A_587, %and3A_596 : vector<16xi32>
        tpu.vector_store_idx %arg14[%and3A_597], %add3A_569 masked %and3A_591 : memref<512xi32, #tpu.memory_space<vmem>>[vector<16xi32>], vector<16xi32>, vector<16xi1>
        %reduce_sum3A_598 = arith.constant true
        %reduce_sum3A_599 = vector.broadcast %reduce_sum3A_598 : i1 to vector<16xi1>
        %reduce_sum3A_600 = tpu.scan <sum>, %select_n3A_580 masked %reduce_sum3A_599 : vector<16xi32>, vector<16xi1> -> vector<16xi32>
        %reduce_sum3A_601 = vector.extract %reduce_sum3A_600[15] : i32 from vector<16xi32>
        %add3A_602 = arith.addi %add3A_548, %reduce_sum3A_601 : i32
        %add3A_603 = arith.constant 112 : i32
        %add3A_604 = vector.broadcast %add3A_603 : i32 to vector<16xi32>
        %add3A_605 = arith.addi %add3A_604, %iota3A : vector<16xi32>
        %mul3A_606 = arith.constant 0 : i32
        %mul3A_607 = vector.broadcast %mul3A_606 : i32 to vector<16xi32>
        %mul3A_608 = arith.muli %iota3A, %mul3A_607 : vector<16xi32>
        %add3A_609 = vector.broadcast %while3A_222 : i32 to vector<16xi32>
        %add3A_610 = arith.addi %mul3A_608, %add3A_609 : vector<16xi32>
        %gather3A_611 = tpu.vector_load_idx %arg12[%add3A_610, %add3A_605] : memref<128x128xf32, #tpu.memory_space<vmem>>[vector<16xi32>, vector<16xi32>], vector<16xf32>,
        %bitcast3A_612 = vector.bitcast %gather3A_611 : vector<16xf32> to vector<16xi32>
        %shift_right_arithmetic3A_613 = arith.constant 31 : i32
        %shift_right_arithmetic3A_614 = vector.broadcast %shift_right_arithmetic3A_613 : i32 to vector<16xi32>
        %shift_right_arithmetic3A_615 = arith.shrsi %bitcast3A_612, %shift_right_arithmetic3A_614 : vector<16xi32>
        %and3A_616 = arith.constant 2147483647 : i32
        %and3A_617 = vector.broadcast %and3A_616 : i32 to vector<16xi32>
        %and3A_618 = arith.andi %shift_right_arithmetic3A_615, %and3A_617 : vector<16xi32>
        %xor3A_619 = arith.xori %bitcast3A_612, %and3A_618 : vector<16xi32>
        %mul3A_620 = arith.constant 128 : i32
        %mul3A_621 = vector.broadcast %mul3A_620 : i32 to vector<16xi32>
        %mul3A_622 = arith.muli %sub3A_231, %mul3A_621 : vector<16xi32>
        %add3A_623 = arith.addi %mul3A_622, %add3A_605 : vector<16xi32>
        %ge3A_624 = vector.broadcast %xor3A_74 : i32 to vector<16xi32>
        %ge3A_625 = arith.cmpi sge, %xor3A_619, %ge3A_624 : vector<16xi32>
        %lt3A_626 = arith.constant 100000 : i32
        %lt3A_627 = vector.broadcast %lt3A_626 : i32 to vector<16xi32>
        %lt3A_628 = arith.cmpi slt, %add3A_623, %lt3A_627 : vector<16xi32>
        %and3A_629 = arith.andi %ge3A_625, %lt3A_628 : vector<16xi1>
        %jit3A_630 = arith.constant 1 : i32
        %jit3A_631 = arith.constant 0 : i32
        %broadcast_in_dim3A_632 = vector.broadcast %jit3A_630 : i32 to vector<16xi32>
        %broadcast_in_dim3A_633 = vector.broadcast %jit3A_631 : i32 to vector<16xi32>
        %select_n3A_634 = arith.select %and3A_629, %broadcast_in_dim3A_632, %broadcast_in_dim3A_633 : vector<16xi1>, vector<16xi32>
        %sub3A_635 = arith.constant 1 : i32
        %sub3A_636 = arith.subi %add3A_602, %sub3A_635 : i32
        %broadcast_in_dim3A_637 = arith.constant true
        %broadcast_in_dim3A_638 = vector.broadcast %broadcast_in_dim3A_637 : i1 to vector<16xi1>
        %masked_cumsum3A_639 = tpu.scan <sum>, %select_n3A_634 masked %broadcast_in_dim3A_638 : vector<16xi32>, vector<16xi1> -> vector<16xi32>
        %add3A_640 = vector.broadcast %sub3A_636 : i32 to vector<16xi32>
        %add3A_641 = arith.addi %add3A_640, %masked_cumsum3A_639 : vector<16xi32>
        %lt3A_642 = arith.constant 512 : i32
        %lt3A_643 = vector.broadcast %lt3A_642 : i32 to vector<16xi32>
        %lt3A_644 = arith.cmpi slt, %add3A_641, %lt3A_643 : vector<16xi32>
        %and3A_645 = arith.andi %and3A_629, %lt3A_644 : vector<16xi1>
        %and3A_646 = arith.constant 511 : i32
        %and3A_647 = vector.broadcast %and3A_646 : i32 to vector<16xi32>
        %and3A_648 = arith.andi %add3A_641, %and3A_647 : vector<16xi32>
        tpu.vector_store_idx %arg13[%and3A_648], %xor3A_619 masked %and3A_645 : memref<512xi32, #tpu.memory_space<vmem>>[vector<16xi32>], vector<16xi32>, vector<16xi1>
        %and3A_649 = arith.constant 511 : i32
        %and3A_650 = vector.broadcast %and3A_649 : i32 to vector<16xi32>
        %and3A_651 = arith.andi %add3A_641, %and3A_650 : vector<16xi32>
        tpu.vector_store_idx %arg14[%and3A_651], %add3A_623 masked %and3A_645 : memref<512xi32, #tpu.memory_space<vmem>>[vector<16xi32>], vector<16xi32>, vector<16xi1>
        %reduce_sum3A_652 = arith.constant true
        %reduce_sum3A_653 = vector.broadcast %reduce_sum3A_652 : i1 to vector<16xi1>
        %reduce_sum3A_654 = tpu.scan <sum>, %select_n3A_634 masked %reduce_sum3A_653 : vector<16xi32>, vector<16xi1> -> vector<16xi32>
        %reduce_sum3A_655 = vector.extract %reduce_sum3A_654[15] : i32 from vector<16xi32>
        %add3A_656 = arith.addi %add3A_602, %reduce_sum3A_655 : i32
        scf.yield %add3A_656 : i32
      }
      %min3A_98 = arith.constant 512 : i32
      %min3A_99 = arith.minsi %while3A_97, %min3A_98 : i32
      %scan3A_100 = arith.constant 0 : i32
      %scan3A_101 = arith.constant 0 : i32
      %scan3A_102 = arith.constant 8 : i32
      %scan3A_103 = arith.addi %scan3A_101, %scan3A_102 : i32
      %scan3A_104 = arith.constant 1 : i32
      %scan3A_105 = scf.for %scan3A_222 = %scan3A_101 to %scan3A_103 step %scan3A_104 iter_args(%scan3A_223 = %scan3A_100) -> (i32)  : i32 {
        %mul3A_224 = arith.constant 16 : i32
        %mul3A_225 = arith.muli %scan3A_222, %mul3A_224 : i32
        %add3A_226 = vector.broadcast %mul3A_225 : i32 to vector<16xi32>
        %add3A_227 = arith.addi %add3A_226, %iota3A : vector<16xi32>
        %lt3A = arith.constant 128 : i32
        %lt3A_228 = vector.broadcast %lt3A : i32 to vector<16xi32>
        %lt3A_229 = arith.cmpi slt, %add3A_227, %lt3A_228 : vector<16xi32>
        %and3A_230 = arith.constant 127 : i32
        %and3A_231 = vector.broadcast %and3A_230 : i32 to vector<16xi32>
        %and3A_232 = arith.andi %add3A_227, %and3A_231 : vector<16xi32>
        %broadcast_in_dim3A_233 = arith.constant 0.000000e+00 : f32
        %broadcast_in_dim3A_234 = vector.broadcast %broadcast_in_dim3A_233 : f32 to vector<16xf32>
        tpu.vector_store_idx %arg15[%and3A_232], %broadcast_in_dim3A_234 masked %lt3A_229 : memref<128xf32, #tpu.memory_space<vmem>>[vector<16xi32>], vector<16xf32>, vector<16xi1>
        %and3A_235 = arith.constant 127 : i32
        %and3A_236 = vector.broadcast %and3A_235 : i32 to vector<16xi32>
        %and3A_237 = arith.andi %add3A_227, %and3A_236 : vector<16xi32>
        tpu.vector_store_idx %arg16[%and3A_237], %broadcast_in_dim3A_3 masked %lt3A_229 : memref<128xi32, #tpu.memory_space<vmem>>[vector<16xi32>], vector<16xi32>, vector<16xi1>
        %scan3A_238 = arith.constant 0 : i32
        scf.yield %scan3A_238 : i32
      }
      %scan3A_106 = arith.constant 8 : i32
      %add3A_107 = arith.constant 15 : i32
      %add3A_108 = arith.addi %min3A_99, %add3A_107 : i32
      %shift_right_arithmetic3A = arith.constant 4 : i32
      %shift_right_arithmetic3A_109 = arith.shrsi %add3A_108, %shift_right_arithmetic3A : i32
      %add3A_110 = arith.constant 0 : i32
      %add3A_111 = vector.broadcast %add3A_110 : i32 to vector<16xi32>
      %add3A_112 = arith.addi %iota3A, %add3A_111 : vector<16xi32>
      %and3A = arith.constant 15 : i32
      %and3A_113 = vector.broadcast %and3A : i32 to vector<16xi32>
      %and3A_114 = arith.andi %add3A_112, %and3A_113 : vector<16xi32>
      %add3A_115 = arith.constant 1 : i32
      %add3A_116 = vector.broadcast %add3A_115 : i32 to vector<16xi32>
      %add3A_117 = arith.addi %iota3A, %add3A_116 : vector<16xi32>
      %and3A_118 = arith.constant 15 : i32
      %and3A_119 = vector.broadcast %and3A_118 : i32 to vector<16xi32>
      %and3A_120 = arith.andi %add3A_117, %and3A_119 : vector<16xi32>
      %add3A_121 = arith.constant 2 : i32
      %add3A_122 = vector.broadcast %add3A_121 : i32 to vector<16xi32>
      %add3A_123 = arith.addi %iota3A, %add3A_122 : vector<16xi32>
      %and3A_124 = arith.constant 15 : i32
      %and3A_125 = vector.broadcast %and3A_124 : i32 to vector<16xi32>
      %and3A_126 = arith.andi %add3A_123, %and3A_125 : vector<16xi32>
      %add3A_127 = arith.constant 3 : i32
      %add3A_128 = vector.broadcast %add3A_127 : i32 to vector<16xi32>
      %add3A_129 = arith.addi %iota3A, %add3A_128 : vector<16xi32>
      %and3A_130 = arith.constant 15 : i32
      %and3A_131 = vector.broadcast %and3A_130 : i32 to vector<16xi32>
      %and3A_132 = arith.andi %add3A_129, %and3A_131 : vector<16xi32>
      %add3A_133 = arith.constant 4 : i32
      %add3A_134 = vector.broadcast %add3A_133 : i32 to vector<16xi32>
      %add3A_135 = arith.addi %iota3A, %add3A_134 : vector<16xi32>
      %and3A_136 = arith.constant 15 : i32
      %and3A_137 = vector.broadcast %and3A_136 : i32 to vector<16xi32>
      %and3A_138 = arith.andi %add3A_135, %and3A_137 : vector<16xi32>
      %add3A_139 = arith.constant 5 : i32
      %add3A_140 = vector.broadcast %add3A_139 : i32 to vector<16xi32>
      %add3A_141 = arith.addi %iota3A, %add3A_140 : vector<16xi32>
      %and3A_142 = arith.constant 15 : i32
      %and3A_143 = vector.broadcast %and3A_142 : i32 to vector<16xi32>
      %and3A_144 = arith.andi %add3A_141, %and3A_143 : vector<16xi32>
      %add3A_145 = arith.constant 6 : i32
      %add3A_146 = vector.broadcast %add3A_145 : i32 to vector<16xi32>
      %add3A_147 = arith.addi %iota3A, %add3A_146 : vector<16xi32>
      %and3A_148 = arith.constant 15 : i32
      %and3A_149 = vector.broadcast %and3A_148 : i32 to vector<16xi32>
      %and3A_150 = arith.andi %add3A_147, %and3A_149 : vector<16xi32>
      %add3A_151 = arith.constant 7 : i32
      %add3A_152 = vector.broadcast %add3A_151 : i32 to vector<16xi32>
      %add3A_153 = arith.addi %iota3A, %add3A_152 : vector<16xi32>
      %and3A_154 = arith.constant 15 : i32
      %and3A_155 = vector.broadcast %and3A_154 : i32 to vector<16xi32>
      %and3A_156 = arith.andi %add3A_153, %and3A_155 : vector<16xi32>
      %add3A_157 = arith.constant 8 : i32
      %add3A_158 = vector.broadcast %add3A_157 : i32 to vector<16xi32>
      %add3A_159 = arith.addi %iota3A, %add3A_158 : vector<16xi32>
      %and3A_160 = arith.constant 15 : i32
      %and3A_161 = vector.broadcast %and3A_160 : i32 to vector<16xi32>
      %and3A_162 = arith.andi %add3A_159, %and3A_161 : vector<16xi32>
      %add3A_163 = arith.constant 9 : i32
      %add3A_164 = vector.broadcast %add3A_163 : i32 to vector<16xi32>
      %add3A_165 = arith.addi %iota3A, %add3A_164 : vector<16xi32>
      %and3A_166 = arith.constant 15 : i32
      %and3A_167 = vector.broadcast %and3A_166 : i32 to vector<16xi32>
      %and3A_168 = arith.andi %add3A_165, %and3A_167 : vector<16xi32>
      %add3A_169 = arith.constant 10 : i32
      %add3A_170 = vector.broadcast %add3A_169 : i32 to vector<16xi32>
      %add3A_171 = arith.addi %iota3A, %add3A_170 : vector<16xi32>
      %and3A_172 = arith.constant 15 : i32
      %and3A_173 = vector.broadcast %and3A_172 : i32 to vector<16xi32>
      %and3A_174 = arith.andi %add3A_171, %and3A_173 : vector<16xi32>
      %add3A_175 = arith.constant 11 : i32
      %add3A_176 = vector.broadcast %add3A_175 : i32 to vector<16xi32>
      %add3A_177 = arith.addi %iota3A, %add3A_176 : vector<16xi32>
      %and3A_178 = arith.constant 15 : i32
      %and3A_179 = vector.broadcast %and3A_178 : i32 to vector<16xi32>
      %and3A_180 = arith.andi %add3A_177, %and3A_179 : vector<16xi32>
      %add3A_181 = arith.constant 12 : i32
      %add3A_182 = vector.broadcast %add3A_181 : i32 to vector<16xi32>
      %add3A_183 = arith.addi %iota3A, %add3A_182 : vector<16xi32>
      %and3A_184 = arith.constant 15 : i32
      %and3A_185 = vector.broadcast %and3A_184 : i32 to vector<16xi32>
      %and3A_186 = arith.andi %add3A_183, %and3A_185 : vector<16xi32>
      %add3A_187 = arith.constant 13 : i32
      %add3A_188 = vector.broadcast %add3A_187 : i32 to vector<16xi32>
      %add3A_189 = arith.addi %iota3A, %add3A_188 : vector<16xi32>
      %and3A_190 = arith.constant 15 : i32
      %and3A_191 = vector.broadcast %and3A_190 : i32 to vector<16xi32>
      %and3A_192 = arith.andi %add3A_189, %and3A_191 : vector<16xi32>
      %add3A_193 = arith.constant 14 : i32
      %add3A_194 = vector.broadcast %add3A_193 : i32 to vector<16xi32>
      %add3A_195 = arith.addi %iota3A, %add3A_194 : vector<16xi32>
      %and3A_196 = arith.constant 15 : i32
      %and3A_197 = vector.broadcast %and3A_196 : i32 to vector<16xi32>
      %and3A_198 = arith.andi %add3A_195, %and3A_197 : vector<16xi32>
      %add3A_199 = arith.constant 15 : i32
      %add3A_200 = vector.broadcast %add3A_199 : i32 to vector<16xi32>
      %add3A_201 = arith.addi %iota3A, %add3A_200 : vector<16xi32>
      %and3A_202 = arith.constant 15 : i32
      %and3A_203 = vector.broadcast %and3A_202 : i32 to vector<16xi32>
      %and3A_204 = arith.andi %add3A_201, %and3A_203 : vector<16xi32>
      %while3A_205 = arith.constant 0 : i32
      %while3A_206 = arith.constant 0 : i32
      %while3A_207 = arith.subi %shift_right_arithmetic3A_109, %while3A_205 : i32
      %while3A_208 = arith.addi %while3A_205, %while3A_207 : i32
      %while3A_209 = arith.constant 1 : i32
      %while3A_210 = arith.divsi %while3A_207, %while3A_209 : i32
      %while3A_211 = arith.muli %while3A_210, %while3A_209 : i32
      %while3A_212 = arith.addi %while3A_205, %while3A_211 : i32
      %while3A_213 = arith.constant 1 : i32
      %while3A_214 = scf.for %while3A_222 = %while3A_205 to %while3A_212 step %while3A_213 iter_args(%while3A_223 = %while3A_206) -> (i32)  : i32 {
        %mul3A_224 = arith.constant 16 : i32
        %mul3A_225 = arith.muli %while3A_222, %mul3A_224 : i32
        %add3A_226 = vector.broadcast %mul3A_225 : i32 to vector<16xi32>
        %add3A_227 = arith.addi %add3A_226, %iota3A : vector<16xi32>
        %and3A_228 = arith.constant 511 : i32
        %and3A_229 = vector.broadcast %and3A_228 : i32 to vector<16xi32>
        %and3A_230 = arith.andi %add3A_227, %and3A_229 : vector<16xi32>
        %gather3A = tpu.vector_load_idx %arg13[%and3A_230] : memref<512xi32, #tpu.memory_space<vmem>>[vector<16xi32>], vector<16xi32>,
        %lt3A = vector.broadcast %min3A_99 : i32 to vector<16xi32>
        %lt3A_231 = arith.cmpi slt, %add3A_227, %lt3A : vector<16xi32>
        %while3A_232 = arith.constant 0 : i32
        %while3A_233 = arith.subi %shift_right_arithmetic3A_109, %while3A_232 : i32
        %while3A_234 = arith.addi %while3A_232, %while3A_233 : i32
        %while3A_235 = arith.constant 1 : i32
        %while3A_236 = arith.divsi %while3A_233, %while3A_235 : i32
        %while3A_237 = arith.muli %while3A_236, %while3A_235 : i32
        %while3A_238 = arith.addi %while3A_232, %while3A_237 : i32
        %while3A_239 = arith.constant 1 : i32
        %while3A_240 = scf.for %while3A_265 = %while3A_232 to %while3A_238 step %while3A_239 iter_args(%while3A_266 = %broadcast_in_dim3A_3) -> (vector<16xi32>)  : i32 {
          %mul3A_267 = arith.constant 16 : i32
          %mul3A_268 = arith.muli %while3A_265, %mul3A_267 : i32
          %add3A_269 = vector.broadcast %mul3A_268 : i32 to vector<16xi32>
          %add3A_270 = arith.addi %add3A_269, %iota3A : vector<16xi32>
          %and3A_271 = arith.constant 511 : i32
          %and3A_272 = vector.broadcast %and3A_271 : i32 to vector<16xi32>
          %and3A_273 = arith.andi %add3A_270, %and3A_272 : vector<16xi32>
          %gather3A_274 = tpu.vector_load_idx %arg13[%and3A_273] : memref<512xi32, #tpu.memory_space<vmem>>[vector<16xi32>], vector<16xi32>,
          %lt3A_275 = vector.broadcast %min3A_99 : i32 to vector<16xi32>
          %lt3A_276 = arith.cmpi slt, %add3A_270, %lt3A_275 : vector<16xi32>
          %jit3A = arith.constant -2147483648 : i32
          %broadcast_in_dim3A_277 = vector.broadcast %jit3A : i32 to vector<16xi32>
          %select_n3A = arith.select %lt3A_276, %gather3A_274, %broadcast_in_dim3A_277 : vector<16xi1>, vector<16xi32>
          %lt3A_278 = arith.constant 0 : i32
          %lt3A_279 = vector.broadcast %lt3A_278 : i32 to vector<16xi32>
          %lt3A_280 = arith.cmpi slt, %and3A_114, %lt3A_279 : vector<16xi32>
          %add3A_281 = arith.constant 16 : i32
          %add3A_282 = vector.broadcast %add3A_281 : i32 to vector<16xi32>
          %add3A_283 = arith.addi %and3A_114, %add3A_282 : vector<16xi32>
          %select_n3A_284 = arith.select %lt3A_280, %add3A_283, %and3A_114 : vector<16xi1>, vector<16xi32>
          %broadcast_in_dim3A_285 = vector.shape_cast %select_n3A_284 : vector<16xi32> to vector<16x1xi32>
          %gather3A_286 = vector.shape_cast %broadcast_in_dim3A_285 : vector<16x1xi32> to vector<16xi32>
          %gather3A_287 = tpu.dynamic_gather %select_n3A[%gather3A_286] in [0] : vector<16xi32>, vector<16xi32> -> vector<16xi32>
          %mul3A_288 = arith.constant 16 : i32
          %mul3A_289 = arith.muli %while3A_265, %mul3A_288 : i32
          %add3A_290 = vector.broadcast %mul3A_289 : i32 to vector<16xi32>
          %add3A_291 = arith.addi %add3A_290, %and3A_114 : vector<16xi32>
          %gt3A = arith.cmpi sgt, %gather3A_287, %gather3A : vector<16xi32>
          %eq3A = arith.cmpi eq, %gather3A_287, %gather3A : vector<16xi32>
          %lt3A_292 = arith.cmpi slt, %add3A_291, %add3A_227 : vector<16xi32>
          %and3A_293 = arith.andi %eq3A, %lt3A_292 : vector<16xi1>
          %ne3A = arith.constant -2147483648 : i32
          %ne3A_294 = vector.broadcast %ne3A : i32 to vector<16xi32>
          %ne3A_295 = arith.cmpi ne, %gather3A_287, %ne3A_294 : vector<16xi32>
          %and3A_296 = arith.andi %and3A_293, %ne3A_295 : vector<16xi1>
          %or3A_297 = arith.ori %gt3A, %and3A_296 : vector<16xi1>
          %jit3A_298 = arith.constant 1 : i32
          %jit3A_299 = arith.constant 0 : i32
          %broadcast_in_dim3A_300 = vector.broadcast %jit3A_298 : i32 to vector<16xi32>
          %broadcast_in_dim3A_301 = vector.broadcast %jit3A_299 : i32 to vector<16xi32>
          %select_n3A_302 = arith.select %or3A_297, %broadcast_in_dim3A_300, %broadcast_in_dim3A_301 : vector<16xi1>, vector<16xi32>
          %add3A_303 = arith.addi %while3A_266, %select_n3A_302 : vector<16xi32>
          %lt3A_304 = arith.constant 0 : i32
          %lt3A_305 = vector.broadcast %lt3A_304 : i32 to vector<16xi32>
          %lt3A_306 = arith.cmpi slt, %and3A_120, %lt3A_305 : vector<16xi32>
          %add3A_307 = arith.constant 16 : i32
          %add3A_308 = vector.broadcast %add3A_307 : i32 to vector<16xi32>
          %add3A_309 = arith.addi %and3A_120, %add3A_308 : vector<16xi32>
          %select_n3A_310 = arith.select %lt3A_306, %add3A_309, %and3A_120 : vector<16xi1>, vector<16xi32>
          %broadcast_in_dim3A_311 = vector.shape_cast %select_n3A_310 : vector<16xi32> to vector<16x1xi32>
          %gather3A_312 = vector.shape_cast %broadcast_in_dim3A_311 : vector<16x1xi32> to vector<16xi32>
          %gather3A_313 = tpu.dynamic_gather %select_n3A[%gather3A_312] in [0] : vector<16xi32>, vector<16xi32> -> vector<16xi32>
          %mul3A_314 = arith.constant 16 : i32
          %mul3A_315 = arith.muli %while3A_265, %mul3A_314 : i32
          %add3A_316 = vector.broadcast %mul3A_315 : i32 to vector<16xi32>
          %add3A_317 = arith.addi %add3A_316, %and3A_120 : vector<16xi32>
          %gt3A_318 = arith.cmpi sgt, %gather3A_313, %gather3A : vector<16xi32>
          %eq3A_319 = arith.cmpi eq, %gather3A_313, %gather3A : vector<16xi32>
          %lt3A_320 = arith.cmpi slt, %add3A_317, %add3A_227 : vector<16xi32>
          %and3A_321 = arith.andi %eq3A_319, %lt3A_320 : vector<16xi1>
          %ne3A_322 = arith.constant -2147483648 : i32
          %ne3A_323 = vector.broadcast %ne3A_322 : i32 to vector<16xi32>
          %ne3A_324 = arith.cmpi ne, %gather3A_313, %ne3A_323 : vector<16xi32>
          %and3A_325 = arith.andi %and3A_321, %ne3A_324 : vector<16xi1>
          %or3A_326 = arith.ori %gt3A_318, %and3A_325 : vector<16xi1>
          %jit3A_327 = arith.constant 1 : i32
          %jit3A_328 = arith.constant 0 : i32
          %broadcast_in_dim3A_329 = vector.broadcast %jit3A_327 : i32 to vector<16xi32>
          %broadcast_in_dim3A_330 = vector.broadcast %jit3A_328 : i32 to vector<16xi32>
          %select_n3A_331 = arith.select %or3A_326, %broadcast_in_dim3A_329, %broadcast_in_dim3A_330 : vector<16xi1>, vector<16xi32>
          %add3A_332 = arith.addi %add3A_303, %select_n3A_331 : vector<16xi32>
          %lt3A_333 = arith.constant 0 : i32
          %lt3A_334 = vector.broadcast %lt3A_333 : i32 to vector<16xi32>
          %lt3A_335 = arith.cmpi slt, %and3A_126, %lt3A_334 : vector<16xi32>
          %add3A_336 = arith.constant 16 : i32
          %add3A_337 = vector.broadcast %add3A_336 : i32 to vector<16xi32>
          %add3A_338 = arith.addi %and3A_126, %add3A_337 : vector<16xi32>
          %select_n3A_339 = arith.select %lt3A_335, %add3A_338, %and3A_126 : vector<16xi1>, vector<16xi32>
          %broadcast_in_dim3A_340 = vector.shape_cast %select_n3A_339 : vector<16xi32> to vector<16x1xi32>
          %gather3A_341 = vector.shape_cast %broadcast_in_dim3A_340 : vector<16x1xi32> to vector<16xi32>
          %gather3A_342 = tpu.dynamic_gather %select_n3A[%gather3A_341] in [0] : vector<16xi32>, vector<16xi32> -> vector<16xi32>
          %mul3A_343 = arith.constant 16 : i32
          %mul3A_344 = arith.muli %while3A_265, %mul3A_343 : i32
          %add3A_345 = vector.broadcast %mul3A_344 : i32 to vector<16xi32>
          %add3A_346 = arith.addi %add3A_345, %and3A_126 : vector<16xi32>
          %gt3A_347 = arith.cmpi sgt, %gather3A_342, %gather3A : vector<16xi32>
          %eq3A_348 = arith.cmpi eq, %gather3A_342, %gather3A : vector<16xi32>
          %lt3A_349 = arith.cmpi slt, %add3A_346, %add3A_227 : vector<16xi32>
          %and3A_350 = arith.andi %eq3A_348, %lt3A_349 : vector<16xi1>
          %ne3A_351 = arith.constant -2147483648 : i32
          %ne3A_352 = vector.broadcast %ne3A_351 : i32 to vector<16xi32>
          %ne3A_353 = arith.cmpi ne, %gather3A_342, %ne3A_352 : vector<16xi32>
          %and3A_354 = arith.andi %and3A_350, %ne3A_353 : vector<16xi1>
          %or3A_355 = arith.ori %gt3A_347, %and3A_354 : vector<16xi1>
          %jit3A_356 = arith.constant 1 : i32
          %jit3A_357 = arith.constant 0 : i32
          %broadcast_in_dim3A_358 = vector.broadcast %jit3A_356 : i32 to vector<16xi32>
          %broadcast_in_dim3A_359 = vector.broadcast %jit3A_357 : i32 to vector<16xi32>
          %select_n3A_360 = arith.select %or3A_355, %broadcast_in_dim3A_358, %broadcast_in_dim3A_359 : vector<16xi1>, vector<16xi32>
          %add3A_361 = arith.addi %add3A_332, %select_n3A_360 : vector<16xi32>
          %lt3A_362 = arith.constant 0 : i32
          %lt3A_363 = vector.broadcast %lt3A_362 : i32 to vector<16xi32>
          %lt3A_364 = arith.cmpi slt, %and3A_132, %lt3A_363 : vector<16xi32>
          %add3A_365 = arith.constant 16 : i32
          %add3A_366 = vector.broadcast %add3A_365 : i32 to vector<16xi32>
          %add3A_367 = arith.addi %and3A_132, %add3A_366 : vector<16xi32>
          %select_n3A_368 = arith.select %lt3A_364, %add3A_367, %and3A_132 : vector<16xi1>, vector<16xi32>
          %broadcast_in_dim3A_369 = vector.shape_cast %select_n3A_368 : vector<16xi32> to vector<16x1xi32>
          %gather3A_370 = vector.shape_cast %broadcast_in_dim3A_369 : vector<16x1xi32> to vector<16xi32>
          %gather3A_371 = tpu.dynamic_gather %select_n3A[%gather3A_370] in [0] : vector<16xi32>, vector<16xi32> -> vector<16xi32>
          %mul3A_372 = arith.constant 16 : i32
          %mul3A_373 = arith.muli %while3A_265, %mul3A_372 : i32
          %add3A_374 = vector.broadcast %mul3A_373 : i32 to vector<16xi32>
          %add3A_375 = arith.addi %add3A_374, %and3A_132 : vector<16xi32>
          %gt3A_376 = arith.cmpi sgt, %gather3A_371, %gather3A : vector<16xi32>
          %eq3A_377 = arith.cmpi eq, %gather3A_371, %gather3A : vector<16xi32>
          %lt3A_378 = arith.cmpi slt, %add3A_375, %add3A_227 : vector<16xi32>
          %and3A_379 = arith.andi %eq3A_377, %lt3A_378 : vector<16xi1>
          %ne3A_380 = arith.constant -2147483648 : i32
          %ne3A_381 = vector.broadcast %ne3A_380 : i32 to vector<16xi32>
          %ne3A_382 = arith.cmpi ne, %gather3A_371, %ne3A_381 : vector<16xi32>
          %and3A_383 = arith.andi %and3A_379, %ne3A_382 : vector<16xi1>
          %or3A_384 = arith.ori %gt3A_376, %and3A_383 : vector<16xi1>
          %jit3A_385 = arith.constant 1 : i32
          %jit3A_386 = arith.constant 0 : i32
          %broadcast_in_dim3A_387 = vector.broadcast %jit3A_385 : i32 to vector<16xi32>
          %broadcast_in_dim3A_388 = vector.broadcast %jit3A_386 : i32 to vector<16xi32>
          %select_n3A_389 = arith.select %or3A_384, %broadcast_in_dim3A_387, %broadcast_in_dim3A_388 : vector<16xi1>, vector<16xi32>
          %add3A_390 = arith.addi %add3A_361, %select_n3A_389 : vector<16xi32>
          %lt3A_391 = arith.constant 0 : i32
          %lt3A_392 = vector.broadcast %lt3A_391 : i32 to vector<16xi32>
          %lt3A_393 = arith.cmpi slt, %and3A_138, %lt3A_392 : vector<16xi32>
          %add3A_394 = arith.constant 16 : i32
          %add3A_395 = vector.broadcast %add3A_394 : i32 to vector<16xi32>
          %add3A_396 = arith.addi %and3A_138, %add3A_395 : vector<16xi32>
          %select_n3A_397 = arith.select %lt3A_393, %add3A_396, %and3A_138 : vector<16xi1>, vector<16xi32>
          %broadcast_in_dim3A_398 = vector.shape_cast %select_n3A_397 : vector<16xi32> to vector<16x1xi32>
          %gather3A_399 = vector.shape_cast %broadcast_in_dim3A_398 : vector<16x1xi32> to vector<16xi32>
          %gather3A_400 = tpu.dynamic_gather %select_n3A[%gather3A_399] in [0] : vector<16xi32>, vector<16xi32> -> vector<16xi32>
          %mul3A_401 = arith.constant 16 : i32
          %mul3A_402 = arith.muli %while3A_265, %mul3A_401 : i32
          %add3A_403 = vector.broadcast %mul3A_402 : i32 to vector<16xi32>
          %add3A_404 = arith.addi %add3A_403, %and3A_138 : vector<16xi32>
          %gt3A_405 = arith.cmpi sgt, %gather3A_400, %gather3A : vector<16xi32>
          %eq3A_406 = arith.cmpi eq, %gather3A_400, %gather3A : vector<16xi32>
          %lt3A_407 = arith.cmpi slt, %add3A_404, %add3A_227 : vector<16xi32>
          %and3A_408 = arith.andi %eq3A_406, %lt3A_407 : vector<16xi1>
          %ne3A_409 = arith.constant -2147483648 : i32
          %ne3A_410 = vector.broadcast %ne3A_409 : i32 to vector<16xi32>
          %ne3A_411 = arith.cmpi ne, %gather3A_400, %ne3A_410 : vector<16xi32>
          %and3A_412 = arith.andi %and3A_408, %ne3A_411 : vector<16xi1>
          %or3A_413 = arith.ori %gt3A_405, %and3A_412 : vector<16xi1>
          %jit3A_414 = arith.constant 1 : i32
          %jit3A_415 = arith.constant 0 : i32
          %broadcast_in_dim3A_416 = vector.broadcast %jit3A_414 : i32 to vector<16xi32>
          %broadcast_in_dim3A_417 = vector.broadcast %jit3A_415 : i32 to vector<16xi32>
          %select_n3A_418 = arith.select %or3A_413, %broadcast_in_dim3A_416, %broadcast_in_dim3A_417 : vector<16xi1>, vector<16xi32>
          %add3A_419 = arith.addi %add3A_390, %select_n3A_418 : vector<16xi32>
          %lt3A_420 = arith.constant 0 : i32
          %lt3A_421 = vector.broadcast %lt3A_420 : i32 to vector<16xi32>
          %lt3A_422 = arith.cmpi slt, %and3A_144, %lt3A_421 : vector<16xi32>
          %add3A_423 = arith.constant 16 : i32
          %add3A_424 = vector.broadcast %add3A_423 : i32 to vector<16xi32>
          %add3A_425 = arith.addi %and3A_144, %add3A_424 : vector<16xi32>
          %select_n3A_426 = arith.select %lt3A_422, %add3A_425, %and3A_144 : vector<16xi1>, vector<16xi32>
          %broadcast_in_dim3A_427 = vector.shape_cast %select_n3A_426 : vector<16xi32> to vector<16x1xi32>
          %gather3A_428 = vector.shape_cast %broadcast_in_dim3A_427 : vector<16x1xi32> to vector<16xi32>
          %gather3A_429 = tpu.dynamic_gather %select_n3A[%gather3A_428] in [0] : vector<16xi32>, vector<16xi32> -> vector<16xi32>
          %mul3A_430 = arith.constant 16 : i32
          %mul3A_431 = arith.muli %while3A_265, %mul3A_430 : i32
          %add3A_432 = vector.broadcast %mul3A_431 : i32 to vector<16xi32>
          %add3A_433 = arith.addi %add3A_432, %and3A_144 : vector<16xi32>
          %gt3A_434 = arith.cmpi sgt, %gather3A_429, %gather3A : vector<16xi32>
          %eq3A_435 = arith.cmpi eq, %gather3A_429, %gather3A : vector<16xi32>
          %lt3A_436 = arith.cmpi slt, %add3A_433, %add3A_227 : vector<16xi32>
          %and3A_437 = arith.andi %eq3A_435, %lt3A_436 : vector<16xi1>
          %ne3A_438 = arith.constant -2147483648 : i32
          %ne3A_439 = vector.broadcast %ne3A_438 : i32 to vector<16xi32>
          %ne3A_440 = arith.cmpi ne, %gather3A_429, %ne3A_439 : vector<16xi32>
          %and3A_441 = arith.andi %and3A_437, %ne3A_440 : vector<16xi1>
          %or3A_442 = arith.ori %gt3A_434, %and3A_441 : vector<16xi1>
          %jit3A_443 = arith.constant 1 : i32
          %jit3A_444 = arith.constant 0 : i32
          %broadcast_in_dim3A_445 = vector.broadcast %jit3A_443 : i32 to vector<16xi32>
          %broadcast_in_dim3A_446 = vector.broadcast %jit3A_444 : i32 to vector<16xi32>
          %select_n3A_447 = arith.select %or3A_442, %broadcast_in_dim3A_445, %broadcast_in_dim3A_446 : vector<16xi1>, vector<16xi32>
          %add3A_448 = arith.addi %add3A_419, %select_n3A_447 : vector<16xi32>
          %lt3A_449 = arith.constant 0 : i32
          %lt3A_450 = vector.broadcast %lt3A_449 : i32 to vector<16xi32>
          %lt3A_451 = arith.cmpi slt, %and3A_150, %lt3A_450 : vector<16xi32>
          %add3A_452 = arith.constant 16 : i32
          %add3A_453 = vector.broadcast %add3A_452 : i32 to vector<16xi32>
          %add3A_454 = arith.addi %and3A_150, %add3A_453 : vector<16xi32>
          %select_n3A_455 = arith.select %lt3A_451, %add3A_454, %and3A_150 : vector<16xi1>, vector<16xi32>
          %broadcast_in_dim3A_456 = vector.shape_cast %select_n3A_455 : vector<16xi32> to vector<16x1xi32>
          %gather3A_457 = vector.shape_cast %broadcast_in_dim3A_456 : vector<16x1xi32> to vector<16xi32>
          %gather3A_458 = tpu.dynamic_gather %select_n3A[%gather3A_457] in [0] : vector<16xi32>, vector<16xi32> -> vector<16xi32>
          %mul3A_459 = arith.constant 16 : i32
          %mul3A_460 = arith.muli %while3A_265, %mul3A_459 : i32
          %add3A_461 = vector.broadcast %mul3A_460 : i32 to vector<16xi32>
          %add3A_462 = arith.addi %add3A_461, %and3A_150 : vector<16xi32>
          %gt3A_463 = arith.cmpi sgt, %gather3A_458, %gather3A : vector<16xi32>
          %eq3A_464 = arith.cmpi eq, %gather3A_458, %gather3A : vector<16xi32>
          %lt3A_465 = arith.cmpi slt, %add3A_462, %add3A_227 : vector<16xi32>
          %and3A_466 = arith.andi %eq3A_464, %lt3A_465 : vector<16xi1>
          %ne3A_467 = arith.constant -2147483648 : i32
          %ne3A_468 = vector.broadcast %ne3A_467 : i32 to vector<16xi32>
          %ne3A_469 = arith.cmpi ne, %gather3A_458, %ne3A_468 : vector<16xi32>
          %and3A_470 = arith.andi %and3A_466, %ne3A_469 : vector<16xi1>
          %or3A_471 = arith.ori %gt3A_463, %and3A_470 : vector<16xi1>
          %jit3A_472 = arith.constant 1 : i32
          %jit3A_473 = arith.constant 0 : i32
          %broadcast_in_dim3A_474 = vector.broadcast %jit3A_472 : i32 to vector<16xi32>
          %broadcast_in_dim3A_475 = vector.broadcast %jit3A_473 : i32 to vector<16xi32>
          %select_n3A_476 = arith.select %or3A_471, %broadcast_in_dim3A_474, %broadcast_in_dim3A_475 : vector<16xi1>, vector<16xi32>
          %add3A_477 = arith.addi %add3A_448, %select_n3A_476 : vector<16xi32>
          %lt3A_478 = arith.constant 0 : i32
          %lt3A_479 = vector.broadcast %lt3A_478 : i32 to vector<16xi32>
          %lt3A_480 = arith.cmpi slt, %and3A_156, %lt3A_479 : vector<16xi32>
          %add3A_481 = arith.constant 16 : i32
          %add3A_482 = vector.broadcast %add3A_481 : i32 to vector<16xi32>
          %add3A_483 = arith.addi %and3A_156, %add3A_482 : vector<16xi32>
          %select_n3A_484 = arith.select %lt3A_480, %add3A_483, %and3A_156 : vector<16xi1>, vector<16xi32>
          %broadcast_in_dim3A_485 = vector.shape_cast %select_n3A_484 : vector<16xi32> to vector<16x1xi32>
          %gather3A_486 = vector.shape_cast %broadcast_in_dim3A_485 : vector<16x1xi32> to vector<16xi32>
          %gather3A_487 = tpu.dynamic_gather %select_n3A[%gather3A_486] in [0] : vector<16xi32>, vector<16xi32> -> vector<16xi32>
          %mul3A_488 = arith.constant 16 : i32
          %mul3A_489 = arith.muli %while3A_265, %mul3A_488 : i32
          %add3A_490 = vector.broadcast %mul3A_489 : i32 to vector<16xi32>
          %add3A_491 = arith.addi %add3A_490, %and3A_156 : vector<16xi32>
          %gt3A_492 = arith.cmpi sgt, %gather3A_487, %gather3A : vector<16xi32>
          %eq3A_493 = arith.cmpi eq, %gather3A_487, %gather3A : vector<16xi32>
          %lt3A_494 = arith.cmpi slt, %add3A_491, %add3A_227 : vector<16xi32>
          %and3A_495 = arith.andi %eq3A_493, %lt3A_494 : vector<16xi1>
          %ne3A_496 = arith.constant -2147483648 : i32
          %ne3A_497 = vector.broadcast %ne3A_496 : i32 to vector<16xi32>
          %ne3A_498 = arith.cmpi ne, %gather3A_487, %ne3A_497 : vector<16xi32>
          %and3A_499 = arith.andi %and3A_495, %ne3A_498 : vector<16xi1>
          %or3A_500 = arith.ori %gt3A_492, %and3A_499 : vector<16xi1>
          %jit3A_501 = arith.constant 1 : i32
          %jit3A_502 = arith.constant 0 : i32
          %broadcast_in_dim3A_503 = vector.broadcast %jit3A_501 : i32 to vector<16xi32>
          %broadcast_in_dim3A_504 = vector.broadcast %jit3A_502 : i32 to vector<16xi32>
          %select_n3A_505 = arith.select %or3A_500, %broadcast_in_dim3A_503, %broadcast_in_dim3A_504 : vector<16xi1>, vector<16xi32>
          %add3A_506 = arith.addi %add3A_477, %select_n3A_505 : vector<16xi32>
          %lt3A_507 = arith.constant 0 : i32
          %lt3A_508 = vector.broadcast %lt3A_507 : i32 to vector<16xi32>
          %lt3A_509 = arith.cmpi slt, %and3A_162, %lt3A_508 : vector<16xi32>
          %add3A_510 = arith.constant 16 : i32
          %add3A_511 = vector.broadcast %add3A_510 : i32 to vector<16xi32>
          %add3A_512 = arith.addi %and3A_162, %add3A_511 : vector<16xi32>
          %select_n3A_513 = arith.select %lt3A_509, %add3A_512, %and3A_162 : vector<16xi1>, vector<16xi32>
          %broadcast_in_dim3A_514 = vector.shape_cast %select_n3A_513 : vector<16xi32> to vector<16x1xi32>
          %gather3A_515 = vector.shape_cast %broadcast_in_dim3A_514 : vector<16x1xi32> to vector<16xi32>
          %gather3A_516 = tpu.dynamic_gather %select_n3A[%gather3A_515] in [0] : vector<16xi32>, vector<16xi32> -> vector<16xi32>
          %mul3A_517 = arith.constant 16 : i32
          %mul3A_518 = arith.muli %while3A_265, %mul3A_517 : i32
          %add3A_519 = vector.broadcast %mul3A_518 : i32 to vector<16xi32>
          %add3A_520 = arith.addi %add3A_519, %and3A_162 : vector<16xi32>
          %gt3A_521 = arith.cmpi sgt, %gather3A_516, %gather3A : vector<16xi32>
          %eq3A_522 = arith.cmpi eq, %gather3A_516, %gather3A : vector<16xi32>
          %lt3A_523 = arith.cmpi slt, %add3A_520, %add3A_227 : vector<16xi32>
          %and3A_524 = arith.andi %eq3A_522, %lt3A_523 : vector<16xi1>
          %ne3A_525 = arith.constant -2147483648 : i32
          %ne3A_526 = vector.broadcast %ne3A_525 : i32 to vector<16xi32>
          %ne3A_527 = arith.cmpi ne, %gather3A_516, %ne3A_526 : vector<16xi32>
          %and3A_528 = arith.andi %and3A_524, %ne3A_527 : vector<16xi1>
          %or3A_529 = arith.ori %gt3A_521, %and3A_528 : vector<16xi1>
          %jit3A_530 = arith.constant 1 : i32
          %jit3A_531 = arith.constant 0 : i32
          %broadcast_in_dim3A_532 = vector.broadcast %jit3A_530 : i32 to vector<16xi32>
          %broadcast_in_dim3A_533 = vector.broadcast %jit3A_531 : i32 to vector<16xi32>
          %select_n3A_534 = arith.select %or3A_529, %broadcast_in_dim3A_532, %broadcast_in_dim3A_533 : vector<16xi1>, vector<16xi32>
          %add3A_535 = arith.addi %add3A_506, %select_n3A_534 : vector<16xi32>
          %lt3A_536 = arith.constant 0 : i32
          %lt3A_537 = vector.broadcast %lt3A_536 : i32 to vector<16xi32>
          %lt3A_538 = arith.cmpi slt, %and3A_168, %lt3A_537 : vector<16xi32>
          %add3A_539 = arith.constant 16 : i32
          %add3A_540 = vector.broadcast %add3A_539 : i32 to vector<16xi32>
          %add3A_541 = arith.addi %and3A_168, %add3A_540 : vector<16xi32>
          %select_n3A_542 = arith.select %lt3A_538, %add3A_541, %and3A_168 : vector<16xi1>, vector<16xi32>
          %broadcast_in_dim3A_543 = vector.shape_cast %select_n3A_542 : vector<16xi32> to vector<16x1xi32>
          %gather3A_544 = vector.shape_cast %broadcast_in_dim3A_543 : vector<16x1xi32> to vector<16xi32>
          %gather3A_545 = tpu.dynamic_gather %select_n3A[%gather3A_544] in [0] : vector<16xi32>, vector<16xi32> -> vector<16xi32>
          %mul3A_546 = arith.constant 16 : i32
          %mul3A_547 = arith.muli %while3A_265, %mul3A_546 : i32
          %add3A_548 = vector.broadcast %mul3A_547 : i32 to vector<16xi32>
          %add3A_549 = arith.addi %add3A_548, %and3A_168 : vector<16xi32>
          %gt3A_550 = arith.cmpi sgt, %gather3A_545, %gather3A : vector<16xi32>
          %eq3A_551 = arith.cmpi eq, %gather3A_545, %gather3A : vector<16xi32>
          %lt3A_552 = arith.cmpi slt, %add3A_549, %add3A_227 : vector<16xi32>
          %and3A_553 = arith.andi %eq3A_551, %lt3A_552 : vector<16xi1>
          %ne3A_554 = arith.constant -2147483648 : i32
          %ne3A_555 = vector.broadcast %ne3A_554 : i32 to vector<16xi32>
          %ne3A_556 = arith.cmpi ne, %gather3A_545, %ne3A_555 : vector<16xi32>
          %and3A_557 = arith.andi %and3A_553, %ne3A_556 : vector<16xi1>
          %or3A_558 = arith.ori %gt3A_550, %and3A_557 : vector<16xi1>
          %jit3A_559 = arith.constant 1 : i32
          %jit3A_560 = arith.constant 0 : i32
          %broadcast_in_dim3A_561 = vector.broadcast %jit3A_559 : i32 to vector<16xi32>
          %broadcast_in_dim3A_562 = vector.broadcast %jit3A_560 : i32 to vector<16xi32>
          %select_n3A_563 = arith.select %or3A_558, %broadcast_in_dim3A_561, %broadcast_in_dim3A_562 : vector<16xi1>, vector<16xi32>
          %add3A_564 = arith.addi %add3A_535, %select_n3A_563 : vector<16xi32>
          %lt3A_565 = arith.constant 0 : i32
          %lt3A_566 = vector.broadcast %lt3A_565 : i32 to vector<16xi32>
          %lt3A_567 = arith.cmpi slt, %and3A_174, %lt3A_566 : vector<16xi32>
          %add3A_568 = arith.constant 16 : i32
          %add3A_569 = vector.broadcast %add3A_568 : i32 to vector<16xi32>
          %add3A_570 = arith.addi %and3A_174, %add3A_569 : vector<16xi32>
          %select_n3A_571 = arith.select %lt3A_567, %add3A_570, %and3A_174 : vector<16xi1>, vector<16xi32>
          %broadcast_in_dim3A_572 = vector.shape_cast %select_n3A_571 : vector<16xi32> to vector<16x1xi32>
          %gather3A_573 = vector.shape_cast %broadcast_in_dim3A_572 : vector<16x1xi32> to vector<16xi32>
          %gather3A_574 = tpu.dynamic_gather %select_n3A[%gather3A_573] in [0] : vector<16xi32>, vector<16xi32> -> vector<16xi32>
          %mul3A_575 = arith.constant 16 : i32
          %mul3A_576 = arith.muli %while3A_265, %mul3A_575 : i32
          %add3A_577 = vector.broadcast %mul3A_576 : i32 to vector<16xi32>
          %add3A_578 = arith.addi %add3A_577, %and3A_174 : vector<16xi32>
          %gt3A_579 = arith.cmpi sgt, %gather3A_574, %gather3A : vector<16xi32>
          %eq3A_580 = arith.cmpi eq, %gather3A_574, %gather3A : vector<16xi32>
          %lt3A_581 = arith.cmpi slt, %add3A_578, %add3A_227 : vector<16xi32>
          %and3A_582 = arith.andi %eq3A_580, %lt3A_581 : vector<16xi1>
          %ne3A_583 = arith.constant -2147483648 : i32
          %ne3A_584 = vector.broadcast %ne3A_583 : i32 to vector<16xi32>
          %ne3A_585 = arith.cmpi ne, %gather3A_574, %ne3A_584 : vector<16xi32>
          %and3A_586 = arith.andi %and3A_582, %ne3A_585 : vector<16xi1>
          %or3A_587 = arith.ori %gt3A_579, %and3A_586 : vector<16xi1>
          %jit3A_588 = arith.constant 1 : i32
          %jit3A_589 = arith.constant 0 : i32
          %broadcast_in_dim3A_590 = vector.broadcast %jit3A_588 : i32 to vector<16xi32>
          %broadcast_in_dim3A_591 = vector.broadcast %jit3A_589 : i32 to vector<16xi32>
          %select_n3A_592 = arith.select %or3A_587, %broadcast_in_dim3A_590, %broadcast_in_dim3A_591 : vector<16xi1>, vector<16xi32>
          %add3A_593 = arith.addi %add3A_564, %select_n3A_592 : vector<16xi32>
          %lt3A_594 = arith.constant 0 : i32
          %lt3A_595 = vector.broadcast %lt3A_594 : i32 to vector<16xi32>
          %lt3A_596 = arith.cmpi slt, %and3A_180, %lt3A_595 : vector<16xi32>
          %add3A_597 = arith.constant 16 : i32
          %add3A_598 = vector.broadcast %add3A_597 : i32 to vector<16xi32>
          %add3A_599 = arith.addi %and3A_180, %add3A_598 : vector<16xi32>
          %select_n3A_600 = arith.select %lt3A_596, %add3A_599, %and3A_180 : vector<16xi1>, vector<16xi32>
          %broadcast_in_dim3A_601 = vector.shape_cast %select_n3A_600 : vector<16xi32> to vector<16x1xi32>
          %gather3A_602 = vector.shape_cast %broadcast_in_dim3A_601 : vector<16x1xi32> to vector<16xi32>
          %gather3A_603 = tpu.dynamic_gather %select_n3A[%gather3A_602] in [0] : vector<16xi32>, vector<16xi32> -> vector<16xi32>
          %mul3A_604 = arith.constant 16 : i32
          %mul3A_605 = arith.muli %while3A_265, %mul3A_604 : i32
          %add3A_606 = vector.broadcast %mul3A_605 : i32 to vector<16xi32>
          %add3A_607 = arith.addi %add3A_606, %and3A_180 : vector<16xi32>
          %gt3A_608 = arith.cmpi sgt, %gather3A_603, %gather3A : vector<16xi32>
          %eq3A_609 = arith.cmpi eq, %gather3A_603, %gather3A : vector<16xi32>
          %lt3A_610 = arith.cmpi slt, %add3A_607, %add3A_227 : vector<16xi32>
          %and3A_611 = arith.andi %eq3A_609, %lt3A_610 : vector<16xi1>
          %ne3A_612 = arith.constant -2147483648 : i32
          %ne3A_613 = vector.broadcast %ne3A_612 : i32 to vector<16xi32>
          %ne3A_614 = arith.cmpi ne, %gather3A_603, %ne3A_613 : vector<16xi32>
          %and3A_615 = arith.andi %and3A_611, %ne3A_614 : vector<16xi1>
          %or3A_616 = arith.ori %gt3A_608, %and3A_615 : vector<16xi1>
          %jit3A_617 = arith.constant 1 : i32
          %jit3A_618 = arith.constant 0 : i32
          %broadcast_in_dim3A_619 = vector.broadcast %jit3A_617 : i32 to vector<16xi32>
          %broadcast_in_dim3A_620 = vector.broadcast %jit3A_618 : i32 to vector<16xi32>
          %select_n3A_621 = arith.select %or3A_616, %broadcast_in_dim3A_619, %broadcast_in_dim3A_620 : vector<16xi1>, vector<16xi32>
          %add3A_622 = arith.addi %add3A_593, %select_n3A_621 : vector<16xi32>
          %lt3A_623 = arith.constant 0 : i32
          %lt3A_624 = vector.broadcast %lt3A_623 : i32 to vector<16xi32>
          %lt3A_625 = arith.cmpi slt, %and3A_186, %lt3A_624 : vector<16xi32>
          %add3A_626 = arith.constant 16 : i32
          %add3A_627 = vector.broadcast %add3A_626 : i32 to vector<16xi32>
          %add3A_628 = arith.addi %and3A_186, %add3A_627 : vector<16xi32>
          %select_n3A_629 = arith.select %lt3A_625, %add3A_628, %and3A_186 : vector<16xi1>, vector<16xi32>
          %broadcast_in_dim3A_630 = vector.shape_cast %select_n3A_629 : vector<16xi32> to vector<16x1xi32>
          %gather3A_631 = vector.shape_cast %broadcast_in_dim3A_630 : vector<16x1xi32> to vector<16xi32>
          %gather3A_632 = tpu.dynamic_gather %select_n3A[%gather3A_631] in [0] : vector<16xi32>, vector<16xi32> -> vector<16xi32>
          %mul3A_633 = arith.constant 16 : i32
          %mul3A_634 = arith.muli %while3A_265, %mul3A_633 : i32
          %add3A_635 = vector.broadcast %mul3A_634 : i32 to vector<16xi32>
          %add3A_636 = arith.addi %add3A_635, %and3A_186 : vector<16xi32>
          %gt3A_637 = arith.cmpi sgt, %gather3A_632, %gather3A : vector<16xi32>
          %eq3A_638 = arith.cmpi eq, %gather3A_632, %gather3A : vector<16xi32>
          %lt3A_639 = arith.cmpi slt, %add3A_636, %add3A_227 : vector<16xi32>
          %and3A_640 = arith.andi %eq3A_638, %lt3A_639 : vector<16xi1>
          %ne3A_641 = arith.constant -2147483648 : i32
          %ne3A_642 = vector.broadcast %ne3A_641 : i32 to vector<16xi32>
          %ne3A_643 = arith.cmpi ne, %gather3A_632, %ne3A_642 : vector<16xi32>
          %and3A_644 = arith.andi %and3A_640, %ne3A_643 : vector<16xi1>
          %or3A_645 = arith.ori %gt3A_637, %and3A_644 : vector<16xi1>
          %jit3A_646 = arith.constant 1 : i32
          %jit3A_647 = arith.constant 0 : i32
          %broadcast_in_dim3A_648 = vector.broadcast %jit3A_646 : i32 to vector<16xi32>
          %broadcast_in_dim3A_649 = vector.broadcast %jit3A_647 : i32 to vector<16xi32>
          %select_n3A_650 = arith.select %or3A_645, %broadcast_in_dim3A_648, %broadcast_in_dim3A_649 : vector<16xi1>, vector<16xi32>
          %add3A_651 = arith.addi %add3A_622, %select_n3A_650 : vector<16xi32>
          %lt3A_652 = arith.constant 0 : i32
          %lt3A_653 = vector.broadcast %lt3A_652 : i32 to vector<16xi32>
          %lt3A_654 = arith.cmpi slt, %and3A_192, %lt3A_653 : vector<16xi32>
          %add3A_655 = arith.constant 16 : i32
          %add3A_656 = vector.broadcast %add3A_655 : i32 to vector<16xi32>
          %add3A_657 = arith.addi %and3A_192, %add3A_656 : vector<16xi32>
          %select_n3A_658 = arith.select %lt3A_654, %add3A_657, %and3A_192 : vector<16xi1>, vector<16xi32>
          %broadcast_in_dim3A_659 = vector.shape_cast %select_n3A_658 : vector<16xi32> to vector<16x1xi32>
          %gather3A_660 = vector.shape_cast %broadcast_in_dim3A_659 : vector<16x1xi32> to vector<16xi32>
          %gather3A_661 = tpu.dynamic_gather %select_n3A[%gather3A_660] in [0] : vector<16xi32>, vector<16xi32> -> vector<16xi32>
          %mul3A_662 = arith.constant 16 : i32
          %mul3A_663 = arith.muli %while3A_265, %mul3A_662 : i32
          %add3A_664 = vector.broadcast %mul3A_663 : i32 to vector<16xi32>
          %add3A_665 = arith.addi %add3A_664, %and3A_192 : vector<16xi32>
          %gt3A_666 = arith.cmpi sgt, %gather3A_661, %gather3A : vector<16xi32>
          %eq3A_667 = arith.cmpi eq, %gather3A_661, %gather3A : vector<16xi32>
          %lt3A_668 = arith.cmpi slt, %add3A_665, %add3A_227 : vector<16xi32>
          %and3A_669 = arith.andi %eq3A_667, %lt3A_668 : vector<16xi1>
          %ne3A_670 = arith.constant -2147483648 : i32
          %ne3A_671 = vector.broadcast %ne3A_670 : i32 to vector<16xi32>
          %ne3A_672 = arith.cmpi ne, %gather3A_661, %ne3A_671 : vector<16xi32>
          %and3A_673 = arith.andi %and3A_669, %ne3A_672 : vector<16xi1>
          %or3A_674 = arith.ori %gt3A_666, %and3A_673 : vector<16xi1>
          %jit3A_675 = arith.constant 1 : i32
          %jit3A_676 = arith.constant 0 : i32
          %broadcast_in_dim3A_677 = vector.broadcast %jit3A_675 : i32 to vector<16xi32>
          %broadcast_in_dim3A_678 = vector.broadcast %jit3A_676 : i32 to vector<16xi32>
          %select_n3A_679 = arith.select %or3A_674, %broadcast_in_dim3A_677, %broadcast_in_dim3A_678 : vector<16xi1>, vector<16xi32>
          %add3A_680 = arith.addi %add3A_651, %select_n3A_679 : vector<16xi32>
          %lt3A_681 = arith.constant 0 : i32
          %lt3A_682 = vector.broadcast %lt3A_681 : i32 to vector<16xi32>
          %lt3A_683 = arith.cmpi slt, %and3A_198, %lt3A_682 : vector<16xi32>
          %add3A_684 = arith.constant 16 : i32
          %add3A_685 = vector.broadcast %add3A_684 : i32 to vector<16xi32>
          %add3A_686 = arith.addi %and3A_198, %add3A_685 : vector<16xi32>
          %select_n3A_687 = arith.select %lt3A_683, %add3A_686, %and3A_198 : vector<16xi1>, vector<16xi32>
          %broadcast_in_dim3A_688 = vector.shape_cast %select_n3A_687 : vector<16xi32> to vector<16x1xi32>
          %gather3A_689 = vector.shape_cast %broadcast_in_dim3A_688 : vector<16x1xi32> to vector<16xi32>
          %gather3A_690 = tpu.dynamic_gather %select_n3A[%gather3A_689] in [0] : vector<16xi32>, vector<16xi32> -> vector<16xi32>
          %mul3A_691 = arith.constant 16 : i32
          %mul3A_692 = arith.muli %while3A_265, %mul3A_691 : i32
          %add3A_693 = vector.broadcast %mul3A_692 : i32 to vector<16xi32>
          %add3A_694 = arith.addi %add3A_693, %and3A_198 : vector<16xi32>
          %gt3A_695 = arith.cmpi sgt, %gather3A_690, %gather3A : vector<16xi32>
          %eq3A_696 = arith.cmpi eq, %gather3A_690, %gather3A : vector<16xi32>
          %lt3A_697 = arith.cmpi slt, %add3A_694, %add3A_227 : vector<16xi32>
          %and3A_698 = arith.andi %eq3A_696, %lt3A_697 : vector<16xi1>
          %ne3A_699 = arith.constant -2147483648 : i32
          %ne3A_700 = vector.broadcast %ne3A_699 : i32 to vector<16xi32>
          %ne3A_701 = arith.cmpi ne, %gather3A_690, %ne3A_700 : vector<16xi32>
          %and3A_702 = arith.andi %and3A_698, %ne3A_701 : vector<16xi1>
          %or3A_703 = arith.ori %gt3A_695, %and3A_702 : vector<16xi1>
          %jit3A_704 = arith.constant 1 : i32
          %jit3A_705 = arith.constant 0 : i32
          %broadcast_in_dim3A_706 = vector.broadcast %jit3A_704 : i32 to vector<16xi32>
          %broadcast_in_dim3A_707 = vector.broadcast %jit3A_705 : i32 to vector<16xi32>
          %select_n3A_708 = arith.select %or3A_703, %broadcast_in_dim3A_706, %broadcast_in_dim3A_707 : vector<16xi1>, vector<16xi32>
          %add3A_709 = arith.addi %add3A_680, %select_n3A_708 : vector<16xi32>
          %lt3A_710 = arith.constant 0 : i32
          %lt3A_711 = vector.broadcast %lt3A_710 : i32 to vector<16xi32>
          %lt3A_712 = arith.cmpi slt, %and3A_204, %lt3A_711 : vector<16xi32>
          %add3A_713 = arith.constant 16 : i32
          %add3A_714 = vector.broadcast %add3A_713 : i32 to vector<16xi32>
          %add3A_715 = arith.addi %and3A_204, %add3A_714 : vector<16xi32>
          %select_n3A_716 = arith.select %lt3A_712, %add3A_715, %and3A_204 : vector<16xi1>, vector<16xi32>
          %broadcast_in_dim3A_717 = vector.shape_cast %select_n3A_716 : vector<16xi32> to vector<16x1xi32>
          %gather3A_718 = vector.shape_cast %broadcast_in_dim3A_717 : vector<16x1xi32> to vector<16xi32>
          %gather3A_719 = tpu.dynamic_gather %select_n3A[%gather3A_718] in [0] : vector<16xi32>, vector<16xi32> -> vector<16xi32>
          %mul3A_720 = arith.constant 16 : i32
          %mul3A_721 = arith.muli %while3A_265, %mul3A_720 : i32
          %add3A_722 = vector.broadcast %mul3A_721 : i32 to vector<16xi32>
          %add3A_723 = arith.addi %add3A_722, %and3A_204 : vector<16xi32>
          %gt3A_724 = arith.cmpi sgt, %gather3A_719, %gather3A : vector<16xi32>
          %eq3A_725 = arith.cmpi eq, %gather3A_719, %gather3A : vector<16xi32>
          %lt3A_726 = arith.cmpi slt, %add3A_723, %add3A_227 : vector<16xi32>
          %and3A_727 = arith.andi %eq3A_725, %lt3A_726 : vector<16xi1>
          %ne3A_728 = arith.constant -2147483648 : i32
          %ne3A_729 = vector.broadcast %ne3A_728 : i32 to vector<16xi32>
          %ne3A_730 = arith.cmpi ne, %gather3A_719, %ne3A_729 : vector<16xi32>
          %and3A_731 = arith.andi %and3A_727, %ne3A_730 : vector<16xi1>
          %or3A_732 = arith.ori %gt3A_724, %and3A_731 : vector<16xi1>
          %jit3A_733 = arith.constant 1 : i32
          %jit3A_734 = arith.constant 0 : i32
          %broadcast_in_dim3A_735 = vector.broadcast %jit3A_733 : i32 to vector<16xi32>
          %broadcast_in_dim3A_736 = vector.broadcast %jit3A_734 : i32 to vector<16xi32>
          %select_n3A_737 = arith.select %or3A_732, %broadcast_in_dim3A_735, %broadcast_in_dim3A_736 : vector<16xi1>, vector<16xi32>
          %add3A_738 = arith.addi %add3A_709, %select_n3A_737 : vector<16xi32>
          scf.yield %add3A_738 : vector<16xi32>
        }
        %while3A_241 = arith.constant 1 : i32
        %while3A_242 = scf.for %while3A_265 = %while3A_238 to %while3A_234 step %while3A_241 iter_args(%while3A_266 = %while3A_240) -> (vector<16xi32>)  : i32 {
          %mul3A_267 = arith.constant 16 : i32
          %mul3A_268 = arith.muli %while3A_265, %mul3A_267 : i32
          %add3A_269 = vector.broadcast %mul3A_268 : i32 to vector<16xi32>
          %add3A_270 = arith.addi %add3A_269, %iota3A : vector<16xi32>
          %and3A_271 = arith.constant 511 : i32
          %and3A_272 = vector.broadcast %and3A_271 : i32 to vector<16xi32>
          %and3A_273 = arith.andi %add3A_270, %and3A_272 : vector<16xi32>
          %gather3A_274 = tpu.vector_load_idx %arg13[%and3A_273] : memref<512xi32, #tpu.memory_space<vmem>>[vector<16xi32>], vector<16xi32>,
          %lt3A_275 = vector.broadcast %min3A_99 : i32 to vector<16xi32>
          %lt3A_276 = arith.cmpi slt, %add3A_270, %lt3A_275 : vector<16xi32>
          %jit3A = arith.constant -2147483648 : i32
          %broadcast_in_dim3A_277 = vector.broadcast %jit3A : i32 to vector<16xi32>
          %select_n3A = arith.select %lt3A_276, %gather3A_274, %broadcast_in_dim3A_277 : vector<16xi1>, vector<16xi32>
          %lt3A_278 = arith.constant 0 : i32
          %lt3A_279 = vector.broadcast %lt3A_278 : i32 to vector<16xi32>
          %lt3A_280 = arith.cmpi slt, %and3A_114, %lt3A_279 : vector<16xi32>
          %add3A_281 = arith.constant 16 : i32
          %add3A_282 = vector.broadcast %add3A_281 : i32 to vector<16xi32>
          %add3A_283 = arith.addi %and3A_114, %add3A_282 : vector<16xi32>
          %select_n3A_284 = arith.select %lt3A_280, %add3A_283, %and3A_114 : vector<16xi1>, vector<16xi32>
          %broadcast_in_dim3A_285 = vector.shape_cast %select_n3A_284 : vector<16xi32> to vector<16x1xi32>
          %gather3A_286 = vector.shape_cast %broadcast_in_dim3A_285 : vector<16x1xi32> to vector<16xi32>
          %gather3A_287 = tpu.dynamic_gather %select_n3A[%gather3A_286] in [0] : vector<16xi32>, vector<16xi32> -> vector<16xi32>
          %mul3A_288 = arith.constant 16 : i32
          %mul3A_289 = arith.muli %while3A_265, %mul3A_288 : i32
          %add3A_290 = vector.broadcast %mul3A_289 : i32 to vector<16xi32>
          %add3A_291 = arith.addi %add3A_290, %and3A_114 : vector<16xi32>
          %gt3A = arith.cmpi sgt, %gather3A_287, %gather3A : vector<16xi32>
          %eq3A = arith.cmpi eq, %gather3A_287, %gather3A : vector<16xi32>
          %lt3A_292 = arith.cmpi slt, %add3A_291, %add3A_227 : vector<16xi32>
          %and3A_293 = arith.andi %eq3A, %lt3A_292 : vector<16xi1>
          %ne3A = arith.constant -2147483648 : i32
          %ne3A_294 = vector.broadcast %ne3A : i32 to vector<16xi32>
          %ne3A_295 = arith.cmpi ne, %gather3A_287, %ne3A_294 : vector<16xi32>
          %and3A_296 = arith.andi %and3A_293, %ne3A_295 : vector<16xi1>
          %or3A_297 = arith.ori %gt3A, %and3A_296 : vector<16xi1>
          %jit3A_298 = arith.constant 1 : i32
          %jit3A_299 = arith.constant 0 : i32
          %broadcast_in_dim3A_300 = vector.broadcast %jit3A_298 : i32 to vector<16xi32>
          %broadcast_in_dim3A_301 = vector.broadcast %jit3A_299 : i32 to vector<16xi32>
          %select_n3A_302 = arith.select %or3A_297, %broadcast_in_dim3A_300, %broadcast_in_dim3A_301 : vector<16xi1>, vector<16xi32>
          %add3A_303 = arith.addi %while3A_266, %select_n3A_302 : vector<16xi32>
          %lt3A_304 = arith.constant 0 : i32
          %lt3A_305 = vector.broadcast %lt3A_304 : i32 to vector<16xi32>
          %lt3A_306 = arith.cmpi slt, %and3A_120, %lt3A_305 : vector<16xi32>
          %add3A_307 = arith.constant 16 : i32
          %add3A_308 = vector.broadcast %add3A_307 : i32 to vector<16xi32>
          %add3A_309 = arith.addi %and3A_120, %add3A_308 : vector<16xi32>
          %select_n3A_310 = arith.select %lt3A_306, %add3A_309, %and3A_120 : vector<16xi1>, vector<16xi32>
          %broadcast_in_dim3A_311 = vector.shape_cast %select_n3A_310 : vector<16xi32> to vector<16x1xi32>
          %gather3A_312 = vector.shape_cast %broadcast_in_dim3A_311 : vector<16x1xi32> to vector<16xi32>
          %gather3A_313 = tpu.dynamic_gather %select_n3A[%gather3A_312] in [0] : vector<16xi32>, vector<16xi32> -> vector<16xi32>
          %mul3A_314 = arith.constant 16 : i32
          %mul3A_315 = arith.muli %while3A_265, %mul3A_314 : i32
          %add3A_316 = vector.broadcast %mul3A_315 : i32 to vector<16xi32>
          %add3A_317 = arith.addi %add3A_316, %and3A_120 : vector<16xi32>
          %gt3A_318 = arith.cmpi sgt, %gather3A_313, %gather3A : vector<16xi32>
          %eq3A_319 = arith.cmpi eq, %gather3A_313, %gather3A : vector<16xi32>
          %lt3A_320 = arith.cmpi slt, %add3A_317, %add3A_227 : vector<16xi32>
          %and3A_321 = arith.andi %eq3A_319, %lt3A_320 : vector<16xi1>
          %ne3A_322 = arith.constant -2147483648 : i32
          %ne3A_323 = vector.broadcast %ne3A_322 : i32 to vector<16xi32>
          %ne3A_324 = arith.cmpi ne, %gather3A_313, %ne3A_323 : vector<16xi32>
          %and3A_325 = arith.andi %and3A_321, %ne3A_324 : vector<16xi1>
          %or3A_326 = arith.ori %gt3A_318, %and3A_325 : vector<16xi1>
          %jit3A_327 = arith.constant 1 : i32
          %jit3A_328 = arith.constant 0 : i32
          %broadcast_in_dim3A_329 = vector.broadcast %jit3A_327 : i32 to vector<16xi32>
          %broadcast_in_dim3A_330 = vector.broadcast %jit3A_328 : i32 to vector<16xi32>
          %select_n3A_331 = arith.select %or3A_326, %broadcast_in_dim3A_329, %broadcast_in_dim3A_330 : vector<16xi1>, vector<16xi32>
          %add3A_332 = arith.addi %add3A_303, %select_n3A_331 : vector<16xi32>
          %lt3A_333 = arith.constant 0 : i32
          %lt3A_334 = vector.broadcast %lt3A_333 : i32 to vector<16xi32>
          %lt3A_335 = arith.cmpi slt, %and3A_126, %lt3A_334 : vector<16xi32>
          %add3A_336 = arith.constant 16 : i32
          %add3A_337 = vector.broadcast %add3A_336 : i32 to vector<16xi32>
          %add3A_338 = arith.addi %and3A_126, %add3A_337 : vector<16xi32>
          %select_n3A_339 = arith.select %lt3A_335, %add3A_338, %and3A_126 : vector<16xi1>, vector<16xi32>
          %broadcast_in_dim3A_340 = vector.shape_cast %select_n3A_339 : vector<16xi32> to vector<16x1xi32>
          %gather3A_341 = vector.shape_cast %broadcast_in_dim3A_340 : vector<16x1xi32> to vector<16xi32>
          %gather3A_342 = tpu.dynamic_gather %select_n3A[%gather3A_341] in [0] : vector<16xi32>, vector<16xi32> -> vector<16xi32>
          %mul3A_343 = arith.constant 16 : i32
          %mul3A_344 = arith.muli %while3A_265, %mul3A_343 : i32
          %add3A_345 = vector.broadcast %mul3A_344 : i32 to vector<16xi32>
          %add3A_346 = arith.addi %add3A_345, %and3A_126 : vector<16xi32>
          %gt3A_347 = arith.cmpi sgt, %gather3A_342, %gather3A : vector<16xi32>
          %eq3A_348 = arith.cmpi eq, %gather3A_342, %gather3A : vector<16xi32>
          %lt3A_349 = arith.cmpi slt, %add3A_346, %add3A_227 : vector<16xi32>
          %and3A_350 = arith.andi %eq3A_348, %lt3A_349 : vector<16xi1>
          %ne3A_351 = arith.constant -2147483648 : i32
          %ne3A_352 = vector.broadcast %ne3A_351 : i32 to vector<16xi32>
          %ne3A_353 = arith.cmpi ne, %gather3A_342, %ne3A_352 : vector<16xi32>
          %and3A_354 = arith.andi %and3A_350, %ne3A_353 : vector<16xi1>
          %or3A_355 = arith.ori %gt3A_347, %and3A_354 : vector<16xi1>
          %jit3A_356 = arith.constant 1 : i32
          %jit3A_357 = arith.constant 0 : i32
          %broadcast_in_dim3A_358 = vector.broadcast %jit3A_356 : i32 to vector<16xi32>
          %broadcast_in_dim3A_359 = vector.broadcast %jit3A_357 : i32 to vector<16xi32>
          %select_n3A_360 = arith.select %or3A_355, %broadcast_in_dim3A_358, %broadcast_in_dim3A_359 : vector<16xi1>, vector<16xi32>
          %add3A_361 = arith.addi %add3A_332, %select_n3A_360 : vector<16xi32>
          %lt3A_362 = arith.constant 0 : i32
          %lt3A_363 = vector.broadcast %lt3A_362 : i32 to vector<16xi32>
          %lt3A_364 = arith.cmpi slt, %and3A_132, %lt3A_363 : vector<16xi32>
          %add3A_365 = arith.constant 16 : i32
          %add3A_366 = vector.broadcast %add3A_365 : i32 to vector<16xi32>
          %add3A_367 = arith.addi %and3A_132, %add3A_366 : vector<16xi32>
          %select_n3A_368 = arith.select %lt3A_364, %add3A_367, %and3A_132 : vector<16xi1>, vector<16xi32>
          %broadcast_in_dim3A_369 = vector.shape_cast %select_n3A_368 : vector<16xi32> to vector<16x1xi32>
          %gather3A_370 = vector.shape_cast %broadcast_in_dim3A_369 : vector<16x1xi32> to vector<16xi32>
          %gather3A_371 = tpu.dynamic_gather %select_n3A[%gather3A_370] in [0] : vector<16xi32>, vector<16xi32> -> vector<16xi32>
          %mul3A_372 = arith.constant 16 : i32
          %mul3A_373 = arith.muli %while3A_265, %mul3A_372 : i32
          %add3A_374 = vector.broadcast %mul3A_373 : i32 to vector<16xi32>
          %add3A_375 = arith.addi %add3A_374, %and3A_132 : vector<16xi32>
          %gt3A_376 = arith.cmpi sgt, %gather3A_371, %gather3A : vector<16xi32>
          %eq3A_377 = arith.cmpi eq, %gather3A_371, %gather3A : vector<16xi32>
          %lt3A_378 = arith.cmpi slt, %add3A_375, %add3A_227 : vector<16xi32>
          %and3A_379 = arith.andi %eq3A_377, %lt3A_378 : vector<16xi1>
          %ne3A_380 = arith.constant -2147483648 : i32
          %ne3A_381 = vector.broadcast %ne3A_380 : i32 to vector<16xi32>
          %ne3A_382 = arith.cmpi ne, %gather3A_371, %ne3A_381 : vector<16xi32>
          %and3A_383 = arith.andi %and3A_379, %ne3A_382 : vector<16xi1>
          %or3A_384 = arith.ori %gt3A_376, %and3A_383 : vector<16xi1>
          %jit3A_385 = arith.constant 1 : i32
          %jit3A_386 = arith.constant 0 : i32
          %broadcast_in_dim3A_387 = vector.broadcast %jit3A_385 : i32 to vector<16xi32>
          %broadcast_in_dim3A_388 = vector.broadcast %jit3A_386 : i32 to vector<16xi32>
          %select_n3A_389 = arith.select %or3A_384, %broadcast_in_dim3A_387, %broadcast_in_dim3A_388 : vector<16xi1>, vector<16xi32>
          %add3A_390 = arith.addi %add3A_361, %select_n3A_389 : vector<16xi32>
          %lt3A_391 = arith.constant 0 : i32
          %lt3A_392 = vector.broadcast %lt3A_391 : i32 to vector<16xi32>
          %lt3A_393 = arith.cmpi slt, %and3A_138, %lt3A_392 : vector<16xi32>
          %add3A_394 = arith.constant 16 : i32
          %add3A_395 = vector.broadcast %add3A_394 : i32 to vector<16xi32>
          %add3A_396 = arith.addi %and3A_138, %add3A_395 : vector<16xi32>
          %select_n3A_397 = arith.select %lt3A_393, %add3A_396, %and3A_138 : vector<16xi1>, vector<16xi32>
          %broadcast_in_dim3A_398 = vector.shape_cast %select_n3A_397 : vector<16xi32> to vector<16x1xi32>
          %gather3A_399 = vector.shape_cast %broadcast_in_dim3A_398 : vector<16x1xi32> to vector<16xi32>
          %gather3A_400 = tpu.dynamic_gather %select_n3A[%gather3A_399] in [0] : vector<16xi32>, vector<16xi32> -> vector<16xi32>
          %mul3A_401 = arith.constant 16 : i32
          %mul3A_402 = arith.muli %while3A_265, %mul3A_401 : i32
          %add3A_403 = vector.broadcast %mul3A_402 : i32 to vector<16xi32>
          %add3A_404 = arith.addi %add3A_403, %and3A_138 : vector<16xi32>
          %gt3A_405 = arith.cmpi sgt, %gather3A_400, %gather3A : vector<16xi32>
          %eq3A_406 = arith.cmpi eq, %gather3A_400, %gather3A : vector<16xi32>
          %lt3A_407 = arith.cmpi slt, %add3A_404, %add3A_227 : vector<16xi32>
          %and3A_408 = arith.andi %eq3A_406, %lt3A_407 : vector<16xi1>
          %ne3A_409 = arith.constant -2147483648 : i32
          %ne3A_410 = vector.broadcast %ne3A_409 : i32 to vector<16xi32>
          %ne3A_411 = arith.cmpi ne, %gather3A_400, %ne3A_410 : vector<16xi32>
          %and3A_412 = arith.andi %and3A_408, %ne3A_411 : vector<16xi1>
          %or3A_413 = arith.ori %gt3A_405, %and3A_412 : vector<16xi1>
          %jit3A_414 = arith.constant 1 : i32
          %jit3A_415 = arith.constant 0 : i32
          %broadcast_in_dim3A_416 = vector.broadcast %jit3A_414 : i32 to vector<16xi32>
          %broadcast_in_dim3A_417 = vector.broadcast %jit3A_415 : i32 to vector<16xi32>
          %select_n3A_418 = arith.select %or3A_413, %broadcast_in_dim3A_416, %broadcast_in_dim3A_417 : vector<16xi1>, vector<16xi32>
          %add3A_419 = arith.addi %add3A_390, %select_n3A_418 : vector<16xi32>
          %lt3A_420 = arith.constant 0 : i32
          %lt3A_421 = vector.broadcast %lt3A_420 : i32 to vector<16xi32>
          %lt3A_422 = arith.cmpi slt, %and3A_144, %lt3A_421 : vector<16xi32>
          %add3A_423 = arith.constant 16 : i32
          %add3A_424 = vector.broadcast %add3A_423 : i32 to vector<16xi32>
          %add3A_425 = arith.addi %and3A_144, %add3A_424 : vector<16xi32>
          %select_n3A_426 = arith.select %lt3A_422, %add3A_425, %and3A_144 : vector<16xi1>, vector<16xi32>
          %broadcast_in_dim3A_427 = vector.shape_cast %select_n3A_426 : vector<16xi32> to vector<16x1xi32>
          %gather3A_428 = vector.shape_cast %broadcast_in_dim3A_427 : vector<16x1xi32> to vector<16xi32>
          %gather3A_429 = tpu.dynamic_gather %select_n3A[%gather3A_428] in [0] : vector<16xi32>, vector<16xi32> -> vector<16xi32>
          %mul3A_430 = arith.constant 16 : i32
          %mul3A_431 = arith.muli %while3A_265, %mul3A_430 : i32
          %add3A_432 = vector.broadcast %mul3A_431 : i32 to vector<16xi32>
          %add3A_433 = arith.addi %add3A_432, %and3A_144 : vector<16xi32>
          %gt3A_434 = arith.cmpi sgt, %gather3A_429, %gather3A : vector<16xi32>
          %eq3A_435 = arith.cmpi eq, %gather3A_429, %gather3A : vector<16xi32>
          %lt3A_436 = arith.cmpi slt, %add3A_433, %add3A_227 : vector<16xi32>
          %and3A_437 = arith.andi %eq3A_435, %lt3A_436 : vector<16xi1>
          %ne3A_438 = arith.constant -2147483648 : i32
          %ne3A_439 = vector.broadcast %ne3A_438 : i32 to vector<16xi32>
          %ne3A_440 = arith.cmpi ne, %gather3A_429, %ne3A_439 : vector<16xi32>
          %and3A_441 = arith.andi %and3A_437, %ne3A_440 : vector<16xi1>
          %or3A_442 = arith.ori %gt3A_434, %and3A_441 : vector<16xi1>
          %jit3A_443 = arith.constant 1 : i32
          %jit3A_444 = arith.constant 0 : i32
          %broadcast_in_dim3A_445 = vector.broadcast %jit3A_443 : i32 to vector<16xi32>
          %broadcast_in_dim3A_446 = vector.broadcast %jit3A_444 : i32 to vector<16xi32>
          %select_n3A_447 = arith.select %or3A_442, %broadcast_in_dim3A_445, %broadcast_in_dim3A_446 : vector<16xi1>, vector<16xi32>
          %add3A_448 = arith.addi %add3A_419, %select_n3A_447 : vector<16xi32>
          %lt3A_449 = arith.constant 0 : i32
          %lt3A_450 = vector.broadcast %lt3A_449 : i32 to vector<16xi32>
          %lt3A_451 = arith.cmpi slt, %and3A_150, %lt3A_450 : vector<16xi32>
          %add3A_452 = arith.constant 16 : i32
          %add3A_453 = vector.broadcast %add3A_452 : i32 to vector<16xi32>
          %add3A_454 = arith.addi %and3A_150, %add3A_453 : vector<16xi32>
          %select_n3A_455 = arith.select %lt3A_451, %add3A_454, %and3A_150 : vector<16xi1>, vector<16xi32>
          %broadcast_in_dim3A_456 = vector.shape_cast %select_n3A_455 : vector<16xi32> to vector<16x1xi32>
          %gather3A_457 = vector.shape_cast %broadcast_in_dim3A_456 : vector<16x1xi32> to vector<16xi32>
          %gather3A_458 = tpu.dynamic_gather %select_n3A[%gather3A_457] in [0] : vector<16xi32>, vector<16xi32> -> vector<16xi32>
          %mul3A_459 = arith.constant 16 : i32
          %mul3A_460 = arith.muli %while3A_265, %mul3A_459 : i32
          %add3A_461 = vector.broadcast %mul3A_460 : i32 to vector<16xi32>
          %add3A_462 = arith.addi %add3A_461, %and3A_150 : vector<16xi32>
          %gt3A_463 = arith.cmpi sgt, %gather3A_458, %gather3A : vector<16xi32>
          %eq3A_464 = arith.cmpi eq, %gather3A_458, %gather3A : vector<16xi32>
          %lt3A_465 = arith.cmpi slt, %add3A_462, %add3A_227 : vector<16xi32>
          %and3A_466 = arith.andi %eq3A_464, %lt3A_465 : vector<16xi1>
          %ne3A_467 = arith.constant -2147483648 : i32
          %ne3A_468 = vector.broadcast %ne3A_467 : i32 to vector<16xi32>
          %ne3A_469 = arith.cmpi ne, %gather3A_458, %ne3A_468 : vector<16xi32>
          %and3A_470 = arith.andi %and3A_466, %ne3A_469 : vector<16xi1>
          %or3A_471 = arith.ori %gt3A_463, %and3A_470 : vector<16xi1>
          %jit3A_472 = arith.constant 1 : i32
          %jit3A_473 = arith.constant 0 : i32
          %broadcast_in_dim3A_474 = vector.broadcast %jit3A_472 : i32 to vector<16xi32>
          %broadcast_in_dim3A_475 = vector.broadcast %jit3A_473 : i32 to vector<16xi32>
          %select_n3A_476 = arith.select %or3A_471, %broadcast_in_dim3A_474, %broadcast_in_dim3A_475 : vector<16xi1>, vector<16xi32>
          %add3A_477 = arith.addi %add3A_448, %select_n3A_476 : vector<16xi32>
          %lt3A_478 = arith.constant 0 : i32
          %lt3A_479 = vector.broadcast %lt3A_478 : i32 to vector<16xi32>
          %lt3A_480 = arith.cmpi slt, %and3A_156, %lt3A_479 : vector<16xi32>
          %add3A_481 = arith.constant 16 : i32
          %add3A_482 = vector.broadcast %add3A_481 : i32 to vector<16xi32>
          %add3A_483 = arith.addi %and3A_156, %add3A_482 : vector<16xi32>
          %select_n3A_484 = arith.select %lt3A_480, %add3A_483, %and3A_156 : vector<16xi1>, vector<16xi32>
          %broadcast_in_dim3A_485 = vector.shape_cast %select_n3A_484 : vector<16xi32> to vector<16x1xi32>
          %gather3A_486 = vector.shape_cast %broadcast_in_dim3A_485 : vector<16x1xi32> to vector<16xi32>
          %gather3A_487 = tpu.dynamic_gather %select_n3A[%gather3A_486] in [0] : vector<16xi32>, vector<16xi32> -> vector<16xi32>
          %mul3A_488 = arith.constant 16 : i32
          %mul3A_489 = arith.muli %while3A_265, %mul3A_488 : i32
          %add3A_490 = vector.broadcast %mul3A_489 : i32 to vector<16xi32>
          %add3A_491 = arith.addi %add3A_490, %and3A_156 : vector<16xi32>
          %gt3A_492 = arith.cmpi sgt, %gather3A_487, %gather3A : vector<16xi32>
          %eq3A_493 = arith.cmpi eq, %gather3A_487, %gather3A : vector<16xi32>
          %lt3A_494 = arith.cmpi slt, %add3A_491, %add3A_227 : vector<16xi32>
          %and3A_495 = arith.andi %eq3A_493, %lt3A_494 : vector<16xi1>
          %ne3A_496 = arith.constant -2147483648 : i32
          %ne3A_497 = vector.broadcast %ne3A_496 : i32 to vector<16xi32>
          %ne3A_498 = arith.cmpi ne, %gather3A_487, %ne3A_497 : vector<16xi32>
          %and3A_499 = arith.andi %and3A_495, %ne3A_498 : vector<16xi1>
          %or3A_500 = arith.ori %gt3A_492, %and3A_499 : vector<16xi1>
          %jit3A_501 = arith.constant 1 : i32
          %jit3A_502 = arith.constant 0 : i32
          %broadcast_in_dim3A_503 = vector.broadcast %jit3A_501 : i32 to vector<16xi32>
          %broadcast_in_dim3A_504 = vector.broadcast %jit3A_502 : i32 to vector<16xi32>
          %select_n3A_505 = arith.select %or3A_500, %broadcast_in_dim3A_503, %broadcast_in_dim3A_504 : vector<16xi1>, vector<16xi32>
          %add3A_506 = arith.addi %add3A_477, %select_n3A_505 : vector<16xi32>
          %lt3A_507 = arith.constant 0 : i32
          %lt3A_508 = vector.broadcast %lt3A_507 : i32 to vector<16xi32>
          %lt3A_509 = arith.cmpi slt, %and3A_162, %lt3A_508 : vector<16xi32>
          %add3A_510 = arith.constant 16 : i32
          %add3A_511 = vector.broadcast %add3A_510 : i32 to vector<16xi32>
          %add3A_512 = arith.addi %and3A_162, %add3A_511 : vector<16xi32>
          %select_n3A_513 = arith.select %lt3A_509, %add3A_512, %and3A_162 : vector<16xi1>, vector<16xi32>
          %broadcast_in_dim3A_514 = vector.shape_cast %select_n3A_513 : vector<16xi32> to vector<16x1xi32>
          %gather3A_515 = vector.shape_cast %broadcast_in_dim3A_514 : vector<16x1xi32> to vector<16xi32>
          %gather3A_516 = tpu.dynamic_gather %select_n3A[%gather3A_515] in [0] : vector<16xi32>, vector<16xi32> -> vector<16xi32>
          %mul3A_517 = arith.constant 16 : i32
          %mul3A_518 = arith.muli %while3A_265, %mul3A_517 : i32
          %add3A_519 = vector.broadcast %mul3A_518 : i32 to vector<16xi32>
          %add3A_520 = arith.addi %add3A_519, %and3A_162 : vector<16xi32>
          %gt3A_521 = arith.cmpi sgt, %gather3A_516, %gather3A : vector<16xi32>
          %eq3A_522 = arith.cmpi eq, %gather3A_516, %gather3A : vector<16xi32>
          %lt3A_523 = arith.cmpi slt, %add3A_520, %add3A_227 : vector<16xi32>
          %and3A_524 = arith.andi %eq3A_522, %lt3A_523 : vector<16xi1>
          %ne3A_525 = arith.constant -2147483648 : i32
          %ne3A_526 = vector.broadcast %ne3A_525 : i32 to vector<16xi32>
          %ne3A_527 = arith.cmpi ne, %gather3A_516, %ne3A_526 : vector<16xi32>
          %and3A_528 = arith.andi %and3A_524, %ne3A_527 : vector<16xi1>
          %or3A_529 = arith.ori %gt3A_521, %and3A_528 : vector<16xi1>
          %jit3A_530 = arith.constant 1 : i32
          %jit3A_531 = arith.constant 0 : i32
          %broadcast_in_dim3A_532 = vector.broadcast %jit3A_530 : i32 to vector<16xi32>
          %broadcast_in_dim3A_533 = vector.broadcast %jit3A_531 : i32 to vector<16xi32>
          %select_n3A_534 = arith.select %or3A_529, %broadcast_in_dim3A_532, %broadcast_in_dim3A_533 : vector<16xi1>, vector<16xi32>
          %add3A_535 = arith.addi %add3A_506, %select_n3A_534 : vector<16xi32>
          %lt3A_536 = arith.constant 0 : i32
          %lt3A_537 = vector.broadcast %lt3A_536 : i32 to vector<16xi32>
          %lt3A_538 = arith.cmpi slt, %and3A_168, %lt3A_537 : vector<16xi32>
          %add3A_539 = arith.constant 16 : i32
          %add3A_540 = vector.broadcast %add3A_539 : i32 to vector<16xi32>
          %add3A_541 = arith.addi %and3A_168, %add3A_540 : vector<16xi32>
          %select_n3A_542 = arith.select %lt3A_538, %add3A_541, %and3A_168 : vector<16xi1>, vector<16xi32>
          %broadcast_in_dim3A_543 = vector.shape_cast %select_n3A_542 : vector<16xi32> to vector<16x1xi32>
          %gather3A_544 = vector.shape_cast %broadcast_in_dim3A_543 : vector<16x1xi32> to vector<16xi32>
          %gather3A_545 = tpu.dynamic_gather %select_n3A[%gather3A_544] in [0] : vector<16xi32>, vector<16xi32> -> vector<16xi32>
          %mul3A_546 = arith.constant 16 : i32
          %mul3A_547 = arith.muli %while3A_265, %mul3A_546 : i32
          %add3A_548 = vector.broadcast %mul3A_547 : i32 to vector<16xi32>
          %add3A_549 = arith.addi %add3A_548, %and3A_168 : vector<16xi32>
          %gt3A_550 = arith.cmpi sgt, %gather3A_545, %gather3A : vector<16xi32>
          %eq3A_551 = arith.cmpi eq, %gather3A_545, %gather3A : vector<16xi32>
          %lt3A_552 = arith.cmpi slt, %add3A_549, %add3A_227 : vector<16xi32>
          %and3A_553 = arith.andi %eq3A_551, %lt3A_552 : vector<16xi1>
          %ne3A_554 = arith.constant -2147483648 : i32
          %ne3A_555 = vector.broadcast %ne3A_554 : i32 to vector<16xi32>
          %ne3A_556 = arith.cmpi ne, %gather3A_545, %ne3A_555 : vector<16xi32>
          %and3A_557 = arith.andi %and3A_553, %ne3A_556 : vector<16xi1>
          %or3A_558 = arith.ori %gt3A_550, %and3A_557 : vector<16xi1>
          %jit3A_559 = arith.constant 1 : i32
          %jit3A_560 = arith.constant 0 : i32
          %broadcast_in_dim3A_561 = vector.broadcast %jit3A_559 : i32 to vector<16xi32>
          %broadcast_in_dim3A_562 = vector.broadcast %jit3A_560 : i32 to vector<16xi32>
          %select_n3A_563 = arith.select %or3A_558, %broadcast_in_dim3A_561, %broadcast_in_dim3A_562 : vector<16xi1>, vector<16xi32>
          %add3A_564 = arith.addi %add3A_535, %select_n3A_563 : vector<16xi32>
          %lt3A_565 = arith.constant 0 : i32
          %lt3A_566 = vector.broadcast %lt3A_565 : i32 to vector<16xi32>
          %lt3A_567 = arith.cmpi slt, %and3A_174, %lt3A_566 : vector<16xi32>
          %add3A_568 = arith.constant 16 : i32
          %add3A_569 = vector.broadcast %add3A_568 : i32 to vector<16xi32>
          %add3A_570 = arith.addi %and3A_174, %add3A_569 : vector<16xi32>
          %select_n3A_571 = arith.select %lt3A_567, %add3A_570, %and3A_174 : vector<16xi1>, vector<16xi32>
          %broadcast_in_dim3A_572 = vector.shape_cast %select_n3A_571 : vector<16xi32> to vector<16x1xi32>
          %gather3A_573 = vector.shape_cast %broadcast_in_dim3A_572 : vector<16x1xi32> to vector<16xi32>
          %gather3A_574 = tpu.dynamic_gather %select_n3A[%gather3A_573] in [0] : vector<16xi32>, vector<16xi32> -> vector<16xi32>
          %mul3A_575 = arith.constant 16 : i32
          %mul3A_576 = arith.muli %while3A_265, %mul3A_575 : i32
          %add3A_577 = vector.broadcast %mul3A_576 : i32 to vector<16xi32>
          %add3A_578 = arith.addi %add3A_577, %and3A_174 : vector<16xi32>
          %gt3A_579 = arith.cmpi sgt, %gather3A_574, %gather3A : vector<16xi32>
          %eq3A_580 = arith.cmpi eq, %gather3A_574, %gather3A : vector<16xi32>
          %lt3A_581 = arith.cmpi slt, %add3A_578, %add3A_227 : vector<16xi32>
          %and3A_582 = arith.andi %eq3A_580, %lt3A_581 : vector<16xi1>
          %ne3A_583 = arith.constant -2147483648 : i32
          %ne3A_584 = vector.broadcast %ne3A_583 : i32 to vector<16xi32>
          %ne3A_585 = arith.cmpi ne, %gather3A_574, %ne3A_584 : vector<16xi32>
          %and3A_586 = arith.andi %and3A_582, %ne3A_585 : vector<16xi1>
          %or3A_587 = arith.ori %gt3A_579, %and3A_586 : vector<16xi1>
          %jit3A_588 = arith.constant 1 : i32
          %jit3A_589 = arith.constant 0 : i32
          %broadcast_in_dim3A_590 = vector.broadcast %jit3A_588 : i32 to vector<16xi32>
          %broadcast_in_dim3A_591 = vector.broadcast %jit3A_589 : i32 to vector<16xi32>
          %select_n3A_592 = arith.select %or3A_587, %broadcast_in_dim3A_590, %broadcast_in_dim3A_591 : vector<16xi1>, vector<16xi32>
          %add3A_593 = arith.addi %add3A_564, %select_n3A_592 : vector<16xi32>
          %lt3A_594 = arith.constant 0 : i32
          %lt3A_595 = vector.broadcast %lt3A_594 : i32 to vector<16xi32>
          %lt3A_596 = arith.cmpi slt, %and3A_180, %lt3A_595 : vector<16xi32>
          %add3A_597 = arith.constant 16 : i32
          %add3A_598 = vector.broadcast %add3A_597 : i32 to vector<16xi32>
          %add3A_599 = arith.addi %and3A_180, %add3A_598 : vector<16xi32>
          %select_n3A_600 = arith.select %lt3A_596, %add3A_599, %and3A_180 : vector<16xi1>, vector<16xi32>
          %broadcast_in_dim3A_601 = vector.shape_cast %select_n3A_600 : vector<16xi32> to vector<16x1xi32>
          %gather3A_602 = vector.shape_cast %broadcast_in_dim3A_601 : vector<16x1xi32> to vector<16xi32>
          %gather3A_603 = tpu.dynamic_gather %select_n3A[%gather3A_602] in [0] : vector<16xi32>, vector<16xi32> -> vector<16xi32>
          %mul3A_604 = arith.constant 16 : i32
          %mul3A_605 = arith.muli %while3A_265, %mul3A_604 : i32
          %add3A_606 = vector.broadcast %mul3A_605 : i32 to vector<16xi32>
          %add3A_607 = arith.addi %add3A_606, %and3A_180 : vector<16xi32>
          %gt3A_608 = arith.cmpi sgt, %gather3A_603, %gather3A : vector<16xi32>
          %eq3A_609 = arith.cmpi eq, %gather3A_603, %gather3A : vector<16xi32>
          %lt3A_610 = arith.cmpi slt, %add3A_607, %add3A_227 : vector<16xi32>
          %and3A_611 = arith.andi %eq3A_609, %lt3A_610 : vector<16xi1>
          %ne3A_612 = arith.constant -2147483648 : i32
          %ne3A_613 = vector.broadcast %ne3A_612 : i32 to vector<16xi32>
          %ne3A_614 = arith.cmpi ne, %gather3A_603, %ne3A_613 : vector<16xi32>
          %and3A_615 = arith.andi %and3A_611, %ne3A_614 : vector<16xi1>
          %or3A_616 = arith.ori %gt3A_608, %and3A_615 : vector<16xi1>
          %jit3A_617 = arith.constant 1 : i32
          %jit3A_618 = arith.constant 0 : i32
          %broadcast_in_dim3A_619 = vector.broadcast %jit3A_617 : i32 to vector<16xi32>
          %broadcast_in_dim3A_620 = vector.broadcast %jit3A_618 : i32 to vector<16xi32>
          %select_n3A_621 = arith.select %or3A_616, %broadcast_in_dim3A_619, %broadcast_in_dim3A_620 : vector<16xi1>, vector<16xi32>
          %add3A_622 = arith.addi %add3A_593, %select_n3A_621 : vector<16xi32>
          %lt3A_623 = arith.constant 0 : i32
          %lt3A_624 = vector.broadcast %lt3A_623 : i32 to vector<16xi32>
          %lt3A_625 = arith.cmpi slt, %and3A_186, %lt3A_624 : vector<16xi32>
          %add3A_626 = arith.constant 16 : i32
          %add3A_627 = vector.broadcast %add3A_626 : i32 to vector<16xi32>
          %add3A_628 = arith.addi %and3A_186, %add3A_627 : vector<16xi32>
          %select_n3A_629 = arith.select %lt3A_625, %add3A_628, %and3A_186 : vector<16xi1>, vector<16xi32>
          %broadcast_in_dim3A_630 = vector.shape_cast %select_n3A_629 : vector<16xi32> to vector<16x1xi32>
          %gather3A_631 = vector.shape_cast %broadcast_in_dim3A_630 : vector<16x1xi32> to vector<16xi32>
          %gather3A_632 = tpu.dynamic_gather %select_n3A[%gather3A_631] in [0] : vector<16xi32>, vector<16xi32> -> vector<16xi32>
          %mul3A_633 = arith.constant 16 : i32
          %mul3A_634 = arith.muli %while3A_265, %mul3A_633 : i32
          %add3A_635 = vector.broadcast %mul3A_634 : i32 to vector<16xi32>
          %add3A_636 = arith.addi %add3A_635, %and3A_186 : vector<16xi32>
          %gt3A_637 = arith.cmpi sgt, %gather3A_632, %gather3A : vector<16xi32>
          %eq3A_638 = arith.cmpi eq, %gather3A_632, %gather3A : vector<16xi32>
          %lt3A_639 = arith.cmpi slt, %add3A_636, %add3A_227 : vector<16xi32>
          %and3A_640 = arith.andi %eq3A_638, %lt3A_639 : vector<16xi1>
          %ne3A_641 = arith.constant -2147483648 : i32
          %ne3A_642 = vector.broadcast %ne3A_641 : i32 to vector<16xi32>
          %ne3A_643 = arith.cmpi ne, %gather3A_632, %ne3A_642 : vector<16xi32>
          %and3A_644 = arith.andi %and3A_640, %ne3A_643 : vector<16xi1>
          %or3A_645 = arith.ori %gt3A_637, %and3A_644 : vector<16xi1>
          %jit3A_646 = arith.constant 1 : i32
          %jit3A_647 = arith.constant 0 : i32
          %broadcast_in_dim3A_648 = vector.broadcast %jit3A_646 : i32 to vector<16xi32>
          %broadcast_in_dim3A_649 = vector.broadcast %jit3A_647 : i32 to vector<16xi32>
          %select_n3A_650 = arith.select %or3A_645, %broadcast_in_dim3A_648, %broadcast_in_dim3A_649 : vector<16xi1>, vector<16xi32>
          %add3A_651 = arith.addi %add3A_622, %select_n3A_650 : vector<16xi32>
          %lt3A_652 = arith.constant 0 : i32
          %lt3A_653 = vector.broadcast %lt3A_652 : i32 to vector<16xi32>
          %lt3A_654 = arith.cmpi slt, %and3A_192, %lt3A_653 : vector<16xi32>
          %add3A_655 = arith.constant 16 : i32
          %add3A_656 = vector.broadcast %add3A_655 : i32 to vector<16xi32>
          %add3A_657 = arith.addi %and3A_192, %add3A_656 : vector<16xi32>
          %select_n3A_658 = arith.select %lt3A_654, %add3A_657, %and3A_192 : vector<16xi1>, vector<16xi32>
          %broadcast_in_dim3A_659 = vector.shape_cast %select_n3A_658 : vector<16xi32> to vector<16x1xi32>
          %gather3A_660 = vector.shape_cast %broadcast_in_dim3A_659 : vector<16x1xi32> to vector<16xi32>
          %gather3A_661 = tpu.dynamic_gather %select_n3A[%gather3A_660] in [0] : vector<16xi32>, vector<16xi32> -> vector<16xi32>
          %mul3A_662 = arith.constant 16 : i32
          %mul3A_663 = arith.muli %while3A_265, %mul3A_662 : i32
          %add3A_664 = vector.broadcast %mul3A_663 : i32 to vector<16xi32>
          %add3A_665 = arith.addi %add3A_664, %and3A_192 : vector<16xi32>
          %gt3A_666 = arith.cmpi sgt, %gather3A_661, %gather3A : vector<16xi32>
          %eq3A_667 = arith.cmpi eq, %gather3A_661, %gather3A : vector<16xi32>
          %lt3A_668 = arith.cmpi slt, %add3A_665, %add3A_227 : vector<16xi32>
          %and3A_669 = arith.andi %eq3A_667, %lt3A_668 : vector<16xi1>
          %ne3A_670 = arith.constant -2147483648 : i32
          %ne3A_671 = vector.broadcast %ne3A_670 : i32 to vector<16xi32>
          %ne3A_672 = arith.cmpi ne, %gather3A_661, %ne3A_671 : vector<16xi32>
          %and3A_673 = arith.andi %and3A_669, %ne3A_672 : vector<16xi1>
          %or3A_674 = arith.ori %gt3A_666, %and3A_673 : vector<16xi1>
          %jit3A_675 = arith.constant 1 : i32
          %jit3A_676 = arith.constant 0 : i32
          %broadcast_in_dim3A_677 = vector.broadcast %jit3A_675 : i32 to vector<16xi32>
          %broadcast_in_dim3A_678 = vector.broadcast %jit3A_676 : i32 to vector<16xi32>
          %select_n3A_679 = arith.select %or3A_674, %broadcast_in_dim3A_677, %broadcast_in_dim3A_678 : vector<16xi1>, vector<16xi32>
          %add3A_680 = arith.addi %add3A_651, %select_n3A_679 : vector<16xi32>
          %lt3A_681 = arith.constant 0 : i32
          %lt3A_682 = vector.broadcast %lt3A_681 : i32 to vector<16xi32>
          %lt3A_683 = arith.cmpi slt, %and3A_198, %lt3A_682 : vector<16xi32>
          %add3A_684 = arith.constant 16 : i32
          %add3A_685 = vector.broadcast %add3A_684 : i32 to vector<16xi32>
          %add3A_686 = arith.addi %and3A_198, %add3A_685 : vector<16xi32>
          %select_n3A_687 = arith.select %lt3A_683, %add3A_686, %and3A_198 : vector<16xi1>, vector<16xi32>
          %broadcast_in_dim3A_688 = vector.shape_cast %select_n3A_687 : vector<16xi32> to vector<16x1xi32>
          %gather3A_689 = vector.shape_cast %broadcast_in_dim3A_688 : vector<16x1xi32> to vector<16xi32>
          %gather3A_690 = tpu.dynamic_gather %select_n3A[%gather3A_689] in [0] : vector<16xi32>, vector<16xi32> -> vector<16xi32>
          %mul3A_691 = arith.constant 16 : i32
          %mul3A_692 = arith.muli %while3A_265, %mul3A_691 : i32
          %add3A_693 = vector.broadcast %mul3A_692 : i32 to vector<16xi32>
          %add3A_694 = arith.addi %add3A_693, %and3A_198 : vector<16xi32>
          %gt3A_695 = arith.cmpi sgt, %gather3A_690, %gather3A : vector<16xi32>
          %eq3A_696 = arith.cmpi eq, %gather3A_690, %gather3A : vector<16xi32>
          %lt3A_697 = arith.cmpi slt, %add3A_694, %add3A_227 : vector<16xi32>
          %and3A_698 = arith.andi %eq3A_696, %lt3A_697 : vector<16xi1>
          %ne3A_699 = arith.constant -2147483648 : i32
          %ne3A_700 = vector.broadcast %ne3A_699 : i32 to vector<16xi32>
          %ne3A_701 = arith.cmpi ne, %gather3A_690, %ne3A_700 : vector<16xi32>
          %and3A_702 = arith.andi %and3A_698, %ne3A_701 : vector<16xi1>
          %or3A_703 = arith.ori %gt3A_695, %and3A_702 : vector<16xi1>
          %jit3A_704 = arith.constant 1 : i32
          %jit3A_705 = arith.constant 0 : i32
          %broadcast_in_dim3A_706 = vector.broadcast %jit3A_704 : i32 to vector<16xi32>
          %broadcast_in_dim3A_707 = vector.broadcast %jit3A_705 : i32 to vector<16xi32>
          %select_n3A_708 = arith.select %or3A_703, %broadcast_in_dim3A_706, %broadcast_in_dim3A_707 : vector<16xi1>, vector<16xi32>
          %add3A_709 = arith.addi %add3A_680, %select_n3A_708 : vector<16xi32>
          %lt3A_710 = arith.constant 0 : i32
          %lt3A_711 = vector.broadcast %lt3A_710 : i32 to vector<16xi32>
          %lt3A_712 = arith.cmpi slt, %and3A_204, %lt3A_711 : vector<16xi32>
          %add3A_713 = arith.constant 16 : i32
          %add3A_714 = vector.broadcast %add3A_713 : i32 to vector<16xi32>
          %add3A_715 = arith.addi %and3A_204, %add3A_714 : vector<16xi32>
          %select_n3A_716 = arith.select %lt3A_712, %add3A_715, %and3A_204 : vector<16xi1>, vector<16xi32>
          %broadcast_in_dim3A_717 = vector.shape_cast %select_n3A_716 : vector<16xi32> to vector<16x1xi32>
          %gather3A_718 = vector.shape_cast %broadcast_in_dim3A_717 : vector<16x1xi32> to vector<16xi32>
          %gather3A_719 = tpu.dynamic_gather %select_n3A[%gather3A_718] in [0] : vector<16xi32>, vector<16xi32> -> vector<16xi32>
          %mul3A_720 = arith.constant 16 : i32
          %mul3A_721 = arith.muli %while3A_265, %mul3A_720 : i32
          %add3A_722 = vector.broadcast %mul3A_721 : i32 to vector<16xi32>
          %add3A_723 = arith.addi %add3A_722, %and3A_204 : vector<16xi32>
          %gt3A_724 = arith.cmpi sgt, %gather3A_719, %gather3A : vector<16xi32>
          %eq3A_725 = arith.cmpi eq, %gather3A_719, %gather3A : vector<16xi32>
          %lt3A_726 = arith.cmpi slt, %add3A_723, %add3A_227 : vector<16xi32>
          %and3A_727 = arith.andi %eq3A_725, %lt3A_726 : vector<16xi1>
          %ne3A_728 = arith.constant -2147483648 : i32
          %ne3A_729 = vector.broadcast %ne3A_728 : i32 to vector<16xi32>
          %ne3A_730 = arith.cmpi ne, %gather3A_719, %ne3A_729 : vector<16xi32>
          %and3A_731 = arith.andi %and3A_727, %ne3A_730 : vector<16xi1>
          %or3A_732 = arith.ori %gt3A_724, %and3A_731 : vector<16xi1>
          %jit3A_733 = arith.constant 1 : i32
          %jit3A_734 = arith.constant 0 : i32
          %broadcast_in_dim3A_735 = vector.broadcast %jit3A_733 : i32 to vector<16xi32>
          %broadcast_in_dim3A_736 = vector.broadcast %jit3A_734 : i32 to vector<16xi32>
          %select_n3A_737 = arith.select %or3A_732, %broadcast_in_dim3A_735, %broadcast_in_dim3A_736 : vector<16xi1>, vector<16xi32>
          %add3A_738 = arith.addi %add3A_709, %select_n3A_737 : vector<16xi32>
          scf.yield %add3A_738 : vector<16xi32>
        }
        %and3A_243 = arith.constant 511 : i32
        %and3A_244 = vector.broadcast %and3A_243 : i32 to vector<16xi32>
        %and3A_245 = arith.andi %add3A_227, %and3A_244 : vector<16xi32>
        %gather3A_246 = tpu.vector_load_idx %arg14[%and3A_245] : memref<512xi32, #tpu.memory_space<vmem>>[vector<16xi32>], vector<16xi32>,
        %shift_right_arithmetic3A_247 = arith.constant 31 : i32
        %shift_right_arithmetic3A_248 = vector.broadcast %shift_right_arithmetic3A_247 : i32 to vector<16xi32>
        %shift_right_arithmetic3A_249 = arith.shrsi %gather3A, %shift_right_arithmetic3A_248 : vector<16xi32>
        %and3A_250 = arith.constant 2147483647 : i32
        %and3A_251 = vector.broadcast %and3A_250 : i32 to vector<16xi32>
        %and3A_252 = arith.andi %shift_right_arithmetic3A_249, %and3A_251 : vector<16xi32>
        %xor3A_253 = arith.xori %gather3A, %and3A_252 : vector<16xi32>
        %bitcast3A = vector.bitcast %xor3A_253 : vector<16xi32> to vector<16xf32>
        %lt3A_254 = arith.constant 100 : i32
        %lt3A_255 = vector.broadcast %lt3A_254 : i32 to vector<16xi32>
        %lt3A_256 = arith.cmpi slt, %while3A_242, %lt3A_255 : vector<16xi32>
        %and3A_257 = arith.andi %lt3A_231, %lt3A_256 : vector<16xi1>
        %and3A_258 = arith.constant 127 : i32
        %and3A_259 = vector.broadcast %and3A_258 : i32 to vector<16xi32>
        %and3A_260 = arith.andi %while3A_242, %and3A_259 : vector<16xi32>
        tpu.vector_store_idx %arg15[%and3A_260], %bitcast3A masked %and3A_257 : memref<128xf32, #tpu.memory_space<vmem>>[vector<16xi32>], vector<16xf32>, vector<16xi1>
        %and3A_261 = arith.constant 127 : i32
        %and3A_262 = vector.broadcast %and3A_261 : i32 to vector<16xi32>
        %and3A_263 = arith.andi %while3A_242, %and3A_262 : vector<16xi32>
        tpu.vector_store_idx %arg16[%and3A_263], %gather3A_246 masked %and3A_257 : memref<128xi32, #tpu.memory_space<vmem>>[vector<16xi32>], vector<16xi32>, vector<16xi1>
        %while3A_264 = arith.constant 0 : i32
        scf.yield %while3A_264 : i32
      }
      %while3A_215 = arith.constant 1 : i32
      %while3A_216 = scf.for %while3A_222 = %while3A_212 to %while3A_208 step %while3A_215 iter_args(%while3A_223 = %while3A_214) -> (i32)  : i32 {
        %mul3A_224 = arith.constant 16 : i32
        %mul3A_225 = arith.muli %while3A_222, %mul3A_224 : i32
        %add3A_226 = vector.broadcast %mul3A_225 : i32 to vector<16xi32>
        %add3A_227 = arith.addi %add3A_226, %iota3A : vector<16xi32>
        %and3A_228 = arith.constant 511 : i32
        %and3A_229 = vector.broadcast %and3A_228 : i32 to vector<16xi32>
        %and3A_230 = arith.andi %add3A_227, %and3A_229 : vector<16xi32>
        %gather3A = tpu.vector_load_idx %arg13[%and3A_230] : memref<512xi32, #tpu.memory_space<vmem>>[vector<16xi32>], vector<16xi32>,
        %lt3A = vector.broadcast %min3A_99 : i32 to vector<16xi32>
        %lt3A_231 = arith.cmpi slt, %add3A_227, %lt3A : vector<16xi32>
        %while3A_232 = arith.constant 0 : i32
        %while3A_233 = arith.subi %shift_right_arithmetic3A_109, %while3A_232 : i32
        %while3A_234 = arith.addi %while3A_232, %while3A_233 : i32
        %while3A_235 = arith.constant 1 : i32
        %while3A_236 = arith.divsi %while3A_233, %while3A_235 : i32
        %while3A_237 = arith.muli %while3A_236, %while3A_235 : i32
        %while3A_238 = arith.addi %while3A_232, %while3A_237 : i32
        %while3A_239 = arith.constant 1 : i32
        %while3A_240 = scf.for %while3A_265 = %while3A_232 to %while3A_238 step %while3A_239 iter_args(%while3A_266 = %broadcast_in_dim3A_3) -> (vector<16xi32>)  : i32 {
          %mul3A_267 = arith.constant 16 : i32
          %mul3A_268 = arith.muli %while3A_265, %mul3A_267 : i32
          %add3A_269 = vector.broadcast %mul3A_268 : i32 to vector<16xi32>
          %add3A_270 = arith.addi %add3A_269, %iota3A : vector<16xi32>
          %and3A_271 = arith.constant 511 : i32
          %and3A_272 = vector.broadcast %and3A_271 : i32 to vector<16xi32>
          %and3A_273 = arith.andi %add3A_270, %and3A_272 : vector<16xi32>
          %gather3A_274 = tpu.vector_load_idx %arg13[%and3A_273] : memref<512xi32, #tpu.memory_space<vmem>>[vector<16xi32>], vector<16xi32>,
          %lt3A_275 = vector.broadcast %min3A_99 : i32 to vector<16xi32>
          %lt3A_276 = arith.cmpi slt, %add3A_270, %lt3A_275 : vector<16xi32>
          %jit3A = arith.constant -2147483648 : i32
          %broadcast_in_dim3A_277 = vector.broadcast %jit3A : i32 to vector<16xi32>
          %select_n3A = arith.select %lt3A_276, %gather3A_274, %broadcast_in_dim3A_277 : vector<16xi1>, vector<16xi32>
          %lt3A_278 = arith.constant 0 : i32
          %lt3A_279 = vector.broadcast %lt3A_278 : i32 to vector<16xi32>
          %lt3A_280 = arith.cmpi slt, %and3A_114, %lt3A_279 : vector<16xi32>
          %add3A_281 = arith.constant 16 : i32
          %add3A_282 = vector.broadcast %add3A_281 : i32 to vector<16xi32>
          %add3A_283 = arith.addi %and3A_114, %add3A_282 : vector<16xi32>
          %select_n3A_284 = arith.select %lt3A_280, %add3A_283, %and3A_114 : vector<16xi1>, vector<16xi32>
          %broadcast_in_dim3A_285 = vector.shape_cast %select_n3A_284 : vector<16xi32> to vector<16x1xi32>
          %gather3A_286 = vector.shape_cast %broadcast_in_dim3A_285 : vector<16x1xi32> to vector<16xi32>
          %gather3A_287 = tpu.dynamic_gather %select_n3A[%gather3A_286] in [0] : vector<16xi32>, vector<16xi32> -> vector<16xi32>
          %mul3A_288 = arith.constant 16 : i32
          %mul3A_289 = arith.muli %while3A_265, %mul3A_288 : i32
          %add3A_290 = vector.broadcast %mul3A_289 : i32 to vector<16xi32>
          %add3A_291 = arith.addi %add3A_290, %and3A_114 : vector<16xi32>
          %gt3A = arith.cmpi sgt, %gather3A_287, %gather3A : vector<16xi32>
          %eq3A = arith.cmpi eq, %gather3A_287, %gather3A : vector<16xi32>
          %lt3A_292 = arith.cmpi slt, %add3A_291, %add3A_227 : vector<16xi32>
          %and3A_293 = arith.andi %eq3A, %lt3A_292 : vector<16xi1>
          %ne3A = arith.constant -2147483648 : i32
          %ne3A_294 = vector.broadcast %ne3A : i32 to vector<16xi32>
          %ne3A_295 = arith.cmpi ne, %gather3A_287, %ne3A_294 : vector<16xi32>
          %and3A_296 = arith.andi %and3A_293, %ne3A_295 : vector<16xi1>
          %or3A_297 = arith.ori %gt3A, %and3A_296 : vector<16xi1>
          %jit3A_298 = arith.constant 1 : i32
          %jit3A_299 = arith.constant 0 : i32
          %broadcast_in_dim3A_300 = vector.broadcast %jit3A_298 : i32 to vector<16xi32>
          %broadcast_in_dim3A_301 = vector.broadcast %jit3A_299 : i32 to vector<16xi32>
          %select_n3A_302 = arith.select %or3A_297, %broadcast_in_dim3A_300, %broadcast_in_dim3A_301 : vector<16xi1>, vector<16xi32>
          %add3A_303 = arith.addi %while3A_266, %select_n3A_302 : vector<16xi32>
          %lt3A_304 = arith.constant 0 : i32
          %lt3A_305 = vector.broadcast %lt3A_304 : i32 to vector<16xi32>
          %lt3A_306 = arith.cmpi slt, %and3A_120, %lt3A_305 : vector<16xi32>
          %add3A_307 = arith.constant 16 : i32
          %add3A_308 = vector.broadcast %add3A_307 : i32 to vector<16xi32>
          %add3A_309 = arith.addi %and3A_120, %add3A_308 : vector<16xi32>
          %select_n3A_310 = arith.select %lt3A_306, %add3A_309, %and3A_120 : vector<16xi1>, vector<16xi32>
          %broadcast_in_dim3A_311 = vector.shape_cast %select_n3A_310 : vector<16xi32> to vector<16x1xi32>
          %gather3A_312 = vector.shape_cast %broadcast_in_dim3A_311 : vector<16x1xi32> to vector<16xi32>
          %gather3A_313 = tpu.dynamic_gather %select_n3A[%gather3A_312] in [0] : vector<16xi32>, vector<16xi32> -> vector<16xi32>
          %mul3A_314 = arith.constant 16 : i32
          %mul3A_315 = arith.muli %while3A_265, %mul3A_314 : i32
          %add3A_316 = vector.broadcast %mul3A_315 : i32 to vector<16xi32>
          %add3A_317 = arith.addi %add3A_316, %and3A_120 : vector<16xi32>
          %gt3A_318 = arith.cmpi sgt, %gather3A_313, %gather3A : vector<16xi32>
          %eq3A_319 = arith.cmpi eq, %gather3A_313, %gather3A : vector<16xi32>
          %lt3A_320 = arith.cmpi slt, %add3A_317, %add3A_227 : vector<16xi32>
          %and3A_321 = arith.andi %eq3A_319, %lt3A_320 : vector<16xi1>
          %ne3A_322 = arith.constant -2147483648 : i32
          %ne3A_323 = vector.broadcast %ne3A_322 : i32 to vector<16xi32>
          %ne3A_324 = arith.cmpi ne, %gather3A_313, %ne3A_323 : vector<16xi32>
          %and3A_325 = arith.andi %and3A_321, %ne3A_324 : vector<16xi1>
          %or3A_326 = arith.ori %gt3A_318, %and3A_325 : vector<16xi1>
          %jit3A_327 = arith.constant 1 : i32
          %jit3A_328 = arith.constant 0 : i32
          %broadcast_in_dim3A_329 = vector.broadcast %jit3A_327 : i32 to vector<16xi32>
          %broadcast_in_dim3A_330 = vector.broadcast %jit3A_328 : i32 to vector<16xi32>
          %select_n3A_331 = arith.select %or3A_326, %broadcast_in_dim3A_329, %broadcast_in_dim3A_330 : vector<16xi1>, vector<16xi32>
          %add3A_332 = arith.addi %add3A_303, %select_n3A_331 : vector<16xi32>
          %lt3A_333 = arith.constant 0 : i32
          %lt3A_334 = vector.broadcast %lt3A_333 : i32 to vector<16xi32>
          %lt3A_335 = arith.cmpi slt, %and3A_126, %lt3A_334 : vector<16xi32>
          %add3A_336 = arith.constant 16 : i32
          %add3A_337 = vector.broadcast %add3A_336 : i32 to vector<16xi32>
          %add3A_338 = arith.addi %and3A_126, %add3A_337 : vector<16xi32>
          %select_n3A_339 = arith.select %lt3A_335, %add3A_338, %and3A_126 : vector<16xi1>, vector<16xi32>
          %broadcast_in_dim3A_340 = vector.shape_cast %select_n3A_339 : vector<16xi32> to vector<16x1xi32>
          %gather3A_341 = vector.shape_cast %broadcast_in_dim3A_340 : vector<16x1xi32> to vector<16xi32>
          %gather3A_342 = tpu.dynamic_gather %select_n3A[%gather3A_341] in [0] : vector<16xi32>, vector<16xi32> -> vector<16xi32>
          %mul3A_343 = arith.constant 16 : i32
          %mul3A_344 = arith.muli %while3A_265, %mul3A_343 : i32
          %add3A_345 = vector.broadcast %mul3A_344 : i32 to vector<16xi32>
          %add3A_346 = arith.addi %add3A_345, %and3A_126 : vector<16xi32>
          %gt3A_347 = arith.cmpi sgt, %gather3A_342, %gather3A : vector<16xi32>
          %eq3A_348 = arith.cmpi eq, %gather3A_342, %gather3A : vector<16xi32>
          %lt3A_349 = arith.cmpi slt, %add3A_346, %add3A_227 : vector<16xi32>
          %and3A_350 = arith.andi %eq3A_348, %lt3A_349 : vector<16xi1>
          %ne3A_351 = arith.constant -2147483648 : i32
          %ne3A_352 = vector.broadcast %ne3A_351 : i32 to vector<16xi32>
          %ne3A_353 = arith.cmpi ne, %gather3A_342, %ne3A_352 : vector<16xi32>
          %and3A_354 = arith.andi %and3A_350, %ne3A_353 : vector<16xi1>
          %or3A_355 = arith.ori %gt3A_347, %and3A_354 : vector<16xi1>
          %jit3A_356 = arith.constant 1 : i32
          %jit3A_357 = arith.constant 0 : i32
          %broadcast_in_dim3A_358 = vector.broadcast %jit3A_356 : i32 to vector<16xi32>
          %broadcast_in_dim3A_359 = vector.broadcast %jit3A_357 : i32 to vector<16xi32>
          %select_n3A_360 = arith.select %or3A_355, %broadcast_in_dim3A_358, %broadcast_in_dim3A_359 : vector<16xi1>, vector<16xi32>
          %add3A_361 = arith.addi %add3A_332, %select_n3A_360 : vector<16xi32>
          %lt3A_362 = arith.constant 0 : i32
          %lt3A_363 = vector.broadcast %lt3A_362 : i32 to vector<16xi32>
          %lt3A_364 = arith.cmpi slt, %and3A_132, %lt3A_363 : vector<16xi32>
          %add3A_365 = arith.constant 16 : i32
          %add3A_366 = vector.broadcast %add3A_365 : i32 to vector<16xi32>
          %add3A_367 = arith.addi %and3A_132, %add3A_366 : vector<16xi32>
          %select_n3A_368 = arith.select %lt3A_364, %add3A_367, %and3A_132 : vector<16xi1>, vector<16xi32>
          %broadcast_in_dim3A_369 = vector.shape_cast %select_n3A_368 : vector<16xi32> to vector<16x1xi32>
          %gather3A_370 = vector.shape_cast %broadcast_in_dim3A_369 : vector<16x1xi32> to vector<16xi32>
          %gather3A_371 = tpu.dynamic_gather %select_n3A[%gather3A_370] in [0] : vector<16xi32>, vector<16xi32> -> vector<16xi32>
          %mul3A_372 = arith.constant 16 : i32
          %mul3A_373 = arith.muli %while3A_265, %mul3A_372 : i32
          %add3A_374 = vector.broadcast %mul3A_373 : i32 to vector<16xi32>
          %add3A_375 = arith.addi %add3A_374, %and3A_132 : vector<16xi32>
          %gt3A_376 = arith.cmpi sgt, %gather3A_371, %gather3A : vector<16xi32>
          %eq3A_377 = arith.cmpi eq, %gather3A_371, %gather3A : vector<16xi32>
          %lt3A_378 = arith.cmpi slt, %add3A_375, %add3A_227 : vector<16xi32>
          %and3A_379 = arith.andi %eq3A_377, %lt3A_378 : vector<16xi1>
          %ne3A_380 = arith.constant -2147483648 : i32
          %ne3A_381 = vector.broadcast %ne3A_380 : i32 to vector<16xi32>
          %ne3A_382 = arith.cmpi ne, %gather3A_371, %ne3A_381 : vector<16xi32>
          %and3A_383 = arith.andi %and3A_379, %ne3A_382 : vector<16xi1>
          %or3A_384 = arith.ori %gt3A_376, %and3A_383 : vector<16xi1>
          %jit3A_385 = arith.constant 1 : i32
          %jit3A_386 = arith.constant 0 : i32
          %broadcast_in_dim3A_387 = vector.broadcast %jit3A_385 : i32 to vector<16xi32>
          %broadcast_in_dim3A_388 = vector.broadcast %jit3A_386 : i32 to vector<16xi32>
          %select_n3A_389 = arith.select %or3A_384, %broadcast_in_dim3A_387, %broadcast_in_dim3A_388 : vector<16xi1>, vector<16xi32>
          %add3A_390 = arith.addi %add3A_361, %select_n3A_389 : vector<16xi32>
          %lt3A_391 = arith.constant 0 : i32
          %lt3A_392 = vector.broadcast %lt3A_391 : i32 to vector<16xi32>
          %lt3A_393 = arith.cmpi slt, %and3A_138, %lt3A_392 : vector<16xi32>
          %add3A_394 = arith.constant 16 : i32
          %add3A_395 = vector.broadcast %add3A_394 : i32 to vector<16xi32>
          %add3A_396 = arith.addi %and3A_138, %add3A_395 : vector<16xi32>
          %select_n3A_397 = arith.select %lt3A_393, %add3A_396, %and3A_138 : vector<16xi1>, vector<16xi32>
          %broadcast_in_dim3A_398 = vector.shape_cast %select_n3A_397 : vector<16xi32> to vector<16x1xi32>
          %gather3A_399 = vector.shape_cast %broadcast_in_dim3A_398 : vector<16x1xi32> to vector<16xi32>
          %gather3A_400 = tpu.dynamic_gather %select_n3A[%gather3A_399] in [0] : vector<16xi32>, vector<16xi32> -> vector<16xi32>
          %mul3A_401 = arith.constant 16 : i32
          %mul3A_402 = arith.muli %while3A_265, %mul3A_401 : i32
          %add3A_403 = vector.broadcast %mul3A_402 : i32 to vector<16xi32>
          %add3A_404 = arith.addi %add3A_403, %and3A_138 : vector<16xi32>
          %gt3A_405 = arith.cmpi sgt, %gather3A_400, %gather3A : vector<16xi32>
          %eq3A_406 = arith.cmpi eq, %gather3A_400, %gather3A : vector<16xi32>
          %lt3A_407 = arith.cmpi slt, %add3A_404, %add3A_227 : vector<16xi32>
          %and3A_408 = arith.andi %eq3A_406, %lt3A_407 : vector<16xi1>
          %ne3A_409 = arith.constant -2147483648 : i32
          %ne3A_410 = vector.broadcast %ne3A_409 : i32 to vector<16xi32>
          %ne3A_411 = arith.cmpi ne, %gather3A_400, %ne3A_410 : vector<16xi32>
          %and3A_412 = arith.andi %and3A_408, %ne3A_411 : vector<16xi1>
          %or3A_413 = arith.ori %gt3A_405, %and3A_412 : vector<16xi1>
          %jit3A_414 = arith.constant 1 : i32
          %jit3A_415 = arith.constant 0 : i32
          %broadcast_in_dim3A_416 = vector.broadcast %jit3A_414 : i32 to vector<16xi32>
          %broadcast_in_dim3A_417 = vector.broadcast %jit3A_415 : i32 to vector<16xi32>
          %select_n3A_418 = arith.select %or3A_413, %broadcast_in_dim3A_416, %broadcast_in_dim3A_417 : vector<16xi1>, vector<16xi32>
          %add3A_419 = arith.addi %add3A_390, %select_n3A_418 : vector<16xi32>
          %lt3A_420 = arith.constant 0 : i32
          %lt3A_421 = vector.broadcast %lt3A_420 : i32 to vector<16xi32>
          %lt3A_422 = arith.cmpi slt, %and3A_144, %lt3A_421 : vector<16xi32>
          %add3A_423 = arith.constant 16 : i32
          %add3A_424 = vector.broadcast %add3A_423 : i32 to vector<16xi32>
          %add3A_425 = arith.addi %and3A_144, %add3A_424 : vector<16xi32>
          %select_n3A_426 = arith.select %lt3A_422, %add3A_425, %and3A_144 : vector<16xi1>, vector<16xi32>
          %broadcast_in_dim3A_427 = vector.shape_cast %select_n3A_426 : vector<16xi32> to vector<16x1xi32>
          %gather3A_428 = vector.shape_cast %broadcast_in_dim3A_427 : vector<16x1xi32> to vector<16xi32>
          %gather3A_429 = tpu.dynamic_gather %select_n3A[%gather3A_428] in [0] : vector<16xi32>, vector<16xi32> -> vector<16xi32>
          %mul3A_430 = arith.constant 16 : i32
          %mul3A_431 = arith.muli %while3A_265, %mul3A_430 : i32
          %add3A_432 = vector.broadcast %mul3A_431 : i32 to vector<16xi32>
          %add3A_433 = arith.addi %add3A_432, %and3A_144 : vector<16xi32>
          %gt3A_434 = arith.cmpi sgt, %gather3A_429, %gather3A : vector<16xi32>
          %eq3A_435 = arith.cmpi eq, %gather3A_429, %gather3A : vector<16xi32>
          %lt3A_436 = arith.cmpi slt, %add3A_433, %add3A_227 : vector<16xi32>
          %and3A_437 = arith.andi %eq3A_435, %lt3A_436 : vector<16xi1>
          %ne3A_438 = arith.constant -2147483648 : i32
          %ne3A_439 = vector.broadcast %ne3A_438 : i32 to vector<16xi32>
          %ne3A_440 = arith.cmpi ne, %gather3A_429, %ne3A_439 : vector<16xi32>
          %and3A_441 = arith.andi %and3A_437, %ne3A_440 : vector<16xi1>
          %or3A_442 = arith.ori %gt3A_434, %and3A_441 : vector<16xi1>
          %jit3A_443 = arith.constant 1 : i32
          %jit3A_444 = arith.constant 0 : i32
          %broadcast_in_dim3A_445 = vector.broadcast %jit3A_443 : i32 to vector<16xi32>
          %broadcast_in_dim3A_446 = vector.broadcast %jit3A_444 : i32 to vector<16xi32>
          %select_n3A_447 = arith.select %or3A_442, %broadcast_in_dim3A_445, %broadcast_in_dim3A_446 : vector<16xi1>, vector<16xi32>
          %add3A_448 = arith.addi %add3A_419, %select_n3A_447 : vector<16xi32>
          %lt3A_449 = arith.constant 0 : i32
          %lt3A_450 = vector.broadcast %lt3A_449 : i32 to vector<16xi32>
          %lt3A_451 = arith.cmpi slt, %and3A_150, %lt3A_450 : vector<16xi32>
          %add3A_452 = arith.constant 16 : i32
          %add3A_453 = vector.broadcast %add3A_452 : i32 to vector<16xi32>
          %add3A_454 = arith.addi %and3A_150, %add3A_453 : vector<16xi32>
          %select_n3A_455 = arith.select %lt3A_451, %add3A_454, %and3A_150 : vector<16xi1>, vector<16xi32>
          %broadcast_in_dim3A_456 = vector.shape_cast %select_n3A_455 : vector<16xi32> to vector<16x1xi32>
          %gather3A_457 = vector.shape_cast %broadcast_in_dim3A_456 : vector<16x1xi32> to vector<16xi32>
          %gather3A_458 = tpu.dynamic_gather %select_n3A[%gather3A_457] in [0] : vector<16xi32>, vector<16xi32> -> vector<16xi32>
          %mul3A_459 = arith.constant 16 : i32
          %mul3A_460 = arith.muli %while3A_265, %mul3A_459 : i32
          %add3A_461 = vector.broadcast %mul3A_460 : i32 to vector<16xi32>
          %add3A_462 = arith.addi %add3A_461, %and3A_150 : vector<16xi32>
          %gt3A_463 = arith.cmpi sgt, %gather3A_458, %gather3A : vector<16xi32>
          %eq3A_464 = arith.cmpi eq, %gather3A_458, %gather3A : vector<16xi32>
          %lt3A_465 = arith.cmpi slt, %add3A_462, %add3A_227 : vector<16xi32>
          %and3A_466 = arith.andi %eq3A_464, %lt3A_465 : vector<16xi1>
          %ne3A_467 = arith.constant -2147483648 : i32
          %ne3A_468 = vector.broadcast %ne3A_467 : i32 to vector<16xi32>
          %ne3A_469 = arith.cmpi ne, %gather3A_458, %ne3A_468 : vector<16xi32>
          %and3A_470 = arith.andi %and3A_466, %ne3A_469 : vector<16xi1>
          %or3A_471 = arith.ori %gt3A_463, %and3A_470 : vector<16xi1>
          %jit3A_472 = arith.constant 1 : i32
          %jit3A_473 = arith.constant 0 : i32
          %broadcast_in_dim3A_474 = vector.broadcast %jit3A_472 : i32 to vector<16xi32>
          %broadcast_in_dim3A_475 = vector.broadcast %jit3A_473 : i32 to vector<16xi32>
          %select_n3A_476 = arith.select %or3A_471, %broadcast_in_dim3A_474, %broadcast_in_dim3A_475 : vector<16xi1>, vector<16xi32>
          %add3A_477 = arith.addi %add3A_448, %select_n3A_476 : vector<16xi32>
          %lt3A_478 = arith.constant 0 : i32
          %lt3A_479 = vector.broadcast %lt3A_478 : i32 to vector<16xi32>
          %lt3A_480 = arith.cmpi slt, %and3A_156, %lt3A_479 : vector<16xi32>
          %add3A_481 = arith.constant 16 : i32
          %add3A_482 = vector.broadcast %add3A_481 : i32 to vector<16xi32>
          %add3A_483 = arith.addi %and3A_156, %add3A_482 : vector<16xi32>
          %select_n3A_484 = arith.select %lt3A_480, %add3A_483, %and3A_156 : vector<16xi1>, vector<16xi32>
          %broadcast_in_dim3A_485 = vector.shape_cast %select_n3A_484 : vector<16xi32> to vector<16x1xi32>
          %gather3A_486 = vector.shape_cast %broadcast_in_dim3A_485 : vector<16x1xi32> to vector<16xi32>
          %gather3A_487 = tpu.dynamic_gather %select_n3A[%gather3A_486] in [0] : vector<16xi32>, vector<16xi32> -> vector<16xi32>
          %mul3A_488 = arith.constant 16 : i32
          %mul3A_489 = arith.muli %while3A_265, %mul3A_488 : i32
          %add3A_490 = vector.broadcast %mul3A_489 : i32 to vector<16xi32>
          %add3A_491 = arith.addi %add3A_490, %and3A_156 : vector<16xi32>
          %gt3A_492 = arith.cmpi sgt, %gather3A_487, %gather3A : vector<16xi32>
          %eq3A_493 = arith.cmpi eq, %gather3A_487, %gather3A : vector<16xi32>
          %lt3A_494 = arith.cmpi slt, %add3A_491, %add3A_227 : vector<16xi32>
          %and3A_495 = arith.andi %eq3A_493, %lt3A_494 : vector<16xi1>
          %ne3A_496 = arith.constant -2147483648 : i32
          %ne3A_497 = vector.broadcast %ne3A_496 : i32 to vector<16xi32>
          %ne3A_498 = arith.cmpi ne, %gather3A_487, %ne3A_497 : vector<16xi32>
          %and3A_499 = arith.andi %and3A_495, %ne3A_498 : vector<16xi1>
          %or3A_500 = arith.ori %gt3A_492, %and3A_499 : vector<16xi1>
          %jit3A_501 = arith.constant 1 : i32
          %jit3A_502 = arith.constant 0 : i32
          %broadcast_in_dim3A_503 = vector.broadcast %jit3A_501 : i32 to vector<16xi32>
          %broadcast_in_dim3A_504 = vector.broadcast %jit3A_502 : i32 to vector<16xi32>
          %select_n3A_505 = arith.select %or3A_500, %broadcast_in_dim3A_503, %broadcast_in_dim3A_504 : vector<16xi1>, vector<16xi32>
          %add3A_506 = arith.addi %add3A_477, %select_n3A_505 : vector<16xi32>
          %lt3A_507 = arith.constant 0 : i32
          %lt3A_508 = vector.broadcast %lt3A_507 : i32 to vector<16xi32>
          %lt3A_509 = arith.cmpi slt, %and3A_162, %lt3A_508 : vector<16xi32>
          %add3A_510 = arith.constant 16 : i32
          %add3A_511 = vector.broadcast %add3A_510 : i32 to vector<16xi32>
          %add3A_512 = arith.addi %and3A_162, %add3A_511 : vector<16xi32>
          %select_n3A_513 = arith.select %lt3A_509, %add3A_512, %and3A_162 : vector<16xi1>, vector<16xi32>
          %broadcast_in_dim3A_514 = vector.shape_cast %select_n3A_513 : vector<16xi32> to vector<16x1xi32>
          %gather3A_515 = vector.shape_cast %broadcast_in_dim3A_514 : vector<16x1xi32> to vector<16xi32>
          %gather3A_516 = tpu.dynamic_gather %select_n3A[%gather3A_515] in [0] : vector<16xi32>, vector<16xi32> -> vector<16xi32>
          %mul3A_517 = arith.constant 16 : i32
          %mul3A_518 = arith.muli %while3A_265, %mul3A_517 : i32
          %add3A_519 = vector.broadcast %mul3A_518 : i32 to vector<16xi32>
          %add3A_520 = arith.addi %add3A_519, %and3A_162 : vector<16xi32>
          %gt3A_521 = arith.cmpi sgt, %gather3A_516, %gather3A : vector<16xi32>
          %eq3A_522 = arith.cmpi eq, %gather3A_516, %gather3A : vector<16xi32>
          %lt3A_523 = arith.cmpi slt, %add3A_520, %add3A_227 : vector<16xi32>
          %and3A_524 = arith.andi %eq3A_522, %lt3A_523 : vector<16xi1>
          %ne3A_525 = arith.constant -2147483648 : i32
          %ne3A_526 = vector.broadcast %ne3A_525 : i32 to vector<16xi32>
          %ne3A_527 = arith.cmpi ne, %gather3A_516, %ne3A_526 : vector<16xi32>
          %and3A_528 = arith.andi %and3A_524, %ne3A_527 : vector<16xi1>
          %or3A_529 = arith.ori %gt3A_521, %and3A_528 : vector<16xi1>
          %jit3A_530 = arith.constant 1 : i32
          %jit3A_531 = arith.constant 0 : i32
          %broadcast_in_dim3A_532 = vector.broadcast %jit3A_530 : i32 to vector<16xi32>
          %broadcast_in_dim3A_533 = vector.broadcast %jit3A_531 : i32 to vector<16xi32>
          %select_n3A_534 = arith.select %or3A_529, %broadcast_in_dim3A_532, %broadcast_in_dim3A_533 : vector<16xi1>, vector<16xi32>
          %add3A_535 = arith.addi %add3A_506, %select_n3A_534 : vector<16xi32>
          %lt3A_536 = arith.constant 0 : i32
          %lt3A_537 = vector.broadcast %lt3A_536 : i32 to vector<16xi32>
          %lt3A_538 = arith.cmpi slt, %and3A_168, %lt3A_537 : vector<16xi32>
          %add3A_539 = arith.constant 16 : i32
          %add3A_540 = vector.broadcast %add3A_539 : i32 to vector<16xi32>
          %add3A_541 = arith.addi %and3A_168, %add3A_540 : vector<16xi32>
          %select_n3A_542 = arith.select %lt3A_538, %add3A_541, %and3A_168 : vector<16xi1>, vector<16xi32>
          %broadcast_in_dim3A_543 = vector.shape_cast %select_n3A_542 : vector<16xi32> to vector<16x1xi32>
          %gather3A_544 = vector.shape_cast %broadcast_in_dim3A_543 : vector<16x1xi32> to vector<16xi32>
          %gather3A_545 = tpu.dynamic_gather %select_n3A[%gather3A_544] in [0] : vector<16xi32>, vector<16xi32> -> vector<16xi32>
          %mul3A_546 = arith.constant 16 : i32
          %mul3A_547 = arith.muli %while3A_265, %mul3A_546 : i32
          %add3A_548 = vector.broadcast %mul3A_547 : i32 to vector<16xi32>
          %add3A_549 = arith.addi %add3A_548, %and3A_168 : vector<16xi32>
          %gt3A_550 = arith.cmpi sgt, %gather3A_545, %gather3A : vector<16xi32>
          %eq3A_551 = arith.cmpi eq, %gather3A_545, %gather3A : vector<16xi32>
          %lt3A_552 = arith.cmpi slt, %add3A_549, %add3A_227 : vector<16xi32>
          %and3A_553 = arith.andi %eq3A_551, %lt3A_552 : vector<16xi1>
          %ne3A_554 = arith.constant -2147483648 : i32
          %ne3A_555 = vector.broadcast %ne3A_554 : i32 to vector<16xi32>
          %ne3A_556 = arith.cmpi ne, %gather3A_545, %ne3A_555 : vector<16xi32>
          %and3A_557 = arith.andi %and3A_553, %ne3A_556 : vector<16xi1>
          %or3A_558 = arith.ori %gt3A_550, %and3A_557 : vector<16xi1>
          %jit3A_559 = arith.constant 1 : i32
          %jit3A_560 = arith.constant 0 : i32
          %broadcast_in_dim3A_561 = vector.broadcast %jit3A_559 : i32 to vector<16xi32>
          %broadcast_in_dim3A_562 = vector.broadcast %jit3A_560 : i32 to vector<16xi32>
          %select_n3A_563 = arith.select %or3A_558, %broadcast_in_dim3A_561, %broadcast_in_dim3A_562 : vector<16xi1>, vector<16xi32>
          %add3A_564 = arith.addi %add3A_535, %select_n3A_563 : vector<16xi32>
          %lt3A_565 = arith.constant 0 : i32
          %lt3A_566 = vector.broadcast %lt3A_565 : i32 to vector<16xi32>
          %lt3A_567 = arith.cmpi slt, %and3A_174, %lt3A_566 : vector<16xi32>
          %add3A_568 = arith.constant 16 : i32
          %add3A_569 = vector.broadcast %add3A_568 : i32 to vector<16xi32>
          %add3A_570 = arith.addi %and3A_174, %add3A_569 : vector<16xi32>
          %select_n3A_571 = arith.select %lt3A_567, %add3A_570, %and3A_174 : vector<16xi1>, vector<16xi32>
          %broadcast_in_dim3A_572 = vector.shape_cast %select_n3A_571 : vector<16xi32> to vector<16x1xi32>
          %gather3A_573 = vector.shape_cast %broadcast_in_dim3A_572 : vector<16x1xi32> to vector<16xi32>
          %gather3A_574 = tpu.dynamic_gather %select_n3A[%gather3A_573] in [0] : vector<16xi32>, vector<16xi32> -> vector<16xi32>
          %mul3A_575 = arith.constant 16 : i32
          %mul3A_576 = arith.muli %while3A_265, %mul3A_575 : i32
          %add3A_577 = vector.broadcast %mul3A_576 : i32 to vector<16xi32>
          %add3A_578 = arith.addi %add3A_577, %and3A_174 : vector<16xi32>
          %gt3A_579 = arith.cmpi sgt, %gather3A_574, %gather3A : vector<16xi32>
          %eq3A_580 = arith.cmpi eq, %gather3A_574, %gather3A : vector<16xi32>
          %lt3A_581 = arith.cmpi slt, %add3A_578, %add3A_227 : vector<16xi32>
          %and3A_582 = arith.andi %eq3A_580, %lt3A_581 : vector<16xi1>
          %ne3A_583 = arith.constant -2147483648 : i32
          %ne3A_584 = vector.broadcast %ne3A_583 : i32 to vector<16xi32>
          %ne3A_585 = arith.cmpi ne, %gather3A_574, %ne3A_584 : vector<16xi32>
          %and3A_586 = arith.andi %and3A_582, %ne3A_585 : vector<16xi1>
          %or3A_587 = arith.ori %gt3A_579, %and3A_586 : vector<16xi1>
          %jit3A_588 = arith.constant 1 : i32
          %jit3A_589 = arith.constant 0 : i32
          %broadcast_in_dim3A_590 = vector.broadcast %jit3A_588 : i32 to vector<16xi32>
          %broadcast_in_dim3A_591 = vector.broadcast %jit3A_589 : i32 to vector<16xi32>
          %select_n3A_592 = arith.select %or3A_587, %broadcast_in_dim3A_590, %broadcast_in_dim3A_591 : vector<16xi1>, vector<16xi32>
          %add3A_593 = arith.addi %add3A_564, %select_n3A_592 : vector<16xi32>
          %lt3A_594 = arith.constant 0 : i32
          %lt3A_595 = vector.broadcast %lt3A_594 : i32 to vector<16xi32>
          %lt3A_596 = arith.cmpi slt, %and3A_180, %lt3A_595 : vector<16xi32>
          %add3A_597 = arith.constant 16 : i32
          %add3A_598 = vector.broadcast %add3A_597 : i32 to vector<16xi32>
          %add3A_599 = arith.addi %and3A_180, %add3A_598 : vector<16xi32>
          %select_n3A_600 = arith.select %lt3A_596, %add3A_599, %and3A_180 : vector<16xi1>, vector<16xi32>
          %broadcast_in_dim3A_601 = vector.shape_cast %select_n3A_600 : vector<16xi32> to vector<16x1xi32>
          %gather3A_602 = vector.shape_cast %broadcast_in_dim3A_601 : vector<16x1xi32> to vector<16xi32>
          %gather3A_603 = tpu.dynamic_gather %select_n3A[%gather3A_602] in [0] : vector<16xi32>, vector<16xi32> -> vector<16xi32>
          %mul3A_604 = arith.constant 16 : i32
          %mul3A_605 = arith.muli %while3A_265, %mul3A_604 : i32
          %add3A_606 = vector.broadcast %mul3A_605 : i32 to vector<16xi32>
          %add3A_607 = arith.addi %add3A_606, %and3A_180 : vector<16xi32>
          %gt3A_608 = arith.cmpi sgt, %gather3A_603, %gather3A : vector<16xi32>
          %eq3A_609 = arith.cmpi eq, %gather3A_603, %gather3A : vector<16xi32>
          %lt3A_610 = arith.cmpi slt, %add3A_607, %add3A_227 : vector<16xi32>
          %and3A_611 = arith.andi %eq3A_609, %lt3A_610 : vector<16xi1>
          %ne3A_612 = arith.constant -2147483648 : i32
          %ne3A_613 = vector.broadcast %ne3A_612 : i32 to vector<16xi32>
          %ne3A_614 = arith.cmpi ne, %gather3A_603, %ne3A_613 : vector<16xi32>
          %and3A_615 = arith.andi %and3A_611, %ne3A_614 : vector<16xi1>
          %or3A_616 = arith.ori %gt3A_608, %and3A_615 : vector<16xi1>
          %jit3A_617 = arith.constant 1 : i32
          %jit3A_618 = arith.constant 0 : i32
          %broadcast_in_dim3A_619 = vector.broadcast %jit3A_617 : i32 to vector<16xi32>
          %broadcast_in_dim3A_620 = vector.broadcast %jit3A_618 : i32 to vector<16xi32>
          %select_n3A_621 = arith.select %or3A_616, %broadcast_in_dim3A_619, %broadcast_in_dim3A_620 : vector<16xi1>, vector<16xi32>
          %add3A_622 = arith.addi %add3A_593, %select_n3A_621 : vector<16xi32>
          %lt3A_623 = arith.constant 0 : i32
          %lt3A_624 = vector.broadcast %lt3A_623 : i32 to vector<16xi32>
          %lt3A_625 = arith.cmpi slt, %and3A_186, %lt3A_624 : vector<16xi32>
          %add3A_626 = arith.constant 16 : i32
          %add3A_627 = vector.broadcast %add3A_626 : i32 to vector<16xi32>
          %add3A_628 = arith.addi %and3A_186, %add3A_627 : vector<16xi32>
          %select_n3A_629 = arith.select %lt3A_625, %add3A_628, %and3A_186 : vector<16xi1>, vector<16xi32>
          %broadcast_in_dim3A_630 = vector.shape_cast %select_n3A_629 : vector<16xi32> to vector<16x1xi32>
          %gather3A_631 = vector.shape_cast %broadcast_in_dim3A_630 : vector<16x1xi32> to vector<16xi32>
          %gather3A_632 = tpu.dynamic_gather %select_n3A[%gather3A_631] in [0] : vector<16xi32>, vector<16xi32> -> vector<16xi32>
          %mul3A_633 = arith.constant 16 : i32
          %mul3A_634 = arith.muli %while3A_265, %mul3A_633 : i32
          %add3A_635 = vector.broadcast %mul3A_634 : i32 to vector<16xi32>
          %add3A_636 = arith.addi %add3A_635, %and3A_186 : vector<16xi32>
          %gt3A_637 = arith.cmpi sgt, %gather3A_632, %gather3A : vector<16xi32>
          %eq3A_638 = arith.cmpi eq, %gather3A_632, %gather3A : vector<16xi32>
          %lt3A_639 = arith.cmpi slt, %add3A_636, %add3A_227 : vector<16xi32>
          %and3A_640 = arith.andi %eq3A_638, %lt3A_639 : vector<16xi1>
          %ne3A_641 = arith.constant -2147483648 : i32
          %ne3A_642 = vector.broadcast %ne3A_641 : i32 to vector<16xi32>
          %ne3A_643 = arith.cmpi ne, %gather3A_632, %ne3A_642 : vector<16xi32>
          %and3A_644 = arith.andi %and3A_640, %ne3A_643 : vector<16xi1>
          %or3A_645 = arith.ori %gt3A_637, %and3A_644 : vector<16xi1>
          %jit3A_646 = arith.constant 1 : i32
          %jit3A_647 = arith.constant 0 : i32
          %broadcast_in_dim3A_648 = vector.broadcast %jit3A_646 : i32 to vector<16xi32>
          %broadcast_in_dim3A_649 = vector.broadcast %jit3A_647 : i32 to vector<16xi32>
          %select_n3A_650 = arith.select %or3A_645, %broadcast_in_dim3A_648, %broadcast_in_dim3A_649 : vector<16xi1>, vector<16xi32>
          %add3A_651 = arith.addi %add3A_622, %select_n3A_650 : vector<16xi32>
          %lt3A_652 = arith.constant 0 : i32
          %lt3A_653 = vector.broadcast %lt3A_652 : i32 to vector<16xi32>
          %lt3A_654 = arith.cmpi slt, %and3A_192, %lt3A_653 : vector<16xi32>
          %add3A_655 = arith.constant 16 : i32
          %add3A_656 = vector.broadcast %add3A_655 : i32 to vector<16xi32>
          %add3A_657 = arith.addi %and3A_192, %add3A_656 : vector<16xi32>
          %select_n3A_658 = arith.select %lt3A_654, %add3A_657, %and3A_192 : vector<16xi1>, vector<16xi32>
          %broadcast_in_dim3A_659 = vector.shape_cast %select_n3A_658 : vector<16xi32> to vector<16x1xi32>
          %gather3A_660 = vector.shape_cast %broadcast_in_dim3A_659 : vector<16x1xi32> to vector<16xi32>
          %gather3A_661 = tpu.dynamic_gather %select_n3A[%gather3A_660] in [0] : vector<16xi32>, vector<16xi32> -> vector<16xi32>
          %mul3A_662 = arith.constant 16 : i32
          %mul3A_663 = arith.muli %while3A_265, %mul3A_662 : i32
          %add3A_664 = vector.broadcast %mul3A_663 : i32 to vector<16xi32>
          %add3A_665 = arith.addi %add3A_664, %and3A_192 : vector<16xi32>
          %gt3A_666 = arith.cmpi sgt, %gather3A_661, %gather3A : vector<16xi32>
          %eq3A_667 = arith.cmpi eq, %gather3A_661, %gather3A : vector<16xi32>
          %lt3A_668 = arith.cmpi slt, %add3A_665, %add3A_227 : vector<16xi32>
          %and3A_669 = arith.andi %eq3A_667, %lt3A_668 : vector<16xi1>
          %ne3A_670 = arith.constant -2147483648 : i32
          %ne3A_671 = vector.broadcast %ne3A_670 : i32 to vector<16xi32>
          %ne3A_672 = arith.cmpi ne, %gather3A_661, %ne3A_671 : vector<16xi32>
          %and3A_673 = arith.andi %and3A_669, %ne3A_672 : vector<16xi1>
          %or3A_674 = arith.ori %gt3A_666, %and3A_673 : vector<16xi1>
          %jit3A_675 = arith.constant 1 : i32
          %jit3A_676 = arith.constant 0 : i32
          %broadcast_in_dim3A_677 = vector.broadcast %jit3A_675 : i32 to vector<16xi32>
          %broadcast_in_dim3A_678 = vector.broadcast %jit3A_676 : i32 to vector<16xi32>
          %select_n3A_679 = arith.select %or3A_674, %broadcast_in_dim3A_677, %broadcast_in_dim3A_678 : vector<16xi1>, vector<16xi32>
          %add3A_680 = arith.addi %add3A_651, %select_n3A_679 : vector<16xi32>
          %lt3A_681 = arith.constant 0 : i32
          %lt3A_682 = vector.broadcast %lt3A_681 : i32 to vector<16xi32>
          %lt3A_683 = arith.cmpi slt, %and3A_198, %lt3A_682 : vector<16xi32>
          %add3A_684 = arith.constant 16 : i32
          %add3A_685 = vector.broadcast %add3A_684 : i32 to vector<16xi32>
          %add3A_686 = arith.addi %and3A_198, %add3A_685 : vector<16xi32>
          %select_n3A_687 = arith.select %lt3A_683, %add3A_686, %and3A_198 : vector<16xi1>, vector<16xi32>
          %broadcast_in_dim3A_688 = vector.shape_cast %select_n3A_687 : vector<16xi32> to vector<16x1xi32>
          %gather3A_689 = vector.shape_cast %broadcast_in_dim3A_688 : vector<16x1xi32> to vector<16xi32>
          %gather3A_690 = tpu.dynamic_gather %select_n3A[%gather3A_689] in [0] : vector<16xi32>, vector<16xi32> -> vector<16xi32>
          %mul3A_691 = arith.constant 16 : i32
          %mul3A_692 = arith.muli %while3A_265, %mul3A_691 : i32
          %add3A_693 = vector.broadcast %mul3A_692 : i32 to vector<16xi32>
          %add3A_694 = arith.addi %add3A_693, %and3A_198 : vector<16xi32>
          %gt3A_695 = arith.cmpi sgt, %gather3A_690, %gather3A : vector<16xi32>
          %eq3A_696 = arith.cmpi eq, %gather3A_690, %gather3A : vector<16xi32>
          %lt3A_697 = arith.cmpi slt, %add3A_694, %add3A_227 : vector<16xi32>
          %and3A_698 = arith.andi %eq3A_696, %lt3A_697 : vector<16xi1>
          %ne3A_699 = arith.constant -2147483648 : i32
          %ne3A_700 = vector.broadcast %ne3A_699 : i32 to vector<16xi32>
          %ne3A_701 = arith.cmpi ne, %gather3A_690, %ne3A_700 : vector<16xi32>
          %and3A_702 = arith.andi %and3A_698, %ne3A_701 : vector<16xi1>
          %or3A_703 = arith.ori %gt3A_695, %and3A_702 : vector<16xi1>
          %jit3A_704 = arith.constant 1 : i32
          %jit3A_705 = arith.constant 0 : i32
          %broadcast_in_dim3A_706 = vector.broadcast %jit3A_704 : i32 to vector<16xi32>
          %broadcast_in_dim3A_707 = vector.broadcast %jit3A_705 : i32 to vector<16xi32>
          %select_n3A_708 = arith.select %or3A_703, %broadcast_in_dim3A_706, %broadcast_in_dim3A_707 : vector<16xi1>, vector<16xi32>
          %add3A_709 = arith.addi %add3A_680, %select_n3A_708 : vector<16xi32>
          %lt3A_710 = arith.constant 0 : i32
          %lt3A_711 = vector.broadcast %lt3A_710 : i32 to vector<16xi32>
          %lt3A_712 = arith.cmpi slt, %and3A_204, %lt3A_711 : vector<16xi32>
          %add3A_713 = arith.constant 16 : i32
          %add3A_714 = vector.broadcast %add3A_713 : i32 to vector<16xi32>
          %add3A_715 = arith.addi %and3A_204, %add3A_714 : vector<16xi32>
          %select_n3A_716 = arith.select %lt3A_712, %add3A_715, %and3A_204 : vector<16xi1>, vector<16xi32>
          %broadcast_in_dim3A_717 = vector.shape_cast %select_n3A_716 : vector<16xi32> to vector<16x1xi32>
          %gather3A_718 = vector.shape_cast %broadcast_in_dim3A_717 : vector<16x1xi32> to vector<16xi32>
          %gather3A_719 = tpu.dynamic_gather %select_n3A[%gather3A_718] in [0] : vector<16xi32>, vector<16xi32> -> vector<16xi32>
          %mul3A_720 = arith.constant 16 : i32
          %mul3A_721 = arith.muli %while3A_265, %mul3A_720 : i32
          %add3A_722 = vector.broadcast %mul3A_721 : i32 to vector<16xi32>
          %add3A_723 = arith.addi %add3A_722, %and3A_204 : vector<16xi32>
          %gt3A_724 = arith.cmpi sgt, %gather3A_719, %gather3A : vector<16xi32>
          %eq3A_725 = arith.cmpi eq, %gather3A_719, %gather3A : vector<16xi32>
          %lt3A_726 = arith.cmpi slt, %add3A_723, %add3A_227 : vector<16xi32>
          %and3A_727 = arith.andi %eq3A_725, %lt3A_726 : vector<16xi1>
          %ne3A_728 = arith.constant -2147483648 : i32
          %ne3A_729 = vector.broadcast %ne3A_728 : i32 to vector<16xi32>
          %ne3A_730 = arith.cmpi ne, %gather3A_719, %ne3A_729 : vector<16xi32>
          %and3A_731 = arith.andi %and3A_727, %ne3A_730 : vector<16xi1>
          %or3A_732 = arith.ori %gt3A_724, %and3A_731 : vector<16xi1>
          %jit3A_733 = arith.constant 1 : i32
          %jit3A_734 = arith.constant 0 : i32
          %broadcast_in_dim3A_735 = vector.broadcast %jit3A_733 : i32 to vector<16xi32>
          %broadcast_in_dim3A_736 = vector.broadcast %jit3A_734 : i32 to vector<16xi32>
          %select_n3A_737 = arith.select %or3A_732, %broadcast_in_dim3A_735, %broadcast_in_dim3A_736 : vector<16xi1>, vector<16xi32>
          %add3A_738 = arith.addi %add3A_709, %select_n3A_737 : vector<16xi32>
          scf.yield %add3A_738 : vector<16xi32>
        }
        %while3A_241 = arith.constant 1 : i32
        %while3A_242 = scf.for %while3A_265 = %while3A_238 to %while3A_234 step %while3A_241 iter_args(%while3A_266 = %while3A_240) -> (vector<16xi32>)  : i32 {
          %mul3A_267 = arith.constant 16 : i32
          %mul3A_268 = arith.muli %while3A_265, %mul3A_267 : i32
          %add3A_269 = vector.broadcast %mul3A_268 : i32 to vector<16xi32>
          %add3A_270 = arith.addi %add3A_269, %iota3A : vector<16xi32>
          %and3A_271 = arith.constant 511 : i32
          %and3A_272 = vector.broadcast %and3A_271 : i32 to vector<16xi32>
          %and3A_273 = arith.andi %add3A_270, %and3A_272 : vector<16xi32>
          %gather3A_274 = tpu.vector_load_idx %arg13[%and3A_273] : memref<512xi32, #tpu.memory_space<vmem>>[vector<16xi32>], vector<16xi32>,
          %lt3A_275 = vector.broadcast %min3A_99 : i32 to vector<16xi32>
          %lt3A_276 = arith.cmpi slt, %add3A_270, %lt3A_275 : vector<16xi32>
          %jit3A = arith.constant -2147483648 : i32
          %broadcast_in_dim3A_277 = vector.broadcast %jit3A : i32 to vector<16xi32>
          %select_n3A = arith.select %lt3A_276, %gather3A_274, %broadcast_in_dim3A_277 : vector<16xi1>, vector<16xi32>
          %lt3A_278 = arith.constant 0 : i32
          %lt3A_279 = vector.broadcast %lt3A_278 : i32 to vector<16xi32>
          %lt3A_280 = arith.cmpi slt, %and3A_114, %lt3A_279 : vector<16xi32>
          %add3A_281 = arith.constant 16 : i32
          %add3A_282 = vector.broadcast %add3A_281 : i32 to vector<16xi32>
          %add3A_283 = arith.addi %and3A_114, %add3A_282 : vector<16xi32>
          %select_n3A_284 = arith.select %lt3A_280, %add3A_283, %and3A_114 : vector<16xi1>, vector<16xi32>
          %broadcast_in_dim3A_285 = vector.shape_cast %select_n3A_284 : vector<16xi32> to vector<16x1xi32>
          %gather3A_286 = vector.shape_cast %broadcast_in_dim3A_285 : vector<16x1xi32> to vector<16xi32>
          %gather3A_287 = tpu.dynamic_gather %select_n3A[%gather3A_286] in [0] : vector<16xi32>, vector<16xi32> -> vector<16xi32>
          %mul3A_288 = arith.constant 16 : i32
          %mul3A_289 = arith.muli %while3A_265, %mul3A_288 : i32
          %add3A_290 = vector.broadcast %mul3A_289 : i32 to vector<16xi32>
          %add3A_291 = arith.addi %add3A_290, %and3A_114 : vector<16xi32>
          %gt3A = arith.cmpi sgt, %gather3A_287, %gather3A : vector<16xi32>
          %eq3A = arith.cmpi eq, %gather3A_287, %gather3A : vector<16xi32>
          %lt3A_292 = arith.cmpi slt, %add3A_291, %add3A_227 : vector<16xi32>
          %and3A_293 = arith.andi %eq3A, %lt3A_292 : vector<16xi1>
          %ne3A = arith.constant -2147483648 : i32
          %ne3A_294 = vector.broadcast %ne3A : i32 to vector<16xi32>
          %ne3A_295 = arith.cmpi ne, %gather3A_287, %ne3A_294 : vector<16xi32>
          %and3A_296 = arith.andi %and3A_293, %ne3A_295 : vector<16xi1>
          %or3A_297 = arith.ori %gt3A, %and3A_296 : vector<16xi1>
          %jit3A_298 = arith.constant 1 : i32
          %jit3A_299 = arith.constant 0 : i32
          %broadcast_in_dim3A_300 = vector.broadcast %jit3A_298 : i32 to vector<16xi32>
          %broadcast_in_dim3A_301 = vector.broadcast %jit3A_299 : i32 to vector<16xi32>
          %select_n3A_302 = arith.select %or3A_297, %broadcast_in_dim3A_300, %broadcast_in_dim3A_301 : vector<16xi1>, vector<16xi32>
          %add3A_303 = arith.addi %while3A_266, %select_n3A_302 : vector<16xi32>
          %lt3A_304 = arith.constant 0 : i32
          %lt3A_305 = vector.broadcast %lt3A_304 : i32 to vector<16xi32>
          %lt3A_306 = arith.cmpi slt, %and3A_120, %lt3A_305 : vector<16xi32>
          %add3A_307 = arith.constant 16 : i32
          %add3A_308 = vector.broadcast %add3A_307 : i32 to vector<16xi32>
          %add3A_309 = arith.addi %and3A_120, %add3A_308 : vector<16xi32>
          %select_n3A_310 = arith.select %lt3A_306, %add3A_309, %and3A_120 : vector<16xi1>, vector<16xi32>
          %broadcast_in_dim3A_311 = vector.shape_cast %select_n3A_310 : vector<16xi32> to vector<16x1xi32>
          %gather3A_312 = vector.shape_cast %broadcast_in_dim3A_311 : vector<16x1xi32> to vector<16xi32>
          %gather3A_313 = tpu.dynamic_gather %select_n3A[%gather3A_312] in [0] : vector<16xi32>, vector<16xi32> -> vector<16xi32>
          %mul3A_314 = arith.constant 16 : i32
          %mul3A_315 = arith.muli %while3A_265, %mul3A_314 : i32
          %add3A_316 = vector.broadcast %mul3A_315 : i32 to vector<16xi32>
          %add3A_317 = arith.addi %add3A_316, %and3A_120 : vector<16xi32>
          %gt3A_318 = arith.cmpi sgt, %gather3A_313, %gather3A : vector<16xi32>
          %eq3A_319 = arith.cmpi eq, %gather3A_313, %gather3A : vector<16xi32>
          %lt3A_320 = arith.cmpi slt, %add3A_317, %add3A_227 : vector<16xi32>
          %and3A_321 = arith.andi %eq3A_319, %lt3A_320 : vector<16xi1>
          %ne3A_322 = arith.constant -2147483648 : i32
          %ne3A_323 = vector.broadcast %ne3A_322 : i32 to vector<16xi32>
          %ne3A_324 = arith.cmpi ne, %gather3A_313, %ne3A_323 : vector<16xi32>
          %and3A_325 = arith.andi %and3A_321, %ne3A_324 : vector<16xi1>
          %or3A_326 = arith.ori %gt3A_318, %and3A_325 : vector<16xi1>
          %jit3A_327 = arith.constant 1 : i32
          %jit3A_328 = arith.constant 0 : i32
          %broadcast_in_dim3A_329 = vector.broadcast %jit3A_327 : i32 to vector<16xi32>
          %broadcast_in_dim3A_330 = vector.broadcast %jit3A_328 : i32 to vector<16xi32>
          %select_n3A_331 = arith.select %or3A_326, %broadcast_in_dim3A_329, %broadcast_in_dim3A_330 : vector<16xi1>, vector<16xi32>
          %add3A_332 = arith.addi %add3A_303, %select_n3A_331 : vector<16xi32>
          %lt3A_333 = arith.constant 0 : i32
          %lt3A_334 = vector.broadcast %lt3A_333 : i32 to vector<16xi32>
          %lt3A_335 = arith.cmpi slt, %and3A_126, %lt3A_334 : vector<16xi32>
          %add3A_336 = arith.constant 16 : i32
          %add3A_337 = vector.broadcast %add3A_336 : i32 to vector<16xi32>
          %add3A_338 = arith.addi %and3A_126, %add3A_337 : vector<16xi32>
          %select_n3A_339 = arith.select %lt3A_335, %add3A_338, %and3A_126 : vector<16xi1>, vector<16xi32>
          %broadcast_in_dim3A_340 = vector.shape_cast %select_n3A_339 : vector<16xi32> to vector<16x1xi32>
          %gather3A_341 = vector.shape_cast %broadcast_in_dim3A_340 : vector<16x1xi32> to vector<16xi32>
          %gather3A_342 = tpu.dynamic_gather %select_n3A[%gather3A_341] in [0] : vector<16xi32>, vector<16xi32> -> vector<16xi32>
          %mul3A_343 = arith.constant 16 : i32
          %mul3A_344 = arith.muli %while3A_265, %mul3A_343 : i32
          %add3A_345 = vector.broadcast %mul3A_344 : i32 to vector<16xi32>
          %add3A_346 = arith.addi %add3A_345, %and3A_126 : vector<16xi32>
          %gt3A_347 = arith.cmpi sgt, %gather3A_342, %gather3A : vector<16xi32>
          %eq3A_348 = arith.cmpi eq, %gather3A_342, %gather3A : vector<16xi32>
          %lt3A_349 = arith.cmpi slt, %add3A_346, %add3A_227 : vector<16xi32>
          %and3A_350 = arith.andi %eq3A_348, %lt3A_349 : vector<16xi1>
          %ne3A_351 = arith.constant -2147483648 : i32
          %ne3A_352 = vector.broadcast %ne3A_351 : i32 to vector<16xi32>
          %ne3A_353 = arith.cmpi ne, %gather3A_342, %ne3A_352 : vector<16xi32>
          %and3A_354 = arith.andi %and3A_350, %ne3A_353 : vector<16xi1>
          %or3A_355 = arith.ori %gt3A_347, %and3A_354 : vector<16xi1>
          %jit3A_356 = arith.constant 1 : i32
          %jit3A_357 = arith.constant 0 : i32
          %broadcast_in_dim3A_358 = vector.broadcast %jit3A_356 : i32 to vector<16xi32>
          %broadcast_in_dim3A_359 = vector.broadcast %jit3A_357 : i32 to vector<16xi32>
          %select_n3A_360 = arith.select %or3A_355, %broadcast_in_dim3A_358, %broadcast_in_dim3A_359 : vector<16xi1>, vector<16xi32>
          %add3A_361 = arith.addi %add3A_332, %select_n3A_360 : vector<16xi32>
          %lt3A_362 = arith.constant 0 : i32
          %lt3A_363 = vector.broadcast %lt3A_362 : i32 to vector<16xi32>
          %lt3A_364 = arith.cmpi slt, %and3A_132, %lt3A_363 : vector<16xi32>
          %add3A_365 = arith.constant 16 : i32
          %add3A_366 = vector.broadcast %add3A_365 : i32 to vector<16xi32>
          %add3A_367 = arith.addi %and3A_132, %add3A_366 : vector<16xi32>
          %select_n3A_368 = arith.select %lt3A_364, %add3A_367, %and3A_132 : vector<16xi1>, vector<16xi32>
          %broadcast_in_dim3A_369 = vector.shape_cast %select_n3A_368 : vector<16xi32> to vector<16x1xi32>
          %gather3A_370 = vector.shape_cast %broadcast_in_dim3A_369 : vector<16x1xi32> to vector<16xi32>
          %gather3A_371 = tpu.dynamic_gather %select_n3A[%gather3A_370] in [0] : vector<16xi32>, vector<16xi32> -> vector<16xi32>
          %mul3A_372 = arith.constant 16 : i32
          %mul3A_373 = arith.muli %while3A_265, %mul3A_372 : i32
          %add3A_374 = vector.broadcast %mul3A_373 : i32 to vector<16xi32>
          %add3A_375 = arith.addi %add3A_374, %and3A_132 : vector<16xi32>
          %gt3A_376 = arith.cmpi sgt, %gather3A_371, %gather3A : vector<16xi32>
          %eq3A_377 = arith.cmpi eq, %gather3A_371, %gather3A : vector<16xi32>
          %lt3A_378 = arith.cmpi slt, %add3A_375, %add3A_227 : vector<16xi32>
          %and3A_379 = arith.andi %eq3A_377, %lt3A_378 : vector<16xi1>
          %ne3A_380 = arith.constant -2147483648 : i32
          %ne3A_381 = vector.broadcast %ne3A_380 : i32 to vector<16xi32>
          %ne3A_382 = arith.cmpi ne, %gather3A_371, %ne3A_381 : vector<16xi32>
          %and3A_383 = arith.andi %and3A_379, %ne3A_382 : vector<16xi1>
          %or3A_384 = arith.ori %gt3A_376, %and3A_383 : vector<16xi1>
          %jit3A_385 = arith.constant 1 : i32
          %jit3A_386 = arith.constant 0 : i32
          %broadcast_in_dim3A_387 = vector.broadcast %jit3A_385 : i32 to vector<16xi32>
          %broadcast_in_dim3A_388 = vector.broadcast %jit3A_386 : i32 to vector<16xi32>
          %select_n3A_389 = arith.select %or3A_384, %broadcast_in_dim3A_387, %broadcast_in_dim3A_388 : vector<16xi1>, vector<16xi32>
          %add3A_390 = arith.addi %add3A_361, %select_n3A_389 : vector<16xi32>
          %lt3A_391 = arith.constant 0 : i32
          %lt3A_392 = vector.broadcast %lt3A_391 : i32 to vector<16xi32>
          %lt3A_393 = arith.cmpi slt, %and3A_138, %lt3A_392 : vector<16xi32>
          %add3A_394 = arith.constant 16 : i32
          %add3A_395 = vector.broadcast %add3A_394 : i32 to vector<16xi32>
          %add3A_396 = arith.addi %and3A_138, %add3A_395 : vector<16xi32>
          %select_n3A_397 = arith.select %lt3A_393, %add3A_396, %and3A_138 : vector<16xi1>, vector<16xi32>
          %broadcast_in_dim3A_398 = vector.shape_cast %select_n3A_397 : vector<16xi32> to vector<16x1xi32>
          %gather3A_399 = vector.shape_cast %broadcast_in_dim3A_398 : vector<16x1xi32> to vector<16xi32>
          %gather3A_400 = tpu.dynamic_gather %select_n3A[%gather3A_399] in [0] : vector<16xi32>, vector<16xi32> -> vector<16xi32>
          %mul3A_401 = arith.constant 16 : i32
          %mul3A_402 = arith.muli %while3A_265, %mul3A_401 : i32
          %add3A_403 = vector.broadcast %mul3A_402 : i32 to vector<16xi32>
          %add3A_404 = arith.addi %add3A_403, %and3A_138 : vector<16xi32>
          %gt3A_405 = arith.cmpi sgt, %gather3A_400, %gather3A : vector<16xi32>
          %eq3A_406 = arith.cmpi eq, %gather3A_400, %gather3A : vector<16xi32>
          %lt3A_407 = arith.cmpi slt, %add3A_404, %add3A_227 : vector<16xi32>
          %and3A_408 = arith.andi %eq3A_406, %lt3A_407 : vector<16xi1>
          %ne3A_409 = arith.constant -2147483648 : i32
          %ne3A_410 = vector.broadcast %ne3A_409 : i32 to vector<16xi32>
          %ne3A_411 = arith.cmpi ne, %gather3A_400, %ne3A_410 : vector<16xi32>
          %and3A_412 = arith.andi %and3A_408, %ne3A_411 : vector<16xi1>
          %or3A_413 = arith.ori %gt3A_405, %and3A_412 : vector<16xi1>
          %jit3A_414 = arith.constant 1 : i32
          %jit3A_415 = arith.constant 0 : i32
          %broadcast_in_dim3A_416 = vector.broadcast %jit3A_414 : i32 to vector<16xi32>
          %broadcast_in_dim3A_417 = vector.broadcast %jit3A_415 : i32 to vector<16xi32>
          %select_n3A_418 = arith.select %or3A_413, %broadcast_in_dim3A_416, %broadcast_in_dim3A_417 : vector<16xi1>, vector<16xi32>
          %add3A_419 = arith.addi %add3A_390, %select_n3A_418 : vector<16xi32>
          %lt3A_420 = arith.constant 0 : i32
          %lt3A_421 = vector.broadcast %lt3A_420 : i32 to vector<16xi32>
          %lt3A_422 = arith.cmpi slt, %and3A_144, %lt3A_421 : vector<16xi32>
          %add3A_423 = arith.constant 16 : i32
          %add3A_424 = vector.broadcast %add3A_423 : i32 to vector<16xi32>
          %add3A_425 = arith.addi %and3A_144, %add3A_424 : vector<16xi32>
          %select_n3A_426 = arith.select %lt3A_422, %add3A_425, %and3A_144 : vector<16xi1>, vector<16xi32>
          %broadcast_in_dim3A_427 = vector.shape_cast %select_n3A_426 : vector<16xi32> to vector<16x1xi32>
          %gather3A_428 = vector.shape_cast %broadcast_in_dim3A_427 : vector<16x1xi32> to vector<16xi32>
          %gather3A_429 = tpu.dynamic_gather %select_n3A[%gather3A_428] in [0] : vector<16xi32>, vector<16xi32> -> vector<16xi32>
          %mul3A_430 = arith.constant 16 : i32
          %mul3A_431 = arith.muli %while3A_265, %mul3A_430 : i32
          %add3A_432 = vector.broadcast %mul3A_431 : i32 to vector<16xi32>
          %add3A_433 = arith.addi %add3A_432, %and3A_144 : vector<16xi32>
          %gt3A_434 = arith.cmpi sgt, %gather3A_429, %gather3A : vector<16xi32>
          %eq3A_435 = arith.cmpi eq, %gather3A_429, %gather3A : vector<16xi32>
          %lt3A_436 = arith.cmpi slt, %add3A_433, %add3A_227 : vector<16xi32>
          %and3A_437 = arith.andi %eq3A_435, %lt3A_436 : vector<16xi1>
          %ne3A_438 = arith.constant -2147483648 : i32
          %ne3A_439 = vector.broadcast %ne3A_438 : i32 to vector<16xi32>
          %ne3A_440 = arith.cmpi ne, %gather3A_429, %ne3A_439 : vector<16xi32>
          %and3A_441 = arith.andi %and3A_437, %ne3A_440 : vector<16xi1>
          %or3A_442 = arith.ori %gt3A_434, %and3A_441 : vector<16xi1>
          %jit3A_443 = arith.constant 1 : i32
          %jit3A_444 = arith.constant 0 : i32
          %broadcast_in_dim3A_445 = vector.broadcast %jit3A_443 : i32 to vector<16xi32>
          %broadcast_in_dim3A_446 = vector.broadcast %jit3A_444 : i32 to vector<16xi32>
          %select_n3A_447 = arith.select %or3A_442, %broadcast_in_dim3A_445, %broadcast_in_dim3A_446 : vector<16xi1>, vector<16xi32>
          %add3A_448 = arith.addi %add3A_419, %select_n3A_447 : vector<16xi32>
          %lt3A_449 = arith.constant 0 : i32
          %lt3A_450 = vector.broadcast %lt3A_449 : i32 to vector<16xi32>
          %lt3A_451 = arith.cmpi slt, %and3A_150, %lt3A_450 : vector<16xi32>
          %add3A_452 = arith.constant 16 : i32
          %add3A_453 = vector.broadcast %add3A_452 : i32 to vector<16xi32>
          %add3A_454 = arith.addi %and3A_150, %add3A_453 : vector<16xi32>
          %select_n3A_455 = arith.select %lt3A_451, %add3A_454, %and3A_150 : vector<16xi1>, vector<16xi32>
          %broadcast_in_dim3A_456 = vector.shape_cast %select_n3A_455 : vector<16xi32> to vector<16x1xi32>
          %gather3A_457 = vector.shape_cast %broadcast_in_dim3A_456 : vector<16x1xi32> to vector<16xi32>
          %gather3A_458 = tpu.dynamic_gather %select_n3A[%gather3A_457] in [0] : vector<16xi32>, vector<16xi32> -> vector<16xi32>
          %mul3A_459 = arith.constant 16 : i32
          %mul3A_460 = arith.muli %while3A_265, %mul3A_459 : i32
          %add3A_461 = vector.broadcast %mul3A_460 : i32 to vector<16xi32>
          %add3A_462 = arith.addi %add3A_461, %and3A_150 : vector<16xi32>
          %gt3A_463 = arith.cmpi sgt, %gather3A_458, %gather3A : vector<16xi32>
          %eq3A_464 = arith.cmpi eq, %gather3A_458, %gather3A : vector<16xi32>
          %lt3A_465 = arith.cmpi slt, %add3A_462, %add3A_227 : vector<16xi32>
          %and3A_466 = arith.andi %eq3A_464, %lt3A_465 : vector<16xi1>
          %ne3A_467 = arith.constant -2147483648 : i32
          %ne3A_468 = vector.broadcast %ne3A_467 : i32 to vector<16xi32>
          %ne3A_469 = arith.cmpi ne, %gather3A_458, %ne3A_468 : vector<16xi32>
          %and3A_470 = arith.andi %and3A_466, %ne3A_469 : vector<16xi1>
          %or3A_471 = arith.ori %gt3A_463, %and3A_470 : vector<16xi1>
          %jit3A_472 = arith.constant 1 : i32
          %jit3A_473 = arith.constant 0 : i32
          %broadcast_in_dim3A_474 = vector.broadcast %jit3A_472 : i32 to vector<16xi32>
          %broadcast_in_dim3A_475 = vector.broadcast %jit3A_473 : i32 to vector<16xi32>
          %select_n3A_476 = arith.select %or3A_471, %broadcast_in_dim3A_474, %broadcast_in_dim3A_475 : vector<16xi1>, vector<16xi32>
          %add3A_477 = arith.addi %add3A_448, %select_n3A_476 : vector<16xi32>
          %lt3A_478 = arith.constant 0 : i32
          %lt3A_479 = vector.broadcast %lt3A_478 : i32 to vector<16xi32>
          %lt3A_480 = arith.cmpi slt, %and3A_156, %lt3A_479 : vector<16xi32>
          %add3A_481 = arith.constant 16 : i32
          %add3A_482 = vector.broadcast %add3A_481 : i32 to vector<16xi32>
          %add3A_483 = arith.addi %and3A_156, %add3A_482 : vector<16xi32>
          %select_n3A_484 = arith.select %lt3A_480, %add3A_483, %and3A_156 : vector<16xi1>, vector<16xi32>
          %broadcast_in_dim3A_485 = vector.shape_cast %select_n3A_484 : vector<16xi32> to vector<16x1xi32>
          %gather3A_486 = vector.shape_cast %broadcast_in_dim3A_485 : vector<16x1xi32> to vector<16xi32>
          %gather3A_487 = tpu.dynamic_gather %select_n3A[%gather3A_486] in [0] : vector<16xi32>, vector<16xi32> -> vector<16xi32>
          %mul3A_488 = arith.constant 16 : i32
          %mul3A_489 = arith.muli %while3A_265, %mul3A_488 : i32
          %add3A_490 = vector.broadcast %mul3A_489 : i32 to vector<16xi32>
          %add3A_491 = arith.addi %add3A_490, %and3A_156 : vector<16xi32>
          %gt3A_492 = arith.cmpi sgt, %gather3A_487, %gather3A : vector<16xi32>
          %eq3A_493 = arith.cmpi eq, %gather3A_487, %gather3A : vector<16xi32>
          %lt3A_494 = arith.cmpi slt, %add3A_491, %add3A_227 : vector<16xi32>
          %and3A_495 = arith.andi %eq3A_493, %lt3A_494 : vector<16xi1>
          %ne3A_496 = arith.constant -2147483648 : i32
          %ne3A_497 = vector.broadcast %ne3A_496 : i32 to vector<16xi32>
          %ne3A_498 = arith.cmpi ne, %gather3A_487, %ne3A_497 : vector<16xi32>
          %and3A_499 = arith.andi %and3A_495, %ne3A_498 : vector<16xi1>
          %or3A_500 = arith.ori %gt3A_492, %and3A_499 : vector<16xi1>
          %jit3A_501 = arith.constant 1 : i32
          %jit3A_502 = arith.constant 0 : i32
          %broadcast_in_dim3A_503 = vector.broadcast %jit3A_501 : i32 to vector<16xi32>
          %broadcast_in_dim3A_504 = vector.broadcast %jit3A_502 : i32 to vector<16xi32>
          %select_n3A_505 = arith.select %or3A_500, %broadcast_in_dim3A_503, %broadcast_in_dim3A_504 : vector<16xi1>, vector<16xi32>
          %add3A_506 = arith.addi %add3A_477, %select_n3A_505 : vector<16xi32>
          %lt3A_507 = arith.constant 0 : i32
          %lt3A_508 = vector.broadcast %lt3A_507 : i32 to vector<16xi32>
          %lt3A_509 = arith.cmpi slt, %and3A_162, %lt3A_508 : vector<16xi32>
          %add3A_510 = arith.constant 16 : i32
          %add3A_511 = vector.broadcast %add3A_510 : i32 to vector<16xi32>
          %add3A_512 = arith.addi %and3A_162, %add3A_511 : vector<16xi32>
          %select_n3A_513 = arith.select %lt3A_509, %add3A_512, %and3A_162 : vector<16xi1>, vector<16xi32>
          %broadcast_in_dim3A_514 = vector.shape_cast %select_n3A_513 : vector<16xi32> to vector<16x1xi32>
          %gather3A_515 = vector.shape_cast %broadcast_in_dim3A_514 : vector<16x1xi32> to vector<16xi32>
          %gather3A_516 = tpu.dynamic_gather %select_n3A[%gather3A_515] in [0] : vector<16xi32>, vector<16xi32> -> vector<16xi32>
          %mul3A_517 = arith.constant 16 : i32
          %mul3A_518 = arith.muli %while3A_265, %mul3A_517 : i32
          %add3A_519 = vector.broadcast %mul3A_518 : i32 to vector<16xi32>
          %add3A_520 = arith.addi %add3A_519, %and3A_162 : vector<16xi32>
          %gt3A_521 = arith.cmpi sgt, %gather3A_516, %gather3A : vector<16xi32>
          %eq3A_522 = arith.cmpi eq, %gather3A_516, %gather3A : vector<16xi32>
          %lt3A_523 = arith.cmpi slt, %add3A_520, %add3A_227 : vector<16xi32>
          %and3A_524 = arith.andi %eq3A_522, %lt3A_523 : vector<16xi1>
          %ne3A_525 = arith.constant -2147483648 : i32
          %ne3A_526 = vector.broadcast %ne3A_525 : i32 to vector<16xi32>
          %ne3A_527 = arith.cmpi ne, %gather3A_516, %ne3A_526 : vector<16xi32>
          %and3A_528 = arith.andi %and3A_524, %ne3A_527 : vector<16xi1>
          %or3A_529 = arith.ori %gt3A_521, %and3A_528 : vector<16xi1>
          %jit3A_530 = arith.constant 1 : i32
          %jit3A_531 = arith.constant 0 : i32
          %broadcast_in_dim3A_532 = vector.broadcast %jit3A_530 : i32 to vector<16xi32>
          %broadcast_in_dim3A_533 = vector.broadcast %jit3A_531 : i32 to vector<16xi32>
          %select_n3A_534 = arith.select %or3A_529, %broadcast_in_dim3A_532, %broadcast_in_dim3A_533 : vector<16xi1>, vector<16xi32>
          %add3A_535 = arith.addi %add3A_506, %select_n3A_534 : vector<16xi32>
          %lt3A_536 = arith.constant 0 : i32
          %lt3A_537 = vector.broadcast %lt3A_536 : i32 to vector<16xi32>
          %lt3A_538 = arith.cmpi slt, %and3A_168, %lt3A_537 : vector<16xi32>
          %add3A_539 = arith.constant 16 : i32
          %add3A_540 = vector.broadcast %add3A_539 : i32 to vector<16xi32>
          %add3A_541 = arith.addi %and3A_168, %add3A_540 : vector<16xi32>
          %select_n3A_542 = arith.select %lt3A_538, %add3A_541, %and3A_168 : vector<16xi1>, vector<16xi32>
          %broadcast_in_dim3A_543 = vector.shape_cast %select_n3A_542 : vector<16xi32> to vector<16x1xi32>
          %gather3A_544 = vector.shape_cast %broadcast_in_dim3A_543 : vector<16x1xi32> to vector<16xi32>
          %gather3A_545 = tpu.dynamic_gather %select_n3A[%gather3A_544] in [0] : vector<16xi32>, vector<16xi32> -> vector<16xi32>
          %mul3A_546 = arith.constant 16 : i32
          %mul3A_547 = arith.muli %while3A_265, %mul3A_546 : i32
          %add3A_548 = vector.broadcast %mul3A_547 : i32 to vector<16xi32>
          %add3A_549 = arith.addi %add3A_548, %and3A_168 : vector<16xi32>
          %gt3A_550 = arith.cmpi sgt, %gather3A_545, %gather3A : vector<16xi32>
          %eq3A_551 = arith.cmpi eq, %gather3A_545, %gather3A : vector<16xi32>
          %lt3A_552 = arith.cmpi slt, %add3A_549, %add3A_227 : vector<16xi32>
          %and3A_553 = arith.andi %eq3A_551, %lt3A_552 : vector<16xi1>
          %ne3A_554 = arith.constant -2147483648 : i32
          %ne3A_555 = vector.broadcast %ne3A_554 : i32 to vector<16xi32>
          %ne3A_556 = arith.cmpi ne, %gather3A_545, %ne3A_555 : vector<16xi32>
          %and3A_557 = arith.andi %and3A_553, %ne3A_556 : vector<16xi1>
          %or3A_558 = arith.ori %gt3A_550, %and3A_557 : vector<16xi1>
          %jit3A_559 = arith.constant 1 : i32
          %jit3A_560 = arith.constant 0 : i32
          %broadcast_in_dim3A_561 = vector.broadcast %jit3A_559 : i32 to vector<16xi32>
          %broadcast_in_dim3A_562 = vector.broadcast %jit3A_560 : i32 to vector<16xi32>
          %select_n3A_563 = arith.select %or3A_558, %broadcast_in_dim3A_561, %broadcast_in_dim3A_562 : vector<16xi1>, vector<16xi32>
          %add3A_564 = arith.addi %add3A_535, %select_n3A_563 : vector<16xi32>
          %lt3A_565 = arith.constant 0 : i32
          %lt3A_566 = vector.broadcast %lt3A_565 : i32 to vector<16xi32>
          %lt3A_567 = arith.cmpi slt, %and3A_174, %lt3A_566 : vector<16xi32>
          %add3A_568 = arith.constant 16 : i32
          %add3A_569 = vector.broadcast %add3A_568 : i32 to vector<16xi32>
          %add3A_570 = arith.addi %and3A_174, %add3A_569 : vector<16xi32>
          %select_n3A_571 = arith.select %lt3A_567, %add3A_570, %and3A_174 : vector<16xi1>, vector<16xi32>
          %broadcast_in_dim3A_572 = vector.shape_cast %select_n3A_571 : vector<16xi32> to vector<16x1xi32>
          %gather3A_573 = vector.shape_cast %broadcast_in_dim3A_572 : vector<16x1xi32> to vector<16xi32>
          %gather3A_574 = tpu.dynamic_gather %select_n3A[%gather3A_573] in [0] : vector<16xi32>, vector<16xi32> -> vector<16xi32>
          %mul3A_575 = arith.constant 16 : i32
          %mul3A_576 = arith.muli %while3A_265, %mul3A_575 : i32
          %add3A_577 = vector.broadcast %mul3A_576 : i32 to vector<16xi32>
          %add3A_578 = arith.addi %add3A_577, %and3A_174 : vector<16xi32>
          %gt3A_579 = arith.cmpi sgt, %gather3A_574, %gather3A : vector<16xi32>
          %eq3A_580 = arith.cmpi eq, %gather3A_574, %gather3A : vector<16xi32>
          %lt3A_581 = arith.cmpi slt, %add3A_578, %add3A_227 : vector<16xi32>
          %and3A_582 = arith.andi %eq3A_580, %lt3A_581 : vector<16xi1>
          %ne3A_583 = arith.constant -2147483648 : i32
          %ne3A_584 = vector.broadcast %ne3A_583 : i32 to vector<16xi32>
          %ne3A_585 = arith.cmpi ne, %gather3A_574, %ne3A_584 : vector<16xi32>
          %and3A_586 = arith.andi %and3A_582, %ne3A_585 : vector<16xi1>
          %or3A_587 = arith.ori %gt3A_579, %and3A_586 : vector<16xi1>
          %jit3A_588 = arith.constant 1 : i32
          %jit3A_589 = arith.constant 0 : i32
          %broadcast_in_dim3A_590 = vector.broadcast %jit3A_588 : i32 to vector<16xi32>
          %broadcast_in_dim3A_591 = vector.broadcast %jit3A_589 : i32 to vector<16xi32>
          %select_n3A_592 = arith.select %or3A_587, %broadcast_in_dim3A_590, %broadcast_in_dim3A_591 : vector<16xi1>, vector<16xi32>
          %add3A_593 = arith.addi %add3A_564, %select_n3A_592 : vector<16xi32>
          %lt3A_594 = arith.constant 0 : i32
          %lt3A_595 = vector.broadcast %lt3A_594 : i32 to vector<16xi32>
          %lt3A_596 = arith.cmpi slt, %and3A_180, %lt3A_595 : vector<16xi32>
          %add3A_597 = arith.constant 16 : i32
          %add3A_598 = vector.broadcast %add3A_597 : i32 to vector<16xi32>
          %add3A_599 = arith.addi %and3A_180, %add3A_598 : vector<16xi32>
          %select_n3A_600 = arith.select %lt3A_596, %add3A_599, %and3A_180 : vector<16xi1>, vector<16xi32>
          %broadcast_in_dim3A_601 = vector.shape_cast %select_n3A_600 : vector<16xi32> to vector<16x1xi32>
          %gather3A_602 = vector.shape_cast %broadcast_in_dim3A_601 : vector<16x1xi32> to vector<16xi32>
          %gather3A_603 = tpu.dynamic_gather %select_n3A[%gather3A_602] in [0] : vector<16xi32>, vector<16xi32> -> vector<16xi32>
          %mul3A_604 = arith.constant 16 : i32
          %mul3A_605 = arith.muli %while3A_265, %mul3A_604 : i32
          %add3A_606 = vector.broadcast %mul3A_605 : i32 to vector<16xi32>
          %add3A_607 = arith.addi %add3A_606, %and3A_180 : vector<16xi32>
          %gt3A_608 = arith.cmpi sgt, %gather3A_603, %gather3A : vector<16xi32>
          %eq3A_609 = arith.cmpi eq, %gather3A_603, %gather3A : vector<16xi32>
          %lt3A_610 = arith.cmpi slt, %add3A_607, %add3A_227 : vector<16xi32>
          %and3A_611 = arith.andi %eq3A_609, %lt3A_610 : vector<16xi1>
          %ne3A_612 = arith.constant -2147483648 : i32
          %ne3A_613 = vector.broadcast %ne3A_612 : i32 to vector<16xi32>
          %ne3A_614 = arith.cmpi ne, %gather3A_603, %ne3A_613 : vector<16xi32>
          %and3A_615 = arith.andi %and3A_611, %ne3A_614 : vector<16xi1>
          %or3A_616 = arith.ori %gt3A_608, %and3A_615 : vector<16xi1>
          %jit3A_617 = arith.constant 1 : i32
          %jit3A_618 = arith.constant 0 : i32
          %broadcast_in_dim3A_619 = vector.broadcast %jit3A_617 : i32 to vector<16xi32>
          %broadcast_in_dim3A_620 = vector.broadcast %jit3A_618 : i32 to vector<16xi32>
          %select_n3A_621 = arith.select %or3A_616, %broadcast_in_dim3A_619, %broadcast_in_dim3A_620 : vector<16xi1>, vector<16xi32>
          %add3A_622 = arith.addi %add3A_593, %select_n3A_621 : vector<16xi32>
          %lt3A_623 = arith.constant 0 : i32
          %lt3A_624 = vector.broadcast %lt3A_623 : i32 to vector<16xi32>
          %lt3A_625 = arith.cmpi slt, %and3A_186, %lt3A_624 : vector<16xi32>
          %add3A_626 = arith.constant 16 : i32
          %add3A_627 = vector.broadcast %add3A_626 : i32 to vector<16xi32>
          %add3A_628 = arith.addi %and3A_186, %add3A_627 : vector<16xi32>
          %select_n3A_629 = arith.select %lt3A_625, %add3A_628, %and3A_186 : vector<16xi1>, vector<16xi32>
          %broadcast_in_dim3A_630 = vector.shape_cast %select_n3A_629 : vector<16xi32> to vector<16x1xi32>
          %gather3A_631 = vector.shape_cast %broadcast_in_dim3A_630 : vector<16x1xi32> to vector<16xi32>
          %gather3A_632 = tpu.dynamic_gather %select_n3A[%gather3A_631] in [0] : vector<16xi32>, vector<16xi32> -> vector<16xi32>
          %mul3A_633 = arith.constant 16 : i32
          %mul3A_634 = arith.muli %while3A_265, %mul3A_633 : i32
          %add3A_635 = vector.broadcast %mul3A_634 : i32 to vector<16xi32>
          %add3A_636 = arith.addi %add3A_635, %and3A_186 : vector<16xi32>
          %gt3A_637 = arith.cmpi sgt, %gather3A_632, %gather3A : vector<16xi32>
          %eq3A_638 = arith.cmpi eq, %gather3A_632, %gather3A : vector<16xi32>
          %lt3A_639 = arith.cmpi slt, %add3A_636, %add3A_227 : vector<16xi32>
          %and3A_640 = arith.andi %eq3A_638, %lt3A_639 : vector<16xi1>
          %ne3A_641 = arith.constant -2147483648 : i32
          %ne3A_642 = vector.broadcast %ne3A_641 : i32 to vector<16xi32>
          %ne3A_643 = arith.cmpi ne, %gather3A_632, %ne3A_642 : vector<16xi32>
          %and3A_644 = arith.andi %and3A_640, %ne3A_643 : vector<16xi1>
          %or3A_645 = arith.ori %gt3A_637, %and3A_644 : vector<16xi1>
          %jit3A_646 = arith.constant 1 : i32
          %jit3A_647 = arith.constant 0 : i32
          %broadcast_in_dim3A_648 = vector.broadcast %jit3A_646 : i32 to vector<16xi32>
          %broadcast_in_dim3A_649 = vector.broadcast %jit3A_647 : i32 to vector<16xi32>
          %select_n3A_650 = arith.select %or3A_645, %broadcast_in_dim3A_648, %broadcast_in_dim3A_649 : vector<16xi1>, vector<16xi32>
          %add3A_651 = arith.addi %add3A_622, %select_n3A_650 : vector<16xi32>
          %lt3A_652 = arith.constant 0 : i32
          %lt3A_653 = vector.broadcast %lt3A_652 : i32 to vector<16xi32>
          %lt3A_654 = arith.cmpi slt, %and3A_192, %lt3A_653 : vector<16xi32>
          %add3A_655 = arith.constant 16 : i32
          %add3A_656 = vector.broadcast %add3A_655 : i32 to vector<16xi32>
          %add3A_657 = arith.addi %and3A_192, %add3A_656 : vector<16xi32>
          %select_n3A_658 = arith.select %lt3A_654, %add3A_657, %and3A_192 : vector<16xi1>, vector<16xi32>
          %broadcast_in_dim3A_659 = vector.shape_cast %select_n3A_658 : vector<16xi32> to vector<16x1xi32>
          %gather3A_660 = vector.shape_cast %broadcast_in_dim3A_659 : vector<16x1xi32> to vector<16xi32>
          %gather3A_661 = tpu.dynamic_gather %select_n3A[%gather3A_660] in [0] : vector<16xi32>, vector<16xi32> -> vector<16xi32>
          %mul3A_662 = arith.constant 16 : i32
          %mul3A_663 = arith.muli %while3A_265, %mul3A_662 : i32
          %add3A_664 = vector.broadcast %mul3A_663 : i32 to vector<16xi32>
          %add3A_665 = arith.addi %add3A_664, %and3A_192 : vector<16xi32>
          %gt3A_666 = arith.cmpi sgt, %gather3A_661, %gather3A : vector<16xi32>
          %eq3A_667 = arith.cmpi eq, %gather3A_661, %gather3A : vector<16xi32>
          %lt3A_668 = arith.cmpi slt, %add3A_665, %add3A_227 : vector<16xi32>
          %and3A_669 = arith.andi %eq3A_667, %lt3A_668 : vector<16xi1>
          %ne3A_670 = arith.constant -2147483648 : i32
          %ne3A_671 = vector.broadcast %ne3A_670 : i32 to vector<16xi32>
          %ne3A_672 = arith.cmpi ne, %gather3A_661, %ne3A_671 : vector<16xi32>
          %and3A_673 = arith.andi %and3A_669, %ne3A_672 : vector<16xi1>
          %or3A_674 = arith.ori %gt3A_666, %and3A_673 : vector<16xi1>
          %jit3A_675 = arith.constant 1 : i32
          %jit3A_676 = arith.constant 0 : i32
          %broadcast_in_dim3A_677 = vector.broadcast %jit3A_675 : i32 to vector<16xi32>
          %broadcast_in_dim3A_678 = vector.broadcast %jit3A_676 : i32 to vector<16xi32>
          %select_n3A_679 = arith.select %or3A_674, %broadcast_in_dim3A_677, %broadcast_in_dim3A_678 : vector<16xi1>, vector<16xi32>
          %add3A_680 = arith.addi %add3A_651, %select_n3A_679 : vector<16xi32>
          %lt3A_681 = arith.constant 0 : i32
          %lt3A_682 = vector.broadcast %lt3A_681 : i32 to vector<16xi32>
          %lt3A_683 = arith.cmpi slt, %and3A_198, %lt3A_682 : vector<16xi32>
          %add3A_684 = arith.constant 16 : i32
          %add3A_685 = vector.broadcast %add3A_684 : i32 to vector<16xi32>
          %add3A_686 = arith.addi %and3A_198, %add3A_685 : vector<16xi32>
          %select_n3A_687 = arith.select %lt3A_683, %add3A_686, %and3A_198 : vector<16xi1>, vector<16xi32>
          %broadcast_in_dim3A_688 = vector.shape_cast %select_n3A_687 : vector<16xi32> to vector<16x1xi32>
          %gather3A_689 = vector.shape_cast %broadcast_in_dim3A_688 : vector<16x1xi32> to vector<16xi32>
          %gather3A_690 = tpu.dynamic_gather %select_n3A[%gather3A_689] in [0] : vector<16xi32>, vector<16xi32> -> vector<16xi32>
          %mul3A_691 = arith.constant 16 : i32
          %mul3A_692 = arith.muli %while3A_265, %mul3A_691 : i32
          %add3A_693 = vector.broadcast %mul3A_692 : i32 to vector<16xi32>
          %add3A_694 = arith.addi %add3A_693, %and3A_198 : vector<16xi32>
          %gt3A_695 = arith.cmpi sgt, %gather3A_690, %gather3A : vector<16xi32>
          %eq3A_696 = arith.cmpi eq, %gather3A_690, %gather3A : vector<16xi32>
          %lt3A_697 = arith.cmpi slt, %add3A_694, %add3A_227 : vector<16xi32>
          %and3A_698 = arith.andi %eq3A_696, %lt3A_697 : vector<16xi1>
          %ne3A_699 = arith.constant -2147483648 : i32
          %ne3A_700 = vector.broadcast %ne3A_699 : i32 to vector<16xi32>
          %ne3A_701 = arith.cmpi ne, %gather3A_690, %ne3A_700 : vector<16xi32>
          %and3A_702 = arith.andi %and3A_698, %ne3A_701 : vector<16xi1>
          %or3A_703 = arith.ori %gt3A_695, %and3A_702 : vector<16xi1>
          %jit3A_704 = arith.constant 1 : i32
          %jit3A_705 = arith.constant 0 : i32
          %broadcast_in_dim3A_706 = vector.broadcast %jit3A_704 : i32 to vector<16xi32>
          %broadcast_in_dim3A_707 = vector.broadcast %jit3A_705 : i32 to vector<16xi32>
          %select_n3A_708 = arith.select %or3A_703, %broadcast_in_dim3A_706, %broadcast_in_dim3A_707 : vector<16xi1>, vector<16xi32>
          %add3A_709 = arith.addi %add3A_680, %select_n3A_708 : vector<16xi32>
          %lt3A_710 = arith.constant 0 : i32
          %lt3A_711 = vector.broadcast %lt3A_710 : i32 to vector<16xi32>
          %lt3A_712 = arith.cmpi slt, %and3A_204, %lt3A_711 : vector<16xi32>
          %add3A_713 = arith.constant 16 : i32
          %add3A_714 = vector.broadcast %add3A_713 : i32 to vector<16xi32>
          %add3A_715 = arith.addi %and3A_204, %add3A_714 : vector<16xi32>
          %select_n3A_716 = arith.select %lt3A_712, %add3A_715, %and3A_204 : vector<16xi1>, vector<16xi32>
          %broadcast_in_dim3A_717 = vector.shape_cast %select_n3A_716 : vector<16xi32> to vector<16x1xi32>
          %gather3A_718 = vector.shape_cast %broadcast_in_dim3A_717 : vector<16x1xi32> to vector<16xi32>
          %gather3A_719 = tpu.dynamic_gather %select_n3A[%gather3A_718] in [0] : vector<16xi32>, vector<16xi32> -> vector<16xi32>
          %mul3A_720 = arith.constant 16 : i32
          %mul3A_721 = arith.muli %while3A_265, %mul3A_720 : i32
          %add3A_722 = vector.broadcast %mul3A_721 : i32 to vector<16xi32>
          %add3A_723 = arith.addi %add3A_722, %and3A_204 : vector<16xi32>
          %gt3A_724 = arith.cmpi sgt, %gather3A_719, %gather3A : vector<16xi32>
          %eq3A_725 = arith.cmpi eq, %gather3A_719, %gather3A : vector<16xi32>
          %lt3A_726 = arith.cmpi slt, %add3A_723, %add3A_227 : vector<16xi32>
          %and3A_727 = arith.andi %eq3A_725, %lt3A_726 : vector<16xi1>
          %ne3A_728 = arith.constant -2147483648 : i32
          %ne3A_729 = vector.broadcast %ne3A_728 : i32 to vector<16xi32>
          %ne3A_730 = arith.cmpi ne, %gather3A_719, %ne3A_729 : vector<16xi32>
          %and3A_731 = arith.andi %and3A_727, %ne3A_730 : vector<16xi1>
          %or3A_732 = arith.ori %gt3A_724, %and3A_731 : vector<16xi1>
          %jit3A_733 = arith.constant 1 : i32
          %jit3A_734 = arith.constant 0 : i32
          %broadcast_in_dim3A_735 = vector.broadcast %jit3A_733 : i32 to vector<16xi32>
          %broadcast_in_dim3A_736 = vector.broadcast %jit3A_734 : i32 to vector<16xi32>
          %select_n3A_737 = arith.select %or3A_732, %broadcast_in_dim3A_735, %broadcast_in_dim3A_736 : vector<16xi1>, vector<16xi32>
          %add3A_738 = arith.addi %add3A_709, %select_n3A_737 : vector<16xi32>
          scf.yield %add3A_738 : vector<16xi32>
        }
        %and3A_243 = arith.constant 511 : i32
        %and3A_244 = vector.broadcast %and3A_243 : i32 to vector<16xi32>
        %and3A_245 = arith.andi %add3A_227, %and3A_244 : vector<16xi32>
        %gather3A_246 = tpu.vector_load_idx %arg14[%and3A_245] : memref<512xi32, #tpu.memory_space<vmem>>[vector<16xi32>], vector<16xi32>,
        %shift_right_arithmetic3A_247 = arith.constant 31 : i32
        %shift_right_arithmetic3A_248 = vector.broadcast %shift_right_arithmetic3A_247 : i32 to vector<16xi32>
        %shift_right_arithmetic3A_249 = arith.shrsi %gather3A, %shift_right_arithmetic3A_248 : vector<16xi32>
        %and3A_250 = arith.constant 2147483647 : i32
        %and3A_251 = vector.broadcast %and3A_250 : i32 to vector<16xi32>
        %and3A_252 = arith.andi %shift_right_arithmetic3A_249, %and3A_251 : vector<16xi32>
        %xor3A_253 = arith.xori %gather3A, %and3A_252 : vector<16xi32>
        %bitcast3A = vector.bitcast %xor3A_253 : vector<16xi32> to vector<16xf32>
        %lt3A_254 = arith.constant 100 : i32
        %lt3A_255 = vector.broadcast %lt3A_254 : i32 to vector<16xi32>
        %lt3A_256 = arith.cmpi slt, %while3A_242, %lt3A_255 : vector<16xi32>
        %and3A_257 = arith.andi %lt3A_231, %lt3A_256 : vector<16xi1>
        %and3A_258 = arith.constant 127 : i32
        %and3A_259 = vector.broadcast %and3A_258 : i32 to vector<16xi32>
        %and3A_260 = arith.andi %while3A_242, %and3A_259 : vector<16xi32>
        tpu.vector_store_idx %arg15[%and3A_260], %bitcast3A masked %and3A_257 : memref<128xf32, #tpu.memory_space<vmem>>[vector<16xi32>], vector<16xf32>, vector<16xi1>
        %and3A_261 = arith.constant 127 : i32
        %and3A_262 = vector.broadcast %and3A_261 : i32 to vector<16xi32>
        %and3A_263 = arith.andi %while3A_242, %and3A_262 : vector<16xi32>
        tpu.vector_store_idx %arg16[%and3A_263], %gather3A_246 masked %and3A_257 : memref<128xi32, #tpu.memory_space<vmem>>[vector<16xi32>], vector<16xi32>, vector<16xi1>
        %while3A_264 = arith.constant 0 : i32
        scf.yield %while3A_264 : i32
      }
      %mul3A_217 = arith.constant 128 : i32
      %mul3A_218 = arith.muli %add3A_14, %mul3A_217 : i32
      "tpu.region"() ({
        %run_scoped3A = tpu.sem_alloc : memref<!tpu.dma_semaphore, #tpu.memory_space<semaphore_mem>>
        %dma_start3A_222 = tpu.memref_slice %arg4[%mul3A_218] : memref<131072xf32, #tpu.memory_space<hbm>> -> memref<128xf32, #tpu.memory_space<hbm>>
        %dma_start3A_223 = tpu.memref_slice %arg4[%mul3A_218] : memref<131072xf32, #tpu.memory_space<hbm>> -> memref<128xf32, #tpu.memory_space<hbm>>
        tpu.enqueue_dma source(%arg15 : memref<128xf32, #tpu.memory_space<vmem>>) target(%dma_start3A_223 : memref<128xf32, #tpu.memory_space<hbm>>) target_semaphore(%run_scoped3A : memref<!tpu.dma_semaphore, #tpu.memory_space<semaphore_mem>>)
        %dma_wait3A_224 = tpu.memref_slice %arg4[%mul3A_218] : memref<131072xf32, #tpu.memory_space<hbm>> -> memref<128xf32, #tpu.memory_space<hbm>>
        %dma_wait3A_225 = tpu.memref_slice %arg4[%mul3A_218] : memref<131072xf32, #tpu.memory_space<hbm>> -> memref<128xf32, #tpu.memory_space<hbm>>
        tpu.wait_dma2 semaphore(%run_scoped3A : memref<!tpu.dma_semaphore, #tpu.memory_space<semaphore_mem>>) src(%arg15 : memref<128xf32, #tpu.memory_space<vmem>>) dst(%dma_wait3A_225 : memref<128xf32, #tpu.memory_space<hbm>>)
        tpu.yield
      }) : () -> ()
      %mul3A_219 = arith.constant 128 : i32
      %mul3A_220 = arith.muli %add3A_14, %mul3A_219 : i32
      "tpu.region"() ({
        %run_scoped3A = tpu.sem_alloc : memref<!tpu.dma_semaphore, #tpu.memory_space<semaphore_mem>>
        %dma_start3A_222 = tpu.memref_slice %arg5[%mul3A_220] : memref<131072xi32, #tpu.memory_space<hbm>> -> memref<128xi32, #tpu.memory_space<hbm>>
        %dma_start3A_223 = tpu.memref_slice %arg5[%mul3A_220] : memref<131072xi32, #tpu.memory_space<hbm>> -> memref<128xi32, #tpu.memory_space<hbm>>
        tpu.enqueue_dma source(%arg16 : memref<128xi32, #tpu.memory_space<vmem>>) target(%dma_start3A_223 : memref<128xi32, #tpu.memory_space<hbm>>) target_semaphore(%run_scoped3A : memref<!tpu.dma_semaphore, #tpu.memory_space<semaphore_mem>>)
        %dma_wait3A_224 = tpu.memref_slice %arg5[%mul3A_220] : memref<131072xi32, #tpu.memory_space<hbm>> -> memref<128xi32, #tpu.memory_space<hbm>>
        %dma_wait3A_225 = tpu.memref_slice %arg5[%mul3A_220] : memref<131072xi32, #tpu.memory_space<hbm>> -> memref<128xi32, #tpu.memory_space<hbm>>
        tpu.wait_dma2 semaphore(%run_scoped3A : memref<!tpu.dma_semaphore, #tpu.memory_space<semaphore_mem>>) src(%arg16 : memref<128xi32, #tpu.memory_space<vmem>>) dst(%dma_wait3A_225 : memref<128xi32, #tpu.memory_space<hbm>>)
        tpu.yield
      }) : () -> ()
      %scan3A_221 = arith.constant 0 : i32
      scf.yield %scan3A_221 : i32
    }
    %scan3A_9 = arith.constant 32 : i32
    return
  }
}

module attributes {stable_mosaic.version = 14 : i64} {
  func.func @_score_kernel(%arg0: i32, %arg1: i32, %arg2: memref<256x32xf32, #tpu.memory_space<vmem>>, %arg3: memref<4096x32xf32, #tpu.memory_space<vmem>>, %arg4: memref<4096x32xf32, #tpu.memory_space<vmem>>, %arg5: memref<256x4096xf32, #tpu.memory_space<vmem>>, %arg6: memref<256x128xf32, #tpu.memory_space<vmem>>) attributes {dimension_semantics = [#tpu.dimension_semantics<arbitrary>, #tpu.dimension_semantics<arbitrary>], iteration_bounds = array<i64: 4, 25>, scalar_prefetch = 0 : i64, scratch_operands = 0 : i64, tpu.core_type = #tpu.core_type<tc>, window_params = [{transform_indices = @transform_0, window_bounds = array<i64: 256, 32>}, {transform_indices = @transform_1, window_bounds = array<i64: 4096, 32>}, {transform_indices = @transform_2, window_bounds = array<i64: 4096, 32>}, {transform_indices = @transform_3, window_bounds = array<i64: 256, 4096>}, {transform_indices = @transform_4, window_bounds = array<i64: 256, 128>}]} {
    %get3A = arith.constant 0 : index
    %get3A_0 = arith.constant 0 : index
    %get3A_1 = vector.load %arg2[%get3A, %get3A_0] : memref<256x32xf32, #tpu.memory_space<vmem>>, vector<256x32xf32>
    %get3A_2 = arith.constant 0 : index
    %get3A_3 = arith.constant 0 : index
    %get3A_4 = vector.load %arg3[%get3A_2, %get3A_3] : memref<4096x32xf32, #tpu.memory_space<vmem>>, vector<4096x32xf32>
    %dot_general3A = arith.constant dense<0.000000e+00> : vector<256x4096xf32>
    %dot_general3A_5 = tpu.matmul %get3A_1, %get3A_4, %dot_general3A {dimension_numbers = #tpu.dot_dimension_numbers<[1], [1], [0], [0], [0, 0, 1, 0], [], []>, transpose_lhs_hint = false} : vector<256x32xf32>, vector<4096x32xf32>, vector<256x4096xf32> -> vector<256x4096xf32>
    %swap3A = arith.constant 0 : index
    %swap3A_6 = arith.constant 0 : index
    %swap3A_7 = vector.load %arg5[%swap3A, %swap3A_6] : memref<256x4096xf32, #tpu.memory_space<vmem>>, vector<256x4096xf32>
    tpu.vector_store %arg5[%swap3A, %swap3A_6], %dot_general3A_5 {strides = array<i32>} : memref<256x4096xf32, #tpu.memory_space<vmem>>, vector<256x4096xf32>,
    %get3A_8 = arith.constant 0 : index
    %get3A_9 = arith.constant 0 : index
    %get3A_10 = vector.load %arg4[%get3A_8, %get3A_9] : memref<4096x32xf32, #tpu.memory_space<vmem>>, vector<4096x32xf32>
    %dot_general3A_11 = arith.constant dense<0.000000e+00> : vector<256x4096xf32>
    %dot_general3A_12 = tpu.matmul %get3A_1, %get3A_10, %dot_general3A_11 {dimension_numbers = #tpu.dot_dimension_numbers<[1], [1], [0], [0], [0, 0, 1, 0], [], []>, transpose_lhs_hint = false} : vector<256x32xf32>, vector<4096x32xf32>, vector<256x4096xf32> -> vector<256x4096xf32>
    %slice3A = vector.extract_strided_slice %dot_general3A_12 {offsets = [0, 0], sizes = [256, 32], strides = [1, 1]} : vector<256x4096xf32> to vector<256x32xf32>
    %slice3A_13 = vector.extract_strided_slice %dot_general3A_12 {offsets = [0, 32], sizes = [256, 32], strides = [1, 1]} : vector<256x4096xf32> to vector<256x32xf32>
    %max3A = arith.maximumf %slice3A, %slice3A_13 : vector<256x32xf32>
    %slice3A_14 = vector.extract_strided_slice %dot_general3A_12 {offsets = [0, 64], sizes = [256, 32], strides = [1, 1]} : vector<256x4096xf32> to vector<256x32xf32>
    %max3A_15 = arith.maximumf %max3A, %slice3A_14 : vector<256x32xf32>
    %slice3A_16 = vector.extract_strided_slice %dot_general3A_12 {offsets = [0, 96], sizes = [256, 32], strides = [1, 1]} : vector<256x4096xf32> to vector<256x32xf32>
    %max3A_17 = arith.maximumf %max3A_15, %slice3A_16 : vector<256x32xf32>
    %slice3A_18 = vector.extract_strided_slice %dot_general3A_12 {offsets = [0, 128], sizes = [256, 32], strides = [1, 1]} : vector<256x4096xf32> to vector<256x32xf32>
    %max3A_19 = arith.maximumf %max3A_17, %slice3A_18 : vector<256x32xf32>
    %slice3A_20 = vector.extract_strided_slice %dot_general3A_12 {offsets = [0, 160], sizes = [256, 32], strides = [1, 1]} : vector<256x4096xf32> to vector<256x32xf32>
    %max3A_21 = arith.maximumf %max3A_19, %slice3A_20 : vector<256x32xf32>
    %slice3A_22 = vector.extract_strided_slice %dot_general3A_12 {offsets = [0, 192], sizes = [256, 32], strides = [1, 1]} : vector<256x4096xf32> to vector<256x32xf32>
    %max3A_23 = arith.maximumf %max3A_21, %slice3A_22 : vector<256x32xf32>
    %slice3A_24 = vector.extract_strided_slice %dot_general3A_12 {offsets = [0, 224], sizes = [256, 32], strides = [1, 1]} : vector<256x4096xf32> to vector<256x32xf32>
    %max3A_25 = arith.maximumf %max3A_23, %slice3A_24 : vector<256x32xf32>
    %slice3A_26 = vector.extract_strided_slice %dot_general3A_12 {offsets = [0, 256], sizes = [256, 32], strides = [1, 1]} : vector<256x4096xf32> to vector<256x32xf32>
    %max3A_27 = arith.maximumf %max3A_25, %slice3A_26 : vector<256x32xf32>
    %slice3A_28 = vector.extract_strided_slice %dot_general3A_12 {offsets = [0, 288], sizes = [256, 32], strides = [1, 1]} : vector<256x4096xf32> to vector<256x32xf32>
    %max3A_29 = arith.maximumf %max3A_27, %slice3A_28 : vector<256x32xf32>
    %slice3A_30 = vector.extract_strided_slice %dot_general3A_12 {offsets = [0, 320], sizes = [256, 32], strides = [1, 1]} : vector<256x4096xf32> to vector<256x32xf32>
    %max3A_31 = arith.maximumf %max3A_29, %slice3A_30 : vector<256x32xf32>
    %slice3A_32 = vector.extract_strided_slice %dot_general3A_12 {offsets = [0, 352], sizes = [256, 32], strides = [1, 1]} : vector<256x4096xf32> to vector<256x32xf32>
    %max3A_33 = arith.maximumf %max3A_31, %slice3A_32 : vector<256x32xf32>
    %slice3A_34 = vector.extract_strided_slice %dot_general3A_12 {offsets = [0, 384], sizes = [256, 32], strides = [1, 1]} : vector<256x4096xf32> to vector<256x32xf32>
    %max3A_35 = arith.maximumf %max3A_33, %slice3A_34 : vector<256x32xf32>
    %slice3A_36 = vector.extract_strided_slice %dot_general3A_12 {offsets = [0, 416], sizes = [256, 32], strides = [1, 1]} : vector<256x4096xf32> to vector<256x32xf32>
    %max3A_37 = arith.maximumf %max3A_35, %slice3A_36 : vector<256x32xf32>
    %slice3A_38 = vector.extract_strided_slice %dot_general3A_12 {offsets = [0, 448], sizes = [256, 32], strides = [1, 1]} : vector<256x4096xf32> to vector<256x32xf32>
    %max3A_39 = arith.maximumf %max3A_37, %slice3A_38 : vector<256x32xf32>
    %slice3A_40 = vector.extract_strided_slice %dot_general3A_12 {offsets = [0, 480], sizes = [256, 32], strides = [1, 1]} : vector<256x4096xf32> to vector<256x32xf32>
    %max3A_41 = arith.maximumf %max3A_39, %slice3A_40 : vector<256x32xf32>
    %slice3A_42 = vector.extract_strided_slice %dot_general3A_12 {offsets = [0, 512], sizes = [256, 32], strides = [1, 1]} : vector<256x4096xf32> to vector<256x32xf32>
    %max3A_43 = arith.maximumf %max3A_41, %slice3A_42 : vector<256x32xf32>
    %slice3A_44 = vector.extract_strided_slice %dot_general3A_12 {offsets = [0, 544], sizes = [256, 32], strides = [1, 1]} : vector<256x4096xf32> to vector<256x32xf32>
    %max3A_45 = arith.maximumf %max3A_43, %slice3A_44 : vector<256x32xf32>
    %slice3A_46 = vector.extract_strided_slice %dot_general3A_12 {offsets = [0, 576], sizes = [256, 32], strides = [1, 1]} : vector<256x4096xf32> to vector<256x32xf32>
    %max3A_47 = arith.maximumf %max3A_45, %slice3A_46 : vector<256x32xf32>
    %slice3A_48 = vector.extract_strided_slice %dot_general3A_12 {offsets = [0, 608], sizes = [256, 32], strides = [1, 1]} : vector<256x4096xf32> to vector<256x32xf32>
    %max3A_49 = arith.maximumf %max3A_47, %slice3A_48 : vector<256x32xf32>
    %slice3A_50 = vector.extract_strided_slice %dot_general3A_12 {offsets = [0, 640], sizes = [256, 32], strides = [1, 1]} : vector<256x4096xf32> to vector<256x32xf32>
    %max3A_51 = arith.maximumf %max3A_49, %slice3A_50 : vector<256x32xf32>
    %slice3A_52 = vector.extract_strided_slice %dot_general3A_12 {offsets = [0, 672], sizes = [256, 32], strides = [1, 1]} : vector<256x4096xf32> to vector<256x32xf32>
    %max3A_53 = arith.maximumf %max3A_51, %slice3A_52 : vector<256x32xf32>
    %slice3A_54 = vector.extract_strided_slice %dot_general3A_12 {offsets = [0, 704], sizes = [256, 32], strides = [1, 1]} : vector<256x4096xf32> to vector<256x32xf32>
    %max3A_55 = arith.maximumf %max3A_53, %slice3A_54 : vector<256x32xf32>
    %slice3A_56 = vector.extract_strided_slice %dot_general3A_12 {offsets = [0, 736], sizes = [256, 32], strides = [1, 1]} : vector<256x4096xf32> to vector<256x32xf32>
    %max3A_57 = arith.maximumf %max3A_55, %slice3A_56 : vector<256x32xf32>
    %slice3A_58 = vector.extract_strided_slice %dot_general3A_12 {offsets = [0, 768], sizes = [256, 32], strides = [1, 1]} : vector<256x4096xf32> to vector<256x32xf32>
    %max3A_59 = arith.maximumf %max3A_57, %slice3A_58 : vector<256x32xf32>
    %slice3A_60 = vector.extract_strided_slice %dot_general3A_12 {offsets = [0, 800], sizes = [256, 32], strides = [1, 1]} : vector<256x4096xf32> to vector<256x32xf32>
    %max3A_61 = arith.maximumf %max3A_59, %slice3A_60 : vector<256x32xf32>
    %slice3A_62 = vector.extract_strided_slice %dot_general3A_12 {offsets = [0, 832], sizes = [256, 32], strides = [1, 1]} : vector<256x4096xf32> to vector<256x32xf32>
    %max3A_63 = arith.maximumf %max3A_61, %slice3A_62 : vector<256x32xf32>
    %slice3A_64 = vector.extract_strided_slice %dot_general3A_12 {offsets = [0, 864], sizes = [256, 32], strides = [1, 1]} : vector<256x4096xf32> to vector<256x32xf32>
    %max3A_65 = arith.maximumf %max3A_63, %slice3A_64 : vector<256x32xf32>
    %slice3A_66 = vector.extract_strided_slice %dot_general3A_12 {offsets = [0, 896], sizes = [256, 32], strides = [1, 1]} : vector<256x4096xf32> to vector<256x32xf32>
    %max3A_67 = arith.maximumf %max3A_65, %slice3A_66 : vector<256x32xf32>
    %slice3A_68 = vector.extract_strided_slice %dot_general3A_12 {offsets = [0, 928], sizes = [256, 32], strides = [1, 1]} : vector<256x4096xf32> to vector<256x32xf32>
    %max3A_69 = arith.maximumf %max3A_67, %slice3A_68 : vector<256x32xf32>
    %slice3A_70 = vector.extract_strided_slice %dot_general3A_12 {offsets = [0, 960], sizes = [256, 32], strides = [1, 1]} : vector<256x4096xf32> to vector<256x32xf32>
    %max3A_71 = arith.maximumf %max3A_69, %slice3A_70 : vector<256x32xf32>
    %slice3A_72 = vector.extract_strided_slice %dot_general3A_12 {offsets = [0, 992], sizes = [256, 32], strides = [1, 1]} : vector<256x4096xf32> to vector<256x32xf32>
    %max3A_73 = arith.maximumf %max3A_71, %slice3A_72 : vector<256x32xf32>
    %slice3A_74 = vector.extract_strided_slice %dot_general3A_12 {offsets = [0, 1024], sizes = [256, 32], strides = [1, 1]} : vector<256x4096xf32> to vector<256x32xf32>
    %max3A_75 = arith.maximumf %max3A_73, %slice3A_74 : vector<256x32xf32>
    %slice3A_76 = vector.extract_strided_slice %dot_general3A_12 {offsets = [0, 1056], sizes = [256, 32], strides = [1, 1]} : vector<256x4096xf32> to vector<256x32xf32>
    %max3A_77 = arith.maximumf %max3A_75, %slice3A_76 : vector<256x32xf32>
    %slice3A_78 = vector.extract_strided_slice %dot_general3A_12 {offsets = [0, 1088], sizes = [256, 32], strides = [1, 1]} : vector<256x4096xf32> to vector<256x32xf32>
    %max3A_79 = arith.maximumf %max3A_77, %slice3A_78 : vector<256x32xf32>
    %slice3A_80 = vector.extract_strided_slice %dot_general3A_12 {offsets = [0, 1120], sizes = [256, 32], strides = [1, 1]} : vector<256x4096xf32> to vector<256x32xf32>
    %max3A_81 = arith.maximumf %max3A_79, %slice3A_80 : vector<256x32xf32>
    %slice3A_82 = vector.extract_strided_slice %dot_general3A_12 {offsets = [0, 1152], sizes = [256, 32], strides = [1, 1]} : vector<256x4096xf32> to vector<256x32xf32>
    %max3A_83 = arith.maximumf %max3A_81, %slice3A_82 : vector<256x32xf32>
    %slice3A_84 = vector.extract_strided_slice %dot_general3A_12 {offsets = [0, 1184], sizes = [256, 32], strides = [1, 1]} : vector<256x4096xf32> to vector<256x32xf32>
    %max3A_85 = arith.maximumf %max3A_83, %slice3A_84 : vector<256x32xf32>
    %slice3A_86 = vector.extract_strided_slice %dot_general3A_12 {offsets = [0, 1216], sizes = [256, 32], strides = [1, 1]} : vector<256x4096xf32> to vector<256x32xf32>
    %max3A_87 = arith.maximumf %max3A_85, %slice3A_86 : vector<256x32xf32>
    %slice3A_88 = vector.extract_strided_slice %dot_general3A_12 {offsets = [0, 1248], sizes = [256, 32], strides = [1, 1]} : vector<256x4096xf32> to vector<256x32xf32>
    %max3A_89 = arith.maximumf %max3A_87, %slice3A_88 : vector<256x32xf32>
    %slice3A_90 = vector.extract_strided_slice %dot_general3A_12 {offsets = [0, 1280], sizes = [256, 32], strides = [1, 1]} : vector<256x4096xf32> to vector<256x32xf32>
    %max3A_91 = arith.maximumf %max3A_89, %slice3A_90 : vector<256x32xf32>
    %slice3A_92 = vector.extract_strided_slice %dot_general3A_12 {offsets = [0, 1312], sizes = [256, 32], strides = [1, 1]} : vector<256x4096xf32> to vector<256x32xf32>
    %max3A_93 = arith.maximumf %max3A_91, %slice3A_92 : vector<256x32xf32>
    %slice3A_94 = vector.extract_strided_slice %dot_general3A_12 {offsets = [0, 1344], sizes = [256, 32], strides = [1, 1]} : vector<256x4096xf32> to vector<256x32xf32>
    %max3A_95 = arith.maximumf %max3A_93, %slice3A_94 : vector<256x32xf32>
    %slice3A_96 = vector.extract_strided_slice %dot_general3A_12 {offsets = [0, 1376], sizes = [256, 32], strides = [1, 1]} : vector<256x4096xf32> to vector<256x32xf32>
    %max3A_97 = arith.maximumf %max3A_95, %slice3A_96 : vector<256x32xf32>
    %slice3A_98 = vector.extract_strided_slice %dot_general3A_12 {offsets = [0, 1408], sizes = [256, 32], strides = [1, 1]} : vector<256x4096xf32> to vector<256x32xf32>
    %max3A_99 = arith.maximumf %max3A_97, %slice3A_98 : vector<256x32xf32>
    %slice3A_100 = vector.extract_strided_slice %dot_general3A_12 {offsets = [0, 1440], sizes = [256, 32], strides = [1, 1]} : vector<256x4096xf32> to vector<256x32xf32>
    %max3A_101 = arith.maximumf %max3A_99, %slice3A_100 : vector<256x32xf32>
    %slice3A_102 = vector.extract_strided_slice %dot_general3A_12 {offsets = [0, 1472], sizes = [256, 32], strides = [1, 1]} : vector<256x4096xf32> to vector<256x32xf32>
    %max3A_103 = arith.maximumf %max3A_101, %slice3A_102 : vector<256x32xf32>
    %slice3A_104 = vector.extract_strided_slice %dot_general3A_12 {offsets = [0, 1504], sizes = [256, 32], strides = [1, 1]} : vector<256x4096xf32> to vector<256x32xf32>
    %max3A_105 = arith.maximumf %max3A_103, %slice3A_104 : vector<256x32xf32>
    %slice3A_106 = vector.extract_strided_slice %dot_general3A_12 {offsets = [0, 1536], sizes = [256, 32], strides = [1, 1]} : vector<256x4096xf32> to vector<256x32xf32>
    %max3A_107 = arith.maximumf %max3A_105, %slice3A_106 : vector<256x32xf32>
    %slice3A_108 = vector.extract_strided_slice %dot_general3A_12 {offsets = [0, 1568], sizes = [256, 32], strides = [1, 1]} : vector<256x4096xf32> to vector<256x32xf32>
    %max3A_109 = arith.maximumf %max3A_107, %slice3A_108 : vector<256x32xf32>
    %slice3A_110 = vector.extract_strided_slice %dot_general3A_12 {offsets = [0, 1600], sizes = [256, 32], strides = [1, 1]} : vector<256x4096xf32> to vector<256x32xf32>
    %max3A_111 = arith.maximumf %max3A_109, %slice3A_110 : vector<256x32xf32>
    %slice3A_112 = vector.extract_strided_slice %dot_general3A_12 {offsets = [0, 1632], sizes = [256, 32], strides = [1, 1]} : vector<256x4096xf32> to vector<256x32xf32>
    %max3A_113 = arith.maximumf %max3A_111, %slice3A_112 : vector<256x32xf32>
    %slice3A_114 = vector.extract_strided_slice %dot_general3A_12 {offsets = [0, 1664], sizes = [256, 32], strides = [1, 1]} : vector<256x4096xf32> to vector<256x32xf32>
    %max3A_115 = arith.maximumf %max3A_113, %slice3A_114 : vector<256x32xf32>
    %slice3A_116 = vector.extract_strided_slice %dot_general3A_12 {offsets = [0, 1696], sizes = [256, 32], strides = [1, 1]} : vector<256x4096xf32> to vector<256x32xf32>
    %max3A_117 = arith.maximumf %max3A_115, %slice3A_116 : vector<256x32xf32>
    %slice3A_118 = vector.extract_strided_slice %dot_general3A_12 {offsets = [0, 1728], sizes = [256, 32], strides = [1, 1]} : vector<256x4096xf32> to vector<256x32xf32>
    %max3A_119 = arith.maximumf %max3A_117, %slice3A_118 : vector<256x32xf32>
    %slice3A_120 = vector.extract_strided_slice %dot_general3A_12 {offsets = [0, 1760], sizes = [256, 32], strides = [1, 1]} : vector<256x4096xf32> to vector<256x32xf32>
    %max3A_121 = arith.maximumf %max3A_119, %slice3A_120 : vector<256x32xf32>
    %slice3A_122 = vector.extract_strided_slice %dot_general3A_12 {offsets = [0, 1792], sizes = [256, 32], strides = [1, 1]} : vector<256x4096xf32> to vector<256x32xf32>
    %max3A_123 = arith.maximumf %max3A_121, %slice3A_122 : vector<256x32xf32>
    %slice3A_124 = vector.extract_strided_slice %dot_general3A_12 {offsets = [0, 1824], sizes = [256, 32], strides = [1, 1]} : vector<256x4096xf32> to vector<256x32xf32>
    %max3A_125 = arith.maximumf %max3A_123, %slice3A_124 : vector<256x32xf32>
    %slice3A_126 = vector.extract_strided_slice %dot_general3A_12 {offsets = [0, 1856], sizes = [256, 32], strides = [1, 1]} : vector<256x4096xf32> to vector<256x32xf32>
    %max3A_127 = arith.maximumf %max3A_125, %slice3A_126 : vector<256x32xf32>
    %slice3A_128 = vector.extract_strided_slice %dot_general3A_12 {offsets = [0, 1888], sizes = [256, 32], strides = [1, 1]} : vector<256x4096xf32> to vector<256x32xf32>
    %max3A_129 = arith.maximumf %max3A_127, %slice3A_128 : vector<256x32xf32>
    %slice3A_130 = vector.extract_strided_slice %dot_general3A_12 {offsets = [0, 1920], sizes = [256, 32], strides = [1, 1]} : vector<256x4096xf32> to vector<256x32xf32>
    %max3A_131 = arith.maximumf %max3A_129, %slice3A_130 : vector<256x32xf32>
    %slice3A_132 = vector.extract_strided_slice %dot_general3A_12 {offsets = [0, 1952], sizes = [256, 32], strides = [1, 1]} : vector<256x4096xf32> to vector<256x32xf32>
    %max3A_133 = arith.maximumf %max3A_131, %slice3A_132 : vector<256x32xf32>
    %slice3A_134 = vector.extract_strided_slice %dot_general3A_12 {offsets = [0, 1984], sizes = [256, 32], strides = [1, 1]} : vector<256x4096xf32> to vector<256x32xf32>
    %max3A_135 = arith.maximumf %max3A_133, %slice3A_134 : vector<256x32xf32>
    %slice3A_136 = vector.extract_strided_slice %dot_general3A_12 {offsets = [0, 2016], sizes = [256, 32], strides = [1, 1]} : vector<256x4096xf32> to vector<256x32xf32>
    %max3A_137 = arith.maximumf %max3A_135, %slice3A_136 : vector<256x32xf32>
    %slice3A_138 = vector.extract_strided_slice %dot_general3A_12 {offsets = [0, 2048], sizes = [256, 32], strides = [1, 1]} : vector<256x4096xf32> to vector<256x32xf32>
    %max3A_139 = arith.maximumf %max3A_137, %slice3A_138 : vector<256x32xf32>
    %slice3A_140 = vector.extract_strided_slice %dot_general3A_12 {offsets = [0, 2080], sizes = [256, 32], strides = [1, 1]} : vector<256x4096xf32> to vector<256x32xf32>
    %max3A_141 = arith.maximumf %max3A_139, %slice3A_140 : vector<256x32xf32>
    %slice3A_142 = vector.extract_strided_slice %dot_general3A_12 {offsets = [0, 2112], sizes = [256, 32], strides = [1, 1]} : vector<256x4096xf32> to vector<256x32xf32>
    %max3A_143 = arith.maximumf %max3A_141, %slice3A_142 : vector<256x32xf32>
    %slice3A_144 = vector.extract_strided_slice %dot_general3A_12 {offsets = [0, 2144], sizes = [256, 32], strides = [1, 1]} : vector<256x4096xf32> to vector<256x32xf32>
    %max3A_145 = arith.maximumf %max3A_143, %slice3A_144 : vector<256x32xf32>
    %slice3A_146 = vector.extract_strided_slice %dot_general3A_12 {offsets = [0, 2176], sizes = [256, 32], strides = [1, 1]} : vector<256x4096xf32> to vector<256x32xf32>
    %max3A_147 = arith.maximumf %max3A_145, %slice3A_146 : vector<256x32xf32>
    %slice3A_148 = vector.extract_strided_slice %dot_general3A_12 {offsets = [0, 2208], sizes = [256, 32], strides = [1, 1]} : vector<256x4096xf32> to vector<256x32xf32>
    %max3A_149 = arith.maximumf %max3A_147, %slice3A_148 : vector<256x32xf32>
    %slice3A_150 = vector.extract_strided_slice %dot_general3A_12 {offsets = [0, 2240], sizes = [256, 32], strides = [1, 1]} : vector<256x4096xf32> to vector<256x32xf32>
    %max3A_151 = arith.maximumf %max3A_149, %slice3A_150 : vector<256x32xf32>
    %slice3A_152 = vector.extract_strided_slice %dot_general3A_12 {offsets = [0, 2272], sizes = [256, 32], strides = [1, 1]} : vector<256x4096xf32> to vector<256x32xf32>
    %max3A_153 = arith.maximumf %max3A_151, %slice3A_152 : vector<256x32xf32>
    %slice3A_154 = vector.extract_strided_slice %dot_general3A_12 {offsets = [0, 2304], sizes = [256, 32], strides = [1, 1]} : vector<256x4096xf32> to vector<256x32xf32>
    %max3A_155 = arith.maximumf %max3A_153, %slice3A_154 : vector<256x32xf32>
    %slice3A_156 = vector.extract_strided_slice %dot_general3A_12 {offsets = [0, 2336], sizes = [256, 32], strides = [1, 1]} : vector<256x4096xf32> to vector<256x32xf32>
    %max3A_157 = arith.maximumf %max3A_155, %slice3A_156 : vector<256x32xf32>
    %slice3A_158 = vector.extract_strided_slice %dot_general3A_12 {offsets = [0, 2368], sizes = [256, 32], strides = [1, 1]} : vector<256x4096xf32> to vector<256x32xf32>
    %max3A_159 = arith.maximumf %max3A_157, %slice3A_158 : vector<256x32xf32>
    %slice3A_160 = vector.extract_strided_slice %dot_general3A_12 {offsets = [0, 2400], sizes = [256, 32], strides = [1, 1]} : vector<256x4096xf32> to vector<256x32xf32>
    %max3A_161 = arith.maximumf %max3A_159, %slice3A_160 : vector<256x32xf32>
    %slice3A_162 = vector.extract_strided_slice %dot_general3A_12 {offsets = [0, 2432], sizes = [256, 32], strides = [1, 1]} : vector<256x4096xf32> to vector<256x32xf32>
    %max3A_163 = arith.maximumf %max3A_161, %slice3A_162 : vector<256x32xf32>
    %slice3A_164 = vector.extract_strided_slice %dot_general3A_12 {offsets = [0, 2464], sizes = [256, 32], strides = [1, 1]} : vector<256x4096xf32> to vector<256x32xf32>
    %max3A_165 = arith.maximumf %max3A_163, %slice3A_164 : vector<256x32xf32>
    %slice3A_166 = vector.extract_strided_slice %dot_general3A_12 {offsets = [0, 2496], sizes = [256, 32], strides = [1, 1]} : vector<256x4096xf32> to vector<256x32xf32>
    %max3A_167 = arith.maximumf %max3A_165, %slice3A_166 : vector<256x32xf32>
    %slice3A_168 = vector.extract_strided_slice %dot_general3A_12 {offsets = [0, 2528], sizes = [256, 32], strides = [1, 1]} : vector<256x4096xf32> to vector<256x32xf32>
    %max3A_169 = arith.maximumf %max3A_167, %slice3A_168 : vector<256x32xf32>
    %slice3A_170 = vector.extract_strided_slice %dot_general3A_12 {offsets = [0, 2560], sizes = [256, 32], strides = [1, 1]} : vector<256x4096xf32> to vector<256x32xf32>
    %max3A_171 = arith.maximumf %max3A_169, %slice3A_170 : vector<256x32xf32>
    %slice3A_172 = vector.extract_strided_slice %dot_general3A_12 {offsets = [0, 2592], sizes = [256, 32], strides = [1, 1]} : vector<256x4096xf32> to vector<256x32xf32>
    %max3A_173 = arith.maximumf %max3A_171, %slice3A_172 : vector<256x32xf32>
    %slice3A_174 = vector.extract_strided_slice %dot_general3A_12 {offsets = [0, 2624], sizes = [256, 32], strides = [1, 1]} : vector<256x4096xf32> to vector<256x32xf32>
    %max3A_175 = arith.maximumf %max3A_173, %slice3A_174 : vector<256x32xf32>
    %slice3A_176 = vector.extract_strided_slice %dot_general3A_12 {offsets = [0, 2656], sizes = [256, 32], strides = [1, 1]} : vector<256x4096xf32> to vector<256x32xf32>
    %max3A_177 = arith.maximumf %max3A_175, %slice3A_176 : vector<256x32xf32>
    %slice3A_178 = vector.extract_strided_slice %dot_general3A_12 {offsets = [0, 2688], sizes = [256, 32], strides = [1, 1]} : vector<256x4096xf32> to vector<256x32xf32>
    %max3A_179 = arith.maximumf %max3A_177, %slice3A_178 : vector<256x32xf32>
    %slice3A_180 = vector.extract_strided_slice %dot_general3A_12 {offsets = [0, 2720], sizes = [256, 32], strides = [1, 1]} : vector<256x4096xf32> to vector<256x32xf32>
    %max3A_181 = arith.maximumf %max3A_179, %slice3A_180 : vector<256x32xf32>
    %slice3A_182 = vector.extract_strided_slice %dot_general3A_12 {offsets = [0, 2752], sizes = [256, 32], strides = [1, 1]} : vector<256x4096xf32> to vector<256x32xf32>
    %max3A_183 = arith.maximumf %max3A_181, %slice3A_182 : vector<256x32xf32>
    %slice3A_184 = vector.extract_strided_slice %dot_general3A_12 {offsets = [0, 2784], sizes = [256, 32], strides = [1, 1]} : vector<256x4096xf32> to vector<256x32xf32>
    %max3A_185 = arith.maximumf %max3A_183, %slice3A_184 : vector<256x32xf32>
    %slice3A_186 = vector.extract_strided_slice %dot_general3A_12 {offsets = [0, 2816], sizes = [256, 32], strides = [1, 1]} : vector<256x4096xf32> to vector<256x32xf32>
    %max3A_187 = arith.maximumf %max3A_185, %slice3A_186 : vector<256x32xf32>
    %slice3A_188 = vector.extract_strided_slice %dot_general3A_12 {offsets = [0, 2848], sizes = [256, 32], strides = [1, 1]} : vector<256x4096xf32> to vector<256x32xf32>
    %max3A_189 = arith.maximumf %max3A_187, %slice3A_188 : vector<256x32xf32>
    %slice3A_190 = vector.extract_strided_slice %dot_general3A_12 {offsets = [0, 2880], sizes = [256, 32], strides = [1, 1]} : vector<256x4096xf32> to vector<256x32xf32>
    %max3A_191 = arith.maximumf %max3A_189, %slice3A_190 : vector<256x32xf32>
    %slice3A_192 = vector.extract_strided_slice %dot_general3A_12 {offsets = [0, 2912], sizes = [256, 32], strides = [1, 1]} : vector<256x4096xf32> to vector<256x32xf32>
    %max3A_193 = arith.maximumf %max3A_191, %slice3A_192 : vector<256x32xf32>
    %slice3A_194 = vector.extract_strided_slice %dot_general3A_12 {offsets = [0, 2944], sizes = [256, 32], strides = [1, 1]} : vector<256x4096xf32> to vector<256x32xf32>
    %max3A_195 = arith.maximumf %max3A_193, %slice3A_194 : vector<256x32xf32>
    %slice3A_196 = vector.extract_strided_slice %dot_general3A_12 {offsets = [0, 2976], sizes = [256, 32], strides = [1, 1]} : vector<256x4096xf32> to vector<256x32xf32>
    %max3A_197 = arith.maximumf %max3A_195, %slice3A_196 : vector<256x32xf32>
    %slice3A_198 = vector.extract_strided_slice %dot_general3A_12 {offsets = [0, 3008], sizes = [256, 32], strides = [1, 1]} : vector<256x4096xf32> to vector<256x32xf32>
    %max3A_199 = arith.maximumf %max3A_197, %slice3A_198 : vector<256x32xf32>
    %slice3A_200 = vector.extract_strided_slice %dot_general3A_12 {offsets = [0, 3040], sizes = [256, 32], strides = [1, 1]} : vector<256x4096xf32> to vector<256x32xf32>
    %max3A_201 = arith.maximumf %max3A_199, %slice3A_200 : vector<256x32xf32>
    %slice3A_202 = vector.extract_strided_slice %dot_general3A_12 {offsets = [0, 3072], sizes = [256, 32], strides = [1, 1]} : vector<256x4096xf32> to vector<256x32xf32>
    %max3A_203 = arith.maximumf %max3A_201, %slice3A_202 : vector<256x32xf32>
    %slice3A_204 = vector.extract_strided_slice %dot_general3A_12 {offsets = [0, 3104], sizes = [256, 32], strides = [1, 1]} : vector<256x4096xf32> to vector<256x32xf32>
    %max3A_205 = arith.maximumf %max3A_203, %slice3A_204 : vector<256x32xf32>
    %slice3A_206 = vector.extract_strided_slice %dot_general3A_12 {offsets = [0, 3136], sizes = [256, 32], strides = [1, 1]} : vector<256x4096xf32> to vector<256x32xf32>
    %max3A_207 = arith.maximumf %max3A_205, %slice3A_206 : vector<256x32xf32>
    %slice3A_208 = vector.extract_strided_slice %dot_general3A_12 {offsets = [0, 3168], sizes = [256, 32], strides = [1, 1]} : vector<256x4096xf32> to vector<256x32xf32>
    %max3A_209 = arith.maximumf %max3A_207, %slice3A_208 : vector<256x32xf32>
    %slice3A_210 = vector.extract_strided_slice %dot_general3A_12 {offsets = [0, 3200], sizes = [256, 32], strides = [1, 1]} : vector<256x4096xf32> to vector<256x32xf32>
    %max3A_211 = arith.maximumf %max3A_209, %slice3A_210 : vector<256x32xf32>
    %slice3A_212 = vector.extract_strided_slice %dot_general3A_12 {offsets = [0, 3232], sizes = [256, 32], strides = [1, 1]} : vector<256x4096xf32> to vector<256x32xf32>
    %max3A_213 = arith.maximumf %max3A_211, %slice3A_212 : vector<256x32xf32>
    %slice3A_214 = vector.extract_strided_slice %dot_general3A_12 {offsets = [0, 3264], sizes = [256, 32], strides = [1, 1]} : vector<256x4096xf32> to vector<256x32xf32>
    %max3A_215 = arith.maximumf %max3A_213, %slice3A_214 : vector<256x32xf32>
    %slice3A_216 = vector.extract_strided_slice %dot_general3A_12 {offsets = [0, 3296], sizes = [256, 32], strides = [1, 1]} : vector<256x4096xf32> to vector<256x32xf32>
    %max3A_217 = arith.maximumf %max3A_215, %slice3A_216 : vector<256x32xf32>
    %slice3A_218 = vector.extract_strided_slice %dot_general3A_12 {offsets = [0, 3328], sizes = [256, 32], strides = [1, 1]} : vector<256x4096xf32> to vector<256x32xf32>
    %max3A_219 = arith.maximumf %max3A_217, %slice3A_218 : vector<256x32xf32>
    %slice3A_220 = vector.extract_strided_slice %dot_general3A_12 {offsets = [0, 3360], sizes = [256, 32], strides = [1, 1]} : vector<256x4096xf32> to vector<256x32xf32>
    %max3A_221 = arith.maximumf %max3A_219, %slice3A_220 : vector<256x32xf32>
    %slice3A_222 = vector.extract_strided_slice %dot_general3A_12 {offsets = [0, 3392], sizes = [256, 32], strides = [1, 1]} : vector<256x4096xf32> to vector<256x32xf32>
    %max3A_223 = arith.maximumf %max3A_221, %slice3A_222 : vector<256x32xf32>
    %slice3A_224 = vector.extract_strided_slice %dot_general3A_12 {offsets = [0, 3424], sizes = [256, 32], strides = [1, 1]} : vector<256x4096xf32> to vector<256x32xf32>
    %max3A_225 = arith.maximumf %max3A_223, %slice3A_224 : vector<256x32xf32>
    %slice3A_226 = vector.extract_strided_slice %dot_general3A_12 {offsets = [0, 3456], sizes = [256, 32], strides = [1, 1]} : vector<256x4096xf32> to vector<256x32xf32>
    %max3A_227 = arith.maximumf %max3A_225, %slice3A_226 : vector<256x32xf32>
    %slice3A_228 = vector.extract_strided_slice %dot_general3A_12 {offsets = [0, 3488], sizes = [256, 32], strides = [1, 1]} : vector<256x4096xf32> to vector<256x32xf32>
    %max3A_229 = arith.maximumf %max3A_227, %slice3A_228 : vector<256x32xf32>
    %slice3A_230 = vector.extract_strided_slice %dot_general3A_12 {offsets = [0, 3520], sizes = [256, 32], strides = [1, 1]} : vector<256x4096xf32> to vector<256x32xf32>
    %max3A_231 = arith.maximumf %max3A_229, %slice3A_230 : vector<256x32xf32>
    %slice3A_232 = vector.extract_strided_slice %dot_general3A_12 {offsets = [0, 3552], sizes = [256, 32], strides = [1, 1]} : vector<256x4096xf32> to vector<256x32xf32>
    %max3A_233 = arith.maximumf %max3A_231, %slice3A_232 : vector<256x32xf32>
    %slice3A_234 = vector.extract_strided_slice %dot_general3A_12 {offsets = [0, 3584], sizes = [256, 32], strides = [1, 1]} : vector<256x4096xf32> to vector<256x32xf32>
    %max3A_235 = arith.maximumf %max3A_233, %slice3A_234 : vector<256x32xf32>
    %slice3A_236 = vector.extract_strided_slice %dot_general3A_12 {offsets = [0, 3616], sizes = [256, 32], strides = [1, 1]} : vector<256x4096xf32> to vector<256x32xf32>
    %max3A_237 = arith.maximumf %max3A_235, %slice3A_236 : vector<256x32xf32>
    %slice3A_238 = vector.extract_strided_slice %dot_general3A_12 {offsets = [0, 3648], sizes = [256, 32], strides = [1, 1]} : vector<256x4096xf32> to vector<256x32xf32>
    %max3A_239 = arith.maximumf %max3A_237, %slice3A_238 : vector<256x32xf32>
    %slice3A_240 = vector.extract_strided_slice %dot_general3A_12 {offsets = [0, 3680], sizes = [256, 32], strides = [1, 1]} : vector<256x4096xf32> to vector<256x32xf32>
    %max3A_241 = arith.maximumf %max3A_239, %slice3A_240 : vector<256x32xf32>
    %slice3A_242 = vector.extract_strided_slice %dot_general3A_12 {offsets = [0, 3712], sizes = [256, 32], strides = [1, 1]} : vector<256x4096xf32> to vector<256x32xf32>
    %max3A_243 = arith.maximumf %max3A_241, %slice3A_242 : vector<256x32xf32>
    %slice3A_244 = vector.extract_strided_slice %dot_general3A_12 {offsets = [0, 3744], sizes = [256, 32], strides = [1, 1]} : vector<256x4096xf32> to vector<256x32xf32>
    %max3A_245 = arith.maximumf %max3A_243, %slice3A_244 : vector<256x32xf32>
    %slice3A_246 = vector.extract_strided_slice %dot_general3A_12 {offsets = [0, 3776], sizes = [256, 32], strides = [1, 1]} : vector<256x4096xf32> to vector<256x32xf32>
    %max3A_247 = arith.maximumf %max3A_245, %slice3A_246 : vector<256x32xf32>
    %slice3A_248 = vector.extract_strided_slice %dot_general3A_12 {offsets = [0, 3808], sizes = [256, 32], strides = [1, 1]} : vector<256x4096xf32> to vector<256x32xf32>
    %max3A_249 = arith.maximumf %max3A_247, %slice3A_248 : vector<256x32xf32>
    %slice3A_250 = vector.extract_strided_slice %dot_general3A_12 {offsets = [0, 3840], sizes = [256, 32], strides = [1, 1]} : vector<256x4096xf32> to vector<256x32xf32>
    %max3A_251 = arith.maximumf %max3A_249, %slice3A_250 : vector<256x32xf32>
    %slice3A_252 = vector.extract_strided_slice %dot_general3A_12 {offsets = [0, 3872], sizes = [256, 32], strides = [1, 1]} : vector<256x4096xf32> to vector<256x32xf32>
    %max3A_253 = arith.maximumf %max3A_251, %slice3A_252 : vector<256x32xf32>
    %slice3A_254 = vector.extract_strided_slice %dot_general3A_12 {offsets = [0, 3904], sizes = [256, 32], strides = [1, 1]} : vector<256x4096xf32> to vector<256x32xf32>
    %max3A_255 = arith.maximumf %max3A_253, %slice3A_254 : vector<256x32xf32>
    %slice3A_256 = vector.extract_strided_slice %dot_general3A_12 {offsets = [0, 3936], sizes = [256, 32], strides = [1, 1]} : vector<256x4096xf32> to vector<256x32xf32>
    %max3A_257 = arith.maximumf %max3A_255, %slice3A_256 : vector<256x32xf32>
    %slice3A_258 = vector.extract_strided_slice %dot_general3A_12 {offsets = [0, 3968], sizes = [256, 32], strides = [1, 1]} : vector<256x4096xf32> to vector<256x32xf32>
    %max3A_259 = arith.maximumf %max3A_257, %slice3A_258 : vector<256x32xf32>
    %slice3A_260 = vector.extract_strided_slice %dot_general3A_12 {offsets = [0, 4000], sizes = [256, 32], strides = [1, 1]} : vector<256x4096xf32> to vector<256x32xf32>
    %max3A_261 = arith.maximumf %max3A_259, %slice3A_260 : vector<256x32xf32>
    %slice3A_262 = vector.extract_strided_slice %dot_general3A_12 {offsets = [0, 4032], sizes = [256, 32], strides = [1, 1]} : vector<256x4096xf32> to vector<256x32xf32>
    %max3A_263 = arith.maximumf %max3A_261, %slice3A_262 : vector<256x32xf32>
    %slice3A_264 = vector.extract_strided_slice %dot_general3A_12 {offsets = [0, 4064], sizes = [256, 32], strides = [1, 1]} : vector<256x4096xf32> to vector<256x32xf32>
    %max3A_265 = arith.maximumf %max3A_263, %slice3A_264 : vector<256x32xf32>
    %jit3A = arith.constant 4 : i32
    %eq3A = arith.constant 0 : i32
    %eq3A_266 = arith.cmpi eq, %jit3A, %eq3A : i32
    %jit3A_267 = arith.constant 1 : i32
    %select_n3A = arith.select %eq3A_266, %jit3A_267, %jit3A : i32
    %rem3A = arith.remsi %arg1, %select_n3A : i32
    %ne3A = arith.constant 0 : i32
    %ne3A_268 = arith.cmpi ne, %rem3A, %ne3A : i32
    %lt3A = arith.constant 0 : i32
    %lt3A_269 = arith.cmpi slt, %rem3A, %lt3A : i32
    %lt3A_270 = arith.constant 0 : i32
    %lt3A_271 = arith.cmpi slt, %select_n3A, %lt3A_270 : i32
    %ne3A_272 = arith.xori %lt3A_269, %lt3A_271 : i1
    %and3A = arith.andi %ne3A_272, %ne3A_268 : i1
    %add3A = arith.addi %rem3A, %select_n3A : i32
    %select_n3A_273 = arith.select %and3A, %add3A, %rem3A : i32
    %eq3A_274 = arith.constant 0 : i32
    %eq3A_275 = arith.cmpi eq, %select_n3A_273, %eq3A_274 : i32
    %convert_element_type3A = arith.extui %eq3A_275 : i1 to i32
    %cond3A = arith.constant 0 : i32
    %cond3A_276 = arith.cmpi ne, %convert_element_type3A, %cond3A : i32
    scf.if %cond3A_276 {
      %swap3A_340 = arith.constant 0 : index
      %swap3A_341 = arith.constant 0 : index
      %swap3A_342 = vector.load %arg6[%swap3A_340, %swap3A_341] : memref<256x128xf32, #tpu.memory_space<vmem>>, vector<256x32xf32>
      tpu.vector_store %arg6[%swap3A_340, %swap3A_341], %max3A_265 {strides = array<i32>} : memref<256x128xf32, #tpu.memory_space<vmem>>, vector<256x32xf32>,
    } else {
    }
    %jit3A_277 = arith.constant 4 : i32
    %eq3A_278 = arith.constant 0 : i32
    %eq3A_279 = arith.cmpi eq, %jit3A_277, %eq3A_278 : i32
    %jit3A_280 = arith.constant 1 : i32
    %select_n3A_281 = arith.select %eq3A_279, %jit3A_280, %jit3A_277 : i32
    %rem3A_282 = arith.remsi %arg1, %select_n3A_281 : i32
    %ne3A_283 = arith.constant 0 : i32
    %ne3A_284 = arith.cmpi ne, %rem3A_282, %ne3A_283 : i32
    %lt3A_285 = arith.constant 0 : i32
    %lt3A_286 = arith.cmpi slt, %rem3A_282, %lt3A_285 : i32
    %lt3A_287 = arith.constant 0 : i32
    %lt3A_288 = arith.cmpi slt, %select_n3A_281, %lt3A_287 : i32
    %ne3A_289 = arith.xori %lt3A_286, %lt3A_288 : i1
    %and3A_290 = arith.andi %ne3A_289, %ne3A_284 : i1
    %add3A_291 = arith.addi %rem3A_282, %select_n3A_281 : i32
    %select_n3A_292 = arith.select %and3A_290, %add3A_291, %rem3A_282 : i32
    %eq3A_293 = arith.constant 1 : i32
    %eq3A_294 = arith.cmpi eq, %select_n3A_292, %eq3A_293 : i32
    %convert_element_type3A_295 = arith.extui %eq3A_294 : i1 to i32
    %cond3A_296 = arith.constant 0 : i32
    %cond3A_297 = arith.cmpi ne, %convert_element_type3A_295, %cond3A_296 : i32
    scf.if %cond3A_297 {
      %swap3A_340 = arith.constant 0 : index
      %swap3A_341 = arith.constant 32 : index
      %swap3A_342 = vector.load %arg6[%swap3A_340, %swap3A_341] : memref<256x128xf32, #tpu.memory_space<vmem>>, vector<256x32xf32>
      tpu.vector_store %arg6[%swap3A_340, %swap3A_341], %max3A_265 {strides = array<i32>} : memref<256x128xf32, #tpu.memory_space<vmem>>, vector<256x32xf32>,
    } else {
    }
    %jit3A_298 = arith.constant 4 : i32
    %eq3A_299 = arith.constant 0 : i32
    %eq3A_300 = arith.cmpi eq, %jit3A_298, %eq3A_299 : i32
    %jit3A_301 = arith.constant 1 : i32
    %select_n3A_302 = arith.select %eq3A_300, %jit3A_301, %jit3A_298 : i32
    %rem3A_303 = arith.remsi %arg1, %select_n3A_302 : i32
    %ne3A_304 = arith.constant 0 : i32
    %ne3A_305 = arith.cmpi ne, %rem3A_303, %ne3A_304 : i32
    %lt3A_306 = arith.constant 0 : i32
    %lt3A_307 = arith.cmpi slt, %rem3A_303, %lt3A_306 : i32
    %lt3A_308 = arith.constant 0 : i32
    %lt3A_309 = arith.cmpi slt, %select_n3A_302, %lt3A_308 : i32
    %ne3A_310 = arith.xori %lt3A_307, %lt3A_309 : i1
    %and3A_311 = arith.andi %ne3A_310, %ne3A_305 : i1
    %add3A_312 = arith.addi %rem3A_303, %select_n3A_302 : i32
    %select_n3A_313 = arith.select %and3A_311, %add3A_312, %rem3A_303 : i32
    %eq3A_314 = arith.constant 2 : i32
    %eq3A_315 = arith.cmpi eq, %select_n3A_313, %eq3A_314 : i32
    %convert_element_type3A_316 = arith.extui %eq3A_315 : i1 to i32
    %cond3A_317 = arith.constant 0 : i32
    %cond3A_318 = arith.cmpi ne, %convert_element_type3A_316, %cond3A_317 : i32
    scf.if %cond3A_318 {
      %swap3A_340 = arith.constant 0 : index
      %swap3A_341 = arith.constant 64 : index
      %swap3A_342 = vector.load %arg6[%swap3A_340, %swap3A_341] : memref<256x128xf32, #tpu.memory_space<vmem>>, vector<256x32xf32>
      tpu.vector_store %arg6[%swap3A_340, %swap3A_341], %max3A_265 {strides = array<i32>} : memref<256x128xf32, #tpu.memory_space<vmem>>, vector<256x32xf32>,
    } else {
    }
    %jit3A_319 = arith.constant 4 : i32
    %eq3A_320 = arith.constant 0 : i32
    %eq3A_321 = arith.cmpi eq, %jit3A_319, %eq3A_320 : i32
    %jit3A_322 = arith.constant 1 : i32
    %select_n3A_323 = arith.select %eq3A_321, %jit3A_322, %jit3A_319 : i32
    %rem3A_324 = arith.remsi %arg1, %select_n3A_323 : i32
    %ne3A_325 = arith.constant 0 : i32
    %ne3A_326 = arith.cmpi ne, %rem3A_324, %ne3A_325 : i32
    %lt3A_327 = arith.constant 0 : i32
    %lt3A_328 = arith.cmpi slt, %rem3A_324, %lt3A_327 : i32
    %lt3A_329 = arith.constant 0 : i32
    %lt3A_330 = arith.cmpi slt, %select_n3A_323, %lt3A_329 : i32
    %ne3A_331 = arith.xori %lt3A_328, %lt3A_330 : i1
    %and3A_332 = arith.andi %ne3A_331, %ne3A_326 : i1
    %add3A_333 = arith.addi %rem3A_324, %select_n3A_323 : i32
    %select_n3A_334 = arith.select %and3A_332, %add3A_333, %rem3A_324 : i32
    %eq3A_335 = arith.constant 3 : i32
    %eq3A_336 = arith.cmpi eq, %select_n3A_334, %eq3A_335 : i32
    %convert_element_type3A_337 = arith.extui %eq3A_336 : i1 to i32
    %cond3A_338 = arith.constant 0 : i32
    %cond3A_339 = arith.cmpi ne, %convert_element_type3A_337, %cond3A_338 : i32
    scf.if %cond3A_339 {
      %swap3A_340 = arith.constant 0 : index
      %swap3A_341 = arith.constant 96 : index
      %swap3A_342 = vector.load %arg6[%swap3A_340, %swap3A_341] : memref<256x128xf32, #tpu.memory_space<vmem>>, vector<256x32xf32>
      tpu.vector_store %arg6[%swap3A_340, %swap3A_341], %max3A_265 {strides = array<i32>} : memref<256x128xf32, #tpu.memory_space<vmem>>, vector<256x32xf32>,
    } else {
    }
    return
  }
  func.func @transform_0(%arg0: i32, %arg1: i32) -> (i32, i32) {
    %c0_i32 = arith.constant 0 : i32
    %c0_i32_0 = arith.constant 0 : i32
    return %arg0, %c0_i32 : i32, i32
  }
  func.func @transform_1(%arg0: i32, %arg1: i32) -> (i32, i32) {
    %c0_i32 = arith.constant 0 : i32
    %c0_i32_0 = arith.constant 0 : i32
    return %arg1, %c0_i32 : i32, i32
  }
  func.func @transform_2(%arg0: i32, %arg1: i32) -> (i32, i32) {
    %c0_i32 = arith.constant 0 : i32
    %c0_i32_0 = arith.constant 0 : i32
    return %arg1, %c0_i32 : i32, i32
  }
  func.func @transform_3(%arg0: i32, %arg1: i32) -> (i32, i32) {
    %c0_i32 = arith.constant 0 : i32
    return %arg0, %arg1 : i32, i32
  }
  func.func @transform_4(%arg0: i32, %arg1: i32) -> (i32, i32) {
    %jit3A = arith.constant 4 : i32
    %div3A = arith.divsi %arg1, %jit3A : i32
    %sign3A = arith.constant 0 : i32
    %sign3A_0 = arith.cmpi sgt, %arg1, %sign3A : i32
    %sign3A_1 = arith.extui %sign3A_0 : i1 to i32
    %sign3A_2 = arith.constant 0 : i32
    %sign3A_3 = arith.cmpi slt, %arg1, %sign3A_2 : i32
    %sign3A_4 = arith.extui %sign3A_3 : i1 to i32
    %sign3A_5 = arith.subi %sign3A_1, %sign3A_4 : i32
    %sign3A_6 = arith.constant 0 : i32
    %sign3A_7 = arith.cmpi sgt, %jit3A, %sign3A_6 : i32
    %sign3A_8 = arith.extui %sign3A_7 : i1 to i32
    %sign3A_9 = arith.constant 0 : i32
    %sign3A_10 = arith.cmpi slt, %jit3A, %sign3A_9 : i32
    %sign3A_11 = arith.extui %sign3A_10 : i1 to i32
    %sign3A_12 = arith.subi %sign3A_8, %sign3A_11 : i32
    %ne3A = arith.cmpi ne, %sign3A_5, %sign3A_12 : i32
    %rem3A = arith.remsi %arg1, %jit3A : i32
    %ne3A_13 = arith.constant 0 : i32
    %ne3A_14 = arith.cmpi ne, %rem3A, %ne3A_13 : i32
    %and3A = arith.andi %ne3A, %ne3A_14 : i1
    %sub3A = arith.constant 1 : i32
    %sub3A_15 = arith.subi %div3A, %sub3A : i32
    %select_n3A = arith.select %and3A, %sub3A_15, %div3A : i32
    %c0_i32 = arith.constant 0 : i32
    return %arg0, %select_n3A : i32, i32
  }
}

</mosaic_0001>

<sc_bundles>
// kernel: kernel.4.cloned.1.call-start
scs
__scs_entry_jumppad:
0x0: {  	(pc) =	sbr.rel $0x88, $3  }
0x1: {  	(tag) =	ssettag $0x0;
	lr =	simm.s32 $0x1  }
0x2: {  	[smem:$0x3F9F] =	sst lr;
	_ =	strace $0xD0000000  }
0x3: {  	_ = 	snop  }
0x4: {  	_ = 	snop  }
0x5: {  	_ = 	snop  }
0x6: {  	_ = 	snop  }
0x7: {  	_ = 	snop  }
__scs_overlays_trampoline_lowered:
0x8: {  	[smem:$0x3FAE] =	sst s0  }
0x9: {  	[smem:$0x3FAF] =	sst s1  }
0xa: {  	[smem:$0x3FB0] =	sst s2  }
0xb: {  	[smem:$0x3FB1] =	sst s3  }
0xc: {  	[smem:$0x3FB2] =	sst s4  }
0xd: {  	[smem:$0x3FB3] =	sst s5  }
0xe: {  	[smem:$0x3FB4] =	sst s6  }
0xf: {  	[smem:$0x3FB5] =	sst s7  }
0x10: {  	[smem:$0x3FB6] =	sst s8  }
0x11: {  	[smem:$0x3FB7] =	sst s9;
	s0 =	simm.s32 @!p0 $0x0  }
0x12: {  	s1 =	sld [smem:$0x3F9D];
	s0 =	simm.s32 @p0 $0x1  }
0x13: {  	[smem:$0x3FB8] =	sst s0;
	s0 =	simm.s32 @!p1 $0x0  }
0x14: {  	s2 =	sld [smem:$0x3F9C];
	s0 =	simm.s32 @p1 $0x1  }
0x15: {  	[smem:$0x3FB9] =	sst s0;
	s0 =	simm.s32 @!p2 $0x0  }
0x16: {  	s3 =	sld [smem:$0x3FDB];
	s0 =	simm.s32 @p2 $0x1  }
0x17: {  	s4 =	simm.s32 $0x1BF5;
	[smem:$0x3FBB] =	sst s0  }
0x18: {  	s0 =	sld [smem:$0x3F9E];
	_ =	swait.ge [sflag:s4], $0x0  }
0x19: {  	s7 =	sld [smem:$0x3F9F]  }
0x1a: {  	s8 =	sadd.s32 $0xFFFFE003, lr  }
0x1b: {  	s9 =	sadd.s32 $0xFFFFFEF7, lr;
	s5 =	simm.s32 $0xFFFFFFFF;
	p2 =	slt.u32 s8, $0xFFFFF086  }
0x1c: {  	p1 =	slt.u32 s9, $0xF7A;
	s5 =	simm.s32 @!p2 $0x0  }
0x1d: {  	s5 =	simm.s32 @p1 $0x1;
	p0 =	seq.s32 s7, s2  }
0x1e: {  	s7 =	smul.u32 @!p0 $0xF7A, s2;
	p2 =	seq.s32 @!p0 s5, $0x0  }
0x1f: {  	s9 =	smul.u32 $0xF7A, s1;
	s8 =	simm.s32 @!p0 $0x1BF5;
	p2 =	por !p2, p0  }
0x20: {  	[sflag:s8] =	ssyncset.s32 @!p0 $0xFFFFF086;
	s6 =	sadd.s32 @!p0 s3, s7;
	s7 =	simm.s32 @!p0 $0x108  }
0x21: {  	s3 =	sadd.s32 s3, s9;
	s6 =	sadd.s32 @!p0 $0x88, s6;
	s7 =	simm.s32 @p2 $0x1082  }
0x22: {  	[simem:s7], [sflag:s8] =	dma.local @!p0 [hbm:s6], $0xF7A  }
0x23: {  	s9 =	sor.u32 $0xD0000000, s2;
	s6 =	simm.s32 $0x108;
	_ =	swait.ge @!p0 [sflag:s8], $0x0  }
0x24: {  	s3 =	sadd.s32 $0x88, s3;
	s6 =	simm.s32 @!p1 $0x1082;
	[sflag:s4] =	ssyncset.s32 $0xFFFFF086  }
0x25: {  	[simem:s6], [sflag:s4] =	dma.local [hbm:s3], $0xF7A  }
0x26: {  	[smem:$0x3F9F] =	sst s1;
	(tag) =	ssettag s2;
	_ =	strace s9  }
0x27: {  	s1 =	sld [smem:$0x3FAF]  }
0x28: {  	s2 =	sld [smem:$0x3FB0]  }
0x29: {  	s4 =	sld [smem:$0x3FB2]  }
0x2a: {  	p0 =	seq.s32 s5, $0x0;
	s5 =	sld [smem:$0x3FB3]  }
0x2b: {  	s6 =	sld [smem:$0x3FB4]  }
0x2c: {  	s7 =	sld [smem:$0x3FB5]  }
0x2d: {  	s3 =	simm.s32 $0x108;
	s8 =	sld [smem:$0x3FB6]  }
0x2e: {  	s3 =	simm.s32 @!p0 $0x1082;
	s9 =	sld [smem:$0x3FB7]  }
0x2f: {  	lr =	sadd.s32 s0, s3;
	s0 =	sld [smem:$0x3FAE]  }
0x30: {  	s3 =	sld [smem:$0x3FB1]  }
0x31: {  	[smem:$0x3FBA] =	sst s10  }
0x32: {  	s10 =	sld [smem:$0x3FB8];
	_ =	sdelay $0x3  }
0x33: {  	p0 =	seq.s32 s10, $0x1;
	s10 =	sld [smem:$0x3FBA];
	_ =	sdelay $0x3  }
0x34: {  	[smem:$0x3FBA] =	sst s10  }
0x35: {  	s10 =	sld [smem:$0x3FB9];
	_ =	sdelay $0x3  }
0x36: {  	p1 =	seq.s32 s10, $0x1;
	s10 =	sld [smem:$0x3FBA];
	_ =	sdelay $0x3  }
0x37: {  	[smem:$0x3FBA] =	sst s10  }
0x38: {  	s10 =	sld [smem:$0x3FBB]  }
0x39: {  	_ = 	snop;
	(pc) =	sbr.ind lr, $3  }
0x3a: {  	_ = 	snop  }
0x3b: {  	_ = 	snop  }
0x3c: {  	p2 =	seq.s32 s10, $0x1;
	s10 =	sld [smem:$0x3FBA]  }
0x3d: {  	_ =	shalt  }
0x3e: {  	_ =	shalt  }
0x3f: {  	_ =	shalt  }
0x40: {  	_ =	shalt  }
0x41: {  	_ =	shalt  }
0x42: {  	_ =	shalt  }
0x43: {  	_ =	shalt  }
0x44: {  	_ =	shalt  }
0x45: {  	_ =	shalt  }
0x46: {  	_ =	shalt  }
0x47: {  	_ =	shalt  }
0x48: {  	_ =	shalt  }
0x49: {  	_ =	shalt  }
0x4a: {  	_ =	shalt  }
0x4b: {  	_ =	shalt  }
0x4c: {  	_ =	shalt  }
0x4d: {  	_ =	shalt  }
0x4e: {  	_ =	shalt  }
0x4f: {  	_ =	shalt  }
0x50: {  	_ =	shalt  }
0x51: {  	_ =	shalt  }
0x52: {  	_ =	shalt  }
0x53: {  	_ =	shalt  }
0x54: {  	_ =	shalt  }
0x55: {  	_ =	shalt  }
0x56: {  	_ =	shalt  }
0x57: {  	_ =	shalt  }
0x58: {  	_ =	shalt  }
0x59: {  	_ =	shalt  }
0x5a: {  	_ =	shalt  }
0x5b: {  	_ =	shalt  }
0x5c: {  	_ =	shalt  }
0x5d: {  	_ =	shalt  }
0x5e: {  	_ =	shalt  }
0x5f: {  	_ =	shalt  }
0x60: {  	_ =	shalt  }
0x61: {  	_ =	shalt  }
0x62: {  	_ =	shalt  }
0x63: {  	_ =	shalt  }
0x64: {  	_ =	shalt  }
0x65: {  	_ =	shalt  }
0x66: {  	_ =	shalt  }
0x67: {  	_ =	shalt  }
0x68: {  	_ =	shalt  }
0x69: {  	_ =	shalt  }
0x6a: {  	_ =	shalt  }
0x6b: {  	_ =	shalt  }
0x6c: {  	_ =	shalt  }
0x6d: {  	_ =	shalt  }
0x6e: {  	_ =	shalt  }
0x6f: {  	_ =	shalt  }
0x70: {  	_ =	shalt  }
0x71: {  	_ =	shalt  }
0x72: {  	_ =	shalt  }
0x73: {  	_ =	shalt  }
0x74: {  	_ =	shalt  }
0x75: {  	_ =	shalt  }
0x76: {  	_ =	shalt  }
0x77: {  	_ =	shalt  }
0x78: {  	_ =	shalt  }
0x79: {  	_ =	shalt  }
0x7a: {  	_ =	shalt  }
0x7b: {  	_ =	shalt  }
0x7c: {  	_ =	shalt  }
0x7d: {  	_ =	shalt  }
0x7e: {  	_ =	shalt  }
0x7f: {  	_ =	shalt  }
0x80: {  	_ =	shalt  }
0x81: {  	_ =	shalt  }
0x82: {  	_ =	shalt  }
0x83: {  	_ =	shalt  }
0x84: {  	_ =	shalt  }
0x85: {  	_ =	shalt  }
0x86: {  	_ =	shalt  }
0x87: {  	_ =	shalt  }
.Lfunc_end0:
.L_simem_size_0:
called_computation_lowered:
.L_overlay_start_0:
0x88: {  	s2 =	sld [smem:$0x3FD9]  }
0x89: {  	s3 =	sld [smem:$0x3FFE];
	_ =	sdelay $0x1  }
0x8a: {  	s1 =	srdreg.scid  }
0x8b: {  	s0 =	sand.u32 $0x1, s1  }
0x8c: {  	s16 =	sshll.u32 s0, $0xA;
	s2 =	sadd.s32 s3, s2  }
0x8d: {  	s2 =	sadd.s32 s2, s16  }
0x8e: {  	[smem:$0x3FC6] =	sst s2  }
0x8f: {  	_ = 	snop  }
0x90: {  	(tm) =	ssettm $0x1  }
0x91: {  	s17 =	sld [smem:$0x3FFB];
	_ =	sdelay $0x3  }
0x92: {  	_ =	strace s17  }
0x93: {  	s2 =	sld [smem:$0x3FFC];
	_ =	sdelay $0x3  }
0x94: {  	_ =	strace s2  }
0x95: {  	s2 =	sld [smem:$0x3FFD];
	_ =	sdelay $0x3  }
0x96: {  	_ =	strace s2  }
0x97: {  	_ =	strace $0x8FFFFFFF  }
0x98: {  	s18 =	sld [smem:$0x3FDB];
	_ =	sdelay $0x1  }
0x99: {  	s19 =	simm.s32 $_scs_section_size  }
0x9a: {  	s4 =	simm.s32 $_size__tile_overlayer_lowered;
	s5 =	simm.s32 $_tile_overlayer_lowered  }
0x9b: {  	s22 =	simm.s32 $0x1BFF;
	s21 =	sshll.u32 s5, $0x1;
	s2 =	sadd.s32 s19, s18  }
0x9c: {  	s6 =	simm.s32 $0x0;
	s20 =	sshll.u32 s4, $0x1;
	s4 =	sadd.s32 s21, s2  }
0x9d: {  	[timem:s6], [sflag:s22] =	dma.local [hbm:s4], s20  }
0x9e: {  	_ =	swait.ge [sflag:s22], s20  }
0x9f: {  	s3 =	ssub.s32 $0x0, s20;
	[sflag:s22] =	ssyncset.done $0x0  }
0xa0: {  	[sflag:s22] =	ssyncadd.s32 s3;
	_ =	sdelay $0x1  }
0xa1: {  	s23 =	simm.s32 $0x1B8B  }
0xa2: {  	_ =	swait.ge [sflag:s23], $0x1  }
0xa3: {  	[sflag:s23] =	ssyncset.done $0x0  }
0xa4: {  	s25 =	simm.s32 $0x1B8E;
	s24 =	sld [smem:$0x3FFE];
	[sflag:s23] =	ssyncadd.s32 $0xFFFFFFFF  }
0xa5: {  	s26 =	simm.s32 $execute0_lowered;
	[smem:$0x3FD2] =	sst s25  }
0xa6: {  	s4 =	sshll.u32 s26, $0x1;
	_ =	strace $0x80000046;
	[dreg:$0x1] =	wrdreg $0xFFFFFFFF  }
0xa7: {  	s28 =	simm.s32 $_size_execute0_lowered;
	s2 =	sadd.s32 s2, s4;
	[dreg:$0x0] =	wrdreg $0x0  }
0xa8: {  	s4 =	sshll.u32 s28, $0x1;
	[dreg:$0x2] =	wrdreg s2  }
0xa9: {  	[dreg:$0x3] =	wrdreg s4  }
0xaa: {  	[dreg:$0x4] =	wrdreg $0xC0  }
0xab: {  	_ =	task [dreg:s6], $0x5FFFF  }
0xac: {  	[dreg:$0x1] =	wrdreg $0xFFFFFFFF  }
0xad: {  	[dreg:$0x0] =	wrdreg $0x60  }
0xae: {  	[dreg:$0x2] =	wrdreg s24  }
0xaf: {  	[dreg:$0x3] =	wrdreg $0x9  }
0xb0: {  	_ =	task.clear_ibuf [dreg:s6], $0x4FFFF;
	_ =	strace $0x90000046  }
0xb1: {  	s29 =	simm.s32 $0x9;
	_ =	strace $0x80000048  }
0xb2: {  	_ =	swait.ge [sflag:s29], $0x1  }
0xb3: {  	[sflag:s29] =	ssyncadd.s32 $0xFFFFFFFF  }
0xb4: {  	_ =	strace $0x90000048  }
0xb5: {  	_ =	sfence  }
0xb6: {  	s30 =	sld [smem:$0x0];
	_ =	sdelay $0x2  }
0xb7: {  	s31 =	sshll.u32 s1, $0xD;
	s1 =	sshrl.u32 s1, $0x2  }
0xb8: {  	s3 =	sand.u32 $0x4000, s31;
	s1 =	sadd.s32 s1, s30  }
0xb9: {  	s0 =	sor.u32 s3, s0;
	s1 =	sshll.u32 s1, $0x11  }
0xba: {  	s0 =	sor.u32 s1, s0  }
0xbb: {  	s0 =	sadd.s32 $0x8F2B, s0  }
0xbc: {  	[sflag:s0] =	ssyncadd.remote.s32 $0x1  }
0xbd: {  	_ =	sfence.sel $0xFFFF  }
0xbe: {  	[dreg:$0x0] =	wrdreg $0xFFFFFFFF;
	(pc) =	sbr.abs _section_cstart, $3  }
0xbf: {  	[dreg:$0x1] =	wrdreg $0xFFFFFFFF  }
0xc0: {  	_ =	task.clear_ibuf [dreg:s6], $0x2FFFF;
	_ =	strace $0x9FFFFFFF  }
0xc1: {  	(tm) =	ssettm $0x7FFFFFFF  }
tec
execute0_lowered:
.L_overlay_start_1:
0x0: {  	(tag) =	ssettag $0x1  }
0x1: {  	v0 =	vlaneseq.u32;
	vm2 =	vmxor vm2, vm2  }
0x2: {  	v1 =	vimm.s32 $0x0;
	v3 =	vimm.s32 $0x1;
	v10 =	vimm.s32 $0xFEDCBA9  }
0x3: {  	v11 =	vimm.s32 $0x10FEDCBA;
	v15 =	vimm.s32 $0x98765432;
	v16 =	vimm.s32 $0x210FEDCB  }
0x4: {  	v17 =	vimm.s32 $0xA9876543;
	v18 =	vimm.s32 $0x3210FEDC;
	v19 =	vimm.s32 $0xBA987654  }
0x5: {  	v20 =	vimm.s32 $0x43210FED;
	v21 =	vimm.s32 $0xCBA98765;
	v22 =	vimm.s32 $0x543210FE  }
0x6: {  	v23 =	vimm.s32 $0xFEDCBA98;
	v24 =	vimm.s32 $0xDCBA9876;
	v25 =	vimm.s32 $0x76543210  }
0x7: {  	v26 =	vimm.s32 $0x6543210F;
	v27 =	vimm.s32 $0xEDCBA987;
	v2 =	vor.u32 $0x200, v0  }
0x8: {  	v4 =	vor.u32 $0x10, v0;
	v5 =	vor.u32 $0x20, v0;
	v6 =	vor.u32 $0x30, v0  }
0x9: {  	v7 =	vor.u32 $0x40, v0;
	v8 =	vor.u32 $0x50, v0;
	v9 =	vor.u32 $0x60, v0  }
0xa: {  	s0 =	rddreg [dreg:$0x0];
	v12 =	vunpack.c.l.s4.s8 v10;
	v10 =	vimm.s32 $0x87654321;
	v14 =	vunpack.c.l.s4.s8 v11  }
0xb: {  	s1 =	simm.s32 $0x0;
	s4 =	srdreg.scid;
	s6 =	stileid.u32;
	v15 =	vunpack.c.l.s4.s8 v15;
	v16 =	vunpack.c.l.s4.s8 v16;
	v17 =	vunpack.c.l.s4.s8 v17  }
0xc: {  	s10 =	simm.s32 $0xB00;
	s11 =	simm.s32 $0x2;
	s12 =	simm.s32 $0x1B00;
	v18 =	vunpack.c.l.s4.s8 v18;
	v19 =	vunpack.c.l.s4.s8 v19;
	v20 =	vunpack.c.l.s4.s8 v20  }
0xd: {  	s13 =	simm.s32 $0x2B00;
	s14 =	simm.s32 $0x380;
	s15 =	simm.s32 $0x80;
	v21 =	vunpack.c.l.s4.s8 v21;
	v23 =	vunpack.c.l.s4.s8 v23;
	v22 =	vunpack.c.l.s4.s8 v22  }
0xe: {  	s16 =	simm.s32 $0x2B80;
	s17 =	simm.s32 $0x1;
	s18 =	simm.s32 $0x6B80;
	v24 =	vunpack.c.l.s4.s8 v24;
	v25 =	vunpack.c.l.s4.s8 v25;
	v26 =	vunpack.c.l.s4.s8 v26  }
0xf: {  	s19 =	simm.s32 $0x6D80;
	s20 =	simm.s32 $0x6F80;
	s21 =	simm.s32 $0x7000;
	v27 =	vunpack.c.l.s4.s8 v27;
	v13 =	vunpack.c.l.s4.s8 v10;
	v10 =	vor.u32 $0x70, v0  }
0x10: {  	s22 =	simm.s32 $0x0;
	[smem:$0x7FF] =	sst s1;
	s4 =	sand.u32 $0x1, s4;
	v11 =	vunpack.c.0.s8.s32 v12;
	v14 =	vunpack.c.0.s8.s32 v14;
	v15 =	vunpack.c.0.s8.s32 v15  }
.Ltmp0:
0x11: {  	s2 =	sadd.s32 $0x1127600, s0;
	s7 =	ssub.s32 $0x2, s4;
	v16 =	vunpack.c.0.s8.s32 v16;
	v17 =	vunpack.c.0.s8.s32 v17;
	v18 =	vunpack.c.0.s8.s32 v18;
	(pc) =	sbr.rel .LBB2_1-.Ltmp0, $4  }
0x12: {  	s3 =	sadd.s32 $0x1CC00, s0;
	s5 =	sadd.s32 $0xC00, s0;
	v19 =	vunpack.c.0.s8.s32 v19;
	v20 =	vunpack.c.0.s8.s32 v20;
	s8 =	sshrl.u32 s7, $0x1;
	v28 =	vunpack.c.0.s8.s32 v23  }
0x13: {  	s9 =	sshll.u32 s6, $0x6;
	s4 =	sshll.u32 s4, $0x5;
	v21 =	vunpack.c.0.s8.s32 v21;
	v29 =	vunpack.c.0.s8.s32 v25;
	v22 =	vunpack.c.0.s8.s32 v22;
	s31 =	ssub.s32 s7, s8  }
0x14: {  	s6 =	sadd.s32 $0x4C00, s0;
	v23 =	vunpack.c.0.s8.s32 v24;
	v24 =	vunpack.c.0.s8.s32 v26;
	s7 =	sor.u32 s4, s9;
	[tilespmem:$0x1FFE0] =	vst v11;
	s0 =	smax.u32 s31, $0x1;
	v28 =	vand.u32 $0xF, v28  }
0x15: {  	v25 =	vunpack.c.0.s8.s32 v27;
	v13 =	vunpack.c.0.s8.s32 v13;
	s9 =	simm.s32 $0x700;
	_ =	strace $0x80000047;
	[dreg:$0x2] =	wrdreg s0;
	v26 =	vcombine.low v28, v29;
	[tilespmem:$0x1FFF0] =	vst v2  }
.LBB2_29:
0x16: {  	s22 =	sadd.s32 $0x1, s22;
	s0 =	rddreg [dreg:$0x2]  }
0x17: {  	p0 =	sne.s32 s22, s0  }
.Ltmp1:
0x18: {  	_ = 	snop;
	(pc) =	sbr.rel @!p0 .LBB2_30-.Ltmp1, $1  }
0x19: {  	_ =	sdelay $0x3  }
.LBB2_1:
.Ltmp2:
0x1a: {  	(pc) =	sbr.rel .LBB2_2-.Ltmp2, $2  }
0x1b: {  	_ =	sdelay $0x2  }
0x1c: {  	s23 =	simm.s32 $0x0  }
.LBB2_28:
0x1d: {  	s0 =	sshll.u32 s24, $0x4  }
0x1e: {  	s4 =	sadd.s32 s5, s0  }
0x1f: {  	[hbm4b:s4+s1] =	stream.linear.scatter [tilespmem:s20], [sflag:$0x2], $0x80, $0x38;
	[tilespmem:$0x7080] =	vst v63  }
0x20: {  	s23 =	sadd.s32 $0x1, s23;
	_ =	swait.ge [sflag:s11], $0x80  }
0x21: {  	p0 =	sne.s32 s23, $0x20;
	[sflag:s11] =	ssyncset.done $0x0  }
.Ltmp3:
0x22: {  	s0 =	sadd.s32 s6, s0;
	[sflag:s11] =	ssyncadd.s32 $0xFFFFFF80;
	(pc) =	sbr.rel @!p0 .LBB2_29-.Ltmp3, $4  }
0x23: {  	[hbm4b:s0+s1] =	stream.linear.scatter [tilespmem:s21], [sflag:$0x2], $0x80, $0x38;
	[tilespmem:$0x7080] =	vst v63  }
0x24: {  	_ =	swait.ge [sflag:s11], $0x80  }
0x25: {  	[sflag:s11] =	ssyncset.done $0x0  }
0x26: {  	vm2 =	vmxor vm2, vm2;
	v2 =	vld [tilespmem:$0x1FFF0];
	[sflag:s11] =	ssyncadd.s32 $0xFFFFFF80  }
.LBB2_2:
0x27: {  	s24 =	sadd.s32 s7, s23  }
0x28: {  	s25 =	smul.u32 $0x320, s24  }
0x29: {  	s26 =	simm.s32 $0x0;
	p0 =	por $0x1, $0x1;
	vm1 =	vmmov vm2  }
0x2a: {  	v30 =	vor.u32 s26, v0;
	vm1 =	vmneg @p0 vm1;
	s0 =	sshrl.u32 s25, $0x3  }
0x2b: {  	v27 =	vand.u32 $0x3FF, v30;
	s0 =	sadd.s32 s3, s0  }
0x2c: {  	[tilespmem:s26], [sflag:$0x2] =	stream.linear.gather [hbm4b:s0+s26], $0x320, $0x38;
	[tilespmem:$0x7080] =	vst v63  }
0x2d: {  	_ =	swait.ge [sflag:s11], $0x320  }
0x2e: {  	vm0 =	vmmov vm2;
	p0 =	por $0x1, $0x1;
	[sflag:s11] =	ssyncset.done $0x0  }
0x2f: {  	vm0 =	vmneg @p0 vm0;
	[sflag:s11] =	ssyncadd.s32 $0xFFFFFCE0  }
0x30: {  	p1 =	por $0x1, $0x1;
	v29 =	vand.u32 $0x7F, v30;
	s0 =	simm.s32 $0x10;
	[tilespmem:v27+s9+$0x0] =	vst.idx.msk vm1, v1;
	vm1 =	vmmov vm2  }
0x31: {  	v27 =	vor.u32 s0, v0;
	vm1 =	vmneg @p1 vm1  }
0x32: {  	v28 =	vand.u32 $0x3FF, v27  }
0x33: {  	[tilespmem:v30+s10+$0x0] =	vst.idx.msk $0xffff, v1  }
0x34: {  	s4 =	simm.s32 $0x2;
	p0 =	por $0x1, $0x1;
	[tilespmem:v30+s12+$0x0] =	vst.idx.msk $0xffff, v1  }
.LBB2_3:
0x35: {  	[tilespmem:v29+s13+$0x0] =	vst.idx.msk vm0, v1;
	vm0 =	vmmov vm2  }
0x36: {  	p1 =	slt.u32 s4, $0x40;
	s0 =	sadd.s32 $0x10, s0;
	vm0 =	vmneg @p0 vm0  }
0x37: {  	[tilespmem:v28+s9+$0x0] =	vst.idx.msk vm1, v1;
	vm1 =	vmmov vm2  }
0x38: {  	vm1 =	vmneg @p1 vm1;
	p1 =	sne.s32 s4, $0xFF  }
.Ltmp4:
0x39: {  	v29 =	vand.u32 $0x7F, v27;
	v30 =	vor.u32 s0, v0;
	(pc) =	sbr.rel @p1 .LBB2_3-.Ltmp4, $3  }
0x3a: {  	v28 =	vand.u32 $0x3FF, v30;
	_ =	sdelay $0x1  }
0x3b: {  	[tilespmem:v27+s10+$0x0] =	vst.idx.msk $0xffff, v1  }
0x3c: {  	p0 =	slt.u32 s4, $0x8;
	s4 =	sadd.s32 $0x1, s4;
	[tilespmem:v27+s12+$0x0] =	vst.idx.msk $0xffff, v1;
	v27 =	vmov v30  }
0x3d: {  	_ =	sdelay $0x2  }
0x3e: {  	vm2 =	vmneg @p0 vm2  }
0x3f: {  	v30 =	vand.u32 $0x7F, v27  }
0x40: {  	[tilespmem:v29+s13+$0x0] =	vst.idx.msk vm0, v1  }
0x41: {  	[tilespmem:v28+s9+$0x0] =	vst.idx.msk vm1, v1  }
0x42: {  	[tilespmem:v27+s10+$0x0] =	vst.idx.msk $0xffff, v1  }
0x43: {  	[tilespmem:v27+s12+$0x0] =	vst.idx.msk $0xffff, v1  }
0x44: {  	[tilespmem:v30+s13+$0x0] =	vst.idx.msk vm2, v1  }
.LBB2_5:
0x45: {  	v27 =	vor.u32 s26, v0;
	_ =	sdelay $0x3  }
0x46: {  	s28 =	simm.s32 $0x0  }
0x47: {  	v28 =	vld.idx.msk [tilespmem:v27+s28+$0x0], $0xffff;
	_ =	sdelay $0x4  }
0x48: {  	v29 =	vshra.s32 v28, $0x1F  }
0x49: {  	v29 =	vand.u32 $0x7FFFFFFF, v29  }
0x4a: {  	v28 =	vxor.u32 v28, v29  }
0x4b: {  	v29 =	vshrl.u32 v28, $0x16  }
0x4c: {  	vm0 =	vlt.u32 v27, $0x30E;
	v29 =	vand.u32 $0x3F0, v29  }
0x4d: {  	p0 =	seq.s32 s26, $0x310;
	v29 =	vxor.u32 v2, v29  }
.Ltmp5:
0x4e: {  	_ = 	snop;
	(pc) =	sbr.rel @!p0 .LBB2_5-.Ltmp5, $3  }
0x4f: {  	_ =	sdelay $0x1  }
0x50: {  	[tilespmem:v27+s14+$0x0] =	vst.idx.msk $0xffff, v28  }
0x51: {  	s26 =	sadd.s32 $0x10, s26;
	[tilespmem:v29+s9+$0x0] =	vst.idx.add.s32.msk vm0, v3  }
0x52: {  	s0 =	simm.s32 $0x3F0  }
0x53: {  	v27 =	vor.u32 s0, v0;
	_ =	sdelay $0x2  }
0x54: {  	s4 =	simm.s32 $0x3E0  }
0x55: {  	v28 =	vor.u32 s4, v0  }
0x56: {  	v27 =	vld.idx.msk [tilespmem:v27+s9+$0x0], $0xffff;
	_ =	sdelay $0x3  }
0x57: {  	v28 =	vld.idx.msk [tilespmem:v28+s9+$0x0], $0xffff  }
0x58: {  	(xrf0) =	vadd.scan.msk.s32 $0xffff, v27;
	_ =	sdelay $0x3  }
0x59: {  	(xrf0) =	vadd.scan.msk.s32 $0xffff, v28;
	_ =	sdelay $0x1  }
0x5a: {  	s8 =	simm.s32 $0x3D0;
	v27, _, _ =	vpop (xrf0)  }
0x5b: {  	(v2sf) =	vpush v27, $0xF;
	v27 =	vor.u32 s8, v0  }
0x5c: {  	s26 =	simm.s32 $0x3C0  }
0x5d: {  	v29 =	vor.u32 s26, v0  }
0x5e: {  	v28, _, _ =	vpop (xrf0)  }
0x5f: {  	(v2sf) =	vpush v28, $0xF  }
0x60: {  	v27 =	vld.idx.msk [tilespmem:v27+s9+$0x0], $0xffff;
	_ =	sdelay $0x1  }
0x61: {  	v29 =	vld.idx.msk [tilespmem:v29+s9+$0x0], $0xffff;
	_ =	sdelay $0x2  }
0x62: {  	(xrf0) =	vadd.scan.msk.s32 $0xffff, v27  }
0x63: {  	s4 =	simm.s32 $0x3B0  }
0x64: {  	v28 =	vor.u32 s4, v0;
	(xrf0) =	vadd.scan.msk.s32 $0xffff, v29;
	_ =	sdelay $0x3  }
0x65: {  	v29, _, _ =	vpop (xrf0)  }
0x66: {  	s8 =	simm.s32 $0x3A0;
	v28 =	vld.idx.msk [tilespmem:v28+s9+$0x0], $0xffff;
	s4 =	spop (v2sf);
	(v2sf) =	vpush v29, $0xF  }
0x67: {  	v30 =	vor.u32 s8, v0;
	v29, _, _ =	vpop (xrf0)  }
0x68: {  	s8 =	spop (v2sf);
	(v2sf) =	vpush v29, $0xF;
	_ =	sdelay $0x2  }
0x69: {  	s26 =	simm.s32 $0x390;
	(xrf0) =	vadd.scan.msk.s32 $0xffff, v28  }
0x6a: {  	v27 =	vor.u32 s26, v0;
	v28 =	vld.idx.msk [tilespmem:v30+s9+$0x0], $0xffff  }
0x6b: {  	s31 =	sadd.s32 $0x0, s4  }
0x6c: {  	s29 =	simm.s32 $0x3F;
	p0 =	por $0x1, $0x1;
	p1 =	sgt.s32 s31, $0x64  }
0x6d: {  	s0 =	simm.s32 $0x380;
	s30 =	sadd.s32 s31, s8;
	p0 =	por !p0, !p1  }
0x6e: {  	s26 =	simm.s32 $0x0;
	p1 =	sgt.s32 s30, $0x64;
	p0 =	por !p0, !p0  }
0x6f: {  	v27 =	vld.idx.msk [tilespmem:v27+s9+$0x0], $0xffff;
	(xrf0) =	vadd.scan.msk.s32 $0xffff, v28;
	v28, _, _ =	vpop (xrf0);
	s26 =	smov.u32 @p0 s29;
	s28 =	smov.u32 @p0 s28;
	p0 =	slt.s32 s31, $0x65  }
.LBB2_7:
0x70: {  	v29 =	vor.u32 s0, v0;
	p2 =	seq.s32 s0, $0x0;
	s0 =	sadd.s32 $0xFFFFFFF0, s0;
	(v2sf) =	vpush v28, $0xF;
	p0 =	por !p0, !p1  }
.Ltmp6:
0x71: {  	s29 =	sadd.s32 $0xFFFFFFFF, s29;
	p0 =	por !p0, !p0;
	(pc) =	sbr.rel @!p2 .LBB2_7-.Ltmp6, $4  }
0x72: {  	s26 =	smov.u32 @p0 s29;
	s28 =	smov.u32 @p0 s31;
	s31 =	smov.u32 s30  }
0x73: {  	s4 =	spop (v2sf)  }
0x74: {  	s30 =	sadd.s32 s30, s4  }
0x75: {  	p0 =	slt.s32 s31, $0x65;
	(xrf0) =	vadd.scan.msk.s32 $0xffff, v27;
	v27 =	vld.idx.msk [tilespmem:v29+s9+$0x0], $0xffff;
	v28, _, _ =	vpop (xrf0);
	p1 =	sgt.s32 s30, $0x64  }
0x76: {  	_ =	sdelay $0x3  }
0x77: {  	(xrf0) =	vadd.scan.msk.s32 $0xffff, v27;
	_ =	sdelay $0x1  }
0x78: {  	(v2sf) =	vpush v28, $0xF;
	_ =	sdelay $0x2  }
0x79: {  	v27, _, _ =	vpop (xrf0)  }
0x7a: {  	(v2sf) =	vpush v27, $0xF;
	v27, _, _ =	vpop (xrf0)  }
0x7b: {  	(v2sf) =	vpush v27, $0xF;
	_ =	sdelay $0x3  }
0x7c: {  	s0 =	spop (v2sf);
	p0 =	por !p0, !p1  }
0x7d: {  	s29 =	sadd.s32 $0xFFFFFFFF, s29;
	p0 =	por !p0, !p0;
	s0 =	sadd.s32 s30, s0  }
0x7e: {  	p6 =	slt.s32 s30, $0x65;
	s26 =	smov.u32 @p0 s29;
	p2 =	sgt.s32 s0, $0x64  }
0x7f: {  	s28 =	smov.u32 @p0 s31;
	p2 =	por !p6, !p2;
	s4 =	spop (v2sf)  }
0x80: {  	s29 =	sadd.s32 $0xFFFFFFFF, s29;
	p0 =	por !p2, !p2;
	s4 =	sadd.s32 s0, s4  }
0x81: {  	p3 =	slt.s32 s0, $0x65;
	s26 =	smov.u32 @p0 s29;
	p4 =	sgt.s32 s4, $0x64  }
0x82: {  	s29 =	sadd.s32 $0xFFFFFFFF, s29;
	p1 =	por !p3, !p4;
	s8 =	spop (v2sf)  }
0x83: {  	s28 =	smov.u32 @p0 s30;
	p1 =	por !p1, !p1;
	s31 =	sadd.s32 s4, s8  }
0x84: {  	p5 =	slt.s32 s4, $0x65;
	s26 =	smov.u32 @p1 s29;
	p3 =	sgt.s32 s31, $0x64  }
0x85: {  	s28 =	smov.u32 @p1 s0;
	s29 =	sadd.s32 $0xFFFFFFFF, s29;
	p6 =	por !p5, !p3  }
0x86: {  	p2 =	slt.s32 s31, $0x65;
	p0 =	por !p6, !p6;
	s30 =	spop (v2sf)  }
0x87: {  	s26 =	smov.u32 @p0 s29;
	s0 =	sadd.s32 s31, s30;
	s8 =	spop (v2sf)  }
0x88: {  	s29 =	sadd.s32 $0xFFFFFFFF, s29;
	p3 =	sgt.s32 s0, $0x64;
	s30 =	sadd.s32 s0, s8  }
0x89: {  	p5 =	slt.s32 s0, $0x65;
	p1 =	por !p2, !p3;
	p4 =	sgt.s32 s30, $0x64  }
0x8a: {  	s28 =	smov.u32 @p0 s4;
	p1 =	por !p1, !p1;
	p6 =	por !p5, !p4  }
0x8b: {  	s4 =	sadd.s32 $0xFFFFFFFF, s29;
	s26 =	smov.u32 @p1 s29;
	p0 =	por !p6, !p6  }
0x8c: {  	s28 =	smov.u32 @p1 s31;
	s26 =	smov.u32 @p0 s4  }
0x8d: {  	s29 =	simm.s32 $0x0;
	s28 =	smov.u32 @p0 s0;
	s0 =	simm.s32 $0x0;
	v27 =	vmov s26  }
.LBB2_9:
0x8e: {  	v28 =	vor.u32 s0, v0;
	_ =	sdelay $0x4  }
0x8f: {  	v29 =	vld.idx.msk [tilespmem:v28+s14+$0x0], $0xffff;
	_ =	sdelay $0x4  }
0x90: {  	v30 =	vshrl.u32 v29, $0x1A  }
0x91: {  	v30 =	vxor.u32 v27, v30  }
0x92: {  	vm0 =	vlt.u32 v28, $0x30E;
	v28 =	vshrl.u32 v29, $0xE;
	vm1 =	veq.s32 v30, $0x20  }
0x93: {  	v28 =	vand.u32 $0xFF0, v28;
	vm0 =	vmand vm0, vm1  }
0x94: {  	p0 =	seq.s32 s0, $0x310;
	v28 =	vor.u32 v0, v28  }
.Ltmp7:
0x95: {  	_ = 	snop;
	(pc) =	sbr.rel @!p0 .LBB2_9-.Ltmp7, $2  }
0x96: {  	_ =	sdelay $0x2  }
0x97: {  	s0 =	sadd.s32 $0x10, s0;
	[tilespmem:v28+s10+$0x0] =	vst.idx.add.s32.msk vm0, v3  }
0x98: {  	s0 =	simm.s32 $0xFF0  }
0x99: {  	v28 =	vor.u32 s0, v0;
	_ =	sdelay $0x2  }
0x9a: {  	s4 =	simm.s32 $0xFE0  }
0x9b: {  	v29 =	vor.u32 s4, v0  }
0x9c: {  	v28 =	vld.idx.msk [tilespmem:v28+s10+$0x0], $0xffff;
	_ =	sdelay $0x3  }
0x9d: {  	v29 =	vld.idx.msk [tilespmem:v29+s10+$0x0], $0xffff  }
0x9e: {  	(xrf0) =	vadd.scan.msk.s32 $0xffff, v28;
	_ =	sdelay $0x3  }
0x9f: {  	(xrf0) =	vadd.scan.msk.s32 $0xffff, v29;
	_ =	sdelay $0x1  }
0xa0: {  	s8 =	simm.s32 $0xFD0;
	v28, _, _ =	vpop (xrf0)  }
0xa1: {  	(v2sf) =	vpush v28, $0xF;
	v28 =	vor.u32 s8, v0  }
0xa2: {  	s4 =	simm.s32 $0xFC0  }
0xa3: {  	v30 =	vor.u32 s4, v0  }
0xa4: {  	v29, _, _ =	vpop (xrf0)  }
0xa5: {  	(v2sf) =	vpush v29, $0xF  }
0xa6: {  	v28 =	vld.idx.msk [tilespmem:v28+s10+$0x0], $0xffff;
	_ =	sdelay $0x1  }
0xa7: {  	v30 =	vld.idx.msk [tilespmem:v30+s10+$0x0], $0xffff;
	_ =	sdelay $0x2  }
0xa8: {  	(xrf0) =	vadd.scan.msk.s32 $0xffff, v28  }
0xa9: {  	s8 =	simm.s32 $0xFB0  }
0xaa: {  	v29 =	vor.u32 s8, v0;
	(xrf0) =	vadd.scan.msk.s32 $0xffff, v30;
	_ =	sdelay $0x3  }
0xab: {  	v30, _, _ =	vpop (xrf0)  }
0xac: {  	s4 =	simm.s32 $0xFA0;
	v29 =	vld.idx.msk [tilespmem:v29+s10+$0x0], $0xffff;
	s8 =	spop (v2sf);
	(v2sf) =	vpush v30, $0xF  }
0xad: {  	v31 =	vor.u32 s4, v0;
	v30, _, _ =	vpop (xrf0)  }
0xae: {  	s31 =	spop (v2sf);
	(v2sf) =	vpush v30, $0xF;
	_ =	sdelay $0x2  }
0xaf: {  	s4 =	simm.s32 $0xF90;
	(xrf0) =	vadd.scan.msk.s32 $0xffff, v29  }
0xb0: {  	v28 =	vor.u32 s4, v0;
	v29 =	vld.idx.msk [tilespmem:v31+s10+$0x0], $0xffff  }
0xb1: {  	s0 =	sadd.s32 s28, s8  }
0xb2: {  	p0 =	slt.s32 s28, $0x65;
	p1 =	sgt.s32 s0, $0x64  }
0xb3: {  	s30 =	simm.s32 $0xFF;
	s31 =	sadd.s32 s0, s31;
	p0 =	por !p0, !p1  }
0xb4: {  	s4 =	simm.s32 $0xF80;
	p1 =	sgt.s32 s31, $0x64;
	p0 =	por !p0, !p0  }
0xb5: {  	v28 =	vld.idx.msk [tilespmem:v28+s10+$0x0], $0xffff;
	(xrf0) =	vadd.scan.msk.s32 $0xffff, v29;
	v29, _, _ =	vpop (xrf0);
	s29 =	smov.u32 @p0 s30;
	s28 =	smov.u32 @p0 s28;
	p0 =	slt.s32 s0, $0x65  }
.LBB2_11:
0xb6: {  	v30 =	vor.u32 s4, v0;
	p2 =	seq.s32 s4, $0x0;
	s4 =	sadd.s32 $0xFFFFFFF0, s4;
	(v2sf) =	vpush v29, $0xF;
	p0 =	por !p0, !p1  }
.Ltmp8:
0xb7: {  	s30 =	sadd.s32 $0xFFFFFFFF, s30;
	p0 =	por !p0, !p0;
	(pc) =	sbr.rel @!p2 .LBB2_11-.Ltmp8, $4  }
0xb8: {  	s29 =	smov.u32 @p0 s30;
	s28 =	smov.u32 @p0 s0;
	s0 =	smov.u32 s31  }
0xb9: {  	s8 =	spop (v2sf)  }
0xba: {  	s31 =	sadd.s32 s31, s8  }
0xbb: {  	p0 =	slt.s32 s0, $0x65;
	(xrf0) =	vadd.scan.msk.s32 $0xffff, v28;
	v28 =	vld.idx.msk [tilespmem:v30+s10+$0x0], $0xffff;
	v29, _, _ =	vpop (xrf0);
	p1 =	sgt.s32 s31, $0x64  }
0xbc: {  	_ =	sdelay $0x3  }
0xbd: {  	(xrf0) =	vadd.scan.msk.s32 $0xffff, v28;
	_ =	sdelay $0x1  }
0xbe: {  	(v2sf) =	vpush v29, $0xF;
	_ =	sdelay $0x2  }
0xbf: {  	v28, _, _ =	vpop (xrf0)  }
0xc0: {  	(v2sf) =	vpush v28, $0xF;
	v28, _, _ =	vpop (xrf0)  }
0xc1: {  	(v2sf) =	vpush v28, $0xF;
	_ =	sdelay $0x3  }
0xc2: {  	s4 =	spop (v2sf);
	p0 =	por !p0, !p1  }
0xc3: {  	s30 =	sadd.s32 $0xFFFFFFFF, s30;
	p0 =	por !p0, !p0;
	s4 =	sadd.s32 s31, s4  }
0xc4: {  	p6 =	slt.s32 s31, $0x65;
	s29 =	smov.u32 @p0 s30;
	p2 =	sgt.s32 s4, $0x64  }
0xc5: {  	s28 =	smov.u32 @p0 s0;
	p2 =	por !p6, !p2;
	s8 =	spop (v2sf)  }
0xc6: {  	p3 =	slt.s32 s4, $0x65;
	p0 =	por !p2, !p2;
	s0 =	sadd.s32 s4, s8  }
0xc7: {  	s28 =	smov.u32 @p0 s31;
	s8 =	sadd.s32 $0xFFFFFFFF, s30;
	p4 =	sgt.s32 s0, $0x64  }
0xc8: {  	s29 =	smov.u32 @p0 s8;
	p1 =	por !p3, !p4;
	s30 =	spop (v2sf)  }
0xc9: {  	s8 =	sadd.s32 $0xFFFFFFFF, s8;
	p1 =	por !p1, !p1;
	s30 =	sadd.s32 s0, s30  }
0xca: {  	p5 =	slt.s32 s0, $0x65;
	s29 =	smov.u32 @p1 s8;
	p3 =	sgt.s32 s30, $0x64  }
0xcb: {  	s28 =	smov.u32 @p1 s4;
	s8 =	sadd.s32 $0xFFFFFFFF, s8;
	p6 =	por !p5, !p3  }
0xcc: {  	p2 =	slt.s32 s30, $0x65;
	p0 =	por !p6, !p6;
	s31 =	spop (v2sf)  }
0xcd: {  	s29 =	smov.u32 @p0 s8;
	s4 =	sadd.s32 s30, s31;
	s31 =	spop (v2sf)  }
0xce: {  	s8 =	sadd.s32 $0xFFFFFFFF, s8;
	p3 =	sgt.s32 s4, $0x64;
	s31 =	sadd.s32 s4, s31  }
0xcf: {  	p5 =	slt.s32 s4, $0x65;
	p1 =	por !p2, !p3;
	p4 =	sgt.s32 s31, $0x64  }
0xd0: {  	s28 =	smov.u32 @p0 s0;
	p1 =	por !p1, !p1;
	p6 =	por !p5, !p4  }
0xd1: {  	s0 =	sadd.s32 $0xFFFFFFFF, s8;
	s29 =	smov.u32 @p1 s8;
	p0 =	por !p6, !p6  }
0xd2: {  	s28 =	smov.u32 @p1 s30;
	s29 =	smov.u32 @p0 s0  }
0xd3: {  	s30 =	simm.s32 $0x0;
	s28 =	smov.u32 @p0 s4;
	s0 =	simm.s32 $0x0;
	v28 =	vmov s29  }
.LBB2_13:
0xd4: {  	v29 =	vor.u32 s0, v0;
	_ =	sdelay $0x4  }
0xd5: {  	v30 =	vld.idx.msk [tilespmem:v29+s14+$0x0], $0xffff;
	_ =	sdelay $0x4  }
0xd6: {  	v31 =	vshrl.u32 v30, $0x1A;
	v32 =	vshrl.u32 v30, $0x12  }
0xd7: {  	v32 =	vand.u32 $0xFF, v32;
	v31 =	vxor.u32 v27, v31  }
0xd8: {  	vm0 =	veq.s32 v31, $0x20;
	vm1 =	veq.s32 v32, v28  }
0xd9: {  	vm2 =	vlt.u32 v29, $0x30E;
	v29 =	vshrl.u32 v30, $0x6;
	vm0 =	vmand vm0, vm1  }
0xda: {  	v29 =	vand.u32 $0xFF0, v29;
	vm0 =	vmand vm0, vm2  }
0xdb: {  	p0 =	sne.s32 s0, $0x310;
	v29 =	vor.u32 v0, v29  }
.Ltmp9:
0xdc: {  	_ = 	snop;
	(pc) =	sbr.rel @p0 .LBB2_13-.Ltmp9, $2  }
0xdd: {  	_ =	sdelay $0x2  }
0xde: {  	s0 =	sadd.s32 $0x10, s0;
	[tilespmem:v29+s12+$0x0] =	vst.idx.add.s32.msk vm0, v3  }
0xdf: {  	s0 =	simm.s32 $0xFF0  }
0xe0: {  	v27 =	vor.u32 s0, v0;
	_ =	sdelay $0x4  }
0xe1: {  	v27 =	vld.idx.msk [tilespmem:v27+s12+$0x0], $0xffff;
	_ =	sdelay $0x4  }
0xe2: {  	(xrf0) =	vadd.scan.msk.s32 $0xffff, v27;
	_ =	sdelay $0x3  }
0xe3: {  	s8 =	simm.s32 $0xFE0  }
0xe4: {  	v27 =	vor.u32 s8, v0  }
0xe5: {  	s4 =	simm.s32 $0xFD0;
	v28, _, _ =	vpop (xrf0)  }
0xe6: {  	v29 =	vor.u32 s4, v0;
	(v2sf) =	vpush v28, $0xF;
	_ =	sdelay $0x2  }
0xe7: {  	v27 =	vld.idx.msk [tilespmem:v27+s12+$0x0], $0xffff;
	_ =	sdelay $0x1  }
0xe8: {  	v29 =	vld.idx.msk [tilespmem:v29+s12+$0x0], $0xffff;
	_ =	sdelay $0x2  }
0xe9: {  	s8 =	simm.s32 $0xFC0;
	(xrf0) =	vadd.scan.msk.s32 $0xffff, v27  }
0xea: {  	v28 =	vor.u32 s8, v0  }
0xeb: {  	(xrf0) =	vadd.scan.msk.s32 $0xffff, v29;
	_ =	sdelay $0x3  }
0xec: {  	s4 =	simm.s32 $0xFB0;
	v28 =	vld.idx.msk [tilespmem:v28+s12+$0x0], $0xffff;
	v29, _, _ =	vpop (xrf0)  }
0xed: {  	v30 =	vor.u32 s4, v0;
	s4 =	spop (v2sf);
	(v2sf) =	vpush v29, $0xF  }
0xee: {  	v29, _, _ =	vpop (xrf0)  }
0xef: {  	(v2sf) =	vpush v29, $0xF;
	_ =	sdelay $0x1  }
0xf0: {  	s8 =	simm.s32 $0xFA0;
	(xrf0) =	vadd.scan.msk.s32 $0xffff, v28  }
0xf1: {  	v27 =	vor.u32 s8, v0;
	v28 =	vld.idx.msk [tilespmem:v30+s12+$0x0], $0xffff;
	_ =	sdelay $0x3  }
0xf2: {  	p0 =	slt.s32 s28, $0x65;
	s31 =	sadd.s32 s28, s4  }
0xf3: {  	s0 =	simm.s32 $0xFF;
	v27 =	vld.idx.msk [tilespmem:v27+s12+$0x0], $0xffff;
	(xrf0) =	vadd.scan.msk.s32 $0xffff, v28;
	s4 =	simm.s32 $0xF90;
	v28, _, _ =	vpop (xrf0);
	p1 =	sgt.s32 s31, $0x64  }
.LBB2_15:
0xf4: {  	s8 =	smov.u32 s30  }
0xf5: {  	v29 =	vor.u32 s4, v0;
	p2 =	sne.s32 s4, $0x0;
	s4 =	sadd.s32 $0xFFFFFFF0, s4;
	(v2sf) =	vpush v28, $0xF;
	s8 =	smov.u32 @p1 s0  }
.Ltmp10:
0xf6: {  	s30 =	smov.u32 @p0 s8;
	s8 =	smov.u32 s31;
	(pc) =	sbr.rel @p2 .LBB2_15-.Ltmp10, $4  }
0xf7: {  	_ = 	snop  }
0xf8: {  	s28 =	spop (v2sf)  }
0xf9: {  	s31 =	sadd.s32 s31, s28  }
0xfa: {  	s0 =	sadd.s32 $0xFFFFFFFF, s0;
	p0 =	slt.s32 s8, $0x65;
	(xrf0) =	vadd.scan.msk.s32 $0xffff, v27;
	v27 =	vld.idx.msk [tilespmem:v29+s12+$0x0], $0xffff;
	v28, _, _ =	vpop (xrf0);
	p1 =	sgt.s32 s31, $0x64  }
0xfb: {  	_ =	sdelay $0x3  }
0xfc: {  	(xrf0) =	vadd.scan.msk.s32 $0xffff, v27  }
0xfd: {  	(v2sf) =	vpush v28, $0xF;
	_ =	sdelay $0x1  }
0xfe: {  	v27, _, _ =	vpop (xrf0)  }
0xff: {  	(v2sf) =	vpush v27, $0xF;
	_ =	sdelay $0x1  }
0x100: {  	v27, _, _ =	vpop (xrf0)  }
0x101: {  	(v2sf) =	vpush v27, $0xF;
	_ =	sdelay $0x1  }
0x102: {  	s4 =	smov.u32 s30  }
0x103: {  	s8 =	spop (v2sf);
	s4 =	smov.u32 @p1 s0  }
0x104: {  	s30 =	smov.u32 @p0 s4;
	s4 =	sadd.s32 s31, s8  }
0x105: {  	s0 =	sadd.s32 $0xFFFFFFFF, s0;
	p0 =	sgt.s32 s4, $0x64;
	s8 =	smov.u32 s30  }
0x106: {  	p1 =	slt.s32 s31, $0x65;
	s8 =	smov.u32 @p0 s0;
	s28 =	spop (v2sf)  }
0x107: {  	s30 =	smov.u32 @p1 s8;
	s8 =	sadd.s32 s4, s28  }
0x108: {  	s0 =	sadd.s32 $0xFFFFFFFF, s0;
	s28 =	smov.u32 s30;
	p0 =	sgt.s32 s8, $0x64  }
0x109: {  	p1 =	slt.s32 s4, $0x65;
	s28 =	smov.u32 @p0 s0;
	s31 =	spop (v2sf)  }
0x10a: {  	s30 =	smov.u32 @p1 s28;
	s4 =	sadd.s32 s8, s31  }
0x10b: {  	s0 =	sadd.s32 $0xFFFFFFFF, s0;
	s28 =	smov.u32 s30;
	p0 =	sgt.s32 s4, $0x64  }
0x10c: {  	p1 =	slt.s32 s8, $0x65;
	s28 =	smov.u32 @p0 s0;
	s31 =	spop (v2sf)  }
0x10d: {  	s30 =	smov.u32 @p1 s28;
	s28 =	simm.s32 $0x0;
	s8 =	sadd.s32 s4, s31  }
0x10e: {  	s0 =	sadd.s32 $0xFFFFFFFF, s0;
	v29 =	vor.u32 s28, v0;
	s31 =	smov.u32 s30;
	p0 =	sgt.s32 s8, $0x64  }
0x10f: {  	p1 =	slt.s32 s4, $0x65;
	s31 =	smov.u32 @p0 s0;
	s4 =	spop (v2sf)  }
0x110: {  	s30 =	smov.u32 @p1 s31;
	s4 =	sadd.s32 s8, s4  }
0x111: {  	s0 =	sadd.s32 $0xFFFFFFFF, s0;
	p0 =	sgt.s32 s4, $0x64;
	s4 =	smov.u32 s30  }
0x112: {  	p1 =	slt.s32 s8, $0x65;
	s4 =	smov.u32 @p0 s0  }
0x113: {  	v28 =	vld.idx.msk [tilespmem:v29+s14+$0x0], $0xffff;
	s8 =	sshll.u32 s26, $0x1A;
	s26 =	sshll.u32 s29, $0x12;
	s30 =	smov.u32 @p1 s4  }
0x114: {  	s0 =	sor.u32 s8, s26;
	s29 =	sshll.u32 s30, $0xA  }
0x115: {  	s0 =	sor.u32 s0, s29  }
0x116: {  	s0 =	sxor.u32 $0x80000000, s0  }
0x117: {  	v27 =	vmov s0  }
0x118: {  	vm0 =	vlt.u32 v29, $0x30E;
	vm1 =	vge.s32 v28, v27  }
0x119: {  	vm0 =	vmand vm0, vm1  }
0x11a: {  	v28 =	vsel vm0, $0x1, v1  }
0x11b: {  	(xrf0) =	vadd.scan.msk.s32 $0xffff, v28;
	_ =	sdelay $0x5  }
0x11c: {  	s30 =	simm.s32 $0xFFFFFFFF;
	v30, _, _ =	vpop (xrf0)  }
0x11d: {  	v31 =	vadd.s32 s30, v30;
	(v2sf) =	vpush v30, $0xF  }
0x11e: {  	vm1 =	vlt.s32 v31, $0x80  }
0x11f: {  	vm0 =	vmand vm0, vm1  }
0x120: {  	s31 =	simm.s32 $0x10;
	v31 =	vand.u32 $0x7F, v31  }
0x121: {  	s0 =	simm.s32 $0x20;
	v28 =	vmov s25;
	v30 =	vor.u32 s31, v0  }
.LBB2_17:
0x122: {  	p0 =	sne.s32 s0, $0x310;
	_ =	sdelay $0x1  }
0x123: {  	v32 =	vadd.s32 v28, v29;
	v29 =	vmov v30  }
0x124: {  	[tilespmem:v31+s13+$0x0] =	vst.idx.msk vm0, v32  }
0x125: {  	v30 =	vld.idx.msk [tilespmem:v30+s14+$0x0], $0xffff;
	_ =	sdelay $0x5  }
0x126: {  	vm0 =	vlt.u32 v29, $0x30E;
	vm1 =	vge.s32 v30, v27;
	s4 =	spop (v2sf)  }
0x127: {  	vm0 =	vmand vm0, vm1;
	s28 =	sadd.s32 s28, s4  }
0x128: {  	v30 =	vsel vm0, $0x1, v1;
	s4 =	sadd.s32 $0xFFFFFFFF, s28  }
0x129: {  	(xrf0) =	vadd.scan.msk.s32 $0xffff, v30;
	_ =	sdelay $0x5  }
0x12a: {  	v30, _, _ =	vpop (xrf0)  }
.Ltmp11:
0x12b: {  	v31 =	vadd.s32 s4, v30;
	(v2sf) =	vpush v30, $0xF;
	(pc) =	sbr.rel @p0 .LBB2_17-.Ltmp11, $3  }
0x12c: {  	vm1 =	vlt.s32 v31, $0x80;
	v31 =	vand.u32 $0x7F, v31  }
0x12d: {  	vm0 =	vmand vm0, vm1;
	_ =	sdelay $0x1  }
0x12e: {  	v30 =	vor.u32 s0, v0;
	s0 =	sadd.s32 $0x10, s0  }
0x12f: {  	_ =	sdelay $0x3  }
0x130: {  	v29 =	vadd.s32 v28, v29  }
0x131: {  	[tilespmem:v31+s13+$0x0] =	vst.idx.msk vm0, v29  }
0x132: {  	v29 =	vld.idx.msk [tilespmem:v30+s14+$0x0], $0xffff;
	_ =	sdelay $0x4  }
0x133: {  	vm14 =	vlt.u32 v30, $0x30E;
	vm1 =	vge.s32 v29, v27  }
0x134: {  	vm0 =	vmand vm14, vm1  }
0x135: {  	v29 =	vsel vm0, $0x1, v1  }
0x136: {  	(xrf0) =	vadd.scan.msk.s32 $0xffff, v29;
	_ =	sdelay $0x5  }
0x137: {  	v29, _, _ =	vpop (xrf0)  }
0x138: {  	(v2sf) =	vpush v29, $0xF;
	_ =	sdelay $0x6  }
0x139: {  	s0 =	spop (v2sf)  }
0x13a: {  	s0 =	sadd.s32 s28, s0  }
0x13b: {  	s4 =	sadd.s32 $0xFFFFFFFF, s0  }
0x13c: {  	v29 =	vadd.s32 s4, v29  }
0x13d: {  	vm15 =	vlt.s32 v29, $0x80  }
0x13e: {  	vm0 =	vmand vm0, vm15  }
0x13f: {  	v29 =	vand.u32 $0x7F, v29;
	_ =	sdelay $0x1  }
0x140: {  	s31 =	spop (v2sf)  }
0x141: {  	s0 =	sadd.s32 s0, s31  }
0x142: {  	v30 =	vadd.s32 v28, v30;
	p0 =	slt.s32 s0, $0x1  }
.Ltmp12:
0x143: {  	[tilespmem:v29+s13+$0x0] =	vst.idx.msk vm0, v30;
	(pc) =	sbr.rel @p0 .LBB2_19-.Ltmp12, $4  }
0x144: {  	[tilespmem:s16], [sflag:$0x1] =	stream.indirect.gather [hbm4b:s2+s15], $0x80, s13, s15, $0xb8;
	[tilespmem:$0x7080] =	vst v63  }
0x145: {  	_ =	swait.ge [sflag:s17], $0x4000  }
0x146: {  	[sflag:s17] =	ssyncset.done $0x0  }
0x147: {  	[sflag:s17] =	ssyncadd.s32 $0xFFFFC000  }
0x148: {  	s25 =	smin.u32 s0, $0x80;
	s28 =	simm.s32 $0x0;
	s26 =	simm.s32 $0x0  }
.LBB2_21:
0x149: {  	v29 =	vmov s26  }
0x14a: {  	v30 =	vshll.u32 v29, $0x7  }
0x14b: {  	v31 =	vor.u32 v0, v30;
	_ =	sdelay $0x3  }
0x14c: {  	v29 =	vld.idx.msk [tilespmem:v29+s13+$0x0], $0xffff  }
0x14d: {  	v31 =	vld.idx.msk [tilespmem:v31+s16+$0x0], $0xffff;
	_ =	sdelay $0x4  }
0x14e: {  	v29 =	vsub.s32 v29, v28;
	v32 =	vshra.s32 v31, $0x1F  }
0x14f: {  	v29 =	vshll.u32 v29, $0x7;
	v32 =	vand.u32 $0x7FFFFFFF, v32  }
0x150: {  	v62 =	vor.u32 v0, v29;
	v31 =	vxor.u32 v31, v32  }
0x151: {  	vm1 =	vlt.s32 v62, $0x186A0;
	vm0 =	vge.s32 v31, v27  }
0x152: {  	vm0 =	vmand vm1, vm0  }
0x153: {  	v33 =	vsel vm0, $0x1, v1  }
0x154: {  	(xrf0) =	vadd.scan.msk.s32 $0xffff, v33;
	_ =	sdelay $0x5  }
0x155: {  	s0 =	sadd.s32 $0xFFFFFFFF, s28;
	v33, _, _ =	vpop (xrf0)  }
0x156: {  	v34 =	vadd.s32 s0, v33  }
0x157: {  	vm6 =	vlt.s32 v34, $0x200  }
0x158: {  	vm0 =	vmand vm0, vm6  }
0x159: {  	v34 =	vand.u32 $0x1FF, v34;
	_ =	sdelay $0x1  }
0x15a: {  	v35 =	vor.u32 v4, v30;
	_ =	sdelay $0x2  }
0x15b: {  	[tilespmem:v34+s18+$0x0] =	vst.idx.msk vm0, v31  }
0x15c: {  	[tilespmem:v34+s19+$0x0] =	vst.idx.msk vm0, v62  }
0x15d: {  	(v2sf) =	vpush v33, $0xF;
	v31 =	vld.idx.msk [tilespmem:v35+s16+$0x0], $0xffff;
	_ =	sdelay $0x4  }
0x15e: {  	v63 =	vshra.s32 v31, $0x1F  }
0x15f: {  	v32 =	vand.u32 $0x7FFFFFFF, v63  }
0x160: {  	v36 =	vor.u32 v4, v29;
	v31 =	vxor.u32 v31, v32  }
0x161: {  	vm8 =	vlt.s32 v36, $0x186A0;
	vm7 =	vge.s32 v31, v27  }
0x162: {  	vm0 =	vmand vm8, vm7  }
0x163: {  	v37 =	vsel vm0, $0x1, v1  }
0x164: {  	(xrf0) =	vadd.scan.msk.s32 $0xffff, v37;
	_ =	sdelay $0x3  }
0x165: {  	s8 =	spop (v2sf)  }
0x166: {  	s0 =	sadd.s32 s28, s8  }
0x167: {  	s4 =	sadd.s32 $0xFFFFFFFF, s0;
	v33, _, _ =	vpop (xrf0)  }
0x168: {  	v38 =	vadd.s32 s4, v33  }
0x169: {  	vm9 =	vlt.s32 v38, $0x200  }
0x16a: {  	vm0 =	vmand vm0, vm9  }
0x16b: {  	v34 =	vand.u32 $0x1FF, v38;
	_ =	sdelay $0x1  }
0x16c: {  	v39 =	vor.u32 v5, v30;
	_ =	sdelay $0x2  }
0x16d: {  	[tilespmem:v34+s18+$0x0] =	vst.idx.msk vm0, v31  }
0x16e: {  	[tilespmem:v34+s19+$0x0] =	vst.idx.msk vm0, v36  }
0x16f: {  	(v2sf) =	vpush v33, $0xF;
	v31 =	vld.idx.msk [tilespmem:v39+s16+$0x0], $0xffff;
	_ =	sdelay $0x4  }
0x170: {  	v40 =	vshra.s32 v31, $0x1F  }
0x171: {  	v32 =	vand.u32 $0x7FFFFFFF, v40  }
0x172: {  	v41 =	vor.u32 v5, v29;
	v31 =	vxor.u32 v31, v32  }
0x173: {  	vm11 =	vlt.s32 v41, $0x186A0;
	vm10 =	vge.s32 v31, v27  }
0x174: {  	vm0 =	vmand vm11, vm10  }
0x175: {  	v42 =	vsel vm0, $0x1, v1  }
0x176: {  	(xrf0) =	vadd.scan.msk.s32 $0xffff, v42;
	_ =	sdelay $0x3  }
0x177: {  	s29 =	spop (v2sf)  }
0x178: {  	s0 =	sadd.s32 s0, s29  }
0x179: {  	s4 =	sadd.s32 $0xFFFFFFFF, s0;
	v33, _, _ =	vpop (xrf0)  }
0x17a: {  	v43 =	vadd.s32 s4, v33  }
0x17b: {  	vm12 =	vlt.s32 v43, $0x200  }
0x17c: {  	vm0 =	vmand vm0, vm12  }
0x17d: {  	v34 =	vand.u32 $0x1FF, v43;
	_ =	sdelay $0x1  }
0x17e: {  	v44 =	vor.u32 v6, v30;
	_ =	sdelay $0x2  }
0x17f: {  	[tilespmem:v34+s18+$0x0] =	vst.idx.msk vm0, v31  }
0x180: {  	[tilespmem:v34+s19+$0x0] =	vst.idx.msk vm0, v41  }
0x181: {  	(v2sf) =	vpush v33, $0xF;
	v31 =	vld.idx.msk [tilespmem:v44+s16+$0x0], $0xffff;
	_ =	sdelay $0x4  }
0x182: {  	v45 =	vshra.s32 v31, $0x1F  }
0x183: {  	v32 =	vand.u32 $0x7FFFFFFF, v45  }
0x184: {  	v46 =	vor.u32 v6, v29;
	v31 =	vxor.u32 v31, v32  }
0x185: {  	vm14 =	vlt.s32 v46, $0x186A0;
	vm13 =	vge.s32 v31, v27  }
0x186: {  	vm0 =	vmand vm14, vm13  }
0x187: {  	v47 =	vsel vm0, $0x1, v1  }
0x188: {  	(xrf0) =	vadd.scan.msk.s32 $0xffff, v47;
	_ =	sdelay $0x3  }
0x189: {  	s30 =	spop (v2sf)  }
0x18a: {  	s0 =	sadd.s32 s0, s30  }
0x18b: {  	s4 =	sadd.s32 $0xFFFFFFFF, s0;
	v33, _, _ =	vpop (xrf0)  }
0x18c: {  	v48 =	vadd.s32 s4, v33  }
0x18d: {  	vm15 =	vlt.s32 v48, $0x200  }
0x18e: {  	vm0 =	vmand vm0, vm15  }
0x18f: {  	v34 =	vand.u32 $0x1FF, v48;
	_ =	sdelay $0x1  }
0x190: {  	v49 =	vor.u32 v7, v30;
	_ =	sdelay $0x2  }
0x191: {  	[tilespmem:v34+s18+$0x0] =	vst.idx.msk vm0, v31  }
0x192: {  	[tilespmem:v34+s19+$0x0] =	vst.idx.msk vm0, v46  }
0x193: {  	(v2sf) =	vpush v33, $0xF;
	v31 =	vld.idx.msk [tilespmem:v49+s16+$0x0], $0xffff;
	_ =	sdelay $0x4  }
0x194: {  	v50 =	vshra.s32 v31, $0x1F  }
0x195: {  	v32 =	vand.u32 $0x7FFFFFFF, v50  }
0x196: {  	v51 =	vor.u32 v7, v29;
	v31 =	vxor.u32 v31, v32  }
0x197: {  	vm5 =	vlt.s32 v51, $0x186A0;
	vm4 =	vge.s32 v31, v27  }
0x198: {  	vm0 =	vmand vm5, vm4  }
0x199: {  	v52 =	vsel vm0, $0x1, v1  }
0x19a: {  	(xrf0) =	vadd.scan.msk.s32 $0xffff, v52;
	_ =	sdelay $0x3  }
0x19b: {  	s31 =	spop (v2sf)  }
0x19c: {  	s0 =	sadd.s32 s0, s31  }
0x19d: {  	s4 =	sadd.s32 $0xFFFFFFFF, s0;
	v33, _, _ =	vpop (xrf0)  }
0x19e: {  	v53 =	vadd.s32 s4, v33  }
0x19f: {  	vm6 =	vlt.s32 v53, $0x200  }
0x1a0: {  	vm0 =	vmand vm0, vm6  }
0x1a1: {  	v34 =	vand.u32 $0x1FF, v53;
	_ =	sdelay $0x1  }
0x1a2: {  	v54 =	vor.u32 v8, v30;
	_ =	sdelay $0x2  }
0x1a3: {  	[tilespmem:v34+s18+$0x0] =	vst.idx.msk vm0, v31  }
0x1a4: {  	[tilespmem:v34+s19+$0x0] =	vst.idx.msk vm0, v51  }
0x1a5: {  	(v2sf) =	vpush v33, $0xF;
	v31 =	vld.idx.msk [tilespmem:v54+s16+$0x0], $0xffff;
	_ =	sdelay $0x4  }
0x1a6: {  	v55 =	vshra.s32 v31, $0x1F  }
0x1a7: {  	v32 =	vand.u32 $0x7FFFFFFF, v55  }
0x1a8: {  	v56 =	vor.u32 v8, v29;
	v31 =	vxor.u32 v31, v32  }
0x1a9: {  	vm8 =	vlt.s32 v56, $0x186A0;
	vm7 =	vge.s32 v31, v27  }
0x1aa: {  	vm0 =	vmand vm8, vm7  }
0x1ab: {  	v57 =	vsel vm0, $0x1, v1  }
0x1ac: {  	(xrf0) =	vadd.scan.msk.s32 $0xffff, v57;
	_ =	sdelay $0x3  }
0x1ad: {  	s8 =	spop (v2sf)  }
0x1ae: {  	s0 =	sadd.s32 s0, s8  }
0x1af: {  	s4 =	sadd.s32 $0xFFFFFFFF, s0;
	v33, _, _ =	vpop (xrf0)  }
0x1b0: {  	v58 =	vadd.s32 s4, v33  }
0x1b1: {  	vm9 =	vlt.s32 v58, $0x200  }
0x1b2: {  	vm0 =	vmand vm0, vm9  }
0x1b3: {  	v34 =	vand.u32 $0x1FF, v58;
	_ =	sdelay $0x1  }
0x1b4: {  	v59 =	vor.u32 v9, v30;
	_ =	sdelay $0x2  }
0x1b5: {  	[tilespmem:v34+s18+$0x0] =	vst.idx.msk vm0, v31  }
0x1b6: {  	[tilespmem:v34+s19+$0x0] =	vst.idx.msk vm0, v56  }
0x1b7: {  	(v2sf) =	vpush v33, $0xF;
	v31 =	vld.idx.msk [tilespmem:v59+s16+$0x0], $0xffff;
	_ =	sdelay $0x4  }
0x1b8: {  	v60 =	vshra.s32 v31, $0x1F  }
0x1b9: {  	v32 =	vand.u32 $0x7FFFFFFF, v60  }
0x1ba: {  	v61 =	vor.u32 v9, v29;
	v31 =	vxor.u32 v31, v32  }
0x1bb: {  	vm11 =	vlt.s32 v61, $0x186A0;
	vm10 =	vge.s32 v31, v27  }
0x1bc: {  	vm0 =	vmand vm11, vm10  }
0x1bd: {  	v62 =	vsel vm0, $0x1, v1  }
0x1be: {  	(xrf0) =	vadd.scan.msk.s32 $0xffff, v62;
	_ =	sdelay $0x3  }
0x1bf: {  	s29 =	spop (v2sf)  }
0x1c0: {  	s0 =	sadd.s32 s0, s29  }
0x1c1: {  	s4 =	sadd.s32 $0xFFFFFFFF, s0;
	v33, _, _ =	vpop (xrf0)  }
0x1c2: {  	v63 =	vadd.s32 s4, v33  }
0x1c3: {  	vm12 =	vlt.s32 v63, $0x200  }
0x1c4: {  	vm0 =	vmand vm0, vm12  }
0x1c5: {  	v34 =	vand.u32 $0x1FF, v63;
	_ =	sdelay $0x1  }
0x1c6: {  	v30 =	vor.u32 v10, v30;
	_ =	sdelay $0x2  }
0x1c7: {  	[tilespmem:v34+s18+$0x0] =	vst.idx.msk vm0, v31  }
0x1c8: {  	[tilespmem:v34+s19+$0x0] =	vst.idx.msk vm0, v61  }
0x1c9: {  	v30 =	vld.idx.msk [tilespmem:v30+s16+$0x0], $0xffff;
	_ =	sdelay $0x4  }
0x1ca: {  	v31 =	vshra.s32 v30, $0x1F  }
0x1cb: {  	v31 =	vand.u32 $0x7FFFFFFF, v31  }
0x1cc: {  	v29 =	vor.u32 v10, v29;
	(v2sf) =	vpush v33, $0xF;
	v30 =	vxor.u32 v30, v31  }
0x1cd: {  	vm14 =	vlt.s32 v29, $0x186A0;
	vm13 =	vge.s32 v30, v27  }
0x1ce: {  	vm0 =	vmand vm14, vm13  }
0x1cf: {  	v31 =	vsel vm0, $0x1, v1  }
0x1d0: {  	(xrf0) =	vadd.scan.msk.s32 $0xffff, v31;
	_ =	sdelay $0x5  }
0x1d1: {  	v31, _, _ =	vpop (xrf0)  }
0x1d2: {  	(v2sf) =	vpush v31, $0xF;
	_ =	sdelay $0x3  }
0x1d3: {  	s30 =	spop (v2sf)  }
0x1d4: {  	s0 =	sadd.s32 s0, s30  }
0x1d5: {  	s4 =	sadd.s32 $0xFFFFFFFF, s0  }
0x1d6: {  	v31 =	vadd.s32 s4, v31  }
0x1d7: {  	vm15 =	vlt.s32 v31, $0x200  }
0x1d8: {  	vm0 =	vmand vm0, vm15  }
0x1d9: {  	s26 =	sadd.s32 $0x1, s26;
	v31 =	vand.u32 $0x1FF, v31  }
0x1da: {  	p0 =	sne.s32 s25, s26  }
.Ltmp13:
0x1db: {  	_ = 	snop;
	(pc) =	sbr.rel @p0 .LBB2_21-.Ltmp13, $3  }
0x1dc: {  	_ =	sdelay $0x1  }
0x1dd: {  	[tilespmem:v31+s18+$0x0] =	vst.idx.msk vm0, v30;
	s31 =	spop (v2sf)  }
0x1de: {  	[tilespmem:v31+s19+$0x0] =	vst.idx.msk vm0, v29;
	s28 =	sadd.s32 s0, s31  }
.Ltmp14:
0x1df: {  	(pc) =	sbr.rel .LBB2_23-.Ltmp14, $3  }
0x1e0: {  	_ =	sdelay $0x1  }
0x1e1: {  	p0 =	slt.s32 s28, $0x200  }
0x1e2: {  	s28 =	simm.s32 @!p0 $0x200  }
.LBB2_19:
0x1e3: {  	s28 =	simm.s32 $0x0  }
.LBB2_23:
0x1e4: {  	_ =	sdelay $0x2  }
0x1e5: {  	v2 =	vimm.f32 $0.0e+00  }
0x1e6: {  	[tilespmem:v0+s20+$0x0] =	vst.idx.msk $0xffff, v2  }
0x1e7: {  	[tilespmem:v0+s21+$0x0] =	vst.idx.msk $0xffff, v1  }
0x1e8: {  	[tilespmem:v4+s20+$0x0] =	vst.idx.msk $0xffff, v2  }
0x1e9: {  	[tilespmem:v4+s21+$0x0] =	vst.idx.msk $0xffff, v1  }
0x1ea: {  	[tilespmem:v5+s20+$0x0] =	vst.idx.msk $0xffff, v2  }
0x1eb: {  	[tilespmem:v5+s21+$0x0] =	vst.idx.msk $0xffff, v1  }
0x1ec: {  	[tilespmem:v6+s20+$0x0] =	vst.idx.msk $0xffff, v2  }
0x1ed: {  	[tilespmem:v6+s21+$0x0] =	vst.idx.msk $0xffff, v1  }
0x1ee: {  	s0 =	sadd.s32 $0xF, s28;
	[tilespmem:v7+s20+$0x0] =	vst.idx.msk $0xffff, v2  }
0x1ef: {  	s25 =	sshra.s32 s0, $0x4;
	[tilespmem:v7+s21+$0x0] =	vst.idx.msk $0xffff, v1  }
0x1f0: {  	p0 =	slt.s32 s25, $0x1;
	[tilespmem:v8+s20+$0x0] =	vst.idx.msk $0xffff, v2  }
.Ltmp15:
0x1f1: {  	[tilespmem:v8+s21+$0x0] =	vst.idx.msk $0xffff, v1;
	(pc) =	sbr.rel @p0 .LBB2_28-.Ltmp15, $4  }
0x1f2: {  	[tilespmem:v9+s20+$0x0] =	vst.idx.msk $0xffff, v2  }
0x1f3: {  	[tilespmem:v9+s21+$0x0] =	vst.idx.msk $0xffff, v1  }
0x1f4: {  	[tilespmem:v10+s20+$0x0] =	vst.idx.msk $0xffff, v2  }
0x1f5: {  	[tilespmem:v10+s21+$0x0] =	vst.idx.msk $0xffff, v1  }
0x1f6: {  	v27 =	vmov s28;
	s26 =	simm.s32 $0x0;
	s28 =	simm.s32 $0x0  }
.LBB2_25:
0x1f7: {  	v30 =	vcombine.low v24, v25;
	v35 =	vcombine.low v20, v21  }
0x1f8: {  	v33 =	vcombine.low v22, v23;
	v37 =	vcombine.low v16, v17  }
0x1f9: {  	v38 =	vcombine.low v18, v19;
	v36 =	vcombine.low v14, v15  }
0x1fa: {  	v39 =	vcombine.low v23, v22;
	v40 =	vcombine.low v25, v24  }
0x1fb: {  	v42 =	vcombine.low v19, v18;
	v43 =	vcombine.low v21, v20  }
0x1fc: {  	v45 =	vcombine.low v15, v14;
	v46 =	vcombine.low v17, v16;
	v44 =	vmov s26  }
0x1fd: {  	s0 =	sshll.u32 s28, $0x4;
	v48 =	vor.u32 s26, v26;
	v49 =	vor.u32 s26, v0;
	v12 =	vimm.s32 $0x0  }
0x1fe: {  	v31 =	vmov s0;
	v29 =	vor.u32 s0, v0;
	vm0 =	vlt.s32 v49, v27  }
0x1ff: {  	v28 =	vand.u32 $0x1FF, v29;
	v33 =	vand.u32 $0xF, v33;
	v34 =	vand.u32 $0xF, v30  }
0x200: {  	v30 =	vand.u32 $0x1FF, v49;
	vm1 =	vlt.s32 v48, v29;
	v35 =	vand.u32 $0xF, v35  }
0x201: {  	v36 =	vand.u32 $0xF, v36;
	v37 =	vand.u32 $0xF, v37;
	v38 =	vand.u32 $0xF, v38  }
0x202: {  	v39 =	vand.u32 $0xF, v39;
	v40 =	vand.u32 $0xF, v40;
	vm12 =	vlt.s32 v44, v31  }
0x203: {  	v42 =	vand.u32 $0xF, v42;
	v43 =	vand.u32 $0xF, v43;
	v45 =	vand.u32 $0xF, v45  }
0x204: {  	v2 =	vld [tilespmem:$0x1FFE0];
	v46 =	vand.u32 $0xF, v46;
	v48 =	vor.u32 s26, v34;
	v49 =	vor.u32 s26, v37  }
0x205: {  	v50 =	vor.u32 s26, v38;
	v51 =	vor.u32 s26, v35;
	v52 =	vor.u32 s26, v40  }
0x206: {  	v54 =	vor.u32 s26, v36;
	v55 =	vor.u32 s26, v42;
	v56 =	vor.u32 s26, v43  }
0x207: {  	v57 =	vor.u32 s26, v39;
	v59 =	vor.u32 s26, v45;
	v60 =	vor.u32 s26, v46  }
0x208: {  	vm6 =	vlt.s32 v51, v29;
	vm10 =	vlt.s32 v48, v29;
	vm13 =	vlt.s32 v49, v29;
	v30 =	vld.idx.msk [tilespmem:v30+s18+$0x0], $0xffff  }
0x209: {  	vm2 =	vlt.s32 v50, v29;
	v41 =	vcombine.low v2, v13;
	v47 =	vcombine.low v13, v2  }
0x20a: {  	vm15 =	vlt.s32 v52, v29;
	vm14 =	vlt.s32 v57, v29;
	v52 =	vimm.s32 $0x0  }
0x20b: {  	v2 =	vimm.s32 $0x0;
	v41 =	vand.u32 $0xF, v41;
	v44 =	vand.u32 $0xF, v47  }
0x20c: {  	v47 =	vor.u32 s26, v33;
	v53 =	vor.u32 s26, v41;
	v58 =	vor.u32 s26, v44  }
0x20d: {  	vm3 =	vlt.s32 v47, v29;
	v61 =	vnsel vm0, $0x80000000, v30;
	vm0 =	vlt.s32 v53, v29  }
0x20e: {  	v53 =	vimm.s32 $0x0;
	v2 =	vsel vm0, $0xFFFFFFFF, v2;
	v62 =	vperm.xlane v61, v34  }
0x20f: {  	vm0 =	vlt.s32 v54, v29;
	v63 =	vperm.xlane v61, v35;
	v11 =	vperm.xlane v61, v33  }
0x210: {  	v30 =	vld.idx.msk [tilespmem:v28+s18+$0x0], $0xffff;
	v57 =	vperm.xlane v61, v37;
	v54 =	vperm.xlane v61, v40;
	[tilespmem:$0x1FE30] =	vst v2;
	v2 =	vimm.s32 $0x0  }
0x211: {  	v49 =	vperm.xlane v61, v46;
	v51 =	vperm.xlane v61, v44;
	v2 =	vsel vm0, $0xFFFFFFFF, v2  }
0x212: {  	vm0 =	vlt.s32 v56, v29;
	v56 =	vperm.xlane v61, v41;
	[tilespmem:$0x1FE40] =	vst v2;
	v2 =	vperm.xlane v61, v38  }
0x213: {  	v12 =	vsel vm0, $0xFFFFFFFF, v12;
	vm0 =	vlt.s32 v55, v29;
	v55 =	vperm.xlane v61, v26  }
0x214: {  	[tilespmem:$0x1FE50] =	vst v12;
	v12 =	vperm.xlane v61, v36;
	v47 =	vsel vm0, $0xFFFFFFFF, v52;
	vm0 =	vlt.s32 v60, v29  }
0x215: {  	v60 =	vimm.s32 $0x0;
	v52 =	vperm.xlane v61, v0;
	vm4 =	veq.s32 v11, v30  }
0x216: {  	[tilespmem:$0x1FE60] =	vst v47;
	v47 =	vsel vm0, $0xFFFFFFFF, v53;
	vm0 =	vlt.s32 v59, v29;
	v59 =	vimm.s32 $0x0  }
0x217: {  	v53 =	vperm.xlane v61, v39;
	[tilespmem:$0x1FE70] =	vst v47;
	v48 =	vsel vm0, $0xFFFFFFFF, v59;
	vm0 =	vlt.s32 v58, v29  }
0x218: {  	v47 =	vperm.xlane v61, v43;
	[tilespmem:$0x1FE80] =	vst v48;
	v48 =	vperm.xlane v61, v42;
	v50 =	vsel vm0, $0xFFFFFFFF, v60  }
0x219: {  	vm0 =	vgt.s32 v11, v30;
	[tilespmem:$0x1FE90] =	vst v50;
	v50 =	vperm.xlane v61, v45;
	v61 =	vimm.s32 $0x0  }
0x21a: {  	v60 =	vimm.s32 $0x0;
	v58 =	vsel vm0, $0xFFFFFFFF, v61;
	vm0 =	vgt.s32 v62, v30  }
0x21b: {  	v61 =	vimm.s32 $0x0;
	[tilespmem:$0x1FEA0] =	vst v58;
	v58 =	vsel vm0, $0xFFFFFFFF, v60;
	vm0 =	vgt.s32 v63, v30  }
0x21c: {  	v60 =	vimm.s32 $0x0;
	[tilespmem:$0x1FEB0] =	vst v58;
	v58 =	vsel vm0, $0xFFFFFFFF, v61;
	vm0 =	vne.s32 v11, $0x80000000  }
0x21d: {  	v61 =	vimm.s32 $0x0;
	[tilespmem:$0x1FEC0] =	vst v58;
	v58 =	vsel vm0, $0xFFFFFFFF, v60;
	vm0 =	vne.s32 v62, $0x80000000  }
0x21e: {  	v60 =	vimm.s32 $0x0;
	[tilespmem:$0x1FED0] =	vst v58;
	v58 =	vsel vm0, $0xFFFFFFFF, v61;
	vm0 =	vgt.s32 v2, v30  }
0x21f: {  	v61 =	vimm.s32 $0x0;
	[tilespmem:$0x1FEE0] =	vst v58;
	v58 =	vsel vm0, $0xFFFFFFFF, v60;
	vm0 =	vne.s32 v63, $0x80000000  }
0x220: {  	v60 =	vimm.s32 $0x0;
	[tilespmem:$0x1FEF0] =	vst v58;
	v58 =	vsel vm0, $0xFFFFFFFF, v61;
	vm0 =	veq.s32 v62, v30  }
0x221: {  	v61 =	vimm.s32 $0x0;
	[tilespmem:$0x1FF00] =	vst v58;
	v58 =	vsel vm0, $0xFFFFFFFF, v60;
	vm0 =	vgt.s32 v57, v30  }
0x222: {  	v62 =	vimm.s32 $0x0;
	[tilespmem:$0x1FF10] =	vst v58;
	v58 =	vsel vm0, $0xFFFFFFFF, v61;
	vm0 =	vne.s32 v2, $0x80000000  }
0x223: {  	v11 =	vimm.s32 $0x0;
	[tilespmem:$0x1FF20] =	vst v58;
	v58 =	vsel vm0, $0xFFFFFFFF, v62;
	vm0 =	vgt.s32 v12, v30  }
0x224: {  	v11 =	vsel vm0, $0xFFFFFFFF, v11  }
0x225: {  	vm0 =	vne.s32 v57, $0x80000000;
	[tilespmem:$0x1FF40] =	vst v11;
	v11 =	vimm.s32 $0x0  }
0x226: {  	v11 =	vsel vm0, $0xFFFFFFFF, v11  }
0x227: {  	vm0 =	vgt.s32 v56, v30;
	[tilespmem:$0x1FF50] =	vst v11;
	v11 =	vimm.s32 $0x0  }
0x228: {  	v11 =	vsel vm0, $0xFFFFFFFF, v11  }
0x229: {  	vm7 =	veq.s32 v2, v30;
	vm0 =	vne.s32 v12, $0x80000000;
	[tilespmem:$0x1FF60] =	vst v11;
	v11 =	vimm.s32 $0x0  }
0x22a: {  	v2 =	vimm.s32 $0x0;
	v11 =	vsel vm0, $0xFFFFFFFF, v11;
	vm0 =	vgt.s32 v55, v30  }
0x22b: {  	v2 =	vsel vm0, $0xFFFFFFFF, v2  }
0x22c: {  	vm0 =	vne.s32 v56, $0x80000000;
	[tilespmem:$0x1FF80] =	vst v2;
	v2 =	vimm.s32 $0x0  }
0x22d: {  	v2 =	vsel vm0, $0xFFFFFFFF, v2  }
0x22e: {  	vm0 =	vgt.s32 v54, v30;
	[tilespmem:$0x1FF90] =	vst v2;
	v2 =	vimm.s32 $0x0  }
0x22f: {  	v2 =	vsel vm0, $0xFFFFFFFF, v2  }
0x230: {  	vm0 =	vne.s32 v55, $0x80000000;
	[tilespmem:$0x1FFA0] =	vst v2;
	v2 =	vimm.s32 $0x0  }
0x231: {  	p0 =	sne.s32 s25, $0x1;
	v2 =	vsel vm0, $0xFFFFFFFF, v2  }
.Ltmp16:
0x232: {  	vm0 =	vgt.s32 v53, v30;
	[tilespmem:$0x1FFB0] =	vst v2;
	v2 =	vimm.s32 $0x0;
	(pc) =	sbr.rel @!p0 .LBB2_27-.Ltmp16, $4  }
0x233: {  	[tilespmem:$0x1FF30] =	vst v58;
	v2 =	vsel vm0, $0xFFFFFFFF, v2  }
0x234: {  	vm0 =	vne.s32 v54, $0x80000000;
	[tilespmem:$0x1FFC0] =	vst v2;
	v2 =	vimm.s32 $0x0  }
0x235: {  	v32 =	vimm.s32 $0x0;
	vm5 =	veq.s32 v63, v30;
	[tilespmem:$0x1FF70] =	vst v11;
	v2 =	vsel vm0, $0xFFFFFFFF, v2  }
0x236: {  	s29 =	sadd.s32 $0xFFFFFFFF, s25;
	s30 =	simm.s32 $0x0;
	vm9 =	veq.s32 v57, v30;
	vm11 =	veq.s32 v56, v30;
	vm8 =	veq.s32 v12, v30;
	[tilespmem:$0x1FFD0] =	vst v2  }
.LBB2_26:
0x237: {  	v2 =	vimm.s32 $0x0  }
0x238: {  	v2 =	vsel vm12, $0xFFFFFFFF, v2  }
0x239: {  	[tilespmem:$0x1FD00] =	vst v2;
	v2 =	vimm.s32 $0x0  }
0x23a: {  	v2 =	vsel vm14, $0xFFFFFFFF, v2  }
0x23b: {  	vm0 =	vgt.s32 v47, v30;
	[tilespmem:$0x1FCC0] =	vst v2;
	v2 =	vimm.s32 $0x0  }
0x23c: {  	v2 =	vsel vm0, $0xFFFFFFFF, v2  }
0x23d: {  	vm0 =	vne.s32 v53, $0x80000000;
	[tilespmem:$0x1FE10] =	vst v2;
	v2 =	vimm.s32 $0x0  }
0x23e: {  	v2 =	vsel vm0, $0xFFFFFFFF, v2  }
0x23f: {  	vm0 =	veq.s32 v55, v30;
	[tilespmem:$0x1FD30] =	vst v2;
	v2 =	vimm.s32 $0x0  }
0x240: {  	v2 =	vsel vm0, $0xFFFFFFFF, v2  }
0x241: {  	vm0 =	vgt.s32 v48, v30;
	[tilespmem:$0x1FCA0] =	vst v2;
	v2 =	vimm.s32 $0x0  }
0x242: {  	v2 =	vsel vm0, $0xFFFFFFFF, v2  }
0x243: {  	vm0 =	vne.s32 v47, $0x80000000;
	[tilespmem:$0x1FE00] =	vst v2;
	v2 =	vimm.s32 $0x0  }
0x244: {  	v2 =	vsel vm0, $0xFFFFFFFF, v2  }
0x245: {  	vm0 =	veq.s32 v54, v30;
	[tilespmem:$0x1FD70] =	vst v2;
	v2 =	vimm.s32 $0x0  }
0x246: {  	v2 =	vsel vm0, $0xFFFFFFFF, v2  }
0x247: {  	vm0 =	vgt.s32 v49, v30;
	[tilespmem:$0x1FCD0] =	vst v2;
	v2 =	vimm.s32 $0x0  }
0x248: {  	v2 =	vsel vm0, $0xFFFFFFFF, v2  }
0x249: {  	vm0 =	vne.s32 v48, $0x80000000;
	[tilespmem:$0x1FDF0] =	vst v2;
	v2 =	vimm.s32 $0x0  }
0x24a: {  	v2 =	vsel vm0, $0xFFFFFFFF, v2  }
0x24b: {  	vm0 =	veq.s32 v53, v30;
	[tilespmem:$0x1FD60] =	vst v2;
	v2 =	vimm.s32 $0x0  }
0x24c: {  	v2 =	vsel vm0, $0xFFFFFFFF, v2  }
0x24d: {  	vm0 =	vgt.s32 v50, v30;
	[tilespmem:$0x1FCB0] =	vst v2;
	v2 =	vimm.s32 $0x0  }
0x24e: {  	v2 =	vsel vm0, $0xFFFFFFFF, v2  }
0x24f: {  	vm0 =	vne.s32 v49, $0x80000000;
	[tilespmem:$0x1FDE0] =	vst v2;
	v2 =	vimm.s32 $0x0  }
0x250: {  	v2 =	vsel vm0, $0xFFFFFFFF, v2  }
0x251: {  	vm0 =	vgt.s32 v51, v30;
	[tilespmem:$0x1FDB0] =	vst v2;
	v2 =	vimm.s32 $0x0  }
0x252: {  	v2 =	vsel vm0, $0xFFFFFFFF, v2  }
0x253: {  	vm0 =	vne.s32 v50, $0x80000000;
	[tilespmem:$0x1FDC0] =	vst v2;
	v2 =	vimm.s32 $0x0  }
0x254: {  	v2 =	vsel vm0, $0xFFFFFFFF, v2  }
0x255: {  	vm0 =	veq.s32 v48, v30;
	[tilespmem:$0x1FDD0] =	vst v2;
	v2 =	vimm.s32 $0x0  }
0x256: {  	v2 =	vsel vm0, $0xFFFFFFFF, v2  }
0x257: {  	vm0 =	vgt.s32 v52, v30;
	[tilespmem:$0x1FCF0] =	vst v2;
	v2 =	vimm.s32 $0x0  }
0x258: {  	v2 =	vsel vm0, $0xFFFFFFFF, v2  }
0x259: {  	vm0 =	vne.s32 v51, $0x80000000;
	[tilespmem:$0x1FD90] =	vst v2;
	v2 =	vimm.s32 $0x0  }
0x25a: {  	v2 =	vsel vm0, $0xFFFFFFFF, v2  }
0x25b: {  	vm0 =	veq.s32 v49, v30;
	[tilespmem:$0x1FDA0] =	vst v2;
	v2 =	vimm.s32 $0x0  }
0x25c: {  	v2 =	vsel vm0, $0xFFFFFFFF, v2  }
0x25d: {  	vm0 =	vne.s32 v52, $0x80000000;
	[tilespmem:$0x1FCE0] =	vst v2;
	v2 =	vimm.s32 $0x0  }
0x25e: {  	v2 =	vsel vm0, $0xFFFFFFFF, v2  }
0x25f: {  	vm0 =	veq.s32 v51, v30;
	[tilespmem:$0x1FD50] =	vst v2;
	v2 =	vimm.s32 $0x0  }
0x260: {  	v2 =	vsel vm0, $0xFFFFFFFF, v2  }
0x261: {  	vm3 =	vmand vm3, vm4;
	[tilespmem:$0x1FD10] =	vst v2;
	v2 =	vimm.s32 $0x0  }
0x262: {  	v2 =	vsel vm3, $0xFFFFFFFF, v2  }
0x263: {  	[tilespmem:$0x1FD20] =	vst v2;
	v2 =	vld [tilespmem:$0x1FF10];
	_ =	sdelay $0x4  }
0x264: {  	vm3 =	vnez.u8 v2;
	v2 =	vld [tilespmem:$0x1FCA0];
	_ =	sdelay $0x4  }
0x265: {  	vm7 =	vmand vm2, vm7;
	vm2 =	vnez.u8 v2  }
0x266: {  	v2 =	vimm.s32 $0x0;
	vm1 =	vmand vm1, vm2  }
0x267: {  	v2 =	vsel vm1, $0xFFFFFFFF, v2  }
0x268: {  	[tilespmem:$0x1FD40] =	vst v2;
	v2 =	vld [tilespmem:$0x1FE30];
	_ =	sdelay $0x4  }
0x269: {  	vm1 =	vnez.u8 v2;
	v2 =	vld [tilespmem:$0x1FE40];
	_ =	sdelay $0x4  }
0x26a: {  	vm11 =	vmand vm1, vm11;
	vm1 =	vnez.u8 v2;
	v2 =	vld [tilespmem:$0x1FE50];
	_ =	sdelay $0x4  }
0x26b: {  	vm14 =	veq.s32 v47, v30;
	vm8 =	vmand vm1, vm8;
	vm1 =	vnez.u8 v2  }
0x26c: {  	v2 =	vimm.s32 $0x0;
	vm1 =	vmand vm1, vm14  }
0x26d: {  	v2 =	vsel vm1, $0xFFFFFFFF, v2  }
0x26e: {  	[tilespmem:$0x1FD80] =	vst v2;
	v2 =	vld [tilespmem:$0x1FCB0];
	_ =	sdelay $0x4  }
0x26f: {  	vm1 =	vnez.u8 v2;
	v2 =	vld [tilespmem:$0x1FCC0];
	_ =	sdelay $0x4  }
0x270: {  	vm2 =	vnez.u8 v2;
	v2 =	vld [tilespmem:$0x1FCD0];
	_ =	sdelay $0x4  }
0x271: {  	vm4 =	vmand vm10, vm3;
	vm10 =	vmand vm2, vm1;
	vm1 =	vnez.u8 v2;
	v2 =	vld [tilespmem:$0x1FE80];
	_ =	sdelay $0x4  }
0x272: {  	vm14 =	vmand vm15, vm1;
	vm1 =	vnez.u8 v2;
	v2 =	vld [tilespmem:$0x1FE70];
	_ =	sdelay $0x3  }
0x273: {  	vm0 =	veq.s32 v50, v30  }
0x274: {  	vm3 =	vmand vm1, vm0;
	vm0 =	vnez.u8 v2;
	v2 =	vld [tilespmem:$0x1FCE0];
	_ =	sdelay $0x4  }
0x275: {  	vm1 =	vnez.u8 v2;
	v2 =	vld [tilespmem:$0x1FE60];
	_ =	sdelay $0x4  }
0x276: {  	vm9 =	vmand vm13, vm9;
	vm13 =	vmand vm0, vm1;
	vm0 =	vnez.u8 v2;
	v2 =	vld [tilespmem:$0x1FCF0];
	_ =	sdelay $0x4  }
0x277: {  	vm1 =	vnez.u8 v2;
	v2 =	vld [tilespmem:$0x1FD00];
	_ =	sdelay $0x4  }
0x278: {  	vm1 =	vmand vm0, vm1;
	vm0 =	vnez.u8 v2;
	v2 =	vld [tilespmem:$0x1FE90];
	_ =	sdelay $0x4  }
0x279: {  	vm2 =	vnez.u8 v2;
	v2 =	vld [tilespmem:$0x1FD10];
	_ =	sdelay $0x4  }
0x27a: {  	vm5 =	vmand vm6, vm5;
	vm6 =	vnez.u8 v2;
	v2 =	vld [tilespmem:$0x1FEE0];
	_ =	sdelay $0x4  }
0x27b: {  	vm2 =	vmand vm2, vm6;
	vm6 =	vnez.u8 v2  }
0x27c: {  	v2 =	vimm.s32 $0x0;
	vm4 =	vmand vm6, vm4  }
0x27d: {  	v2 =	vsel vm4, $0xFFFFFFFF, v2  }
0x27e: {  	[tilespmem:$0x1FE20] =	vst v2;
	v2 =	vld [tilespmem:$0x1FF30];
	_ =	sdelay $0x4  }
0x27f: {  	vm4 =	vnez.u8 v2;
	v2 =	vld [tilespmem:$0x1FF00];
	_ =	sdelay $0x4  }
0x280: {  	vm7 =	vmand vm4, vm7;
	vm4 =	vnez.u8 v2;
	v2 =	vld [tilespmem:$0x1FED0];
	_ =	sdelay $0x3  }
0x281: {  	vm12 =	veq.s32 v52, v30  }
0x282: {  	vm0 =	vmand vm0, vm12;
	vm12 =	vmand vm4, vm5;
	vm4 =	vnez.u8 v2;
	v2 =	vld [tilespmem:$0x1FD20];
	_ =	sdelay $0x4  }
0x283: {  	vm5 =	vnez.u8 v2;
	v2 =	vld [tilespmem:$0x1FF90];
	_ =	sdelay $0x4  }
0x284: {  	vm5 =	vmand vm4, vm5;
	vm4 =	vnez.u8 v2;
	v2 =	vld [tilespmem:$0x1FF70];
	_ =	sdelay $0x4  }
0x285: {  	vm6 =	vmand vm4, vm11;
	vm4 =	vnez.u8 v2;
	v2 =	vld [tilespmem:$0x1FF50];
	_ =	sdelay $0x4  }
0x286: {  	vm4 =	vmand vm4, vm8;
	vm8 =	vnez.u8 v2;
	v2 =	vld [tilespmem:$0x1FD30];
	_ =	sdelay $0x4  }
0x287: {  	vm11 =	vmand vm8, vm9;
	vm8 =	vnez.u8 v2;
	v2 =	vld [tilespmem:$0x1FFD0];
	_ =	sdelay $0x4  }
0x288: {  	vm9 =	vmand vm8, vm10;
	vm8 =	vnez.u8 v2;
	v2 =	vld [tilespmem:$0x1FFB0];
	_ =	sdelay $0x4  }
0x289: {  	vm10 =	vmand vm8, vm14;
	vm8 =	vnez.u8 v2;
	v2 =	vld [tilespmem:$0x1FD40];
	_ =	sdelay $0x4  }
0x28a: {  	vm14 =	vnez.u8 v2;
	v2 =	vld [tilespmem:$0x1FD50];
	_ =	sdelay $0x4  }
0x28b: {  	vm8 =	vmand vm8, vm14;
	vm14 =	vnez.u8 v2;
	v2 =	vld [tilespmem:$0x1FD60];
	_ =	sdelay $0x4  }
0x28c: {  	vm0 =	vmand vm14, vm0;
	vm14 =	vnez.u8 v2;
	v2 =	vld [tilespmem:$0x1FD70];
	_ =	sdelay $0x4  }
0x28d: {  	vm1 =	vmand vm14, vm1;
	vm14 =	vnez.u8 v2;
	v2 =	vld [tilespmem:$0x1FD80];
	_ =	sdelay $0x4  }
0x28e: {  	vm15 =	vnez.u8 v2;
	v2 =	vld [tilespmem:$0x1FD90];
	_ =	sdelay $0x4  }
0x28f: {  	vm14 =	vmand vm14, vm15;
	vm15 =	vnez.u8 v2;
	v2 =	vld [tilespmem:$0x1FDA0];
	_ =	sdelay $0x3  }
0x290: {  	v11 =	vld [tilespmem:$0x1FDC0]  }
0x291: {  	vm0 =	vmor vm15, vm0;
	vm15 =	vnez.u8 v2;
	v2 =	vld [tilespmem:$0x1FDB0];
	_ =	sdelay $0x3  }
0x292: {  	v12 =	vld [tilespmem:$0x1FDE0];
	vm2 =	vmand vm15, vm2  }
0x293: {  	vm15 =	vnez.u8 v2;
	v2 =	vsel vm0, $0x1, v1;
	vm0 =	vnez.u8 v11;
	v11 =	vld [tilespmem:$0x1FDD0];
	_ =	sdelay $0x3  }
0x294: {  	vm0 =	vmor vm0, vm2  }
0x295: {  	vm2 =	vnez.u8 v11;
	v11 =	vsel vm0, $0x1, v1;
	vm0 =	vnez.u8 v12;
	v12 =	vld [tilespmem:$0x1FDF0];
	_ =	sdelay $0x2  }
0x296: {  	vm2 =	vmand vm2, vm3  }
0x297: {  	v2 =	vadd.s32 v2, v32;
	vm0 =	vmor vm0, vm2  }
0x298: {  	v2 =	vadd.s32 v11, v2;
	v11 =	vsel vm0, $0x1, v1;
	vm0 =	vnez.u8 v12;
	v12 =	vld [tilespmem:$0x1FE00];
	_ =	sdelay $0x2  }
0x299: {  	vm13 =	vmand vm15, vm13  }
0x29a: {  	vm0 =	vmor vm0, vm13  }
0x29b: {  	v2 =	vadd.s32 v11, v2;
	v11 =	vsel vm0, $0x1, v1;
	vm0 =	vnez.u8 v12;
	v12 =	vld [tilespmem:$0x1FE10];
	_ =	sdelay $0x3  }
0x29c: {  	vm0 =	vmor vm0, vm1  }
0x29d: {  	v2 =	vadd.s32 v11, v2;
	v11 =	vsel vm0, $0x1, v1;
	vm0 =	vnez.u8 v12;
	v12 =	vld [tilespmem:$0x1FFC0];
	_ =	sdelay $0x3  }
0x29e: {  	vm0 =	vmor vm0, vm14  }
0x29f: {  	v2 =	vadd.s32 v11, v2;
	v11 =	vsel vm0, $0x1, v1;
	vm0 =	vnez.u8 v12;
	v12 =	vld [tilespmem:$0x1FFA0];
	_ =	sdelay $0x3  }
0x2a0: {  	vm0 =	vmor vm0, vm9  }
0x2a1: {  	v2 =	vadd.s32 v11, v2;
	v11 =	vsel vm0, $0x1, v1;
	vm0 =	vnez.u8 v12;
	v12 =	vld [tilespmem:$0x1FF80];
	_ =	sdelay $0x3  }
0x2a2: {  	vm0 =	vmor vm0, vm10  }
0x2a3: {  	v2 =	vadd.s32 v11, v2;
	v11 =	vsel vm0, $0x1, v1;
	vm0 =	vnez.u8 v12;
	v12 =	vld [tilespmem:$0x1FF60];
	_ =	sdelay $0x3  }
0x2a4: {  	vm0 =	vmor vm0, vm8  }
0x2a5: {  	v2 =	vadd.s32 v11, v2;
	v11 =	vsel vm0, $0x1, v1;
	vm0 =	vnez.u8 v12;
	v12 =	vld [tilespmem:$0x1FF40];
	_ =	sdelay $0x3  }
0x2a6: {  	vm0 =	vmor vm0, vm6  }
0x2a7: {  	v2 =	vadd.s32 v11, v2;
	v11 =	vsel vm0, $0x1, v1;
	vm0 =	vnez.u8 v12;
	v12 =	vld [tilespmem:$0x1FF20];
	_ =	sdelay $0x3  }
0x2a8: {  	vm0 =	vmor vm0, vm4  }
0x2a9: {  	v2 =	vadd.s32 v11, v2;
	v11 =	vsel vm0, $0x1, v1;
	vm0 =	vnez.u8 v12;
	v12 =	vld [tilespmem:$0x1FEF0];
	_ =	sdelay $0x3  }
0x2aa: {  	vm0 =	vmor vm0, vm11  }
0x2ab: {  	v2 =	vadd.s32 v11, v2;
	v11 =	vsel vm0, $0x1, v1;
	vm0 =	vnez.u8 v12;
	v12 =	vld [tilespmem:$0x1FEC0];
	_ =	sdelay $0x3  }
0x2ac: {  	vm0 =	vmor vm0, vm7  }
0x2ad: {  	v2 =	vadd.s32 v11, v2;
	v11 =	vsel vm0, $0x1, v1;
	vm0 =	vnez.u8 v12;
	v12 =	vld [tilespmem:$0x1FEA0];
	_ =	sdelay $0x3  }
0x2ae: {  	vm0 =	vmor vm0, vm12  }
0x2af: {  	v2 =	vadd.s32 v11, v2;
	v11 =	vsel vm0, $0x1, v1;
	vm0 =	vnez.u8 v12;
	v12 =	vld [tilespmem:$0x1FEB0];
	_ =	sdelay $0x3  }
0x2b0: {  	vm0 =	vmor vm0, vm5  }
0x2b1: {  	v2 =	vadd.s32 v11, v2;
	v11 =	vsel vm0, $0x1, v1;
	vm0 =	vnez.u8 v12;
	v12 =	vld [tilespmem:$0x1FE20];
	_ =	sdelay $0x2  }
0x2b2: {  	s30 =	sadd.s32 $0x10, s30  }
0x2b3: {  	v60 =	vor.u32 s30, v40  }
0x2b4: {  	v61 =	vor.u32 s30, v41;
	vm1 =	vnez.u8 v12;
	v12 =	vor.u32 s30, v0  }
0x2b5: {  	v62 =	vor.u32 s30, v36;
	v63 =	vor.u32 s30, v39;
	v59 =	vand.u32 $0x1FF, v12  }
0x2b6: {  	v56 =	vor.u32 s30, v44;
	v57 =	vor.u32 s30, v45;
	v58 =	vor.u32 s30, v46  }
0x2b7: {  	v47 =	vor.u32 s30, v37;
	v54 =	vor.u32 s30, v43;
	vm0 =	vmor vm0, vm1  }
0x2b8: {  	v53 =	vor.u32 s30, v42;
	v2 =	vadd.s32 v11, v2;
	v11 =	vsel vm0, $0x1, v1  }
0x2b9: {  	v48 =	vor.u32 s30, v38;
	v32 =	vadd.s32 v11, v2;
	v2 =	vmov s30  }
0x2ba: {  	v49 =	vor.u32 s30, v35;
	v52 =	vimm.s32 $0x0;
	vm12 =	vlt.s32 v2, v31;
	v2 =	vld.idx.msk [tilespmem:v59+s18+$0x0], $0xffff  }
0x2bb: {  	v51 =	vimm.s32 $0x0;
	vm15 =	vlt.s32 v60, v29;
	vm2 =	vlt.s32 v48, v29  }
0x2bc: {  	vm13 =	vlt.s32 v47, v29;
	vm14 =	vlt.s32 v63, v29;
	vm6 =	vlt.s32 v49, v29  }
0x2bd: {  	vm0 =	vlt.s32 v12, v27;
	v12 =	vor.u32 s30, v34;
	v11 =	vor.u32 s30, v26  }
0x2be: {  	vm10 =	vlt.s32 v12, v29;
	vm1 =	vlt.s32 v11, v29;
	v11 =	vor.u32 s30, v33  }
0x2bf: {  	vm3 =	vlt.s32 v11, v29;
	v11 =	vimm.s32 $0x0;
	v2 =	vnsel vm0, $0x80000000, v2  }
0x2c0: {  	vm0 =	vlt.s32 v61, v29;
	v12 =	vperm.xlane v2, v35;
	v59 =	vperm.xlane v2, v33  }
0x2c1: {  	v11 =	vsel vm0, $0xFFFFFFFF, v11;
	v60 =	vperm.xlane v2, v37;
	v61 =	vperm.xlane v2, v38  }
0x2c2: {  	vm0 =	vlt.s32 v62, v29;
	v62 =	vperm.xlane v2, v41;
	v63 =	vperm.xlane v2, v36  }
0x2c3: {  	v55 =	vperm.xlane v2, v26;
	v49 =	vperm.xlane v2, v46;
	[tilespmem:$0x1FE30] =	vst v11;
	v11 =	vimm.s32 $0x0  }
0x2c4: {  	v11 =	vsel vm0, $0xFFFFFFFF, v11;
	vm0 =	vlt.s32 v54, v29;
	v54 =	vperm.xlane v2, v40  }
0x2c5: {  	[tilespmem:$0x1FE40] =	vst v11;
	v11 =	vperm.xlane v2, v34;
	v47 =	vsel vm0, $0xFFFFFFFF, v51;
	vm0 =	vlt.s32 v53, v29  }
0x2c6: {  	v53 =	vimm.s32 $0x0;
	v51 =	vperm.xlane v2, v44;
	[tilespmem:$0x1FE50] =	vst v47;
	v47 =	vsel vm0, $0xFFFFFFFF, v52  }
0x2c7: {  	vm0 =	vlt.s32 v58, v29;
	v58 =	vimm.s32 $0x0;
	v52 =	vperm.xlane v2, v0  }
0x2c8: {  	[tilespmem:$0x1FE60] =	vst v47;
	v47 =	vsel vm0, $0xFFFFFFFF, v53;
	vm0 =	vlt.s32 v57, v29;
	v57 =	vimm.s32 $0x0  }
0x2c9: {  	v53 =	vperm.xlane v2, v39;
	[tilespmem:$0x1FE70] =	vst v47;
	v48 =	vsel vm0, $0xFFFFFFFF, v57;
	vm0 =	vlt.s32 v56, v29  }
0x2ca: {  	v47 =	vperm.xlane v2, v43;
	[tilespmem:$0x1FE80] =	vst v48;
	v48 =	vperm.xlane v2, v42;
	v50 =	vsel vm0, $0xFFFFFFFF, v58  }
0x2cb: {  	vm0 =	vgt.s32 v59, v30;
	[tilespmem:$0x1FE90] =	vst v50;
	v50 =	vperm.xlane v2, v45;
	v2 =	vimm.s32 $0x0  }
0x2cc: {  	v2 =	vsel vm0, $0xFFFFFFFF, v2  }
0x2cd: {  	vm0 =	vgt.s32 v11, v30;
	[tilespmem:$0x1FEA0] =	vst v2;
	v2 =	vimm.s32 $0x0  }
0x2ce: {  	v2 =	vsel vm0, $0xFFFFFFFF, v2  }
0x2cf: {  	vm0 =	vgt.s32 v12, v30;
	[tilespmem:$0x1FEB0] =	vst v2;
	v2 =	vimm.s32 $0x0  }
0x2d0: {  	v2 =	vsel vm0, $0xFFFFFFFF, v2  }
0x2d1: {  	vm0 =	vne.s32 v59, $0x80000000;
	[tilespmem:$0x1FEC0] =	vst v2;
	v2 =	vimm.s32 $0x0  }
0x2d2: {  	v2 =	vsel vm0, $0xFFFFFFFF, v2  }
0x2d3: {  	vm0 =	vne.s32 v11, $0x80000000;
	[tilespmem:$0x1FED0] =	vst v2;
	v2 =	vimm.s32 $0x0  }
0x2d4: {  	v2 =	vsel vm0, $0xFFFFFFFF, v2  }
0x2d5: {  	vm0 =	vgt.s32 v61, v30;
	[tilespmem:$0x1FEE0] =	vst v2;
	v2 =	vimm.s32 $0x0  }
0x2d6: {  	v2 =	vsel vm0, $0xFFFFFFFF, v2  }
0x2d7: {  	vm0 =	vne.s32 v12, $0x80000000;
	[tilespmem:$0x1FEF0] =	vst v2;
	v2 =	vimm.s32 $0x0  }
0x2d8: {  	v2 =	vsel vm0, $0xFFFFFFFF, v2  }
0x2d9: {  	vm0 =	veq.s32 v11, v30;
	[tilespmem:$0x1FF00] =	vst v2;
	v2 =	vimm.s32 $0x0  }
0x2da: {  	v2 =	vsel vm0, $0xFFFFFFFF, v2  }
0x2db: {  	vm0 =	vgt.s32 v60, v30;
	[tilespmem:$0x1FF10] =	vst v2;
	v2 =	vimm.s32 $0x0  }
0x2dc: {  	v2 =	vsel vm0, $0xFFFFFFFF, v2  }
0x2dd: {  	vm0 =	vne.s32 v61, $0x80000000;
	[tilespmem:$0x1FF20] =	vst v2;
	v2 =	vimm.s32 $0x0  }
0x2de: {  	v2 =	vsel vm0, $0xFFFFFFFF, v2  }
0x2df: {  	vm0 =	vgt.s32 v63, v30;
	[tilespmem:$0x1FF30] =	vst v2;
	v2 =	vimm.s32 $0x0  }
0x2e0: {  	v2 =	vsel vm0, $0xFFFFFFFF, v2  }
0x2e1: {  	vm0 =	vne.s32 v60, $0x80000000;
	[tilespmem:$0x1FF40] =	vst v2;
	v2 =	vimm.s32 $0x0  }
0x2e2: {  	v2 =	vsel vm0, $0xFFFFFFFF, v2  }
0x2e3: {  	vm0 =	vgt.s32 v62, v30;
	[tilespmem:$0x1FF50] =	vst v2;
	v2 =	vimm.s32 $0x0  }
0x2e4: {  	v2 =	vsel vm0, $0xFFFFFFFF, v2  }
0x2e5: {  	vm0 =	vne.s32 v63, $0x80000000;
	[tilespmem:$0x1FF60] =	vst v2;
	v2 =	vimm.s32 $0x0  }
0x2e6: {  	v2 =	vsel vm0, $0xFFFFFFFF, v2  }
0x2e7: {  	vm0 =	vgt.s32 v55, v30;
	[tilespmem:$0x1FF70] =	vst v2;
	v2 =	vimm.s32 $0x0  }
0x2e8: {  	v2 =	vsel vm0, $0xFFFFFFFF, v2  }
0x2e9: {  	vm0 =	vne.s32 v62, $0x80000000;
	[tilespmem:$0x1FF80] =	vst v2;
	v2 =	vimm.s32 $0x0  }
0x2ea: {  	v2 =	vsel vm0, $0xFFFFFFFF, v2  }
0x2eb: {  	vm0 =	vgt.s32 v54, v30;
	[tilespmem:$0x1FF90] =	vst v2;
	v2 =	vimm.s32 $0x0  }
0x2ec: {  	v2 =	vsel vm0, $0xFFFFFFFF, v2  }
0x2ed: {  	vm0 =	vne.s32 v55, $0x80000000;
	[tilespmem:$0x1FFA0] =	vst v2;
	v2 =	vimm.s32 $0x0  }
0x2ee: {  	p0 =	sne.s32 s29, $0x1;
	v2 =	vsel vm0, $0xFFFFFFFF, v2  }
.Ltmp17:
0x2ef: {  	vm0 =	vgt.s32 v53, v30;
	[tilespmem:$0x1FFB0] =	vst v2;
	v2 =	vimm.s32 $0x0;
	(pc) =	sbr.rel @p0 .LBB2_26-.Ltmp17, $4  }
0x2f0: {  	v2 =	vsel vm0, $0xFFFFFFFF, v2  }
0x2f1: {  	vm4 =	veq.s32 v59, v30;
	vm0 =	vne.s32 v54, $0x80000000;
	[tilespmem:$0x1FFC0] =	vst v2;
	v2 =	vimm.s32 $0x0  }
0x2f2: {  	vm5 =	veq.s32 v12, v30;
	vm7 =	veq.s32 v61, v30;
	v2 =	vsel vm0, $0xFFFFFFFF, v2  }
0x2f3: {  	s29 =	sadd.s32 $0xFFFFFFFF, s29;
	vm9 =	veq.s32 v60, v30;
	vm8 =	veq.s32 v63, v30;
	vm11 =	veq.s32 v62, v30;
	[tilespmem:$0x1FFD0] =	vst v2  }
.LBB2_27:
0x2f4: {  	vm0 =	vmand vm3, vm4;
	v2 =	vimm.s32 $0x0  }
0x2f5: {  	v2 =	vsel vm0, $0xFFFFFFFF, v2  }
0x2f6: {  	[tilespmem:$0x1FC40] =	vst v2;
	v2 =	vld [tilespmem:$0x1FF10];
	_ =	sdelay $0x4  }
0x2f7: {  	vm3 =	vmand vm2, vm7;
	vm2 =	veq.s32 v55, v30;
	vm4 =	vnez.u8 v2  }
0x2f8: {  	v2 =	vimm.s32 $0x0;
	vm10 =	vmand vm10, vm4;
	vm4 =	vmand vm1, vm2  }
0x2f9: {  	v2 =	vsel vm4, $0xFFFFFFFF, v2  }
0x2fa: {  	[tilespmem:$0x1FC50] =	vst v2;
	v2 =	vld [tilespmem:$0x1FE30];
	_ =	sdelay $0x4  }
0x2fb: {  	vm5 =	vmand vm6, vm5;
	vm6 =	vnez.u8 v2;
	v2 =	vld [tilespmem:$0x1FE40];
	_ =	sdelay $0x4  }
0x2fc: {  	vm7 =	vnez.u8 v2;
	v2 =	vld [tilespmem:$0x1FE50];
	_ =	sdelay $0x3  }
0x2fd: {  	vm13 =	vmand vm13, vm9  }
0x2fe: {  	vm9 =	vmand vm6, vm11;
	vm11 =	vmand vm7, vm8;
	vm8 =	vnez.u8 v2;
	v2 =	vld [tilespmem:$0x1FE80];
	_ =	sdelay $0x3  }
0x2ff: {  	vm4 =	veq.s32 v47, v30  }
0x300: {  	vm6 =	veq.s32 v50, v30;
	vm8 =	vmand vm8, vm4;
	vm4 =	vnez.u8 v2  }
0x301: {  	v2 =	vimm.s32 $0x0;
	vm0 =	vmand vm4, vm6  }
0x302: {  	v2 =	vsel vm0, $0xFFFFFFFF, v2  }
0x303: {  	[tilespmem:$0x1FC60] =	vst v2;
	v2 =	vld [tilespmem:$0x1FE70];
	_ =	sdelay $0x4  }
0x304: {  	vm7 =	vnez.u8 v2;
	v2 =	vld [tilespmem:$0x1FE60];
	_ =	sdelay $0x4  }
0x305: {  	vm0 =	vnez.u8 v2;
	v2 =	vld [tilespmem:$0x1FE90];
	_ =	sdelay $0x1  }
0x306: {  	vm1 =	veq.s32 v53, v30  }
0x307: {  	vm14 =	vmand vm14, vm1;
	vm4 =	veq.s32 v49, v30  }
0x308: {  	vm6 =	veq.s32 v48, v30;
	vm4 =	vmand vm7, vm4;
	vm7 =	veq.s32 v52, v30  }
0x309: {  	vm1 =	vmand vm0, vm6;
	vm0 =	vmand vm12, vm7;
	vm7 =	vnez.u8 v2;
	v2 =	vld [tilespmem:$0x1FEE0];
	_ =	sdelay $0x3  }
0x30a: {  	vm2 =	veq.s32 v54, v30;
	vm12 =	veq.s32 v51, v30  }
0x30b: {  	vm15 =	vmand vm15, vm2;
	vm2 =	vmand vm7, vm12;
	vm12 =	vnez.u8 v2  }
0x30c: {  	v2 =	vimm.s32 $0x0;
	vm6 =	vmand vm12, vm10  }
0x30d: {  	v2 =	vsel vm6, $0xFFFFFFFF, v2  }
0x30e: {  	[tilespmem:$0x1FC90] =	vst v2;
	v2 =	vld [tilespmem:$0x1FF30];
	_ =	sdelay $0x4  }
0x30f: {  	vm12 =	vnez.u8 v2;
	v2 =	vld [tilespmem:$0x1FF00];
	_ =	sdelay $0x4  }
0x310: {  	vm6 =	vnez.u8 v2  }
0x311: {  	vm7 =	vmand vm12, vm3;
	v2 =	vimm.s32 $0x0;
	vm3 =	vmand vm6, vm5  }
0x312: {  	v2 =	vsel vm3, $0xFFFFFFFF, v2  }
0x313: {  	[tilespmem:$0x1FC70] =	vst v2;
	v2 =	vld [tilespmem:$0x1FED0];
	_ =	sdelay $0x4  }
0x314: {  	vm10 =	vnez.u8 v2;
	v2 =	vld [tilespmem:$0x1FC40];
	_ =	sdelay $0x4  }
0x315: {  	vm12 =	vnez.u8 v2  }
0x316: {  	v2 =	vimm.s32 $0x0;
	vm3 =	vmand vm10, vm12  }
0x317: {  	v2 =	vsel vm3, $0xFFFFFFFF, v2  }
0x318: {  	[tilespmem:$0x1FC80] =	vst v2;
	v2 =	vld [tilespmem:$0x1FF90];
	_ =	sdelay $0x4  }
0x319: {  	vm6 =	vnez.u8 v2;
	v2 =	vld [tilespmem:$0x1FF70];
	_ =	sdelay $0x4  }
0x31a: {  	vm10 =	vnez.u8 v2;
	v2 =	vld [tilespmem:$0x1FF50];
	_ =	sdelay $0x4  }
0x31b: {  	vm12 =	vnez.u8 v2;
	v2 =	vld [tilespmem:$0x1FFD0];
	_ =	sdelay $0x2  }
0x31c: {  	vm5 =	vmand vm6, vm9  }
0x31d: {  	vm6 =	vmand vm10, vm11;
	vm11 =	vmand vm12, vm13;
	vm13 =	vne.s32 v53, $0x80000000  }
0x31e: {  	vm9 =	vmand vm13, vm14;
	vm14 =	vnez.u8 v2;
	v2 =	vld [tilespmem:$0x1FFB0];
	_ =	sdelay $0x3  }
0x31f: {  	v11 =	vld [tilespmem:$0x1FC60]  }
0x320: {  	vm10 =	vnez.u8 v2;
	v2 =	vld [tilespmem:$0x1FC50]  }
0x321: {  	vm13 =	vne.s32 v48, $0x80000000  }
0x322: {  	vm1 =	vmand vm13, vm1;
	vm3 =	vmand vm14, vm15;
	vm14 =	vne.s32 v52, $0x80000000  }
0x323: {  	vm13 =	vgt.s32 v52, v30;
	vm0 =	vmand vm14, vm0;
	vm14 =	vne.s32 v51, $0x80000000  }
0x324: {  	vm15 =	vnez.u8 v11;
	vm0 =	vmor vm13, vm0;
	vm2 =	vmand vm14, vm2  }
0x325: {  	v55 =	vld [tilespmem:$0x1FF80];
	vm12 =	vnez.u8 v2;
	v2 =	vsel vm0, $0x1, v1;
	vm0 =	vgt.s32 v51, v30  }
0x326: {  	v54 =	vld [tilespmem:$0x1FFA0];
	vm10 =	vmand vm10, vm12;
	vm12 =	vne.s32 v47, $0x80000000;
	vm0 =	vmor vm0, vm2  }
0x327: {  	v56 =	vld [tilespmem:$0x1FF60];
	v2 =	vadd.s32 v2, v32;
	vm8 =	vmand vm12, vm8;
	vm12 =	vne.s32 v49, $0x80000000  }
0x328: {  	v57 =	vld [tilespmem:$0x1FF40];
	v11 =	vsel vm0, $0x1, v1;
	vm4 =	vmand vm12, vm4;
	vm12 =	vne.s32 v50, $0x80000000  }
0x329: {  	v53 =	vld [tilespmem:$0x1FFC0];
	vm13 =	vgt.s32 v49, v30;
	v2 =	vadd.s32 v11, v2;
	vm2 =	vmand vm12, vm15  }
0x32a: {  	v60 =	vld [tilespmem:$0x1FEC0];
	vm12 =	vgt.s32 v50, v30;
	vm14 =	vmor vm13, vm4;
	vm15 =	vgt.s32 v48, v30  }
0x32b: {  	v61 =	vld [tilespmem:$0x1FC70];
	vm4 =	vgt.s32 v47, v30;
	vm13 =	vnez.u8 v54;
	vm12 =	vmor vm12, vm2  }
0x32c: {  	v31 =	vsel vm14, $0x1, v1;
	vm0 =	vmor vm15, vm1;
	vm8 =	vmor vm4, vm8  }
0x32d: {  	vm14 =	vnez.u8 v55;
	vm15 =	vnez.u8 v56;
	vm4 =	vnez.u8 v57  }
0x32e: {  	v12 =	vsel vm12, $0x1, v1;
	v11 =	vsel vm0, $0x1, v1;
	vm12 =	vnez.u8 v53  }
0x32f: {  	v58 =	vld [tilespmem:$0x1FF20];
	v2 =	vadd.s32 v12, v2;
	v12 =	vsel vm8, $0x1, v1;
	vm0 =	vmor vm12, vm9  }
0x330: {  	v59 =	vld [tilespmem:$0x1FEF0];
	vm8 =	vnez.u8 v60;
	vm9 =	vnez.u8 v61;
	v2 =	vadd.s32 v31, v2  }
0x331: {  	v2 =	vadd.s32 v11, v2;
	v11 =	vsel vm0, $0x1, v1;
	vm0 =	vmor vm13, vm3  }
0x332: {  	v2 =	vadd.s32 v12, v2;
	v12 =	vsel vm0, $0x1, v1;
	vm0 =	vmor vm14, vm10  }
0x333: {  	v2 =	vadd.s32 v11, v2;
	v11 =	vsel vm0, $0x1, v1;
	vm0 =	vmor vm15, vm5  }
0x334: {  	vm5 =	vnez.u8 v58;
	v2 =	vadd.s32 v12, v2;
	v12 =	vsel vm0, $0x1, v1  }
0x335: {  	vm0 =	vmor vm4, vm6;
	vm6 =	vnez.u8 v59;
	v2 =	vadd.s32 v11, v2  }
0x336: {  	v11 =	vsel vm0, $0x1, v1;
	vm0 =	vmor vm5, vm11;
	v2 =	vadd.s32 v12, v2  }
0x337: {  	v12 =	vsel vm0, $0x1, v1;
	vm0 =	vmor vm6, vm7;
	v2 =	vadd.s32 v11, v2  }
0x338: {  	v11 =	vsel vm0, $0x1, v1;
	vm0 =	vmor vm8, vm9;
	v2 =	vadd.s32 v12, v2  }
0x339: {  	v12 =	vsel vm0, $0x1, v1;
	v2 =	vadd.s32 v11, v2  }
0x33a: {  	v2 =	vadd.s32 v12, v2;
	v12 =	vld [tilespmem:$0x1FEB0];
	_ =	sdelay $0x2  }
0x33b: {  	v62 =	vld [tilespmem:$0x1FEA0]  }
0x33c: {  	v63 =	vld [tilespmem:$0x1FC80]  }
0x33d: {  	vm12 =	vnez.u8 v12;
	v12 =	vld [tilespmem:$0x1FC90];
	_ =	sdelay $0x3  }
0x33e: {  	vm10 =	vnez.u8 v62;
	vm11 =	vnez.u8 v63  }
0x33f: {  	vm0 =	vmor vm10, vm11;
	vm13 =	vnez.u8 v12  }
0x340: {  	v11 =	vsel vm0, $0x1, v1;
	vm0 =	vmor vm12, vm13  }
0x341: {  	v2 =	vadd.s32 v11, v2;
	v11 =	vsel vm0, $0x1, v1  }
0x342: {  	v2 =	vadd.s32 v11, v2  }
0x343: {  	vm14 =	vlt.s32 v29, v27;
	vm15 =	vlt.s32 v2, $0x64  }
0x344: {  	vm0 =	vmand vm14, vm15  }
0x345: {  	s28 =	sadd.s32 $0x1, s28;
	v2 =	vand.u32 $0x7F, v2  }
0x346: {  	p0 =	sne.s32 s28, s25;
	v11 =	vld.idx.msk [tilespmem:v28+s19+$0x0], $0xffff  }
.Ltmp18:
0x347: {  	v12 =	vshra.s32 v30, $0x1F;
	(pc) =	sbr.rel @p0 .LBB2_25-.Ltmp18, $4  }
.Ltmp19:
0x348: {  	v12 =	vand.u32 $0x7FFFFFFF, v12;
	(pc) =	sbr.rel @!p0 .LBB2_28-.Ltmp19, $4  }
0x349: {  	v12 =	vxor.u32 v30, v12  }
0x34a: {  	[tilespmem:v2+s20+$0x0] =	vst.idx.msk vm0, v12  }
0x34b: {  	[tilespmem:v2+s21+$0x0] =	vst.idx.msk vm0, v11  }
0x34c: {  	_ = 	snop  }
.LBB2_30:
0x34d: {  	_ =	sfence.sel $0x180000  }
0x34e: {  	[bflag:$0x0] =	sbarrier.arrive $0xFFFF  }
0x34f: {  	_ =	strace $0x90000047  }
0x350: {  	s0 =	stileid.u32;
	[bflag:$0x2] =	sbarrier.arrive $0xFFFF  }
0x351: {  	p0 =	sne.s32 s0, $0x0;
	s0 =	rddreg [dreg:$0x1]  }
0x352: {  	s0 =	sadd.s32 @!p0 $0x100000, s0  }
0x353: {  	[sflag:s0] =	ssyncadd.tile.s32 @!p0 $0x1;
	_ =	shalt  }
.Lfunc_end2:
_tile_overlayer_lowered:
.L_overlay_start_2:
0x354: {  	(tag) =	ssettag $0x2  }
0x355: {  	s0 =	rddreg [dreg:$0x0];
	s2 =	stileid.u32  }
0x356: {  	s1 =	rddreg [dreg:$0x1];
	p0 =	sne.s32 s2, $0x0  }
0x357: {  	s3 =	rddreg [dreg:$0x2];
	[bflag:$0x3] =	sbarrier.arrive $0xFFFF;
	s2 =	simm.s32 @!p0 $0x1C02  }
0x358: {  	[timem:s3], [sflag:s2] =	dma.local @!p0 [hbm:s0], s1  }
0x359: {  	s0 =	simm.s32 @!p0 $0x2  }
0x35a: {  	_ =	swait.ge @!p0 [sflag:s0], s1  }
0x35b: {  	s1 =	ssub.s32 @!p0 $0x0, s1;
	[sflag:s0] =	ssyncset.done @!p0 $0x0  }
0x35c: {  	[sflag:s0] =	ssyncadd.s32 @!p0 s1  }
0x35d: {  	[bflag:$0x3] =	sbarrier.arrive $0xFFFF  }
0x35e: {  	_ =	shalt  }

</sc_bundles>
